<compile_context>
chip_gen: v7x
topology: tpu7x:2x2x1
jax: 0.10.2.dev20260603
libtpu: 0.0.44.dev20260713+nightly
codegen_flags: <defaults>
</compile_context>

<pallas_src>
import jax
import jax.numpy as jnp
from jax import lax
from jax.experimental import pallas as pl
from jax.experimental.pallas import tpu as pltpu
from jax.experimental.pallas import tpu_sc as plsc

N = 10000
E = 320000
G = 64
F = 128
FH = F // 2
MLP_HID = 1024

NC, NS = 2, 16
CH = 128
RPSUB = 160
IDXB = 16
IDX_ROWS = NS * RPSUB
E_PAD = IDX_ROWS * CH
PADR = 512
ACC_ROWS = N + PADR
RPS = 632
RPS_LAST = N - (NS - 1) * RPS

_HIGH = jax.lax.Precision.HIGHEST

_mesh_cache = []


def _vec_mesh():
    if not _mesh_cache:
        _mesh_cache.append(plsc.VectorSubcoreMesh(
            core_axis_name="c", subcore_axis_name="s",
            num_cores=NC, num_subcores=NS))
    return _mesh_cache[0]



def _per_sub_copy(sid, mk_src, mk_dst):
    @pl.when(sid < NS - 1)
    def _():
        start = pl.multiple_of(sid * RPS, 8)
        pltpu.sync_copy(mk_src(start, RPS), mk_dst(start, RPS))

    @pl.when(sid == NS - 1)
    def _():
        start = (NS - 1) * RPS
        pltpu.sync_copy(mk_src(start, RPS_LAST), mk_dst(start, RPS_LAST))


def _deg_body(idx2_hbm, zeros_hbm, ones_hbm, out_hbm, idxs, ones_v, acc):
    cid = lax.axis_index("c")
    sid = lax.axis_index("s")

    pltpu.sync_copy(ones_hbm, ones_v)
    _per_sub_copy(sid, lambda s, n: zeros_hbm.at[pl.ds(s, n)],
                  lambda s, n: acc.at[pl.ds(s, n)])
    plsc.subcore_barrier()

    base = pl.multiple_of(sid * RPSUB, 8)
    pltpu.sync_copy(idx2_hbm.at[cid, pl.ds(base, RPSUB)], idxs)

    @pl.loop(0, RPSUB)
    def _(j):
        pltpu.sync_copy(ones_v, acc.at[idxs.at[j]], add=True)

    plsc.subcore_barrier()
    _per_sub_copy(sid, lambda s, n: acc.at[pl.ds(s, n)],
                  lambda s, n: out_hbm.at[cid, pl.ds(s, n)])


def _sc_degrees(idx2, zeros64, ones64):
    k = pl.kernel(
        _deg_body,
        compiler_params=pltpu.CompilerParams(use_tc_tiling_on_sc=False),
        out_type=jax.ShapeDtypeStruct((NC, N, FH), jnp.float32),
        mesh=_vec_mesh(),
        scratch_types=[
            pltpu.VMEM((RPSUB, CH), jnp.int32),
            pltpu.VMEM((CH, FH), jnp.float32),
            pltpu.VMEM_SHARED((ACC_ROWS, FH), jnp.float32),
        ],
    )
    return k(idx2, zeros64, ones64)


def _edge_body(hw2_hbm, sidx_hbm, didx_hbm, zeros_hbm, out_hbm, sidx, didx,
               b0, b1, b2, b3, sem0, sem1, sem2, sem3, sem4, sem5, sem6,
               sem7, table, acc):
    cid = lax.axis_index("c")
    sid = lax.axis_index("s")

    _per_sub_copy(sid, lambda s, n: hw2_hbm.at[cid, pl.ds(s, n)],
                  lambda s, n: table.at[pl.ds(s, n)])
    _per_sub_copy(sid, lambda s, n: zeros_hbm.at[pl.ds(s, n)],
                  lambda s, n: acc.at[pl.ds(s, n)])
    plsc.subcore_barrier()

    bufs = (b0, b1, b2, b3)
    gsems = (sem0, sem1, sem2, sem3)
    ssems = (sem4, sem5, sem6, sem7)

    @pl.loop(0, RPSUB // IDXB)
    def _(k):
        off = pl.multiple_of(sid * RPSUB + k * IDXB, 8)
        pltpu.sync_copy(sidx_hbm.at[pl.ds(off, IDXB)], sidx)
        pltpu.sync_copy(didx_hbm.at[pl.ds(off, IDXB)], didx)

        for u in range(4):
            pltpu.async_copy(table.at[sidx.at[u]], bufs[u], gsems[u])

        @pl.loop(0, IDXB // 4)
        def _(g):
            j0 = g * 4
            for u in range(4):
                pltpu.make_async_copy(
                    table.at[sidx.at[j0 + u]], bufs[u], gsems[u]).wait()
                pltpu.async_copy(bufs[u], acc.at[didx.at[j0 + u]],
                                 ssems[u], add=True)
            for u in range(4):
                pltpu.make_async_copy(bufs[u], acc.at[didx.at[j0 + u]],
                                      ssems[u]).wait()

                @pl.when(g < IDXB // 4 - 1)
                def _():
                    pltpu.async_copy(table.at[sidx.at[j0 + 4 + u]],
                                     bufs[u], gsems[u])

    plsc.subcore_barrier()
    _per_sub_copy(sid, lambda s, n: acc.at[pl.ds(s, n)],
                  lambda s, n: out_hbm.at[cid, pl.ds(s, n)])


def _sc_edge_pass(hw2, srcg, dstg, zeros64):
    k = pl.kernel(
        _edge_body,
        compiler_params=pltpu.CompilerParams(use_tc_tiling_on_sc=False),
        out_type=jax.ShapeDtypeStruct((NC, N, FH), jnp.float32),
        mesh=_vec_mesh(),
        scratch_types=[
            pltpu.VMEM((IDXB, CH), jnp.int32),
            pltpu.VMEM((IDXB, CH), jnp.int32),
            pltpu.VMEM((CH, FH), jnp.float32),
            pltpu.VMEM((CH, FH), jnp.float32),
            pltpu.VMEM((CH, FH), jnp.float32),
            pltpu.VMEM((CH, FH), jnp.float32),
            pltpu.SemaphoreType.DMA,
            pltpu.SemaphoreType.DMA,
            pltpu.SemaphoreType.DMA,
            pltpu.SemaphoreType.DMA,
            pltpu.SemaphoreType.DMA,
            pltpu.SemaphoreType.DMA,
            pltpu.SemaphoreType.DMA,
            pltpu.SemaphoreType.DMA,
            pltpu.VMEM_SHARED((N, FH), jnp.float32),
            pltpu.VMEM_SHARED((ACC_ROWS, FH), jnp.float32),
        ],
    )
    return k(hw2, srcg, dstg, zeros64)



_BLK = 2000
_NBLK = N // _BLK


def _pre1_body(x_ref, ds_ref, w_ref, o_ref):
    ns = lax.rsqrt(jnp.maximum(ds_ref[:, 0:1], 1.0))
    y = jnp.dot(x_ref[...], w_ref[...]) * ns
    o_ref[0] = y[:, :FH]
    o_ref[1] = y[:, FH:]


def _tc_pre1(x, ds, W1):
    return pl.pallas_call(
        _pre1_body,
        grid=(_NBLK,),
        in_specs=[
            pl.BlockSpec((_BLK, F), lambda i: (i, 0)),
            pl.BlockSpec((_BLK, FH), lambda i: (i, 0)),
            pl.BlockSpec((F, F), lambda i: (0, 0)),
        ],
        out_specs=pl.BlockSpec((NC, _BLK, FH), lambda i: (0, i, 0)),
        out_shape=jax.ShapeDtypeStruct((NC, N, FH), jnp.float32),
    )(x, ds, W1)


def _pre23_body(p_ref, dd_ref, b_ref, ds_ref, w_ref, o_ref):
    nd = lax.rsqrt(jnp.maximum(dd_ref[:, 0:1], 1.0))
    agg = jnp.concatenate([p_ref[0], p_ref[1]], axis=-1)
    h = jnp.maximum(agg * nd + b_ref[...], 0.0)
    ns = lax.rsqrt(jnp.maximum(ds_ref[:, 0:1], 1.0))
    y = jnp.dot(h, w_ref[...]) * ns
    o_ref[0] = y[:, :FH]
    o_ref[1] = y[:, FH:]


def _tc_pre23(p, dd, b, ds, W):
    return pl.pallas_call(
        _pre23_body,
        grid=(_NBLK,),
        in_specs=[
            pl.BlockSpec((NC, _BLK, FH), lambda i: (0, i, 0)),
            pl.BlockSpec((_BLK, FH), lambda i: (i, 0)),
            pl.BlockSpec((1, F), lambda i: (0, 0)),
            pl.BlockSpec((_BLK, FH), lambda i: (i, 0)),
            pl.BlockSpec((F, F), lambda i: (0, 0)),
        ],
        out_specs=pl.BlockSpec((NC, _BLK, FH), lambda i: (0, i, 0)),
        out_shape=jax.ShapeDtypeStruct((NC, N, FH), jnp.float32),
    )(p, dd, b, ds, W)


def _head_body(p_ref, dd_ref, b_ref, seg_ref, gf_ref, m1_ref, mb1_ref,
               m2_ref, mb2_ref, m3_ref, mb3_ref, o_ref, acc_ref):
    i = pl.program_id(0)

    @pl.when(i == 0)
    def _():
        acc_ref[...] = jnp.zeros_like(acc_ref)

    nd = lax.rsqrt(jnp.maximum(dd_ref[:, 0:1], 1.0))
    agg = jnp.concatenate([p_ref[0], p_ref[1]], axis=-1)
    h = jnp.maximum(agg * nd + b_ref[...], 0.0)
    gids = lax.broadcasted_iota(jnp.int32, (_BLK, G), 1)
    oh = (seg_ref[...] == gids).astype(jnp.float32)
    acc_ref[...] += lax.dot_general(
        oh, h, (((0,), (0,)), ((), ())), precision=_HIGH)

    @pl.when(i == _NBLK - 1)
    def _():
        ge = acc_ref[...]
        z = jnp.dot(ge, m1_ref[0:F, :])
        z += jnp.dot(gf_ref[...], m1_ref[F:F + 16, :])
        z = jnp.maximum(z + mb1_ref[...], 0.0)
        z = jnp.maximum(
            jnp.dot(z, m2_ref[...]) + mb2_ref[...], 0.0)
        o_ref[...] = jnp.dot(z, m3_ref[...]) + mb3_ref[...]


def _tc_head(p, dd, b3, seg, gf, M1, Mb1, M2, Mb2, M3, Mb3):
    return pl.pallas_call(
        _head_body,
        grid=(_NBLK,),
        in_specs=[
            pl.BlockSpec((NC, _BLK, FH), lambda i: (0, i, 0)),
            pl.BlockSpec((_BLK, FH), lambda i: (i, 0)),
            pl.BlockSpec((1, F), lambda i: (0, 0)),
            pl.BlockSpec((_BLK, 1), lambda i: (i, 0)),
            pl.BlockSpec((G, 16), lambda i: (0, 0)),
            pl.BlockSpec((F + 16, MLP_HID), lambda i: (0, 0)),
            pl.BlockSpec((1, MLP_HID), lambda i: (0, 0)),
            pl.BlockSpec((MLP_HID, MLP_HID), lambda i: (0, 0)),
            pl.BlockSpec((1, MLP_HID), lambda i: (0, 0)),
            pl.BlockSpec((MLP_HID, 2), lambda i: (0, 0)),
            pl.BlockSpec((1, 2), lambda i: (0, 0)),
        ],
        out_specs=pl.BlockSpec((G, 2), lambda i: (0, 0)),
        out_shape=jax.ShapeDtypeStruct((G, 2), jnp.float32),
        scratch_shapes=[pltpu.VMEM((G, F), jnp.float32)],
    )(p, dd, b3, seg, gf, M1, Mb1, M2, Mb2, M3, Mb3)



def kernel(x, edge_index, node_graph_ids, global_feats, W1, b1, W2, b2,
           W3, b3, M1, Mb1, M2, Mb2, M3, Mb3):
    src = edge_index[0].astype(jnp.int32)
    dst = edge_index[1].astype(jnp.int32)
    seg = node_graph_ids.astype(jnp.int32).reshape(N, 1)

    npad = E_PAD - E
    pad_sink = N + (jnp.arange(npad, dtype=jnp.int32) % PADR)
    srcg = jnp.concatenate([src, jnp.zeros((npad,), jnp.int32)])
    srcg = srcg.reshape(IDX_ROWS, CH)
    dstg = jnp.concatenate([dst, pad_sink]).reshape(IDX_ROWS, CH)
    srcd = jnp.concatenate([src, pad_sink]).reshape(IDX_ROWS, CH)
    idx2 = jnp.stack([srcd, dstg])

    zeros64 = jnp.zeros((N, FH), jnp.float32)
    ones64 = jnp.ones((CH, FH), jnp.float32)

    degs = _sc_degrees(idx2, zeros64, ones64)
    ds, dd = degs[0], degs[1]

    hw = _tc_pre1(x, ds, W1)
    p = _sc_edge_pass(hw, srcg, dstg, zeros64)
    hw = _tc_pre23(p, dd, b1.reshape(1, F), ds, W2)
    p = _sc_edge_pass(hw, srcg, dstg, zeros64)
    hw = _tc_pre23(p, dd, b2.reshape(1, F), ds, W3)
    p = _sc_edge_pass(hw, srcg, dstg, zeros64)

    return _tc_head(p, dd, b3.reshape(1, F), seg, global_feats, M1,
                    Mb1.reshape(1, MLP_HID), M2, Mb2.reshape(1, MLP_HID),
                    M3, Mb3.reshape(1, 2))

# --- scband reference (transcript-rebuilt; emitter-appended) ---
"""Pipeline reference for scband-graph-regression-model-75728863363507 (READ-ONLY COPY).

The authoritative reference and input builder live on the scoring server;
editing this copy changes nothing except your own understanding.
"""

import jax, jax.numpy as jnp
import numpy as np

N_NODES = 10000
N_EDGES = 320000
N_GRAPHS = 64
IN_FEATS = 128
HID = 128
GLOBAL_DIM = 16
MLP_HID = 1024


def setup_inputs(seed: int = 0) -> dict:
    key = jax.random.key(seed)
    ks = [jax.random.fold_in(key, i) for i in range(20)]
    x = jax.random.normal(ks[0], (N_NODES, IN_FEATS), dtype=jnp.float32)
    edge_index = jax.random.randint(ks[1], (2, N_EDGES), 0, N_NODES, dtype=jnp.int64)
    node_graph_ids = jnp.sort(jax.random.randint(ks[2], (N_NODES,), 0, N_GRAPHS, dtype=jnp.int64))
    global_feats = jax.random.normal(ks[3], (N_GRAPHS, GLOBAL_DIM), dtype=jnp.float32)
    def glorot(k, shape):
        lim = np.sqrt(6.0 / (shape[0] + shape[1]))
        return jax.random.uniform(k, shape, dtype=jnp.float32, minval=-lim, maxval=lim)
    W1 = glorot(ks[4], (IN_FEATS, HID)); b1 = jnp.zeros((HID,), jnp.float32)
    W2 = glorot(ks[5], (HID, HID)); b2 = jnp.zeros((HID,), jnp.float32)
    W3 = glorot(ks[6], (HID, HID)); b3 = jnp.zeros((HID,), jnp.float32)
    M1 = glorot(ks[7], (HID + GLOBAL_DIM, MLP_HID)); Mb1 = jnp.zeros((MLP_HID,), jnp.float32)
    M2 = glorot(ks[8], (MLP_HID, MLP_HID)); Mb2 = jnp.zeros((MLP_HID,), jnp.float32)
    M3 = glorot(ks[9], (MLP_HID, 2)); Mb3 = jnp.zeros((2,), jnp.float32)
    return {"x": x, "edge_index": edge_index, "node_graph_ids": node_graph_ids,
            "global_feats": global_feats, "W1": W1, "b1": b1, "W2": W2, "b2": b2,
            "W3": W3, "b3": b3, "M1": M1, "Mb1": Mb1, "M2": M2, "Mb2": Mb2,
            "M3": M3, "Mb3": Mb3}


def _graph_conv(h, src, dst, norm_src, norm_dst, W, b):
    # DGL GraphConv with norm='both': D_out^{-1/2} gather, sum, D_in^{-1/2}, linear
    h = h @ W
    h = h * norm_src[:, None]
    msg = jnp.take(h, src, axis=0)
    agg = jax.ops.segment_sum(msg, dst, num_segments=h.shape[0])
    return agg * norm_dst[:, None] + b


def reference(x, edge_index, node_graph_ids, global_feats, W1, b1, W2, b2, W3, b3, M1, Mb1, M2, Mb2, M3, Mb3):
    n = x.shape[0]
    src = edge_index[0]
    dst = edge_index[1]
    deg_out = jnp.bincount(src, length=n).astype(x.dtype)
    deg_in = jnp.bincount(dst, length=n).astype(x.dtype)
    norm_src = jax.lax.rsqrt(jnp.clip(deg_out, 1.0))
    norm_dst = jax.lax.rsqrt(jnp.clip(deg_in, 1.0))
    h = x.astype(jnp.float32)
    h = jax.nn.relu(_graph_conv(h, src, dst, norm_src, norm_dst, W1, b1))
    h = jax.nn.relu(_graph_conv(h, src, dst, norm_src, norm_dst, W2, b2))
    h = jax.nn.relu(_graph_conv(h, src, dst, norm_src, norm_dst, W3, b3))
    graph_embedding = jax.ops.segment_sum(h, node_graph_ids, num_segments=global_feats.shape[0])
    combined = jnp.concatenate([graph_embedding, global_feats], axis=1)
    # MLP head (dropout is identity in eval)
    z = jax.nn.relu(combined @ M1 + Mb1)
    z = jax.nn.relu(z @ M2 + Mb2)
    return z @ M3 + Mb3

if __name__ == "__main__":
    import jax
    _d = setup_inputs()
    print(jax.jit(kernel)(*tuple(_d.values())))

</pallas_src>

<mosaic_0001>
#map = affine_map<(d0, d1) -> (0, 0, 0)>
#map1 = affine_map<(d0, d1) -> (0, 0)>
module attributes {stable_mosaic.version = 14 : i64} {
  func.func @_deg_body(%arg0: i32, %arg1: i32, %arg2: memref<2x2560x128xi32, #tpu.memory_space<hbm>>, %arg3: memref<10000x64xf32, #tpu.memory_space<hbm>>, %arg4: memref<128x64xf32, #tpu.memory_space<hbm>>, %arg5: memref<2x10000x64xf32, #tpu.memory_space<hbm>>, %arg6: memref<160x128xi32, #tpu.memory_space<vmem>>, %arg7: memref<128x64xf32, #tpu.memory_space<vmem>>, %arg8: memref<10512x64xf32, #tpu.memory_space<vmem_shared>>) attributes {dimension_semantics = [#tpu.dimension_semantics<core_parallel>, #tpu.dimension_semantics<subcore_parallel>], iteration_bounds = array<i64: 2, 16>, scalar_prefetch = 0 : i64, scratch_operands = 3 : i64, tpu.core_type = #tpu.core_type<sc_vector_subcore>, window_params = [{transform_indices = #map}, {transform_indices = #map1}, {transform_indices = #map1}, {transform_indices = #map}]} {
    "tpu.region"() ({
      %run_scoped3A = tpu.sem_alloc : memref<!tpu.dma_semaphore, #tpu.memory_space<semaphore_mem>>
      tpu.enqueue_dma source(%arg4 : memref<128x64xf32, #tpu.memory_space<hbm>>) target(%arg7 : memref<128x64xf32, #tpu.memory_space<vmem>>) target_semaphore(%run_scoped3A : memref<!tpu.dma_semaphore, #tpu.memory_space<semaphore_mem>>)
      tpu.wait_dma2 semaphore(%run_scoped3A : memref<!tpu.dma_semaphore, #tpu.memory_space<semaphore_mem>>) src(%arg4 : memref<128x64xf32, #tpu.memory_space<hbm>>) dst(%arg7 : memref<128x64xf32, #tpu.memory_space<vmem>>)
      tpu.yield
    }) : () -> ()
    %lt3A = arith.constant 15 : i32
    %lt3A_0 = arith.cmpi slt, %arg1, %lt3A : i32
    %convert_element_type3A = arith.extui %lt3A_0 : i1 to i32
    %cond3A = arith.constant 0 : i32
    %cond3A_1 = arith.cmpi ne, %convert_element_type3A, %cond3A : i32
    scf.if %cond3A_1 {
      %mul3A_22 = arith.constant 632 : i32
      %mul3A_23 = arith.muli %arg1, %mul3A_22 : i32
      %multiple_of3A_24 = tpu.assume_multiple %mul3A_23, 8 : i32
      "tpu.region"() ({
        %run_scoped3A = tpu.sem_alloc : memref<!tpu.dma_semaphore, #tpu.memory_space<semaphore_mem>>
        %dma_start3A = arith.constant 0 : i32
        %dma_start3A_25 = tpu.memref_slice %arg8[%multiple_of3A_24, %dma_start3A] : memref<10512x64xf32, #tpu.memory_space<vmem_shared>> -> memref<632x64xf32, #tpu.memory_space<vmem_shared>>
        %dma_start3A_26 = arith.constant 0 : i32
        %dma_start3A_27 = tpu.memref_slice %arg3[%multiple_of3A_24, %dma_start3A_26] : memref<10000x64xf32, #tpu.memory_space<hbm>> -> memref<632x64xf32, #tpu.memory_space<hbm>>
        tpu.enqueue_dma source(%dma_start3A_27 : memref<632x64xf32, #tpu.memory_space<hbm>>) target(%dma_start3A_25 : memref<632x64xf32, #tpu.memory_space<vmem_shared>>) target_semaphore(%run_scoped3A : memref<!tpu.dma_semaphore, #tpu.memory_space<semaphore_mem>>)
        %dma_wait3A = arith.constant 0 : i32
        %dma_wait3A_28 = tpu.memref_slice %arg8[%multiple_of3A_24, %dma_wait3A] : memref<10512x64xf32, #tpu.memory_space<vmem_shared>> -> memref<632x64xf32, #tpu.memory_space<vmem_shared>>
        %dma_wait3A_29 = arith.constant 0 : i32
        %dma_wait3A_30 = tpu.memref_slice %arg3[%multiple_of3A_24, %dma_wait3A_29] : memref<10000x64xf32, #tpu.memory_space<hbm>> -> memref<632x64xf32, #tpu.memory_space<hbm>>
        tpu.wait_dma2 semaphore(%run_scoped3A : memref<!tpu.dma_semaphore, #tpu.memory_space<semaphore_mem>>) src(%dma_wait3A_30 : memref<632x64xf32, #tpu.memory_space<hbm>>) dst(%dma_wait3A_28 : memref<632x64xf32, #tpu.memory_space<vmem_shared>>)
        tpu.yield
      }) : () -> ()
    } else {
    }
    %eq3A = arith.constant 15 : i32
    %eq3A_2 = arith.cmpi eq, %arg1, %eq3A : i32
    %convert_element_type3A_3 = arith.extui %eq3A_2 : i1 to i32
    %cond3A_4 = arith.constant 0 : i32
    %cond3A_5 = arith.cmpi ne, %convert_element_type3A_3, %cond3A_4 : i32
    scf.if %cond3A_5 {
      "tpu.region"() ({
        %run_scoped3A = tpu.sem_alloc : memref<!tpu.dma_semaphore, #tpu.memory_space<semaphore_mem>>
        %dma_start3A = arith.constant 9480 : i32
        %dma_start3A_22 = arith.constant 0 : i32
        %dma_start3A_23 = tpu.memref_slice %arg8[%dma_start3A, %dma_start3A_22] : memref<10512x64xf32, #tpu.memory_space<vmem_shared>> -> memref<520x64xf32, #tpu.memory_space<vmem_shared>>
        %dma_start3A_24 = arith.constant 9480 : i32
        %dma_start3A_25 = arith.constant 0 : i32
        %dma_start3A_26 = tpu.memref_slice %arg3[%dma_start3A_24, %dma_start3A_25] : memref<10000x64xf32, #tpu.memory_space<hbm>> -> memref<520x64xf32, #tpu.memory_space<hbm>>
        tpu.enqueue_dma source(%dma_start3A_26 : memref<520x64xf32, #tpu.memory_space<hbm>>) target(%dma_start3A_23 : memref<520x64xf32, #tpu.memory_space<vmem_shared>>) target_semaphore(%run_scoped3A : memref<!tpu.dma_semaphore, #tpu.memory_space<semaphore_mem>>)
        %dma_wait3A = arith.constant 9480 : i32
        %dma_wait3A_27 = arith.constant 0 : i32
        %dma_wait3A_28 = tpu.memref_slice %arg8[%dma_wait3A, %dma_wait3A_27] : memref<10512x64xf32, #tpu.memory_space<vmem_shared>> -> memref<520x64xf32, #tpu.memory_space<vmem_shared>>
        %dma_wait3A_29 = arith.constant 9480 : i32
        %dma_wait3A_30 = arith.constant 0 : i32
        %dma_wait3A_31 = tpu.memref_slice %arg3[%dma_wait3A_29, %dma_wait3A_30] : memref<10000x64xf32, #tpu.memory_space<hbm>> -> memref<520x64xf32, #tpu.memory_space<hbm>>
        tpu.wait_dma2 semaphore(%run_scoped3A : memref<!tpu.dma_semaphore, #tpu.memory_space<semaphore_mem>>) src(%dma_wait3A_31 : memref<520x64xf32, #tpu.memory_space<hbm>>) dst(%dma_wait3A_28 : memref<520x64xf32, #tpu.memory_space<vmem_shared>>)
        tpu.yield
      }) : () -> ()
    } else {
    }
    %barrier3A = arith.constant 0 : index
    tpu.barrier barrier_id(%barrier3A)
    %mul3A = arith.constant 160 : i32
    %mul3A_6 = arith.muli %arg1, %mul3A : i32
    %multiple_of3A = tpu.assume_multiple %mul3A_6, 8 : i32
    "tpu.region"() ({
      %run_scoped3A = tpu.sem_alloc : memref<!tpu.dma_semaphore, #tpu.memory_space<semaphore_mem>>
      %dma_start3A = arith.constant 0 : i32
      %dma_start3A_22 = tpu.memref_slice %arg2[%arg0, %multiple_of3A, %dma_start3A] : memref<2x2560x128xi32, #tpu.memory_space<hbm>> -> memref<1x160x128xi32, #tpu.memory_space<hbm>>
      %dma_start3A_23 = tpu.memref_squeeze %dma_start3A_22 : memref<1x160x128xi32, #tpu.memory_space<hbm>> -> memref<160x128xi32, #tpu.memory_space<hbm>>
      %dma_start3A_24 = arith.constant 0 : i32
      %dma_start3A_25 = tpu.memref_slice %arg2[%arg0, %multiple_of3A, %dma_start3A_24] : memref<2x2560x128xi32, #tpu.memory_space<hbm>> -> memref<1x160x128xi32, #tpu.memory_space<hbm>>
      %dma_start3A_26 = tpu.memref_squeeze %dma_start3A_25 : memref<1x160x128xi32, #tpu.memory_space<hbm>> -> memref<160x128xi32, #tpu.memory_space<hbm>>
      tpu.enqueue_dma source(%dma_start3A_26 : memref<160x128xi32, #tpu.memory_space<hbm>>) target(%arg6 : memref<160x128xi32, #tpu.memory_space<vmem>>) target_semaphore(%run_scoped3A : memref<!tpu.dma_semaphore, #tpu.memory_space<semaphore_mem>>)
      %dma_wait3A = arith.constant 0 : i32
      %dma_wait3A_27 = tpu.memref_slice %arg2[%arg0, %multiple_of3A, %dma_wait3A] : memref<2x2560x128xi32, #tpu.memory_space<hbm>> -> memref<1x160x128xi32, #tpu.memory_space<hbm>>
      %dma_wait3A_28 = tpu.memref_squeeze %dma_wait3A_27 : memref<1x160x128xi32, #tpu.memory_space<hbm>> -> memref<160x128xi32, #tpu.memory_space<hbm>>
      %dma_wait3A_29 = arith.constant 0 : i32
      %dma_wait3A_30 = tpu.memref_slice %arg2[%arg0, %multiple_of3A, %dma_wait3A_29] : memref<2x2560x128xi32, #tpu.memory_space<hbm>> -> memref<1x160x128xi32, #tpu.memory_space<hbm>>
      %dma_wait3A_31 = tpu.memref_squeeze %dma_wait3A_30 : memref<1x160x128xi32, #tpu.memory_space<hbm>> -> memref<160x128xi32, #tpu.memory_space<hbm>>
      tpu.wait_dma2 semaphore(%run_scoped3A : memref<!tpu.dma_semaphore, #tpu.memory_space<semaphore_mem>>) src(%dma_wait3A_31 : memref<160x128xi32, #tpu.memory_space<hbm>>) dst(%arg6 : memref<160x128xi32, #tpu.memory_space<vmem>>)
      tpu.yield
    }) : () -> ()
    %scan3A = arith.constant 0 : i32
    %scan3A_7 = arith.constant 160 : i32
    %scan3A_8 = arith.addi %scan3A, %scan3A_7 : i32
    %scan3A_9 = arith.constant 1 : i32
    scf.for %scan3A_22 = %scan3A to %scan3A_8 step %scan3A_9  : i32 {
      %mul3A_23 = arith.constant 1 : i32
      %mul3A_24 = arith.muli %scan3A_22, %mul3A_23 : i32
      %add3A = arith.constant 0 : i32
      %add3A_25 = arith.addi %add3A, %mul3A_24 : i32
      "tpu.region"() ({
        %run_scoped3A = tpu.sem_alloc : memref<!tpu.dma_semaphore, #tpu.memory_space<semaphore_mem>>
        %dma_start3A = arith.constant 0 : i32
        %dma_start3A_26 = tpu.memref_slice %arg6[%add3A_25, %dma_start3A] : memref<160x128xi32, #tpu.memory_space<vmem>> -> memref<1x128xi32, #tpu.memory_space<vmem>>
        %dma_start3A_27 = tpu.memref_squeeze %dma_start3A_26 : memref<1x128xi32, #tpu.memory_space<vmem>> -> memref<128xi32, #tpu.memory_space<vmem>>
        %dma_start3A_28 = arith.constant 0 : i32
        %dma_start3A_29 = arith.constant 0 : i32
        %dma_start3A_30 = tpu.memref_slice %arg8[%dma_start3A_28, %dma_start3A_29] : memref<10512x64xf32, #tpu.memory_space<vmem_shared>> -> memref<10512x64xf32, #tpu.memory_space<vmem_shared>>
        tpu.enqueue_indirect_dma source(%arg7 : memref<128x64xf32, #tpu.memory_space<vmem>>) target(%dma_start3A_30 : memref<10512x64xf32, #tpu.memory_space<vmem_shared>>) offsets(%dma_start3A_27 : memref<128xi32, #tpu.memory_space<vmem>>) semaphore(%run_scoped3A : memref<!tpu.dma_semaphore, #tpu.memory_space<semaphore_mem>>) {add = true}
        %dma_wait3A = arith.constant 0 : i32
        %dma_wait3A_31 = tpu.memref_slice %arg6[%add3A_25, %dma_wait3A] : memref<160x128xi32, #tpu.memory_space<vmem>> -> memref<1x128xi32, #tpu.memory_space<vmem>>
        %dma_wait3A_32 = tpu.memref_squeeze %dma_wait3A_31 : memref<1x128xi32, #tpu.memory_space<vmem>> -> memref<128xi32, #tpu.memory_space<vmem>>
        %dma_wait3A_33 = arith.constant 0 : i32
        %dma_wait3A_34 = arith.constant 0 : i32
        %dma_wait3A_35 = tpu.memref_slice %arg8[%dma_wait3A_33, %dma_wait3A_34] : memref<10512x64xf32, #tpu.memory_space<vmem_shared>> -> memref<10512x64xf32, #tpu.memory_space<vmem_shared>>
        tpu.wait_indirect_dma semaphore(%run_scoped3A : memref<!tpu.dma_semaphore, #tpu.memory_space<semaphore_mem>>) src(%arg7 : memref<128x64xf32, #tpu.memory_space<vmem>>) dst(%dma_wait3A_35 : memref<10512x64xf32, #tpu.memory_space<vmem_shared>>)
        tpu.yield
      }) : () -> ()
    }
    %scan3A_10 = arith.constant 160 : i32
    %barrier3A_11 = arith.constant 0 : index
    tpu.barrier barrier_id(%barrier3A_11)
    %lt3A_12 = arith.constant 15 : i32
    %lt3A_13 = arith.cmpi slt, %arg1, %lt3A_12 : i32
    %convert_element_type3A_14 = arith.extui %lt3A_13 : i1 to i32
    %cond3A_15 = arith.constant 0 : i32
    %cond3A_16 = arith.cmpi ne, %convert_element_type3A_14, %cond3A_15 : i32
    scf.if %cond3A_16 {
      %mul3A_22 = arith.constant 632 : i32
      %mul3A_23 = arith.muli %arg1, %mul3A_22 : i32
      %multiple_of3A_24 = tpu.assume_multiple %mul3A_23, 8 : i32
      "tpu.region"() ({
        %run_scoped3A = tpu.sem_alloc : memref<!tpu.dma_semaphore, #tpu.memory_space<semaphore_mem>>
        %dma_start3A = arith.constant 0 : i32
        %dma_start3A_25 = tpu.memref_slice %arg5[%arg0, %multiple_of3A_24, %dma_start3A] : memref<2x10000x64xf32, #tpu.memory_space<hbm>> -> memref<1x632x64xf32, #tpu.memory_space<hbm>>
        %dma_start3A_26 = tpu.memref_squeeze %dma_start3A_25 : memref<1x632x64xf32, #tpu.memory_space<hbm>> -> memref<632x64xf32, #tpu.memory_space<hbm>>
        %dma_start3A_27 = arith.constant 0 : i32
        %dma_start3A_28 = tpu.memref_slice %arg8[%multiple_of3A_24, %dma_start3A_27] : memref<10512x64xf32, #tpu.memory_space<vmem_shared>> -> memref<632x64xf32, #tpu.memory_space<vmem_shared>>
        tpu.enqueue_dma source(%dma_start3A_28 : memref<632x64xf32, #tpu.memory_space<vmem_shared>>) target(%dma_start3A_26 : memref<632x64xf32, #tpu.memory_space<hbm>>) target_semaphore(%run_scoped3A : memref<!tpu.dma_semaphore, #tpu.memory_space<semaphore_mem>>)
        %dma_wait3A = arith.constant 0 : i32
        %dma_wait3A_29 = tpu.memref_slice %arg5[%arg0, %multiple_of3A_24, %dma_wait3A] : memref<2x10000x64xf32, #tpu.memory_space<hbm>> -> memref<1x632x64xf32, #tpu.memory_space<hbm>>
        %dma_wait3A_30 = tpu.memref_squeeze %dma_wait3A_29 : memref<1x632x64xf32, #tpu.memory_space<hbm>> -> memref<632x64xf32, #tpu.memory_space<hbm>>
        %dma_wait3A_31 = arith.constant 0 : i32
        %dma_wait3A_32 = tpu.memref_slice %arg8[%multiple_of3A_24, %dma_wait3A_31] : memref<10512x64xf32, #tpu.memory_space<vmem_shared>> -> memref<632x64xf32, #tpu.memory_space<vmem_shared>>
        tpu.wait_dma2 semaphore(%run_scoped3A : memref<!tpu.dma_semaphore, #tpu.memory_space<semaphore_mem>>) src(%dma_wait3A_32 : memref<632x64xf32, #tpu.memory_space<vmem_shared>>) dst(%dma_wait3A_30 : memref<632x64xf32, #tpu.memory_space<hbm>>)
        tpu.yield
      }) : () -> ()
    } else {
    }
    %eq3A_17 = arith.constant 15 : i32
    %eq3A_18 = arith.cmpi eq, %arg1, %eq3A_17 : i32
    %convert_element_type3A_19 = arith.extui %eq3A_18 : i1 to i32
    %cond3A_20 = arith.constant 0 : i32
    %cond3A_21 = arith.cmpi ne, %convert_element_type3A_19, %cond3A_20 : i32
    scf.if %cond3A_21 {
      "tpu.region"() ({
        %run_scoped3A = tpu.sem_alloc : memref<!tpu.dma_semaphore, #tpu.memory_space<semaphore_mem>>
        %dma_start3A = arith.constant 9480 : i32
        %dma_start3A_22 = arith.constant 0 : i32
        %dma_start3A_23 = tpu.memref_slice %arg5[%arg0, %dma_start3A, %dma_start3A_22] : memref<2x10000x64xf32, #tpu.memory_space<hbm>> -> memref<1x520x64xf32, #tpu.memory_space<hbm>>
        %dma_start3A_24 = tpu.memref_squeeze %dma_start3A_23 : memref<1x520x64xf32, #tpu.memory_space<hbm>> -> memref<520x64xf32, #tpu.memory_space<hbm>>
        %dma_start3A_25 = arith.constant 9480 : i32
        %dma_start3A_26 = arith.constant 0 : i32
        %dma_start3A_27 = tpu.memref_slice %arg8[%dma_start3A_25, %dma_start3A_26] : memref<10512x64xf32, #tpu.memory_space<vmem_shared>> -> memref<520x64xf32, #tpu.memory_space<vmem_shared>>
        tpu.enqueue_dma source(%dma_start3A_27 : memref<520x64xf32, #tpu.memory_space<vmem_shared>>) target(%dma_start3A_24 : memref<520x64xf32, #tpu.memory_space<hbm>>) target_semaphore(%run_scoped3A : memref<!tpu.dma_semaphore, #tpu.memory_space<semaphore_mem>>)
        %dma_wait3A = arith.constant 9480 : i32
        %dma_wait3A_28 = arith.constant 0 : i32
        %dma_wait3A_29 = tpu.memref_slice %arg5[%arg0, %dma_wait3A, %dma_wait3A_28] : memref<2x10000x64xf32, #tpu.memory_space<hbm>> -> memref<1x520x64xf32, #tpu.memory_space<hbm>>
        %dma_wait3A_30 = tpu.memref_squeeze %dma_wait3A_29 : memref<1x520x64xf32, #tpu.memory_space<hbm>> -> memref<520x64xf32, #tpu.memory_space<hbm>>
        %dma_wait3A_31 = arith.constant 9480 : i32
        %dma_wait3A_32 = arith.constant 0 : i32
        %dma_wait3A_33 = tpu.memref_slice %arg8[%dma_wait3A_31, %dma_wait3A_32] : memref<10512x64xf32, #tpu.memory_space<vmem_shared>> -> memref<520x64xf32, #tpu.memory_space<vmem_shared>>
        tpu.wait_dma2 semaphore(%run_scoped3A : memref<!tpu.dma_semaphore, #tpu.memory_space<semaphore_mem>>) src(%dma_wait3A_33 : memref<520x64xf32, #tpu.memory_space<vmem_shared>>) dst(%dma_wait3A_30 : memref<520x64xf32, #tpu.memory_space<hbm>>)
        tpu.yield
      }) : () -> ()
    } else {
    }
    return
  }
}

#map = affine_map<(d0, d1) -> (0, 0, 0)>
#map1 = affine_map<(d0, d1) -> (0, 0)>
module attributes {stable_mosaic.version = 14 : i64} {
  func.func @_edge_body(%arg0: i32, %arg1: i32, %arg2: memref<2x10000x64xf32, #tpu.memory_space<hbm>>, %arg3: memref<2560x128xi32, #tpu.memory_space<hbm>>, %arg4: memref<2560x128xi32, #tpu.memory_space<hbm>>, %arg5: memref<10000x64xf32, #tpu.memory_space<hbm>>, %arg6: memref<2x10000x64xf32, #tpu.memory_space<hbm>>, %arg7: memref<16x128xi32, #tpu.memory_space<vmem>>, %arg8: memref<16x128xi32, #tpu.memory_space<vmem>>, %arg9: memref<128x64xf32, #tpu.memory_space<vmem>>, %arg10: memref<128x64xf32, #tpu.memory_space<vmem>>, %arg11: memref<128x64xf32, #tpu.memory_space<vmem>>, %arg12: memref<128x64xf32, #tpu.memory_space<vmem>>, %arg13: memref<!tpu.dma_semaphore, #tpu.memory_space<semaphore_mem>>, %arg14: memref<!tpu.dma_semaphore, #tpu.memory_space<semaphore_mem>>, %arg15: memref<!tpu.dma_semaphore, #tpu.memory_space<semaphore_mem>>, %arg16: memref<!tpu.dma_semaphore, #tpu.memory_space<semaphore_mem>>, %arg17: memref<!tpu.dma_semaphore, #tpu.memory_space<semaphore_mem>>, %arg18: memref<!tpu.dma_semaphore, #tpu.memory_space<semaphore_mem>>, %arg19: memref<!tpu.dma_semaphore, #tpu.memory_space<semaphore_mem>>, %arg20: memref<!tpu.dma_semaphore, #tpu.memory_space<semaphore_mem>>, %arg21: memref<10000x64xf32, #tpu.memory_space<vmem_shared>>, %arg22: memref<10512x64xf32, #tpu.memory_space<vmem_shared>>) attributes {dimension_semantics = [#tpu.dimension_semantics<core_parallel>, #tpu.dimension_semantics<subcore_parallel>], iteration_bounds = array<i64: 2, 16>, scalar_prefetch = 0 : i64, scratch_operands = 16 : i64, tpu.core_type = #tpu.core_type<sc_vector_subcore>, window_params = [{transform_indices = #map}, {transform_indices = #map1}, {transform_indices = #map1}, {transform_indices = #map1}, {transform_indices = #map}]} {
    %lt3A = arith.constant 15 : i32
    %lt3A_0 = arith.cmpi slt, %arg1, %lt3A : i32
    %convert_element_type3A = arith.extui %lt3A_0 : i1 to i32
    %cond3A = arith.constant 0 : i32
    %cond3A_1 = arith.cmpi ne, %convert_element_type3A, %cond3A : i32
    scf.if %cond3A_1 {
      %mul3A = arith.constant 632 : i32
      %mul3A_31 = arith.muli %arg1, %mul3A : i32
      %multiple_of3A = tpu.assume_multiple %mul3A_31, 8 : i32
      "tpu.region"() ({
        %run_scoped3A = tpu.sem_alloc : memref<!tpu.dma_semaphore, #tpu.memory_space<semaphore_mem>>
        %dma_start3A = arith.constant 0 : i32
        %dma_start3A_32 = tpu.memref_slice %arg21[%multiple_of3A, %dma_start3A] : memref<10000x64xf32, #tpu.memory_space<vmem_shared>> -> memref<632x64xf32, #tpu.memory_space<vmem_shared>>
        %dma_start3A_33 = arith.constant 0 : i32
        %dma_start3A_34 = tpu.memref_slice %arg2[%arg0, %multiple_of3A, %dma_start3A_33] : memref<2x10000x64xf32, #tpu.memory_space<hbm>> -> memref<1x632x64xf32, #tpu.memory_space<hbm>>
        %dma_start3A_35 = tpu.memref_squeeze %dma_start3A_34 : memref<1x632x64xf32, #tpu.memory_space<hbm>> -> memref<632x64xf32, #tpu.memory_space<hbm>>
        tpu.enqueue_dma source(%dma_start3A_35 : memref<632x64xf32, #tpu.memory_space<hbm>>) target(%dma_start3A_32 : memref<632x64xf32, #tpu.memory_space<vmem_shared>>) target_semaphore(%run_scoped3A : memref<!tpu.dma_semaphore, #tpu.memory_space<semaphore_mem>>)
        %dma_wait3A = arith.constant 0 : i32
        %dma_wait3A_36 = tpu.memref_slice %arg21[%multiple_of3A, %dma_wait3A] : memref<10000x64xf32, #tpu.memory_space<vmem_shared>> -> memref<632x64xf32, #tpu.memory_space<vmem_shared>>
        %dma_wait3A_37 = arith.constant 0 : i32
        %dma_wait3A_38 = tpu.memref_slice %arg2[%arg0, %multiple_of3A, %dma_wait3A_37] : memref<2x10000x64xf32, #tpu.memory_space<hbm>> -> memref<1x632x64xf32, #tpu.memory_space<hbm>>
        %dma_wait3A_39 = tpu.memref_squeeze %dma_wait3A_38 : memref<1x632x64xf32, #tpu.memory_space<hbm>> -> memref<632x64xf32, #tpu.memory_space<hbm>>
        tpu.wait_dma2 semaphore(%run_scoped3A : memref<!tpu.dma_semaphore, #tpu.memory_space<semaphore_mem>>) src(%dma_wait3A_39 : memref<632x64xf32, #tpu.memory_space<hbm>>) dst(%dma_wait3A_36 : memref<632x64xf32, #tpu.memory_space<vmem_shared>>)
        tpu.yield
      }) : () -> ()
    } else {
    }
    %eq3A = arith.constant 15 : i32
    %eq3A_2 = arith.cmpi eq, %arg1, %eq3A : i32
    %convert_element_type3A_3 = arith.extui %eq3A_2 : i1 to i32
    %cond3A_4 = arith.constant 0 : i32
    %cond3A_5 = arith.cmpi ne, %convert_element_type3A_3, %cond3A_4 : i32
    scf.if %cond3A_5 {
      "tpu.region"() ({
        %run_scoped3A = tpu.sem_alloc : memref<!tpu.dma_semaphore, #tpu.memory_space<semaphore_mem>>
        %dma_start3A = arith.constant 9480 : i32
        %dma_start3A_31 = arith.constant 0 : i32
        %dma_start3A_32 = tpu.memref_slice %arg21[%dma_start3A, %dma_start3A_31] : memref<10000x64xf32, #tpu.memory_space<vmem_shared>> -> memref<520x64xf32, #tpu.memory_space<vmem_shared>>
        %dma_start3A_33 = arith.constant 9480 : i32
        %dma_start3A_34 = arith.constant 0 : i32
        %dma_start3A_35 = tpu.memref_slice %arg2[%arg0, %dma_start3A_33, %dma_start3A_34] : memref<2x10000x64xf32, #tpu.memory_space<hbm>> -> memref<1x520x64xf32, #tpu.memory_space<hbm>>
        %dma_start3A_36 = tpu.memref_squeeze %dma_start3A_35 : memref<1x520x64xf32, #tpu.memory_space<hbm>> -> memref<520x64xf32, #tpu.memory_space<hbm>>
        tpu.enqueue_dma source(%dma_start3A_36 : memref<520x64xf32, #tpu.memory_space<hbm>>) target(%dma_start3A_32 : memref<520x64xf32, #tpu.memory_space<vmem_shared>>) target_semaphore(%run_scoped3A : memref<!tpu.dma_semaphore, #tpu.memory_space<semaphore_mem>>)
        %dma_wait3A = arith.constant 9480 : i32
        %dma_wait3A_37 = arith.constant 0 : i32
        %dma_wait3A_38 = tpu.memref_slice %arg21[%dma_wait3A, %dma_wait3A_37] : memref<10000x64xf32, #tpu.memory_space<vmem_shared>> -> memref<520x64xf32, #tpu.memory_space<vmem_shared>>
        %dma_wait3A_39 = arith.constant 9480 : i32
        %dma_wait3A_40 = arith.constant 0 : i32
        %dma_wait3A_41 = tpu.memref_slice %arg2[%arg0, %dma_wait3A_39, %dma_wait3A_40] : memref<2x10000x64xf32, #tpu.memory_space<hbm>> -> memref<1x520x64xf32, #tpu.memory_space<hbm>>
        %dma_wait3A_42 = tpu.memref_squeeze %dma_wait3A_41 : memref<1x520x64xf32, #tpu.memory_space<hbm>> -> memref<520x64xf32, #tpu.memory_space<hbm>>
        tpu.wait_dma2 semaphore(%run_scoped3A : memref<!tpu.dma_semaphore, #tpu.memory_space<semaphore_mem>>) src(%dma_wait3A_42 : memref<520x64xf32, #tpu.memory_space<hbm>>) dst(%dma_wait3A_38 : memref<520x64xf32, #tpu.memory_space<vmem_shared>>)
        tpu.yield
      }) : () -> ()
    } else {
    }
    %lt3A_6 = arith.constant 15 : i32
    %lt3A_7 = arith.cmpi slt, %arg1, %lt3A_6 : i32
    %convert_element_type3A_8 = arith.extui %lt3A_7 : i1 to i32
    %cond3A_9 = arith.constant 0 : i32
    %cond3A_10 = arith.cmpi ne, %convert_element_type3A_8, %cond3A_9 : i32
    scf.if %cond3A_10 {
      %mul3A = arith.constant 632 : i32
      %mul3A_31 = arith.muli %arg1, %mul3A : i32
      %multiple_of3A = tpu.assume_multiple %mul3A_31, 8 : i32
      "tpu.region"() ({
        %run_scoped3A = tpu.sem_alloc : memref<!tpu.dma_semaphore, #tpu.memory_space<semaphore_mem>>
        %dma_start3A = arith.constant 0 : i32
        %dma_start3A_32 = tpu.memref_slice %arg22[%multiple_of3A, %dma_start3A] : memref<10512x64xf32, #tpu.memory_space<vmem_shared>> -> memref<632x64xf32, #tpu.memory_space<vmem_shared>>
        %dma_start3A_33 = arith.constant 0 : i32
        %dma_start3A_34 = tpu.memref_slice %arg5[%multiple_of3A, %dma_start3A_33] : memref<10000x64xf32, #tpu.memory_space<hbm>> -> memref<632x64xf32, #tpu.memory_space<hbm>>
        tpu.enqueue_dma source(%dma_start3A_34 : memref<632x64xf32, #tpu.memory_space<hbm>>) target(%dma_start3A_32 : memref<632x64xf32, #tpu.memory_space<vmem_shared>>) target_semaphore(%run_scoped3A : memref<!tpu.dma_semaphore, #tpu.memory_space<semaphore_mem>>)
        %dma_wait3A = arith.constant 0 : i32
        %dma_wait3A_35 = tpu.memref_slice %arg22[%multiple_of3A, %dma_wait3A] : memref<10512x64xf32, #tpu.memory_space<vmem_shared>> -> memref<632x64xf32, #tpu.memory_space<vmem_shared>>
        %dma_wait3A_36 = arith.constant 0 : i32
        %dma_wait3A_37 = tpu.memref_slice %arg5[%multiple_of3A, %dma_wait3A_36] : memref<10000x64xf32, #tpu.memory_space<hbm>> -> memref<632x64xf32, #tpu.memory_space<hbm>>
        tpu.wait_dma2 semaphore(%run_scoped3A : memref<!tpu.dma_semaphore, #tpu.memory_space<semaphore_mem>>) src(%dma_wait3A_37 : memref<632x64xf32, #tpu.memory_space<hbm>>) dst(%dma_wait3A_35 : memref<632x64xf32, #tpu.memory_space<vmem_shared>>)
        tpu.yield
      }) : () -> ()
    } else {
    }
    %eq3A_11 = arith.constant 15 : i32
    %eq3A_12 = arith.cmpi eq, %arg1, %eq3A_11 : i32
    %convert_element_type3A_13 = arith.extui %eq3A_12 : i1 to i32
    %cond3A_14 = arith.constant 0 : i32
    %cond3A_15 = arith.cmpi ne, %convert_element_type3A_13, %cond3A_14 : i32
    scf.if %cond3A_15 {
      "tpu.region"() ({
        %run_scoped3A = tpu.sem_alloc : memref<!tpu.dma_semaphore, #tpu.memory_space<semaphore_mem>>
        %dma_start3A = arith.constant 9480 : i32
        %dma_start3A_31 = arith.constant 0 : i32
        %dma_start3A_32 = tpu.memref_slice %arg22[%dma_start3A, %dma_start3A_31] : memref<10512x64xf32, #tpu.memory_space<vmem_shared>> -> memref<520x64xf32, #tpu.memory_space<vmem_shared>>
        %dma_start3A_33 = arith.constant 9480 : i32
        %dma_start3A_34 = arith.constant 0 : i32
        %dma_start3A_35 = tpu.memref_slice %arg5[%dma_start3A_33, %dma_start3A_34] : memref<10000x64xf32, #tpu.memory_space<hbm>> -> memref<520x64xf32, #tpu.memory_space<hbm>>
        tpu.enqueue_dma source(%dma_start3A_35 : memref<520x64xf32, #tpu.memory_space<hbm>>) target(%dma_start3A_32 : memref<520x64xf32, #tpu.memory_space<vmem_shared>>) target_semaphore(%run_scoped3A : memref<!tpu.dma_semaphore, #tpu.memory_space<semaphore_mem>>)
        %dma_wait3A = arith.constant 9480 : i32
        %dma_wait3A_36 = arith.constant 0 : i32
        %dma_wait3A_37 = tpu.memref_slice %arg22[%dma_wait3A, %dma_wait3A_36] : memref<10512x64xf32, #tpu.memory_space<vmem_shared>> -> memref<520x64xf32, #tpu.memory_space<vmem_shared>>
        %dma_wait3A_38 = arith.constant 9480 : i32
        %dma_wait3A_39 = arith.constant 0 : i32
        %dma_wait3A_40 = tpu.memref_slice %arg5[%dma_wait3A_38, %dma_wait3A_39] : memref<10000x64xf32, #tpu.memory_space<hbm>> -> memref<520x64xf32, #tpu.memory_space<hbm>>
        tpu.wait_dma2 semaphore(%run_scoped3A : memref<!tpu.dma_semaphore, #tpu.memory_space<semaphore_mem>>) src(%dma_wait3A_40 : memref<520x64xf32, #tpu.memory_space<hbm>>) dst(%dma_wait3A_37 : memref<520x64xf32, #tpu.memory_space<vmem_shared>>)
        tpu.yield
      }) : () -> ()
    } else {
    }
    %barrier3A = arith.constant 0 : index
    tpu.barrier barrier_id(%barrier3A)
    %scan3A = arith.constant 0 : i32
    %scan3A_16 = arith.constant 10 : i32
    %scan3A_17 = arith.addi %scan3A, %scan3A_16 : i32
    %scan3A_18 = arith.constant 1 : i32
    scf.for %scan3A_31 = %scan3A to %scan3A_17 step %scan3A_18  : i32 {
      %mul3A = arith.constant 1 : i32
      %mul3A_32 = arith.muli %scan3A_31, %mul3A : i32
      %add3A = arith.constant 0 : i32
      %add3A_33 = arith.addi %add3A, %mul3A_32 : i32
      %mul3A_34 = arith.constant 160 : i32
      %mul3A_35 = arith.muli %arg1, %mul3A_34 : i32
      %mul3A_36 = arith.constant 16 : i32
      %mul3A_37 = arith.muli %add3A_33, %mul3A_36 : i32
      %add3A_38 = arith.addi %mul3A_35, %mul3A_37 : i32
      %multiple_of3A = tpu.assume_multiple %add3A_38, 8 : i32
      "tpu.region"() ({
        %run_scoped3A = tpu.sem_alloc : memref<!tpu.dma_semaphore, #tpu.memory_space<semaphore_mem>>
        %dma_start3A_71 = arith.constant 0 : i32
        %dma_start3A_72 = tpu.memref_slice %arg3[%multiple_of3A, %dma_start3A_71] : memref<2560x128xi32, #tpu.memory_space<hbm>> -> memref<16x128xi32, #tpu.memory_space<hbm>>
        %dma_start3A_73 = arith.constant 0 : i32
        %dma_start3A_74 = tpu.memref_slice %arg3[%multiple_of3A, %dma_start3A_73] : memref<2560x128xi32, #tpu.memory_space<hbm>> -> memref<16x128xi32, #tpu.memory_space<hbm>>
        tpu.enqueue_dma source(%dma_start3A_74 : memref<16x128xi32, #tpu.memory_space<hbm>>) target(%arg7 : memref<16x128xi32, #tpu.memory_space<vmem>>) target_semaphore(%run_scoped3A : memref<!tpu.dma_semaphore, #tpu.memory_space<semaphore_mem>>)
        %dma_wait3A = arith.constant 0 : i32
        %dma_wait3A_75 = tpu.memref_slice %arg3[%multiple_of3A, %dma_wait3A] : memref<2560x128xi32, #tpu.memory_space<hbm>> -> memref<16x128xi32, #tpu.memory_space<hbm>>
        %dma_wait3A_76 = arith.constant 0 : i32
        %dma_wait3A_77 = tpu.memref_slice %arg3[%multiple_of3A, %dma_wait3A_76] : memref<2560x128xi32, #tpu.memory_space<hbm>> -> memref<16x128xi32, #tpu.memory_space<hbm>>
        tpu.wait_dma2 semaphore(%run_scoped3A : memref<!tpu.dma_semaphore, #tpu.memory_space<semaphore_mem>>) src(%dma_wait3A_77 : memref<16x128xi32, #tpu.memory_space<hbm>>) dst(%arg7 : memref<16x128xi32, #tpu.memory_space<vmem>>)
        tpu.yield
      }) : () -> ()
      "tpu.region"() ({
        %run_scoped3A = tpu.sem_alloc : memref<!tpu.dma_semaphore, #tpu.memory_space<semaphore_mem>>
        %dma_start3A_71 = arith.constant 0 : i32
        %dma_start3A_72 = tpu.memref_slice %arg4[%multiple_of3A, %dma_start3A_71] : memref<2560x128xi32, #tpu.memory_space<hbm>> -> memref<16x128xi32, #tpu.memory_space<hbm>>
        %dma_start3A_73 = arith.constant 0 : i32
        %dma_start3A_74 = tpu.memref_slice %arg4[%multiple_of3A, %dma_start3A_73] : memref<2560x128xi32, #tpu.memory_space<hbm>> -> memref<16x128xi32, #tpu.memory_space<hbm>>
        tpu.enqueue_dma source(%dma_start3A_74 : memref<16x128xi32, #tpu.memory_space<hbm>>) target(%arg8 : memref<16x128xi32, #tpu.memory_space<vmem>>) target_semaphore(%run_scoped3A : memref<!tpu.dma_semaphore, #tpu.memory_space<semaphore_mem>>)
        %dma_wait3A = arith.constant 0 : i32
        %dma_wait3A_75 = tpu.memref_slice %arg4[%multiple_of3A, %dma_wait3A] : memref<2560x128xi32, #tpu.memory_space<hbm>> -> memref<16x128xi32, #tpu.memory_space<hbm>>
        %dma_wait3A_76 = arith.constant 0 : i32
        %dma_wait3A_77 = tpu.memref_slice %arg4[%multiple_of3A, %dma_wait3A_76] : memref<2560x128xi32, #tpu.memory_space<hbm>> -> memref<16x128xi32, #tpu.memory_space<hbm>>
        tpu.wait_dma2 semaphore(%run_scoped3A : memref<!tpu.dma_semaphore, #tpu.memory_space<semaphore_mem>>) src(%dma_wait3A_77 : memref<16x128xi32, #tpu.memory_space<hbm>>) dst(%arg8 : memref<16x128xi32, #tpu.memory_space<vmem>>)
        tpu.yield
      }) : () -> ()
      %dma_start3A = arith.constant 0 : i32
      %dma_start3A_39 = arith.constant 0 : i32
      %dma_start3A_40 = tpu.memref_slice %arg7[%dma_start3A, %dma_start3A_39] : memref<16x128xi32, #tpu.memory_space<vmem>> -> memref<1x128xi32, #tpu.memory_space<vmem>>
      %dma_start3A_41 = tpu.memref_squeeze %dma_start3A_40 : memref<1x128xi32, #tpu.memory_space<vmem>> -> memref<128xi32, #tpu.memory_space<vmem>>
      %dma_start3A_42 = arith.constant 0 : i32
      %dma_start3A_43 = arith.constant 0 : i32
      %dma_start3A_44 = tpu.memref_slice %arg21[%dma_start3A_42, %dma_start3A_43] : memref<10000x64xf32, #tpu.memory_space<vmem_shared>> -> memref<10000x64xf32, #tpu.memory_space<vmem_shared>>
      tpu.enqueue_indirect_dma source(%dma_start3A_44 : memref<10000x64xf32, #tpu.memory_space<vmem_shared>>) target(%arg9 : memref<128x64xf32, #tpu.memory_space<vmem>>) offsets(%dma_start3A_41 : memref<128xi32, #tpu.memory_space<vmem>>) semaphore(%arg13 : memref<!tpu.dma_semaphore, #tpu.memory_space<semaphore_mem>>)
      %dma_start3A_45 = arith.constant 1 : i32
      %dma_start3A_46 = arith.constant 0 : i32
      %dma_start3A_47 = tpu.memref_slice %arg7[%dma_start3A_45, %dma_start3A_46] : memref<16x128xi32, #tpu.memory_space<vmem>> -> memref<1x128xi32, #tpu.memory_space<vmem>>
      %dma_start3A_48 = tpu.memref_squeeze %dma_start3A_47 : memref<1x128xi32, #tpu.memory_space<vmem>> -> memref<128xi32, #tpu.memory_space<vmem>>
      %dma_start3A_49 = arith.constant 0 : i32
      %dma_start3A_50 = arith.constant 0 : i32
      %dma_start3A_51 = tpu.memref_slice %arg21[%dma_start3A_49, %dma_start3A_50] : memref<10000x64xf32, #tpu.memory_space<vmem_shared>> -> memref<10000x64xf32, #tpu.memory_space<vmem_shared>>
      tpu.enqueue_indirect_dma source(%dma_start3A_51 : memref<10000x64xf32, #tpu.memory_space<vmem_shared>>) target(%arg10 : memref<128x64xf32, #tpu.memory_space<vmem>>) offsets(%dma_start3A_48 : memref<128xi32, #tpu.memory_space<vmem>>) semaphore(%arg14 : memref<!tpu.dma_semaphore, #tpu.memory_space<semaphore_mem>>)
      %dma_start3A_52 = arith.constant 2 : i32
      %dma_start3A_53 = arith.constant 0 : i32
      %dma_start3A_54 = tpu.memref_slice %arg7[%dma_start3A_52, %dma_start3A_53] : memref<16x128xi32, #tpu.memory_space<vmem>> -> memref<1x128xi32, #tpu.memory_space<vmem>>
      %dma_start3A_55 = tpu.memref_squeeze %dma_start3A_54 : memref<1x128xi32, #tpu.memory_space<vmem>> -> memref<128xi32, #tpu.memory_space<vmem>>
      %dma_start3A_56 = arith.constant 0 : i32
      %dma_start3A_57 = arith.constant 0 : i32
      %dma_start3A_58 = tpu.memref_slice %arg21[%dma_start3A_56, %dma_start3A_57] : memref<10000x64xf32, #tpu.memory_space<vmem_shared>> -> memref<10000x64xf32, #tpu.memory_space<vmem_shared>>
      tpu.enqueue_indirect_dma source(%dma_start3A_58 : memref<10000x64xf32, #tpu.memory_space<vmem_shared>>) target(%arg11 : memref<128x64xf32, #tpu.memory_space<vmem>>) offsets(%dma_start3A_55 : memref<128xi32, #tpu.memory_space<vmem>>) semaphore(%arg15 : memref<!tpu.dma_semaphore, #tpu.memory_space<semaphore_mem>>)
      %dma_start3A_59 = arith.constant 3 : i32
      %dma_start3A_60 = arith.constant 0 : i32
      %dma_start3A_61 = tpu.memref_slice %arg7[%dma_start3A_59, %dma_start3A_60] : memref<16x128xi32, #tpu.memory_space<vmem>> -> memref<1x128xi32, #tpu.memory_space<vmem>>
      %dma_start3A_62 = tpu.memref_squeeze %dma_start3A_61 : memref<1x128xi32, #tpu.memory_space<vmem>> -> memref<128xi32, #tpu.memory_space<vmem>>
      %dma_start3A_63 = arith.constant 0 : i32
      %dma_start3A_64 = arith.constant 0 : i32
      %dma_start3A_65 = tpu.memref_slice %arg21[%dma_start3A_63, %dma_start3A_64] : memref<10000x64xf32, #tpu.memory_space<vmem_shared>> -> memref<10000x64xf32, #tpu.memory_space<vmem_shared>>
      tpu.enqueue_indirect_dma source(%dma_start3A_65 : memref<10000x64xf32, #tpu.memory_space<vmem_shared>>) target(%arg12 : memref<128x64xf32, #tpu.memory_space<vmem>>) offsets(%dma_start3A_62 : memref<128xi32, #tpu.memory_space<vmem>>) semaphore(%arg16 : memref<!tpu.dma_semaphore, #tpu.memory_space<semaphore_mem>>)
      %scan3A_66 = arith.constant 0 : i32
      %scan3A_67 = arith.constant 4 : i32
      %scan3A_68 = arith.addi %scan3A_66, %scan3A_67 : i32
      %scan3A_69 = arith.constant 1 : i32
      scf.for %scan3A_71 = %scan3A_66 to %scan3A_68 step %scan3A_69  : i32 {
        %mul3A_72 = arith.constant 1 : i32
        %mul3A_73 = arith.muli %scan3A_71, %mul3A_72 : i32
        %add3A_74 = arith.constant 0 : i32
        %add3A_75 = arith.addi %add3A_74, %mul3A_73 : i32
        %mul3A_76 = arith.constant 4 : i32
        %mul3A_77 = arith.muli %add3A_75, %mul3A_76 : i32
        %add3A_78 = arith.constant 0 : i32
        %add3A_79 = arith.addi %mul3A_77, %add3A_78 : i32
        %dma_wait3A = arith.constant 0 : i32
        %dma_wait3A_80 = tpu.memref_slice %arg7[%add3A_79, %dma_wait3A] : memref<16x128xi32, #tpu.memory_space<vmem>> -> memref<1x128xi32, #tpu.memory_space<vmem>>
        %dma_wait3A_81 = tpu.memref_squeeze %dma_wait3A_80 : memref<1x128xi32, #tpu.memory_space<vmem>> -> memref<128xi32, #tpu.memory_space<vmem>>
        %dma_wait3A_82 = arith.constant 0 : i32
        %dma_wait3A_83 = arith.constant 0 : i32
        %dma_wait3A_84 = tpu.memref_slice %arg21[%dma_wait3A_82, %dma_wait3A_83] : memref<10000x64xf32, #tpu.memory_space<vmem_shared>> -> memref<10000x64xf32, #tpu.memory_space<vmem_shared>>
        tpu.wait_indirect_dma semaphore(%arg13 : memref<!tpu.dma_semaphore, #tpu.memory_space<semaphore_mem>>) src(%dma_wait3A_84 : memref<10000x64xf32, #tpu.memory_space<vmem_shared>>) dst(%arg9 : memref<128x64xf32, #tpu.memory_space<vmem>>)
        %add3A_85 = arith.constant 0 : i32
        %add3A_86 = arith.addi %mul3A_77, %add3A_85 : i32
        %dma_start3A_87 = arith.constant 0 : i32
        %dma_start3A_88 = tpu.memref_slice %arg8[%add3A_86, %dma_start3A_87] : memref<16x128xi32, #tpu.memory_space<vmem>> -> memref<1x128xi32, #tpu.memory_space<vmem>>
        %dma_start3A_89 = tpu.memref_squeeze %dma_start3A_88 : memref<1x128xi32, #tpu.memory_space<vmem>> -> memref<128xi32, #tpu.memory_space<vmem>>
        %dma_start3A_90 = arith.constant 0 : i32
        %dma_start3A_91 = arith.constant 0 : i32
        %dma_start3A_92 = tpu.memref_slice %arg22[%dma_start3A_90, %dma_start3A_91] : memref<10512x64xf32, #tpu.memory_space<vmem_shared>> -> memref<10512x64xf32, #tpu.memory_space<vmem_shared>>
        tpu.enqueue_indirect_dma source(%arg9 : memref<128x64xf32, #tpu.memory_space<vmem>>) target(%dma_start3A_92 : memref<10512x64xf32, #tpu.memory_space<vmem_shared>>) offsets(%dma_start3A_89 : memref<128xi32, #tpu.memory_space<vmem>>) semaphore(%arg17 : memref<!tpu.dma_semaphore, #tpu.memory_space<semaphore_mem>>) {add = true}
        %add3A_93 = arith.constant 1 : i32
        %add3A_94 = arith.addi %mul3A_77, %add3A_93 : i32
        %dma_wait3A_95 = arith.constant 0 : i32
        %dma_wait3A_96 = tpu.memref_slice %arg7[%add3A_94, %dma_wait3A_95] : memref<16x128xi32, #tpu.memory_space<vmem>> -> memref<1x128xi32, #tpu.memory_space<vmem>>
        %dma_wait3A_97 = tpu.memref_squeeze %dma_wait3A_96 : memref<1x128xi32, #tpu.memory_space<vmem>> -> memref<128xi32, #tpu.memory_space<vmem>>
        %dma_wait3A_98 = arith.constant 0 : i32
        %dma_wait3A_99 = arith.constant 0 : i32
        %dma_wait3A_100 = tpu.memref_slice %arg21[%dma_wait3A_98, %dma_wait3A_99] : memref<10000x64xf32, #tpu.memory_space<vmem_shared>> -> memref<10000x64xf32, #tpu.memory_space<vmem_shared>>
        tpu.wait_indirect_dma semaphore(%arg14 : memref<!tpu.dma_semaphore, #tpu.memory_space<semaphore_mem>>) src(%dma_wait3A_100 : memref<10000x64xf32, #tpu.memory_space<vmem_shared>>) dst(%arg10 : memref<128x64xf32, #tpu.memory_space<vmem>>)
        %add3A_101 = arith.constant 1 : i32
        %add3A_102 = arith.addi %mul3A_77, %add3A_101 : i32
        %dma_start3A_103 = arith.constant 0 : i32
        %dma_start3A_104 = tpu.memref_slice %arg8[%add3A_102, %dma_start3A_103] : memref<16x128xi32, #tpu.memory_space<vmem>> -> memref<1x128xi32, #tpu.memory_space<vmem>>
        %dma_start3A_105 = tpu.memref_squeeze %dma_start3A_104 : memref<1x128xi32, #tpu.memory_space<vmem>> -> memref<128xi32, #tpu.memory_space<vmem>>
        %dma_start3A_106 = arith.constant 0 : i32
        %dma_start3A_107 = arith.constant 0 : i32
        %dma_start3A_108 = tpu.memref_slice %arg22[%dma_start3A_106, %dma_start3A_107] : memref<10512x64xf32, #tpu.memory_space<vmem_shared>> -> memref<10512x64xf32, #tpu.memory_space<vmem_shared>>
        tpu.enqueue_indirect_dma source(%arg10 : memref<128x64xf32, #tpu.memory_space<vmem>>) target(%dma_start3A_108 : memref<10512x64xf32, #tpu.memory_space<vmem_shared>>) offsets(%dma_start3A_105 : memref<128xi32, #tpu.memory_space<vmem>>) semaphore(%arg18 : memref<!tpu.dma_semaphore, #tpu.memory_space<semaphore_mem>>) {add = true}
        %add3A_109 = arith.constant 2 : i32
        %add3A_110 = arith.addi %mul3A_77, %add3A_109 : i32
        %dma_wait3A_111 = arith.constant 0 : i32
        %dma_wait3A_112 = tpu.memref_slice %arg7[%add3A_110, %dma_wait3A_111] : memref<16x128xi32, #tpu.memory_space<vmem>> -> memref<1x128xi32, #tpu.memory_space<vmem>>
        %dma_wait3A_113 = tpu.memref_squeeze %dma_wait3A_112 : memref<1x128xi32, #tpu.memory_space<vmem>> -> memref<128xi32, #tpu.memory_space<vmem>>
        %dma_wait3A_114 = arith.constant 0 : i32
        %dma_wait3A_115 = arith.constant 0 : i32
        %dma_wait3A_116 = tpu.memref_slice %arg21[%dma_wait3A_114, %dma_wait3A_115] : memref<10000x64xf32, #tpu.memory_space<vmem_shared>> -> memref<10000x64xf32, #tpu.memory_space<vmem_shared>>
        tpu.wait_indirect_dma semaphore(%arg15 : memref<!tpu.dma_semaphore, #tpu.memory_space<semaphore_mem>>) src(%dma_wait3A_116 : memref<10000x64xf32, #tpu.memory_space<vmem_shared>>) dst(%arg11 : memref<128x64xf32, #tpu.memory_space<vmem>>)
        %add3A_117 = arith.constant 2 : i32
        %add3A_118 = arith.addi %mul3A_77, %add3A_117 : i32
        %dma_start3A_119 = arith.constant 0 : i32
        %dma_start3A_120 = tpu.memref_slice %arg8[%add3A_118, %dma_start3A_119] : memref<16x128xi32, #tpu.memory_space<vmem>> -> memref<1x128xi32, #tpu.memory_space<vmem>>
        %dma_start3A_121 = tpu.memref_squeeze %dma_start3A_120 : memref<1x128xi32, #tpu.memory_space<vmem>> -> memref<128xi32, #tpu.memory_space<vmem>>
        %dma_start3A_122 = arith.constant 0 : i32
        %dma_start3A_123 = arith.constant 0 : i32
        %dma_start3A_124 = tpu.memref_slice %arg22[%dma_start3A_122, %dma_start3A_123] : memref<10512x64xf32, #tpu.memory_space<vmem_shared>> -> memref<10512x64xf32, #tpu.memory_space<vmem_shared>>
        tpu.enqueue_indirect_dma source(%arg11 : memref<128x64xf32, #tpu.memory_space<vmem>>) target(%dma_start3A_124 : memref<10512x64xf32, #tpu.memory_space<vmem_shared>>) offsets(%dma_start3A_121 : memref<128xi32, #tpu.memory_space<vmem>>) semaphore(%arg19 : memref<!tpu.dma_semaphore, #tpu.memory_space<semaphore_mem>>) {add = true}
        %add3A_125 = arith.constant 3 : i32
        %add3A_126 = arith.addi %mul3A_77, %add3A_125 : i32
        %dma_wait3A_127 = arith.constant 0 : i32
        %dma_wait3A_128 = tpu.memref_slice %arg7[%add3A_126, %dma_wait3A_127] : memref<16x128xi32, #tpu.memory_space<vmem>> -> memref<1x128xi32, #tpu.memory_space<vmem>>
        %dma_wait3A_129 = tpu.memref_squeeze %dma_wait3A_128 : memref<1x128xi32, #tpu.memory_space<vmem>> -> memref<128xi32, #tpu.memory_space<vmem>>
        %dma_wait3A_130 = arith.constant 0 : i32
        %dma_wait3A_131 = arith.constant 0 : i32
        %dma_wait3A_132 = tpu.memref_slice %arg21[%dma_wait3A_130, %dma_wait3A_131] : memref<10000x64xf32, #tpu.memory_space<vmem_shared>> -> memref<10000x64xf32, #tpu.memory_space<vmem_shared>>
        tpu.wait_indirect_dma semaphore(%arg16 : memref<!tpu.dma_semaphore, #tpu.memory_space<semaphore_mem>>) src(%dma_wait3A_132 : memref<10000x64xf32, #tpu.memory_space<vmem_shared>>) dst(%arg12 : memref<128x64xf32, #tpu.memory_space<vmem>>)
        %add3A_133 = arith.constant 3 : i32
        %add3A_134 = arith.addi %mul3A_77, %add3A_133 : i32
        %dma_start3A_135 = arith.constant 0 : i32
        %dma_start3A_136 = tpu.memref_slice %arg8[%add3A_134, %dma_start3A_135] : memref<16x128xi32, #tpu.memory_space<vmem>> -> memref<1x128xi32, #tpu.memory_space<vmem>>
        %dma_start3A_137 = tpu.memref_squeeze %dma_start3A_136 : memref<1x128xi32, #tpu.memory_space<vmem>> -> memref<128xi32, #tpu.memory_space<vmem>>
        %dma_start3A_138 = arith.constant 0 : i32
        %dma_start3A_139 = arith.constant 0 : i32
        %dma_start3A_140 = tpu.memref_slice %arg22[%dma_start3A_138, %dma_start3A_139] : memref<10512x64xf32, #tpu.memory_space<vmem_shared>> -> memref<10512x64xf32, #tpu.memory_space<vmem_shared>>
        tpu.enqueue_indirect_dma source(%arg12 : memref<128x64xf32, #tpu.memory_space<vmem>>) target(%dma_start3A_140 : memref<10512x64xf32, #tpu.memory_space<vmem_shared>>) offsets(%dma_start3A_137 : memref<128xi32, #tpu.memory_space<vmem>>) semaphore(%arg20 : memref<!tpu.dma_semaphore, #tpu.memory_space<semaphore_mem>>) {add = true}
        %add3A_141 = arith.constant 0 : i32
        %add3A_142 = arith.addi %mul3A_77, %add3A_141 : i32
        %dma_wait3A_143 = arith.constant 0 : i32
        %dma_wait3A_144 = tpu.memref_slice %arg8[%add3A_142, %dma_wait3A_143] : memref<16x128xi32, #tpu.memory_space<vmem>> -> memref<1x128xi32, #tpu.memory_space<vmem>>
        %dma_wait3A_145 = tpu.memref_squeeze %dma_wait3A_144 : memref<1x128xi32, #tpu.memory_space<vmem>> -> memref<128xi32, #tpu.memory_space<vmem>>
        %dma_wait3A_146 = arith.constant 0 : i32
        %dma_wait3A_147 = arith.constant 0 : i32
        %dma_wait3A_148 = tpu.memref_slice %arg22[%dma_wait3A_146, %dma_wait3A_147] : memref<10512x64xf32, #tpu.memory_space<vmem_shared>> -> memref<10512x64xf32, #tpu.memory_space<vmem_shared>>
        tpu.wait_indirect_dma semaphore(%arg17 : memref<!tpu.dma_semaphore, #tpu.memory_space<semaphore_mem>>) src(%arg9 : memref<128x64xf32, #tpu.memory_space<vmem>>) dst(%dma_wait3A_148 : memref<10512x64xf32, #tpu.memory_space<vmem_shared>>)
        %lt3A_149 = arith.constant 3 : i32
        %lt3A_150 = arith.cmpi slt, %add3A_75, %lt3A_149 : i32
        %convert_element_type3A_151 = arith.extui %lt3A_150 : i1 to i32
        %cond3A_152 = arith.constant 0 : i32
        %cond3A_153 = arith.cmpi ne, %convert_element_type3A_151, %cond3A_152 : i32
        scf.if %cond3A_153 {
          %add3A_193 = arith.constant 4 : i32
          %add3A_194 = arith.addi %mul3A_77, %add3A_193 : i32
          %add3A_195 = arith.constant 0 : i32
          %add3A_196 = arith.addi %add3A_194, %add3A_195 : i32
          %dma_start3A_197 = arith.constant 0 : i32
          %dma_start3A_198 = tpu.memref_slice %arg7[%add3A_196, %dma_start3A_197] : memref<16x128xi32, #tpu.memory_space<vmem>> -> memref<1x128xi32, #tpu.memory_space<vmem>>
          %dma_start3A_199 = tpu.memref_squeeze %dma_start3A_198 : memref<1x128xi32, #tpu.memory_space<vmem>> -> memref<128xi32, #tpu.memory_space<vmem>>
          %dma_start3A_200 = arith.constant 0 : i32
          %dma_start3A_201 = arith.constant 0 : i32
          %dma_start3A_202 = tpu.memref_slice %arg21[%dma_start3A_200, %dma_start3A_201] : memref<10000x64xf32, #tpu.memory_space<vmem_shared>> -> memref<10000x64xf32, #tpu.memory_space<vmem_shared>>
          tpu.enqueue_indirect_dma source(%dma_start3A_202 : memref<10000x64xf32, #tpu.memory_space<vmem_shared>>) target(%arg9 : memref<128x64xf32, #tpu.memory_space<vmem>>) offsets(%dma_start3A_199 : memref<128xi32, #tpu.memory_space<vmem>>) semaphore(%arg13 : memref<!tpu.dma_semaphore, #tpu.memory_space<semaphore_mem>>)
        } else {
        }
        %add3A_154 = arith.constant 1 : i32
        %add3A_155 = arith.addi %mul3A_77, %add3A_154 : i32
        %dma_wait3A_156 = arith.constant 0 : i32
        %dma_wait3A_157 = tpu.memref_slice %arg8[%add3A_155, %dma_wait3A_156] : memref<16x128xi32, #tpu.memory_space<vmem>> -> memref<1x128xi32, #tpu.memory_space<vmem>>
        %dma_wait3A_158 = tpu.memref_squeeze %dma_wait3A_157 : memref<1x128xi32, #tpu.memory_space<vmem>> -> memref<128xi32, #tpu.memory_space<vmem>>
        %dma_wait3A_159 = arith.constant 0 : i32
        %dma_wait3A_160 = arith.constant 0 : i32
        %dma_wait3A_161 = tpu.memref_slice %arg22[%dma_wait3A_159, %dma_wait3A_160] : memref<10512x64xf32, #tpu.memory_space<vmem_shared>> -> memref<10512x64xf32, #tpu.memory_space<vmem_shared>>
        tpu.wait_indirect_dma semaphore(%arg18 : memref<!tpu.dma_semaphore, #tpu.memory_space<semaphore_mem>>) src(%arg10 : memref<128x64xf32, #tpu.memory_space<vmem>>) dst(%dma_wait3A_161 : memref<10512x64xf32, #tpu.memory_space<vmem_shared>>)
        %lt3A_162 = arith.constant 3 : i32
        %lt3A_163 = arith.cmpi slt, %add3A_75, %lt3A_162 : i32
        %convert_element_type3A_164 = arith.extui %lt3A_163 : i1 to i32
        %cond3A_165 = arith.constant 0 : i32
        %cond3A_166 = arith.cmpi ne, %convert_element_type3A_164, %cond3A_165 : i32
        scf.if %cond3A_166 {
          %add3A_193 = arith.constant 4 : i32
          %add3A_194 = arith.addi %mul3A_77, %add3A_193 : i32
          %add3A_195 = arith.constant 1 : i32
          %add3A_196 = arith.addi %add3A_194, %add3A_195 : i32
          %dma_start3A_197 = arith.constant 0 : i32
          %dma_start3A_198 = tpu.memref_slice %arg7[%add3A_196, %dma_start3A_197] : memref<16x128xi32, #tpu.memory_space<vmem>> -> memref<1x128xi32, #tpu.memory_space<vmem>>
          %dma_start3A_199 = tpu.memref_squeeze %dma_start3A_198 : memref<1x128xi32, #tpu.memory_space<vmem>> -> memref<128xi32, #tpu.memory_space<vmem>>
          %dma_start3A_200 = arith.constant 0 : i32
          %dma_start3A_201 = arith.constant 0 : i32
          %dma_start3A_202 = tpu.memref_slice %arg21[%dma_start3A_200, %dma_start3A_201] : memref<10000x64xf32, #tpu.memory_space<vmem_shared>> -> memref<10000x64xf32, #tpu.memory_space<vmem_shared>>
          tpu.enqueue_indirect_dma source(%dma_start3A_202 : memref<10000x64xf32, #tpu.memory_space<vmem_shared>>) target(%arg10 : memref<128x64xf32, #tpu.memory_space<vmem>>) offsets(%dma_start3A_199 : memref<128xi32, #tpu.memory_space<vmem>>) semaphore(%arg14 : memref<!tpu.dma_semaphore, #tpu.memory_space<semaphore_mem>>)
        } else {
        }
        %add3A_167 = arith.constant 2 : i32
        %add3A_168 = arith.addi %mul3A_77, %add3A_167 : i32
        %dma_wait3A_169 = arith.constant 0 : i32
        %dma_wait3A_170 = tpu.memref_slice %arg8[%add3A_168, %dma_wait3A_169] : memref<16x128xi32, #tpu.memory_space<vmem>> -> memref<1x128xi32, #tpu.memory_space<vmem>>
        %dma_wait3A_171 = tpu.memref_squeeze %dma_wait3A_170 : memref<1x128xi32, #tpu.memory_space<vmem>> -> memref<128xi32, #tpu.memory_space<vmem>>
        %dma_wait3A_172 = arith.constant 0 : i32
        %dma_wait3A_173 = arith.constant 0 : i32
        %dma_wait3A_174 = tpu.memref_slice %arg22[%dma_wait3A_172, %dma_wait3A_173] : memref<10512x64xf32, #tpu.memory_space<vmem_shared>> -> memref<10512x64xf32, #tpu.memory_space<vmem_shared>>
        tpu.wait_indirect_dma semaphore(%arg19 : memref<!tpu.dma_semaphore, #tpu.memory_space<semaphore_mem>>) src(%arg11 : memref<128x64xf32, #tpu.memory_space<vmem>>) dst(%dma_wait3A_174 : memref<10512x64xf32, #tpu.memory_space<vmem_shared>>)
        %lt3A_175 = arith.constant 3 : i32
        %lt3A_176 = arith.cmpi slt, %add3A_75, %lt3A_175 : i32
        %convert_element_type3A_177 = arith.extui %lt3A_176 : i1 to i32
        %cond3A_178 = arith.constant 0 : i32
        %cond3A_179 = arith.cmpi ne, %convert_element_type3A_177, %cond3A_178 : i32
        scf.if %cond3A_179 {
          %add3A_193 = arith.constant 4 : i32
          %add3A_194 = arith.addi %mul3A_77, %add3A_193 : i32
          %add3A_195 = arith.constant 2 : i32
          %add3A_196 = arith.addi %add3A_194, %add3A_195 : i32
          %dma_start3A_197 = arith.constant 0 : i32
          %dma_start3A_198 = tpu.memref_slice %arg7[%add3A_196, %dma_start3A_197] : memref<16x128xi32, #tpu.memory_space<vmem>> -> memref<1x128xi32, #tpu.memory_space<vmem>>
          %dma_start3A_199 = tpu.memref_squeeze %dma_start3A_198 : memref<1x128xi32, #tpu.memory_space<vmem>> -> memref<128xi32, #tpu.memory_space<vmem>>
          %dma_start3A_200 = arith.constant 0 : i32
          %dma_start3A_201 = arith.constant 0 : i32
          %dma_start3A_202 = tpu.memref_slice %arg21[%dma_start3A_200, %dma_start3A_201] : memref<10000x64xf32, #tpu.memory_space<vmem_shared>> -> memref<10000x64xf32, #tpu.memory_space<vmem_shared>>
          tpu.enqueue_indirect_dma source(%dma_start3A_202 : memref<10000x64xf32, #tpu.memory_space<vmem_shared>>) target(%arg11 : memref<128x64xf32, #tpu.memory_space<vmem>>) offsets(%dma_start3A_199 : memref<128xi32, #tpu.memory_space<vmem>>) semaphore(%arg15 : memref<!tpu.dma_semaphore, #tpu.memory_space<semaphore_mem>>)
        } else {
        }
        %add3A_180 = arith.constant 3 : i32
        %add3A_181 = arith.addi %mul3A_77, %add3A_180 : i32
        %dma_wait3A_182 = arith.constant 0 : i32
        %dma_wait3A_183 = tpu.memref_slice %arg8[%add3A_181, %dma_wait3A_182] : memref<16x128xi32, #tpu.memory_space<vmem>> -> memref<1x128xi32, #tpu.memory_space<vmem>>
        %dma_wait3A_184 = tpu.memref_squeeze %dma_wait3A_183 : memref<1x128xi32, #tpu.memory_space<vmem>> -> memref<128xi32, #tpu.memory_space<vmem>>
        %dma_wait3A_185 = arith.constant 0 : i32
        %dma_wait3A_186 = arith.constant 0 : i32
        %dma_wait3A_187 = tpu.memref_slice %arg22[%dma_wait3A_185, %dma_wait3A_186] : memref<10512x64xf32, #tpu.memory_space<vmem_shared>> -> memref<10512x64xf32, #tpu.memory_space<vmem_shared>>
        tpu.wait_indirect_dma semaphore(%arg20 : memref<!tpu.dma_semaphore, #tpu.memory_space<semaphore_mem>>) src(%arg12 : memref<128x64xf32, #tpu.memory_space<vmem>>) dst(%dma_wait3A_187 : memref<10512x64xf32, #tpu.memory_space<vmem_shared>>)
        %lt3A_188 = arith.constant 3 : i32
        %lt3A_189 = arith.cmpi slt, %add3A_75, %lt3A_188 : i32
        %convert_element_type3A_190 = arith.extui %lt3A_189 : i1 to i32
        %cond3A_191 = arith.constant 0 : i32
        %cond3A_192 = arith.cmpi ne, %convert_element_type3A_190, %cond3A_191 : i32
        scf.if %cond3A_192 {
          %add3A_193 = arith.constant 4 : i32
          %add3A_194 = arith.addi %mul3A_77, %add3A_193 : i32
          %add3A_195 = arith.constant 3 : i32
          %add3A_196 = arith.addi %add3A_194, %add3A_195 : i32
          %dma_start3A_197 = arith.constant 0 : i32
          %dma_start3A_198 = tpu.memref_slice %arg7[%add3A_196, %dma_start3A_197] : memref<16x128xi32, #tpu.memory_space<vmem>> -> memref<1x128xi32, #tpu.memory_space<vmem>>
          %dma_start3A_199 = tpu.memref_squeeze %dma_start3A_198 : memref<1x128xi32, #tpu.memory_space<vmem>> -> memref<128xi32, #tpu.memory_space<vmem>>
          %dma_start3A_200 = arith.constant 0 : i32
          %dma_start3A_201 = arith.constant 0 : i32
          %dma_start3A_202 = tpu.memref_slice %arg21[%dma_start3A_200, %dma_start3A_201] : memref<10000x64xf32, #tpu.memory_space<vmem_shared>> -> memref<10000x64xf32, #tpu.memory_space<vmem_shared>>
          tpu.enqueue_indirect_dma source(%dma_start3A_202 : memref<10000x64xf32, #tpu.memory_space<vmem_shared>>) target(%arg12 : memref<128x64xf32, #tpu.memory_space<vmem>>) offsets(%dma_start3A_199 : memref<128xi32, #tpu.memory_space<vmem>>) semaphore(%arg16 : memref<!tpu.dma_semaphore, #tpu.memory_space<semaphore_mem>>)
        } else {
        }
      }
      %scan3A_70 = arith.constant 4 : i32
    }
    %scan3A_19 = arith.constant 10 : i32
    %barrier3A_20 = arith.constant 0 : index
    tpu.barrier barrier_id(%barrier3A_20)
    %lt3A_21 = arith.constant 15 : i32
    %lt3A_22 = arith.cmpi slt, %arg1, %lt3A_21 : i32
    %convert_element_type3A_23 = arith.extui %lt3A_22 : i1 to i32
    %cond3A_24 = arith.constant 0 : i32
    %cond3A_25 = arith.cmpi ne, %convert_element_type3A_23, %cond3A_24 : i32
    scf.if %cond3A_25 {
      %mul3A = arith.constant 632 : i32
      %mul3A_31 = arith.muli %arg1, %mul3A : i32
      %multiple_of3A = tpu.assume_multiple %mul3A_31, 8 : i32
      "tpu.region"() ({
        %run_scoped3A = tpu.sem_alloc : memref<!tpu.dma_semaphore, #tpu.memory_space<semaphore_mem>>
        %dma_start3A = arith.constant 0 : i32
        %dma_start3A_32 = tpu.memref_slice %arg6[%arg0, %multiple_of3A, %dma_start3A] : memref<2x10000x64xf32, #tpu.memory_space<hbm>> -> memref<1x632x64xf32, #tpu.memory_space<hbm>>
        %dma_start3A_33 = tpu.memref_squeeze %dma_start3A_32 : memref<1x632x64xf32, #tpu.memory_space<hbm>> -> memref<632x64xf32, #tpu.memory_space<hbm>>
        %dma_start3A_34 = arith.constant 0 : i32
        %dma_start3A_35 = tpu.memref_slice %arg22[%multiple_of3A, %dma_start3A_34] : memref<10512x64xf32, #tpu.memory_space<vmem_shared>> -> memref<632x64xf32, #tpu.memory_space<vmem_shared>>
        tpu.enqueue_dma source(%dma_start3A_35 : memref<632x64xf32, #tpu.memory_space<vmem_shared>>) target(%dma_start3A_33 : memref<632x64xf32, #tpu.memory_space<hbm>>) target_semaphore(%run_scoped3A : memref<!tpu.dma_semaphore, #tpu.memory_space<semaphore_mem>>)
        %dma_wait3A = arith.constant 0 : i32
        %dma_wait3A_36 = tpu.memref_slice %arg6[%arg0, %multiple_of3A, %dma_wait3A] : memref<2x10000x64xf32, #tpu.memory_space<hbm>> -> memref<1x632x64xf32, #tpu.memory_space<hbm>>
        %dma_wait3A_37 = tpu.memref_squeeze %dma_wait3A_36 : memref<1x632x64xf32, #tpu.memory_space<hbm>> -> memref<632x64xf32, #tpu.memory_space<hbm>>
        %dma_wait3A_38 = arith.constant 0 : i32
        %dma_wait3A_39 = tpu.memref_slice %arg22[%multiple_of3A, %dma_wait3A_38] : memref<10512x64xf32, #tpu.memory_space<vmem_shared>> -> memref<632x64xf32, #tpu.memory_space<vmem_shared>>
        tpu.wait_dma2 semaphore(%run_scoped3A : memref<!tpu.dma_semaphore, #tpu.memory_space<semaphore_mem>>) src(%dma_wait3A_39 : memref<632x64xf32, #tpu.memory_space<vmem_shared>>) dst(%dma_wait3A_37 : memref<632x64xf32, #tpu.memory_space<hbm>>)
        tpu.yield
      }) : () -> ()
    } else {
    }
    %eq3A_26 = arith.constant 15 : i32
    %eq3A_27 = arith.cmpi eq, %arg1, %eq3A_26 : i32
    %convert_element_type3A_28 = arith.extui %eq3A_27 : i1 to i32
    %cond3A_29 = arith.constant 0 : i32
    %cond3A_30 = arith.cmpi ne, %convert_element_type3A_28, %cond3A_29 : i32
    scf.if %cond3A_30 {
      "tpu.region"() ({
        %run_scoped3A = tpu.sem_alloc : memref<!tpu.dma_semaphore, #tpu.memory_space<semaphore_mem>>
        %dma_start3A = arith.constant 9480 : i32
        %dma_start3A_31 = arith.constant 0 : i32
        %dma_start3A_32 = tpu.memref_slice %arg6[%arg0, %dma_start3A, %dma_start3A_31] : memref<2x10000x64xf32, #tpu.memory_space<hbm>> -> memref<1x520x64xf32, #tpu.memory_space<hbm>>
        %dma_start3A_33 = tpu.memref_squeeze %dma_start3A_32 : memref<1x520x64xf32, #tpu.memory_space<hbm>> -> memref<520x64xf32, #tpu.memory_space<hbm>>
        %dma_start3A_34 = arith.constant 9480 : i32
        %dma_start3A_35 = arith.constant 0 : i32
        %dma_start3A_36 = tpu.memref_slice %arg22[%dma_start3A_34, %dma_start3A_35] : memref<10512x64xf32, #tpu.memory_space<vmem_shared>> -> memref<520x64xf32, #tpu.memory_space<vmem_shared>>
        tpu.enqueue_dma source(%dma_start3A_36 : memref<520x64xf32, #tpu.memory_space<vmem_shared>>) target(%dma_start3A_33 : memref<520x64xf32, #tpu.memory_space<hbm>>) target_semaphore(%run_scoped3A : memref<!tpu.dma_semaphore, #tpu.memory_space<semaphore_mem>>)
        %dma_wait3A = arith.constant 9480 : i32
        %dma_wait3A_37 = arith.constant 0 : i32
        %dma_wait3A_38 = tpu.memref_slice %arg6[%arg0, %dma_wait3A, %dma_wait3A_37] : memref<2x10000x64xf32, #tpu.memory_space<hbm>> -> memref<1x520x64xf32, #tpu.memory_space<hbm>>
        %dma_wait3A_39 = tpu.memref_squeeze %dma_wait3A_38 : memref<1x520x64xf32, #tpu.memory_space<hbm>> -> memref<520x64xf32, #tpu.memory_space<hbm>>
        %dma_wait3A_40 = arith.constant 9480 : i32
        %dma_wait3A_41 = arith.constant 0 : i32
        %dma_wait3A_42 = tpu.memref_slice %arg22[%dma_wait3A_40, %dma_wait3A_41] : memref<10512x64xf32, #tpu.memory_space<vmem_shared>> -> memref<520x64xf32, #tpu.memory_space<vmem_shared>>
        tpu.wait_dma2 semaphore(%run_scoped3A : memref<!tpu.dma_semaphore, #tpu.memory_space<semaphore_mem>>) src(%dma_wait3A_42 : memref<520x64xf32, #tpu.memory_space<vmem_shared>>) dst(%dma_wait3A_39 : memref<520x64xf32, #tpu.memory_space<hbm>>)
        tpu.yield
      }) : () -> ()
    } else {
    }
    return
  }
}

#map = affine_map<(d0, d1) -> (0, 0, 0)>
#map1 = affine_map<(d0, d1) -> (0, 0)>
module attributes {stable_mosaic.version = 14 : i64} {
  func.func @_edge_body(%arg0: i32, %arg1: i32, %arg2: memref<2x10000x64xf32, #tpu.memory_space<hbm>>, %arg3: memref<2560x128xi32, #tpu.memory_space<hbm>>, %arg4: memref<2560x128xi32, #tpu.memory_space<hbm>>, %arg5: memref<10000x64xf32, #tpu.memory_space<hbm>>, %arg6: memref<2x10000x64xf32, #tpu.memory_space<hbm>>, %arg7: memref<16x128xi32, #tpu.memory_space<vmem>>, %arg8: memref<16x128xi32, #tpu.memory_space<vmem>>, %arg9: memref<128x64xf32, #tpu.memory_space<vmem>>, %arg10: memref<128x64xf32, #tpu.memory_space<vmem>>, %arg11: memref<128x64xf32, #tpu.memory_space<vmem>>, %arg12: memref<128x64xf32, #tpu.memory_space<vmem>>, %arg13: memref<!tpu.dma_semaphore, #tpu.memory_space<semaphore_mem>>, %arg14: memref<!tpu.dma_semaphore, #tpu.memory_space<semaphore_mem>>, %arg15: memref<!tpu.dma_semaphore, #tpu.memory_space<semaphore_mem>>, %arg16: memref<!tpu.dma_semaphore, #tpu.memory_space<semaphore_mem>>, %arg17: memref<!tpu.dma_semaphore, #tpu.memory_space<semaphore_mem>>, %arg18: memref<!tpu.dma_semaphore, #tpu.memory_space<semaphore_mem>>, %arg19: memref<!tpu.dma_semaphore, #tpu.memory_space<semaphore_mem>>, %arg20: memref<!tpu.dma_semaphore, #tpu.memory_space<semaphore_mem>>, %arg21: memref<10000x64xf32, #tpu.memory_space<vmem_shared>>, %arg22: memref<10512x64xf32, #tpu.memory_space<vmem_shared>>) attributes {dimension_semantics = [#tpu.dimension_semantics<core_parallel>, #tpu.dimension_semantics<subcore_parallel>], iteration_bounds = array<i64: 2, 16>, scalar_prefetch = 0 : i64, scratch_operands = 16 : i64, tpu.core_type = #tpu.core_type<sc_vector_subcore>, window_params = [{transform_indices = #map}, {transform_indices = #map1}, {transform_indices = #map1}, {transform_indices = #map1}, {transform_indices = #map}]} {
    %lt3A = arith.constant 15 : i32
    %lt3A_0 = arith.cmpi slt, %arg1, %lt3A : i32
    %convert_element_type3A = arith.extui %lt3A_0 : i1 to i32
    %cond3A = arith.constant 0 : i32
    %cond3A_1 = arith.cmpi ne, %convert_element_type3A, %cond3A : i32
    scf.if %cond3A_1 {
      %mul3A = arith.constant 632 : i32
      %mul3A_31 = arith.muli %arg1, %mul3A : i32
      %multiple_of3A = tpu.assume_multiple %mul3A_31, 8 : i32
      "tpu.region"() ({
        %run_scoped3A = tpu.sem_alloc : memref<!tpu.dma_semaphore, #tpu.memory_space<semaphore_mem>>
        %dma_start3A = arith.constant 0 : i32
        %dma_start3A_32 = tpu.memref_slice %arg21[%multiple_of3A, %dma_start3A] : memref<10000x64xf32, #tpu.memory_space<vmem_shared>> -> memref<632x64xf32, #tpu.memory_space<vmem_shared>>
        %dma_start3A_33 = arith.constant 0 : i32
        %dma_start3A_34 = tpu.memref_slice %arg2[%arg0, %multiple_of3A, %dma_start3A_33] : memref<2x10000x64xf32, #tpu.memory_space<hbm>> -> memref<1x632x64xf32, #tpu.memory_space<hbm>>
        %dma_start3A_35 = tpu.memref_squeeze %dma_start3A_34 : memref<1x632x64xf32, #tpu.memory_space<hbm>> -> memref<632x64xf32, #tpu.memory_space<hbm>>
        tpu.enqueue_dma source(%dma_start3A_35 : memref<632x64xf32, #tpu.memory_space<hbm>>) target(%dma_start3A_32 : memref<632x64xf32, #tpu.memory_space<vmem_shared>>) target_semaphore(%run_scoped3A : memref<!tpu.dma_semaphore, #tpu.memory_space<semaphore_mem>>)
        %dma_wait3A = arith.constant 0 : i32
        %dma_wait3A_36 = tpu.memref_slice %arg21[%multiple_of3A, %dma_wait3A] : memref<10000x64xf32, #tpu.memory_space<vmem_shared>> -> memref<632x64xf32, #tpu.memory_space<vmem_shared>>
        %dma_wait3A_37 = arith.constant 0 : i32
        %dma_wait3A_38 = tpu.memref_slice %arg2[%arg0, %multiple_of3A, %dma_wait3A_37] : memref<2x10000x64xf32, #tpu.memory_space<hbm>> -> memref<1x632x64xf32, #tpu.memory_space<hbm>>
        %dma_wait3A_39 = tpu.memref_squeeze %dma_wait3A_38 : memref<1x632x64xf32, #tpu.memory_space<hbm>> -> memref<632x64xf32, #tpu.memory_space<hbm>>
        tpu.wait_dma2 semaphore(%run_scoped3A : memref<!tpu.dma_semaphore, #tpu.memory_space<semaphore_mem>>) src(%dma_wait3A_39 : memref<632x64xf32, #tpu.memory_space<hbm>>) dst(%dma_wait3A_36 : memref<632x64xf32, #tpu.memory_space<vmem_shared>>)
        tpu.yield
      }) : () -> ()
    } else {
    }
    %eq3A = arith.constant 15 : i32
    %eq3A_2 = arith.cmpi eq, %arg1, %eq3A : i32
    %convert_element_type3A_3 = arith.extui %eq3A_2 : i1 to i32
    %cond3A_4 = arith.constant 0 : i32
    %cond3A_5 = arith.cmpi ne, %convert_element_type3A_3, %cond3A_4 : i32
    scf.if %cond3A_5 {
      "tpu.region"() ({
        %run_scoped3A = tpu.sem_alloc : memref<!tpu.dma_semaphore, #tpu.memory_space<semaphore_mem>>
        %dma_start3A = arith.constant 9480 : i32
        %dma_start3A_31 = arith.constant 0 : i32
        %dma_start3A_32 = tpu.memref_slice %arg21[%dma_start3A, %dma_start3A_31] : memref<10000x64xf32, #tpu.memory_space<vmem_shared>> -> memref<520x64xf32, #tpu.memory_space<vmem_shared>>
        %dma_start3A_33 = arith.constant 9480 : i32
        %dma_start3A_34 = arith.constant 0 : i32
        %dma_start3A_35 = tpu.memref_slice %arg2[%arg0, %dma_start3A_33, %dma_start3A_34] : memref<2x10000x64xf32, #tpu.memory_space<hbm>> -> memref<1x520x64xf32, #tpu.memory_space<hbm>>
        %dma_start3A_36 = tpu.memref_squeeze %dma_start3A_35 : memref<1x520x64xf32, #tpu.memory_space<hbm>> -> memref<520x64xf32, #tpu.memory_space<hbm>>
        tpu.enqueue_dma source(%dma_start3A_36 : memref<520x64xf32, #tpu.memory_space<hbm>>) target(%dma_start3A_32 : memref<520x64xf32, #tpu.memory_space<vmem_shared>>) target_semaphore(%run_scoped3A : memref<!tpu.dma_semaphore, #tpu.memory_space<semaphore_mem>>)
        %dma_wait3A = arith.constant 9480 : i32
        %dma_wait3A_37 = arith.constant 0 : i32
        %dma_wait3A_38 = tpu.memref_slice %arg21[%dma_wait3A, %dma_wait3A_37] : memref<10000x64xf32, #tpu.memory_space<vmem_shared>> -> memref<520x64xf32, #tpu.memory_space<vmem_shared>>
        %dma_wait3A_39 = arith.constant 9480 : i32
        %dma_wait3A_40 = arith.constant 0 : i32
        %dma_wait3A_41 = tpu.memref_slice %arg2[%arg0, %dma_wait3A_39, %dma_wait3A_40] : memref<2x10000x64xf32, #tpu.memory_space<hbm>> -> memref<1x520x64xf32, #tpu.memory_space<hbm>>
        %dma_wait3A_42 = tpu.memref_squeeze %dma_wait3A_41 : memref<1x520x64xf32, #tpu.memory_space<hbm>> -> memref<520x64xf32, #tpu.memory_space<hbm>>
        tpu.wait_dma2 semaphore(%run_scoped3A : memref<!tpu.dma_semaphore, #tpu.memory_space<semaphore_mem>>) src(%dma_wait3A_42 : memref<520x64xf32, #tpu.memory_space<hbm>>) dst(%dma_wait3A_38 : memref<520x64xf32, #tpu.memory_space<vmem_shared>>)
        tpu.yield
      }) : () -> ()
    } else {
    }
    %lt3A_6 = arith.constant 15 : i32
    %lt3A_7 = arith.cmpi slt, %arg1, %lt3A_6 : i32
    %convert_element_type3A_8 = arith.extui %lt3A_7 : i1 to i32
    %cond3A_9 = arith.constant 0 : i32
    %cond3A_10 = arith.cmpi ne, %convert_element_type3A_8, %cond3A_9 : i32
    scf.if %cond3A_10 {
      %mul3A = arith.constant 632 : i32
      %mul3A_31 = arith.muli %arg1, %mul3A : i32
      %multiple_of3A = tpu.assume_multiple %mul3A_31, 8 : i32
      "tpu.region"() ({
        %run_scoped3A = tpu.sem_alloc : memref<!tpu.dma_semaphore, #tpu.memory_space<semaphore_mem>>
        %dma_start3A = arith.constant 0 : i32
        %dma_start3A_32 = tpu.memref_slice %arg22[%multiple_of3A, %dma_start3A] : memref<10512x64xf32, #tpu.memory_space<vmem_shared>> -> memref<632x64xf32, #tpu.memory_space<vmem_shared>>
        %dma_start3A_33 = arith.constant 0 : i32
        %dma_start3A_34 = tpu.memref_slice %arg5[%multiple_of3A, %dma_start3A_33] : memref<10000x64xf32, #tpu.memory_space<hbm>> -> memref<632x64xf32, #tpu.memory_space<hbm>>
        tpu.enqueue_dma source(%dma_start3A_34 : memref<632x64xf32, #tpu.memory_space<hbm>>) target(%dma_start3A_32 : memref<632x64xf32, #tpu.memory_space<vmem_shared>>) target_semaphore(%run_scoped3A : memref<!tpu.dma_semaphore, #tpu.memory_space<semaphore_mem>>)
        %dma_wait3A = arith.constant 0 : i32
        %dma_wait3A_35 = tpu.memref_slice %arg22[%multiple_of3A, %dma_wait3A] : memref<10512x64xf32, #tpu.memory_space<vmem_shared>> -> memref<632x64xf32, #tpu.memory_space<vmem_shared>>
        %dma_wait3A_36 = arith.constant 0 : i32
        %dma_wait3A_37 = tpu.memref_slice %arg5[%multiple_of3A, %dma_wait3A_36] : memref<10000x64xf32, #tpu.memory_space<hbm>> -> memref<632x64xf32, #tpu.memory_space<hbm>>
        tpu.wait_dma2 semaphore(%run_scoped3A : memref<!tpu.dma_semaphore, #tpu.memory_space<semaphore_mem>>) src(%dma_wait3A_37 : memref<632x64xf32, #tpu.memory_space<hbm>>) dst(%dma_wait3A_35 : memref<632x64xf32, #tpu.memory_space<vmem_shared>>)
        tpu.yield
      }) : () -> ()
    } else {
    }
    %eq3A_11 = arith.constant 15 : i32
    %eq3A_12 = arith.cmpi eq, %arg1, %eq3A_11 : i32
    %convert_element_type3A_13 = arith.extui %eq3A_12 : i1 to i32
    %cond3A_14 = arith.constant 0 : i32
    %cond3A_15 = arith.cmpi ne, %convert_element_type3A_13, %cond3A_14 : i32
    scf.if %cond3A_15 {
      "tpu.region"() ({
        %run_scoped3A = tpu.sem_alloc : memref<!tpu.dma_semaphore, #tpu.memory_space<semaphore_mem>>
        %dma_start3A = arith.constant 9480 : i32
        %dma_start3A_31 = arith.constant 0 : i32
        %dma_start3A_32 = tpu.memref_slice %arg22[%dma_start3A, %dma_start3A_31] : memref<10512x64xf32, #tpu.memory_space<vmem_shared>> -> memref<520x64xf32, #tpu.memory_space<vmem_shared>>
        %dma_start3A_33 = arith.constant 9480 : i32
        %dma_start3A_34 = arith.constant 0 : i32
        %dma_start3A_35 = tpu.memref_slice %arg5[%dma_start3A_33, %dma_start3A_34] : memref<10000x64xf32, #tpu.memory_space<hbm>> -> memref<520x64xf32, #tpu.memory_space<hbm>>
        tpu.enqueue_dma source(%dma_start3A_35 : memref<520x64xf32, #tpu.memory_space<hbm>>) target(%dma_start3A_32 : memref<520x64xf32, #tpu.memory_space<vmem_shared>>) target_semaphore(%run_scoped3A : memref<!tpu.dma_semaphore, #tpu.memory_space<semaphore_mem>>)
        %dma_wait3A = arith.constant 9480 : i32
        %dma_wait3A_36 = arith.constant 0 : i32
        %dma_wait3A_37 = tpu.memref_slice %arg22[%dma_wait3A, %dma_wait3A_36] : memref<10512x64xf32, #tpu.memory_space<vmem_shared>> -> memref<520x64xf32, #tpu.memory_space<vmem_shared>>
        %dma_wait3A_38 = arith.constant 9480 : i32
        %dma_wait3A_39 = arith.constant 0 : i32
        %dma_wait3A_40 = tpu.memref_slice %arg5[%dma_wait3A_38, %dma_wait3A_39] : memref<10000x64xf32, #tpu.memory_space<hbm>> -> memref<520x64xf32, #tpu.memory_space<hbm>>
        tpu.wait_dma2 semaphore(%run_scoped3A : memref<!tpu.dma_semaphore, #tpu.memory_space<semaphore_mem>>) src(%dma_wait3A_40 : memref<520x64xf32, #tpu.memory_space<hbm>>) dst(%dma_wait3A_37 : memref<520x64xf32, #tpu.memory_space<vmem_shared>>)
        tpu.yield
      }) : () -> ()
    } else {
    }
    %barrier3A = arith.constant 0 : index
    tpu.barrier barrier_id(%barrier3A)
    %scan3A = arith.constant 0 : i32
    %scan3A_16 = arith.constant 10 : i32
    %scan3A_17 = arith.addi %scan3A, %scan3A_16 : i32
    %scan3A_18 = arith.constant 1 : i32
    scf.for %scan3A_31 = %scan3A to %scan3A_17 step %scan3A_18  : i32 {
      %mul3A = arith.constant 1 : i32
      %mul3A_32 = arith.muli %scan3A_31, %mul3A : i32
      %add3A = arith.constant 0 : i32
      %add3A_33 = arith.addi %add3A, %mul3A_32 : i32
      %mul3A_34 = arith.constant 160 : i32
      %mul3A_35 = arith.muli %arg1, %mul3A_34 : i32
      %mul3A_36 = arith.constant 16 : i32
      %mul3A_37 = arith.muli %add3A_33, %mul3A_36 : i32
      %add3A_38 = arith.addi %mul3A_35, %mul3A_37 : i32
      %multiple_of3A = tpu.assume_multiple %add3A_38, 8 : i32
      "tpu.region"() ({
        %run_scoped3A = tpu.sem_alloc : memref<!tpu.dma_semaphore, #tpu.memory_space<semaphore_mem>>
        %dma_start3A_71 = arith.constant 0 : i32
        %dma_start3A_72 = tpu.memref_slice %arg3[%multiple_of3A, %dma_start3A_71] : memref<2560x128xi32, #tpu.memory_space<hbm>> -> memref<16x128xi32, #tpu.memory_space<hbm>>
        %dma_start3A_73 = arith.constant 0 : i32
        %dma_start3A_74 = tpu.memref_slice %arg3[%multiple_of3A, %dma_start3A_73] : memref<2560x128xi32, #tpu.memory_space<hbm>> -> memref<16x128xi32, #tpu.memory_space<hbm>>
        tpu.enqueue_dma source(%dma_start3A_74 : memref<16x128xi32, #tpu.memory_space<hbm>>) target(%arg7 : memref<16x128xi32, #tpu.memory_space<vmem>>) target_semaphore(%run_scoped3A : memref<!tpu.dma_semaphore, #tpu.memory_space<semaphore_mem>>)
        %dma_wait3A = arith.constant 0 : i32
        %dma_wait3A_75 = tpu.memref_slice %arg3[%multiple_of3A, %dma_wait3A] : memref<2560x128xi32, #tpu.memory_space<hbm>> -> memref<16x128xi32, #tpu.memory_space<hbm>>
        %dma_wait3A_76 = arith.constant 0 : i32
        %dma_wait3A_77 = tpu.memref_slice %arg3[%multiple_of3A, %dma_wait3A_76] : memref<2560x128xi32, #tpu.memory_space<hbm>> -> memref<16x128xi32, #tpu.memory_space<hbm>>
        tpu.wait_dma2 semaphore(%run_scoped3A : memref<!tpu.dma_semaphore, #tpu.memory_space<semaphore_mem>>) src(%dma_wait3A_77 : memref<16x128xi32, #tpu.memory_space<hbm>>) dst(%arg7 : memref<16x128xi32, #tpu.memory_space<vmem>>)
        tpu.yield
      }) : () -> ()
      "tpu.region"() ({
        %run_scoped3A = tpu.sem_alloc : memref<!tpu.dma_semaphore, #tpu.memory_space<semaphore_mem>>
        %dma_start3A_71 = arith.constant 0 : i32
        %dma_start3A_72 = tpu.memref_slice %arg4[%multiple_of3A, %dma_start3A_71] : memref<2560x128xi32, #tpu.memory_space<hbm>> -> memref<16x128xi32, #tpu.memory_space<hbm>>
        %dma_start3A_73 = arith.constant 0 : i32
        %dma_start3A_74 = tpu.memref_slice %arg4[%multiple_of3A, %dma_start3A_73] : memref<2560x128xi32, #tpu.memory_space<hbm>> -> memref<16x128xi32, #tpu.memory_space<hbm>>
        tpu.enqueue_dma source(%dma_start3A_74 : memref<16x128xi32, #tpu.memory_space<hbm>>) target(%arg8 : memref<16x128xi32, #tpu.memory_space<vmem>>) target_semaphore(%run_scoped3A : memref<!tpu.dma_semaphore, #tpu.memory_space<semaphore_mem>>)
        %dma_wait3A = arith.constant 0 : i32
        %dma_wait3A_75 = tpu.memref_slice %arg4[%multiple_of3A, %dma_wait3A] : memref<2560x128xi32, #tpu.memory_space<hbm>> -> memref<16x128xi32, #tpu.memory_space<hbm>>
        %dma_wait3A_76 = arith.constant 0 : i32
        %dma_wait3A_77 = tpu.memref_slice %arg4[%multiple_of3A, %dma_wait3A_76] : memref<2560x128xi32, #tpu.memory_space<hbm>> -> memref<16x128xi32, #tpu.memory_space<hbm>>
        tpu.wait_dma2 semaphore(%run_scoped3A : memref<!tpu.dma_semaphore, #tpu.memory_space<semaphore_mem>>) src(%dma_wait3A_77 : memref<16x128xi32, #tpu.memory_space<hbm>>) dst(%arg8 : memref<16x128xi32, #tpu.memory_space<vmem>>)
        tpu.yield
      }) : () -> ()
      %dma_start3A = arith.constant 0 : i32
      %dma_start3A_39 = arith.constant 0 : i32
      %dma_start3A_40 = tpu.memref_slice %arg7[%dma_start3A, %dma_start3A_39] : memref<16x128xi32, #tpu.memory_space<vmem>> -> memref<1x128xi32, #tpu.memory_space<vmem>>
      %dma_start3A_41 = tpu.memref_squeeze %dma_start3A_40 : memref<1x128xi32, #tpu.memory_space<vmem>> -> memref<128xi32, #tpu.memory_space<vmem>>
      %dma_start3A_42 = arith.constant 0 : i32
      %dma_start3A_43 = arith.constant 0 : i32
      %dma_start3A_44 = tpu.memref_slice %arg21[%dma_start3A_42, %dma_start3A_43] : memref<10000x64xf32, #tpu.memory_space<vmem_shared>> -> memref<10000x64xf32, #tpu.memory_space<vmem_shared>>
      tpu.enqueue_indirect_dma source(%dma_start3A_44 : memref<10000x64xf32, #tpu.memory_space<vmem_shared>>) target(%arg9 : memref<128x64xf32, #tpu.memory_space<vmem>>) offsets(%dma_start3A_41 : memref<128xi32, #tpu.memory_space<vmem>>) semaphore(%arg13 : memref<!tpu.dma_semaphore, #tpu.memory_space<semaphore_mem>>)
      %dma_start3A_45 = arith.constant 1 : i32
      %dma_start3A_46 = arith.constant 0 : i32
      %dma_start3A_47 = tpu.memref_slice %arg7[%dma_start3A_45, %dma_start3A_46] : memref<16x128xi32, #tpu.memory_space<vmem>> -> memref<1x128xi32, #tpu.memory_space<vmem>>
      %dma_start3A_48 = tpu.memref_squeeze %dma_start3A_47 : memref<1x128xi32, #tpu.memory_space<vmem>> -> memref<128xi32, #tpu.memory_space<vmem>>
      %dma_start3A_49 = arith.constant 0 : i32
      %dma_start3A_50 = arith.constant 0 : i32
      %dma_start3A_51 = tpu.memref_slice %arg21[%dma_start3A_49, %dma_start3A_50] : memref<10000x64xf32, #tpu.memory_space<vmem_shared>> -> memref<10000x64xf32, #tpu.memory_space<vmem_shared>>
      tpu.enqueue_indirect_dma source(%dma_start3A_51 : memref<10000x64xf32, #tpu.memory_space<vmem_shared>>) target(%arg10 : memref<128x64xf32, #tpu.memory_space<vmem>>) offsets(%dma_start3A_48 : memref<128xi32, #tpu.memory_space<vmem>>) semaphore(%arg14 : memref<!tpu.dma_semaphore, #tpu.memory_space<semaphore_mem>>)
      %dma_start3A_52 = arith.constant 2 : i32
      %dma_start3A_53 = arith.constant 0 : i32
      %dma_start3A_54 = tpu.memref_slice %arg7[%dma_start3A_52, %dma_start3A_53] : memref<16x128xi32, #tpu.memory_space<vmem>> -> memref<1x128xi32, #tpu.memory_space<vmem>>
      %dma_start3A_55 = tpu.memref_squeeze %dma_start3A_54 : memref<1x128xi32, #tpu.memory_space<vmem>> -> memref<128xi32, #tpu.memory_space<vmem>>
      %dma_start3A_56 = arith.constant 0 : i32
      %dma_start3A_57 = arith.constant 0 : i32
      %dma_start3A_58 = tpu.memref_slice %arg21[%dma_start3A_56, %dma_start3A_57] : memref<10000x64xf32, #tpu.memory_space<vmem_shared>> -> memref<10000x64xf32, #tpu.memory_space<vmem_shared>>
      tpu.enqueue_indirect_dma source(%dma_start3A_58 : memref<10000x64xf32, #tpu.memory_space<vmem_shared>>) target(%arg11 : memref<128x64xf32, #tpu.memory_space<vmem>>) offsets(%dma_start3A_55 : memref<128xi32, #tpu.memory_space<vmem>>) semaphore(%arg15 : memref<!tpu.dma_semaphore, #tpu.memory_space<semaphore_mem>>)
      %dma_start3A_59 = arith.constant 3 : i32
      %dma_start3A_60 = arith.constant 0 : i32
      %dma_start3A_61 = tpu.memref_slice %arg7[%dma_start3A_59, %dma_start3A_60] : memref<16x128xi32, #tpu.memory_space<vmem>> -> memref<1x128xi32, #tpu.memory_space<vmem>>
      %dma_start3A_62 = tpu.memref_squeeze %dma_start3A_61 : memref<1x128xi32, #tpu.memory_space<vmem>> -> memref<128xi32, #tpu.memory_space<vmem>>
      %dma_start3A_63 = arith.constant 0 : i32
      %dma_start3A_64 = arith.constant 0 : i32
      %dma_start3A_65 = tpu.memref_slice %arg21[%dma_start3A_63, %dma_start3A_64] : memref<10000x64xf32, #tpu.memory_space<vmem_shared>> -> memref<10000x64xf32, #tpu.memory_space<vmem_shared>>
      tpu.enqueue_indirect_dma source(%dma_start3A_65 : memref<10000x64xf32, #tpu.memory_space<vmem_shared>>) target(%arg12 : memref<128x64xf32, #tpu.memory_space<vmem>>) offsets(%dma_start3A_62 : memref<128xi32, #tpu.memory_space<vmem>>) semaphore(%arg16 : memref<!tpu.dma_semaphore, #tpu.memory_space<semaphore_mem>>)
      %scan3A_66 = arith.constant 0 : i32
      %scan3A_67 = arith.constant 4 : i32
      %scan3A_68 = arith.addi %scan3A_66, %scan3A_67 : i32
      %scan3A_69 = arith.constant 1 : i32
      scf.for %scan3A_71 = %scan3A_66 to %scan3A_68 step %scan3A_69  : i32 {
        %mul3A_72 = arith.constant 1 : i32
        %mul3A_73 = arith.muli %scan3A_71, %mul3A_72 : i32
        %add3A_74 = arith.constant 0 : i32
        %add3A_75 = arith.addi %add3A_74, %mul3A_73 : i32
        %mul3A_76 = arith.constant 4 : i32
        %mul3A_77 = arith.muli %add3A_75, %mul3A_76 : i32
        %add3A_78 = arith.constant 0 : i32
        %add3A_79 = arith.addi %mul3A_77, %add3A_78 : i32
        %dma_wait3A = arith.constant 0 : i32
        %dma_wait3A_80 = tpu.memref_slice %arg7[%add3A_79, %dma_wait3A] : memref<16x128xi32, #tpu.memory_space<vmem>> -> memref<1x128xi32, #tpu.memory_space<vmem>>
        %dma_wait3A_81 = tpu.memref_squeeze %dma_wait3A_80 : memref<1x128xi32, #tpu.memory_space<vmem>> -> memref<128xi32, #tpu.memory_space<vmem>>
        %dma_wait3A_82 = arith.constant 0 : i32
        %dma_wait3A_83 = arith.constant 0 : i32
        %dma_wait3A_84 = tpu.memref_slice %arg21[%dma_wait3A_82, %dma_wait3A_83] : memref<10000x64xf32, #tpu.memory_space<vmem_shared>> -> memref<10000x64xf32, #tpu.memory_space<vmem_shared>>
        tpu.wait_indirect_dma semaphore(%arg13 : memref<!tpu.dma_semaphore, #tpu.memory_space<semaphore_mem>>) src(%dma_wait3A_84 : memref<10000x64xf32, #tpu.memory_space<vmem_shared>>) dst(%arg9 : memref<128x64xf32, #tpu.memory_space<vmem>>)
        %add3A_85 = arith.constant 0 : i32
        %add3A_86 = arith.addi %mul3A_77, %add3A_85 : i32
        %dma_start3A_87 = arith.constant 0 : i32
        %dma_start3A_88 = tpu.memref_slice %arg8[%add3A_86, %dma_start3A_87] : memref<16x128xi32, #tpu.memory_space<vmem>> -> memref<1x128xi32, #tpu.memory_space<vmem>>
        %dma_start3A_89 = tpu.memref_squeeze %dma_start3A_88 : memref<1x128xi32, #tpu.memory_space<vmem>> -> memref<128xi32, #tpu.memory_space<vmem>>
        %dma_start3A_90 = arith.constant 0 : i32
        %dma_start3A_91 = arith.constant 0 : i32
        %dma_start3A_92 = tpu.memref_slice %arg22[%dma_start3A_90, %dma_start3A_91] : memref<10512x64xf32, #tpu.memory_space<vmem_shared>> -> memref<10512x64xf32, #tpu.memory_space<vmem_shared>>
        tpu.enqueue_indirect_dma source(%arg9 : memref<128x64xf32, #tpu.memory_space<vmem>>) target(%dma_start3A_92 : memref<10512x64xf32, #tpu.memory_space<vmem_shared>>) offsets(%dma_start3A_89 : memref<128xi32, #tpu.memory_space<vmem>>) semaphore(%arg17 : memref<!tpu.dma_semaphore, #tpu.memory_space<semaphore_mem>>) {add = true}
        %add3A_93 = arith.constant 1 : i32
        %add3A_94 = arith.addi %mul3A_77, %add3A_93 : i32
        %dma_wait3A_95 = arith.constant 0 : i32
        %dma_wait3A_96 = tpu.memref_slice %arg7[%add3A_94, %dma_wait3A_95] : memref<16x128xi32, #tpu.memory_space<vmem>> -> memref<1x128xi32, #tpu.memory_space<vmem>>
        %dma_wait3A_97 = tpu.memref_squeeze %dma_wait3A_96 : memref<1x128xi32, #tpu.memory_space<vmem>> -> memref<128xi32, #tpu.memory_space<vmem>>
        %dma_wait3A_98 = arith.constant 0 : i32
        %dma_wait3A_99 = arith.constant 0 : i32
        %dma_wait3A_100 = tpu.memref_slice %arg21[%dma_wait3A_98, %dma_wait3A_99] : memref<10000x64xf32, #tpu.memory_space<vmem_shared>> -> memref<10000x64xf32, #tpu.memory_space<vmem_shared>>
        tpu.wait_indirect_dma semaphore(%arg14 : memref<!tpu.dma_semaphore, #tpu.memory_space<semaphore_mem>>) src(%dma_wait3A_100 : memref<10000x64xf32, #tpu.memory_space<vmem_shared>>) dst(%arg10 : memref<128x64xf32, #tpu.memory_space<vmem>>)
        %add3A_101 = arith.constant 1 : i32
        %add3A_102 = arith.addi %mul3A_77, %add3A_101 : i32
        %dma_start3A_103 = arith.constant 0 : i32
        %dma_start3A_104 = tpu.memref_slice %arg8[%add3A_102, %dma_start3A_103] : memref<16x128xi32, #tpu.memory_space<vmem>> -> memref<1x128xi32, #tpu.memory_space<vmem>>
        %dma_start3A_105 = tpu.memref_squeeze %dma_start3A_104 : memref<1x128xi32, #tpu.memory_space<vmem>> -> memref<128xi32, #tpu.memory_space<vmem>>
        %dma_start3A_106 = arith.constant 0 : i32
        %dma_start3A_107 = arith.constant 0 : i32
        %dma_start3A_108 = tpu.memref_slice %arg22[%dma_start3A_106, %dma_start3A_107] : memref<10512x64xf32, #tpu.memory_space<vmem_shared>> -> memref<10512x64xf32, #tpu.memory_space<vmem_shared>>
        tpu.enqueue_indirect_dma source(%arg10 : memref<128x64xf32, #tpu.memory_space<vmem>>) target(%dma_start3A_108 : memref<10512x64xf32, #tpu.memory_space<vmem_shared>>) offsets(%dma_start3A_105 : memref<128xi32, #tpu.memory_space<vmem>>) semaphore(%arg18 : memref<!tpu.dma_semaphore, #tpu.memory_space<semaphore_mem>>) {add = true}
        %add3A_109 = arith.constant 2 : i32
        %add3A_110 = arith.addi %mul3A_77, %add3A_109 : i32
        %dma_wait3A_111 = arith.constant 0 : i32
        %dma_wait3A_112 = tpu.memref_slice %arg7[%add3A_110, %dma_wait3A_111] : memref<16x128xi32, #tpu.memory_space<vmem>> -> memref<1x128xi32, #tpu.memory_space<vmem>>
        %dma_wait3A_113 = tpu.memref_squeeze %dma_wait3A_112 : memref<1x128xi32, #tpu.memory_space<vmem>> -> memref<128xi32, #tpu.memory_space<vmem>>
        %dma_wait3A_114 = arith.constant 0 : i32
        %dma_wait3A_115 = arith.constant 0 : i32
        %dma_wait3A_116 = tpu.memref_slice %arg21[%dma_wait3A_114, %dma_wait3A_115] : memref<10000x64xf32, #tpu.memory_space<vmem_shared>> -> memref<10000x64xf32, #tpu.memory_space<vmem_shared>>
        tpu.wait_indirect_dma semaphore(%arg15 : memref<!tpu.dma_semaphore, #tpu.memory_space<semaphore_mem>>) src(%dma_wait3A_116 : memref<10000x64xf32, #tpu.memory_space<vmem_shared>>) dst(%arg11 : memref<128x64xf32, #tpu.memory_space<vmem>>)
        %add3A_117 = arith.constant 2 : i32
        %add3A_118 = arith.addi %mul3A_77, %add3A_117 : i32
        %dma_start3A_119 = arith.constant 0 : i32
        %dma_start3A_120 = tpu.memref_slice %arg8[%add3A_118, %dma_start3A_119] : memref<16x128xi32, #tpu.memory_space<vmem>> -> memref<1x128xi32, #tpu.memory_space<vmem>>
        %dma_start3A_121 = tpu.memref_squeeze %dma_start3A_120 : memref<1x128xi32, #tpu.memory_space<vmem>> -> memref<128xi32, #tpu.memory_space<vmem>>
        %dma_start3A_122 = arith.constant 0 : i32
        %dma_start3A_123 = arith.constant 0 : i32
        %dma_start3A_124 = tpu.memref_slice %arg22[%dma_start3A_122, %dma_start3A_123] : memref<10512x64xf32, #tpu.memory_space<vmem_shared>> -> memref<10512x64xf32, #tpu.memory_space<vmem_shared>>
        tpu.enqueue_indirect_dma source(%arg11 : memref<128x64xf32, #tpu.memory_space<vmem>>) target(%dma_start3A_124 : memref<10512x64xf32, #tpu.memory_space<vmem_shared>>) offsets(%dma_start3A_121 : memref<128xi32, #tpu.memory_space<vmem>>) semaphore(%arg19 : memref<!tpu.dma_semaphore, #tpu.memory_space<semaphore_mem>>) {add = true}
        %add3A_125 = arith.constant 3 : i32
        %add3A_126 = arith.addi %mul3A_77, %add3A_125 : i32
        %dma_wait3A_127 = arith.constant 0 : i32
        %dma_wait3A_128 = tpu.memref_slice %arg7[%add3A_126, %dma_wait3A_127] : memref<16x128xi32, #tpu.memory_space<vmem>> -> memref<1x128xi32, #tpu.memory_space<vmem>>
        %dma_wait3A_129 = tpu.memref_squeeze %dma_wait3A_128 : memref<1x128xi32, #tpu.memory_space<vmem>> -> memref<128xi32, #tpu.memory_space<vmem>>
        %dma_wait3A_130 = arith.constant 0 : i32
        %dma_wait3A_131 = arith.constant 0 : i32
        %dma_wait3A_132 = tpu.memref_slice %arg21[%dma_wait3A_130, %dma_wait3A_131] : memref<10000x64xf32, #tpu.memory_space<vmem_shared>> -> memref<10000x64xf32, #tpu.memory_space<vmem_shared>>
        tpu.wait_indirect_dma semaphore(%arg16 : memref<!tpu.dma_semaphore, #tpu.memory_space<semaphore_mem>>) src(%dma_wait3A_132 : memref<10000x64xf32, #tpu.memory_space<vmem_shared>>) dst(%arg12 : memref<128x64xf32, #tpu.memory_space<vmem>>)
        %add3A_133 = arith.constant 3 : i32
        %add3A_134 = arith.addi %mul3A_77, %add3A_133 : i32
        %dma_start3A_135 = arith.constant 0 : i32
        %dma_start3A_136 = tpu.memref_slice %arg8[%add3A_134, %dma_start3A_135] : memref<16x128xi32, #tpu.memory_space<vmem>> -> memref<1x128xi32, #tpu.memory_space<vmem>>
        %dma_start3A_137 = tpu.memref_squeeze %dma_start3A_136 : memref<1x128xi32, #tpu.memory_space<vmem>> -> memref<128xi32, #tpu.memory_space<vmem>>
        %dma_start3A_138 = arith.constant 0 : i32
        %dma_start3A_139 = arith.constant 0 : i32
        %dma_start3A_140 = tpu.memref_slice %arg22[%dma_start3A_138, %dma_start3A_139] : memref<10512x64xf32, #tpu.memory_space<vmem_shared>> -> memref<10512x64xf32, #tpu.memory_space<vmem_shared>>
        tpu.enqueue_indirect_dma source(%arg12 : memref<128x64xf32, #tpu.memory_space<vmem>>) target(%dma_start3A_140 : memref<10512x64xf32, #tpu.memory_space<vmem_shared>>) offsets(%dma_start3A_137 : memref<128xi32, #tpu.memory_space<vmem>>) semaphore(%arg20 : memref<!tpu.dma_semaphore, #tpu.memory_space<semaphore_mem>>) {add = true}
        %add3A_141 = arith.constant 0 : i32
        %add3A_142 = arith.addi %mul3A_77, %add3A_141 : i32
        %dma_wait3A_143 = arith.constant 0 : i32
        %dma_wait3A_144 = tpu.memref_slice %arg8[%add3A_142, %dma_wait3A_143] : memref<16x128xi32, #tpu.memory_space<vmem>> -> memref<1x128xi32, #tpu.memory_space<vmem>>
        %dma_wait3A_145 = tpu.memref_squeeze %dma_wait3A_144 : memref<1x128xi32, #tpu.memory_space<vmem>> -> memref<128xi32, #tpu.memory_space<vmem>>
        %dma_wait3A_146 = arith.constant 0 : i32
        %dma_wait3A_147 = arith.constant 0 : i32
        %dma_wait3A_148 = tpu.memref_slice %arg22[%dma_wait3A_146, %dma_wait3A_147] : memref<10512x64xf32, #tpu.memory_space<vmem_shared>> -> memref<10512x64xf32, #tpu.memory_space<vmem_shared>>
        tpu.wait_indirect_dma semaphore(%arg17 : memref<!tpu.dma_semaphore, #tpu.memory_space<semaphore_mem>>) src(%arg9 : memref<128x64xf32, #tpu.memory_space<vmem>>) dst(%dma_wait3A_148 : memref<10512x64xf32, #tpu.memory_space<vmem_shared>>)
        %lt3A_149 = arith.constant 3 : i32
        %lt3A_150 = arith.cmpi slt, %add3A_75, %lt3A_149 : i32
        %convert_element_type3A_151 = arith.extui %lt3A_150 : i1 to i32
        %cond3A_152 = arith.constant 0 : i32
        %cond3A_153 = arith.cmpi ne, %convert_element_type3A_151, %cond3A_152 : i32
        scf.if %cond3A_153 {
          %add3A_193 = arith.constant 4 : i32
          %add3A_194 = arith.addi %mul3A_77, %add3A_193 : i32
          %add3A_195 = arith.constant 0 : i32
          %add3A_196 = arith.addi %add3A_194, %add3A_195 : i32
          %dma_start3A_197 = arith.constant 0 : i32
          %dma_start3A_198 = tpu.memref_slice %arg7[%add3A_196, %dma_start3A_197] : memref<16x128xi32, #tpu.memory_space<vmem>> -> memref<1x128xi32, #tpu.memory_space<vmem>>
          %dma_start3A_199 = tpu.memref_squeeze %dma_start3A_198 : memref<1x128xi32, #tpu.memory_space<vmem>> -> memref<128xi32, #tpu.memory_space<vmem>>
          %dma_start3A_200 = arith.constant 0 : i32
          %dma_start3A_201 = arith.constant 0 : i32
          %dma_start3A_202 = tpu.memref_slice %arg21[%dma_start3A_200, %dma_start3A_201] : memref<10000x64xf32, #tpu.memory_space<vmem_shared>> -> memref<10000x64xf32, #tpu.memory_space<vmem_shared>>
          tpu.enqueue_indirect_dma source(%dma_start3A_202 : memref<10000x64xf32, #tpu.memory_space<vmem_shared>>) target(%arg9 : memref<128x64xf32, #tpu.memory_space<vmem>>) offsets(%dma_start3A_199 : memref<128xi32, #tpu.memory_space<vmem>>) semaphore(%arg13 : memref<!tpu.dma_semaphore, #tpu.memory_space<semaphore_mem>>)
        } else {
        }
        %add3A_154 = arith.constant 1 : i32
        %add3A_155 = arith.addi %mul3A_77, %add3A_154 : i32
        %dma_wait3A_156 = arith.constant 0 : i32
        %dma_wait3A_157 = tpu.memref_slice %arg8[%add3A_155, %dma_wait3A_156] : memref<16x128xi32, #tpu.memory_space<vmem>> -> memref<1x128xi32, #tpu.memory_space<vmem>>
        %dma_wait3A_158 = tpu.memref_squeeze %dma_wait3A_157 : memref<1x128xi32, #tpu.memory_space<vmem>> -> memref<128xi32, #tpu.memory_space<vmem>>
        %dma_wait3A_159 = arith.constant 0 : i32
        %dma_wait3A_160 = arith.constant 0 : i32
        %dma_wait3A_161 = tpu.memref_slice %arg22[%dma_wait3A_159, %dma_wait3A_160] : memref<10512x64xf32, #tpu.memory_space<vmem_shared>> -> memref<10512x64xf32, #tpu.memory_space<vmem_shared>>
        tpu.wait_indirect_dma semaphore(%arg18 : memref<!tpu.dma_semaphore, #tpu.memory_space<semaphore_mem>>) src(%arg10 : memref<128x64xf32, #tpu.memory_space<vmem>>) dst(%dma_wait3A_161 : memref<10512x64xf32, #tpu.memory_space<vmem_shared>>)
        %lt3A_162 = arith.constant 3 : i32
        %lt3A_163 = arith.cmpi slt, %add3A_75, %lt3A_162 : i32
        %convert_element_type3A_164 = arith.extui %lt3A_163 : i1 to i32
        %cond3A_165 = arith.constant 0 : i32
        %cond3A_166 = arith.cmpi ne, %convert_element_type3A_164, %cond3A_165 : i32
        scf.if %cond3A_166 {
          %add3A_193 = arith.constant 4 : i32
          %add3A_194 = arith.addi %mul3A_77, %add3A_193 : i32
          %add3A_195 = arith.constant 1 : i32
          %add3A_196 = arith.addi %add3A_194, %add3A_195 : i32
          %dma_start3A_197 = arith.constant 0 : i32
          %dma_start3A_198 = tpu.memref_slice %arg7[%add3A_196, %dma_start3A_197] : memref<16x128xi32, #tpu.memory_space<vmem>> -> memref<1x128xi32, #tpu.memory_space<vmem>>
          %dma_start3A_199 = tpu.memref_squeeze %dma_start3A_198 : memref<1x128xi32, #tpu.memory_space<vmem>> -> memref<128xi32, #tpu.memory_space<vmem>>
          %dma_start3A_200 = arith.constant 0 : i32
          %dma_start3A_201 = arith.constant 0 : i32
          %dma_start3A_202 = tpu.memref_slice %arg21[%dma_start3A_200, %dma_start3A_201] : memref<10000x64xf32, #tpu.memory_space<vmem_shared>> -> memref<10000x64xf32, #tpu.memory_space<vmem_shared>>
          tpu.enqueue_indirect_dma source(%dma_start3A_202 : memref<10000x64xf32, #tpu.memory_space<vmem_shared>>) target(%arg10 : memref<128x64xf32, #tpu.memory_space<vmem>>) offsets(%dma_start3A_199 : memref<128xi32, #tpu.memory_space<vmem>>) semaphore(%arg14 : memref<!tpu.dma_semaphore, #tpu.memory_space<semaphore_mem>>)
        } else {
        }
        %add3A_167 = arith.constant 2 : i32
        %add3A_168 = arith.addi %mul3A_77, %add3A_167 : i32
        %dma_wait3A_169 = arith.constant 0 : i32
        %dma_wait3A_170 = tpu.memref_slice %arg8[%add3A_168, %dma_wait3A_169] : memref<16x128xi32, #tpu.memory_space<vmem>> -> memref<1x128xi32, #tpu.memory_space<vmem>>
        %dma_wait3A_171 = tpu.memref_squeeze %dma_wait3A_170 : memref<1x128xi32, #tpu.memory_space<vmem>> -> memref<128xi32, #tpu.memory_space<vmem>>
        %dma_wait3A_172 = arith.constant 0 : i32
        %dma_wait3A_173 = arith.constant 0 : i32
        %dma_wait3A_174 = tpu.memref_slice %arg22[%dma_wait3A_172, %dma_wait3A_173] : memref<10512x64xf32, #tpu.memory_space<vmem_shared>> -> memref<10512x64xf32, #tpu.memory_space<vmem_shared>>
        tpu.wait_indirect_dma semaphore(%arg19 : memref<!tpu.dma_semaphore, #tpu.memory_space<semaphore_mem>>) src(%arg11 : memref<128x64xf32, #tpu.memory_space<vmem>>) dst(%dma_wait3A_174 : memref<10512x64xf32, #tpu.memory_space<vmem_shared>>)
        %lt3A_175 = arith.constant 3 : i32
        %lt3A_176 = arith.cmpi slt, %add3A_75, %lt3A_175 : i32
        %convert_element_type3A_177 = arith.extui %lt3A_176 : i1 to i32
        %cond3A_178 = arith.constant 0 : i32
        %cond3A_179 = arith.cmpi ne, %convert_element_type3A_177, %cond3A_178 : i32
        scf.if %cond3A_179 {
          %add3A_193 = arith.constant 4 : i32
          %add3A_194 = arith.addi %mul3A_77, %add3A_193 : i32
          %add3A_195 = arith.constant 2 : i32
          %add3A_196 = arith.addi %add3A_194, %add3A_195 : i32
          %dma_start3A_197 = arith.constant 0 : i32
          %dma_start3A_198 = tpu.memref_slice %arg7[%add3A_196, %dma_start3A_197] : memref<16x128xi32, #tpu.memory_space<vmem>> -> memref<1x128xi32, #tpu.memory_space<vmem>>
          %dma_start3A_199 = tpu.memref_squeeze %dma_start3A_198 : memref<1x128xi32, #tpu.memory_space<vmem>> -> memref<128xi32, #tpu.memory_space<vmem>>
          %dma_start3A_200 = arith.constant 0 : i32
          %dma_start3A_201 = arith.constant 0 : i32
          %dma_start3A_202 = tpu.memref_slice %arg21[%dma_start3A_200, %dma_start3A_201] : memref<10000x64xf32, #tpu.memory_space<vmem_shared>> -> memref<10000x64xf32, #tpu.memory_space<vmem_shared>>
          tpu.enqueue_indirect_dma source(%dma_start3A_202 : memref<10000x64xf32, #tpu.memory_space<vmem_shared>>) target(%arg11 : memref<128x64xf32, #tpu.memory_space<vmem>>) offsets(%dma_start3A_199 : memref<128xi32, #tpu.memory_space<vmem>>) semaphore(%arg15 : memref<!tpu.dma_semaphore, #tpu.memory_space<semaphore_mem>>)
        } else {
        }
        %add3A_180 = arith.constant 3 : i32
        %add3A_181 = arith.addi %mul3A_77, %add3A_180 : i32
        %dma_wait3A_182 = arith.constant 0 : i32
        %dma_wait3A_183 = tpu.memref_slice %arg8[%add3A_181, %dma_wait3A_182] : memref<16x128xi32, #tpu.memory_space<vmem>> -> memref<1x128xi32, #tpu.memory_space<vmem>>
        %dma_wait3A_184 = tpu.memref_squeeze %dma_wait3A_183 : memref<1x128xi32, #tpu.memory_space<vmem>> -> memref<128xi32, #tpu.memory_space<vmem>>
        %dma_wait3A_185 = arith.constant 0 : i32
        %dma_wait3A_186 = arith.constant 0 : i32
        %dma_wait3A_187 = tpu.memref_slice %arg22[%dma_wait3A_185, %dma_wait3A_186] : memref<10512x64xf32, #tpu.memory_space<vmem_shared>> -> memref<10512x64xf32, #tpu.memory_space<vmem_shared>>
        tpu.wait_indirect_dma semaphore(%arg20 : memref<!tpu.dma_semaphore, #tpu.memory_space<semaphore_mem>>) src(%arg12 : memref<128x64xf32, #tpu.memory_space<vmem>>) dst(%dma_wait3A_187 : memref<10512x64xf32, #tpu.memory_space<vmem_shared>>)
        %lt3A_188 = arith.constant 3 : i32
        %lt3A_189 = arith.cmpi slt, %add3A_75, %lt3A_188 : i32
        %convert_element_type3A_190 = arith.extui %lt3A_189 : i1 to i32
        %cond3A_191 = arith.constant 0 : i32
        %cond3A_192 = arith.cmpi ne, %convert_element_type3A_190, %cond3A_191 : i32
        scf.if %cond3A_192 {
          %add3A_193 = arith.constant 4 : i32
          %add3A_194 = arith.addi %mul3A_77, %add3A_193 : i32
          %add3A_195 = arith.constant 3 : i32
          %add3A_196 = arith.addi %add3A_194, %add3A_195 : i32
          %dma_start3A_197 = arith.constant 0 : i32
          %dma_start3A_198 = tpu.memref_slice %arg7[%add3A_196, %dma_start3A_197] : memref<16x128xi32, #tpu.memory_space<vmem>> -> memref<1x128xi32, #tpu.memory_space<vmem>>
          %dma_start3A_199 = tpu.memref_squeeze %dma_start3A_198 : memref<1x128xi32, #tpu.memory_space<vmem>> -> memref<128xi32, #tpu.memory_space<vmem>>
          %dma_start3A_200 = arith.constant 0 : i32
          %dma_start3A_201 = arith.constant 0 : i32
          %dma_start3A_202 = tpu.memref_slice %arg21[%dma_start3A_200, %dma_start3A_201] : memref<10000x64xf32, #tpu.memory_space<vmem_shared>> -> memref<10000x64xf32, #tpu.memory_space<vmem_shared>>
          tpu.enqueue_indirect_dma source(%dma_start3A_202 : memref<10000x64xf32, #tpu.memory_space<vmem_shared>>) target(%arg12 : memref<128x64xf32, #tpu.memory_space<vmem>>) offsets(%dma_start3A_199 : memref<128xi32, #tpu.memory_space<vmem>>) semaphore(%arg16 : memref<!tpu.dma_semaphore, #tpu.memory_space<semaphore_mem>>)
        } else {
        }
      }
      %scan3A_70 = arith.constant 4 : i32
    }
    %scan3A_19 = arith.constant 10 : i32
    %barrier3A_20 = arith.constant 0 : index
    tpu.barrier barrier_id(%barrier3A_20)
    %lt3A_21 = arith.constant 15 : i32
    %lt3A_22 = arith.cmpi slt, %arg1, %lt3A_21 : i32
    %convert_element_type3A_23 = arith.extui %lt3A_22 : i1 to i32
    %cond3A_24 = arith.constant 0 : i32
    %cond3A_25 = arith.cmpi ne, %convert_element_type3A_23, %cond3A_24 : i32
    scf.if %cond3A_25 {
      %mul3A = arith.constant 632 : i32
      %mul3A_31 = arith.muli %arg1, %mul3A : i32
      %multiple_of3A = tpu.assume_multiple %mul3A_31, 8 : i32
      "tpu.region"() ({
        %run_scoped3A = tpu.sem_alloc : memref<!tpu.dma_semaphore, #tpu.memory_space<semaphore_mem>>
        %dma_start3A = arith.constant 0 : i32
        %dma_start3A_32 = tpu.memref_slice %arg6[%arg0, %multiple_of3A, %dma_start3A] : memref<2x10000x64xf32, #tpu.memory_space<hbm>> -> memref<1x632x64xf32, #tpu.memory_space<hbm>>
        %dma_start3A_33 = tpu.memref_squeeze %dma_start3A_32 : memref<1x632x64xf32, #tpu.memory_space<hbm>> -> memref<632x64xf32, #tpu.memory_space<hbm>>
        %dma_start3A_34 = arith.constant 0 : i32
        %dma_start3A_35 = tpu.memref_slice %arg22[%multiple_of3A, %dma_start3A_34] : memref<10512x64xf32, #tpu.memory_space<vmem_shared>> -> memref<632x64xf32, #tpu.memory_space<vmem_shared>>
        tpu.enqueue_dma source(%dma_start3A_35 : memref<632x64xf32, #tpu.memory_space<vmem_shared>>) target(%dma_start3A_33 : memref<632x64xf32, #tpu.memory_space<hbm>>) target_semaphore(%run_scoped3A : memref<!tpu.dma_semaphore, #tpu.memory_space<semaphore_mem>>)
        %dma_wait3A = arith.constant 0 : i32
        %dma_wait3A_36 = tpu.memref_slice %arg6[%arg0, %multiple_of3A, %dma_wait3A] : memref<2x10000x64xf32, #tpu.memory_space<hbm>> -> memref<1x632x64xf32, #tpu.memory_space<hbm>>
        %dma_wait3A_37 = tpu.memref_squeeze %dma_wait3A_36 : memref<1x632x64xf32, #tpu.memory_space<hbm>> -> memref<632x64xf32, #tpu.memory_space<hbm>>
        %dma_wait3A_38 = arith.constant 0 : i32
        %dma_wait3A_39 = tpu.memref_slice %arg22[%multiple_of3A, %dma_wait3A_38] : memref<10512x64xf32, #tpu.memory_space<vmem_shared>> -> memref<632x64xf32, #tpu.memory_space<vmem_shared>>
        tpu.wait_dma2 semaphore(%run_scoped3A : memref<!tpu.dma_semaphore, #tpu.memory_space<semaphore_mem>>) src(%dma_wait3A_39 : memref<632x64xf32, #tpu.memory_space<vmem_shared>>) dst(%dma_wait3A_37 : memref<632x64xf32, #tpu.memory_space<hbm>>)
        tpu.yield
      }) : () -> ()
    } else {
    }
    %eq3A_26 = arith.constant 15 : i32
    %eq3A_27 = arith.cmpi eq, %arg1, %eq3A_26 : i32
    %convert_element_type3A_28 = arith.extui %eq3A_27 : i1 to i32
    %cond3A_29 = arith.constant 0 : i32
    %cond3A_30 = arith.cmpi ne, %convert_element_type3A_28, %cond3A_29 : i32
    scf.if %cond3A_30 {
      "tpu.region"() ({
        %run_scoped3A = tpu.sem_alloc : memref<!tpu.dma_semaphore, #tpu.memory_space<semaphore_mem>>
        %dma_start3A = arith.constant 9480 : i32
        %dma_start3A_31 = arith.constant 0 : i32
        %dma_start3A_32 = tpu.memref_slice %arg6[%arg0, %dma_start3A, %dma_start3A_31] : memref<2x10000x64xf32, #tpu.memory_space<hbm>> -> memref<1x520x64xf32, #tpu.memory_space<hbm>>
        %dma_start3A_33 = tpu.memref_squeeze %dma_start3A_32 : memref<1x520x64xf32, #tpu.memory_space<hbm>> -> memref<520x64xf32, #tpu.memory_space<hbm>>
        %dma_start3A_34 = arith.constant 9480 : i32
        %dma_start3A_35 = arith.constant 0 : i32
        %dma_start3A_36 = tpu.memref_slice %arg22[%dma_start3A_34, %dma_start3A_35] : memref<10512x64xf32, #tpu.memory_space<vmem_shared>> -> memref<520x64xf32, #tpu.memory_space<vmem_shared>>
        tpu.enqueue_dma source(%dma_start3A_36 : memref<520x64xf32, #tpu.memory_space<vmem_shared>>) target(%dma_start3A_33 : memref<520x64xf32, #tpu.memory_space<hbm>>) target_semaphore(%run_scoped3A : memref<!tpu.dma_semaphore, #tpu.memory_space<semaphore_mem>>)
        %dma_wait3A = arith.constant 9480 : i32
        %dma_wait3A_37 = arith.constant 0 : i32
        %dma_wait3A_38 = tpu.memref_slice %arg6[%arg0, %dma_wait3A, %dma_wait3A_37] : memref<2x10000x64xf32, #tpu.memory_space<hbm>> -> memref<1x520x64xf32, #tpu.memory_space<hbm>>
        %dma_wait3A_39 = tpu.memref_squeeze %dma_wait3A_38 : memref<1x520x64xf32, #tpu.memory_space<hbm>> -> memref<520x64xf32, #tpu.memory_space<hbm>>
        %dma_wait3A_40 = arith.constant 9480 : i32
        %dma_wait3A_41 = arith.constant 0 : i32
        %dma_wait3A_42 = tpu.memref_slice %arg22[%dma_wait3A_40, %dma_wait3A_41] : memref<10512x64xf32, #tpu.memory_space<vmem_shared>> -> memref<520x64xf32, #tpu.memory_space<vmem_shared>>
        tpu.wait_dma2 semaphore(%run_scoped3A : memref<!tpu.dma_semaphore, #tpu.memory_space<semaphore_mem>>) src(%dma_wait3A_42 : memref<520x64xf32, #tpu.memory_space<vmem_shared>>) dst(%dma_wait3A_39 : memref<520x64xf32, #tpu.memory_space<hbm>>)
        tpu.yield
      }) : () -> ()
    } else {
    }
    return
  }
}

#map = affine_map<(d0, d1) -> (0, 0, 0)>
#map1 = affine_map<(d0, d1) -> (0, 0)>
module attributes {stable_mosaic.version = 14 : i64} {
  func.func @_edge_body(%arg0: i32, %arg1: i32, %arg2: memref<2x10000x64xf32, #tpu.memory_space<hbm>>, %arg3: memref<2560x128xi32, #tpu.memory_space<hbm>>, %arg4: memref<2560x128xi32, #tpu.memory_space<hbm>>, %arg5: memref<10000x64xf32, #tpu.memory_space<hbm>>, %arg6: memref<2x10000x64xf32, #tpu.memory_space<hbm>>, %arg7: memref<16x128xi32, #tpu.memory_space<vmem>>, %arg8: memref<16x128xi32, #tpu.memory_space<vmem>>, %arg9: memref<128x64xf32, #tpu.memory_space<vmem>>, %arg10: memref<128x64xf32, #tpu.memory_space<vmem>>, %arg11: memref<128x64xf32, #tpu.memory_space<vmem>>, %arg12: memref<128x64xf32, #tpu.memory_space<vmem>>, %arg13: memref<!tpu.dma_semaphore, #tpu.memory_space<semaphore_mem>>, %arg14: memref<!tpu.dma_semaphore, #tpu.memory_space<semaphore_mem>>, %arg15: memref<!tpu.dma_semaphore, #tpu.memory_space<semaphore_mem>>, %arg16: memref<!tpu.dma_semaphore, #tpu.memory_space<semaphore_mem>>, %arg17: memref<!tpu.dma_semaphore, #tpu.memory_space<semaphore_mem>>, %arg18: memref<!tpu.dma_semaphore, #tpu.memory_space<semaphore_mem>>, %arg19: memref<!tpu.dma_semaphore, #tpu.memory_space<semaphore_mem>>, %arg20: memref<!tpu.dma_semaphore, #tpu.memory_space<semaphore_mem>>, %arg21: memref<10000x64xf32, #tpu.memory_space<vmem_shared>>, %arg22: memref<10512x64xf32, #tpu.memory_space<vmem_shared>>) attributes {dimension_semantics = [#tpu.dimension_semantics<core_parallel>, #tpu.dimension_semantics<subcore_parallel>], iteration_bounds = array<i64: 2, 16>, scalar_prefetch = 0 : i64, scratch_operands = 16 : i64, tpu.core_type = #tpu.core_type<sc_vector_subcore>, window_params = [{transform_indices = #map}, {transform_indices = #map1}, {transform_indices = #map1}, {transform_indices = #map1}, {transform_indices = #map}]} {
    %lt3A = arith.constant 15 : i32
    %lt3A_0 = arith.cmpi slt, %arg1, %lt3A : i32
    %convert_element_type3A = arith.extui %lt3A_0 : i1 to i32
    %cond3A = arith.constant 0 : i32
    %cond3A_1 = arith.cmpi ne, %convert_element_type3A, %cond3A : i32
    scf.if %cond3A_1 {
      %mul3A = arith.constant 632 : i32
      %mul3A_31 = arith.muli %arg1, %mul3A : i32
      %multiple_of3A = tpu.assume_multiple %mul3A_31, 8 : i32
      "tpu.region"() ({
        %run_scoped3A = tpu.sem_alloc : memref<!tpu.dma_semaphore, #tpu.memory_space<semaphore_mem>>
        %dma_start3A = arith.constant 0 : i32
        %dma_start3A_32 = tpu.memref_slice %arg21[%multiple_of3A, %dma_start3A] : memref<10000x64xf32, #tpu.memory_space<vmem_shared>> -> memref<632x64xf32, #tpu.memory_space<vmem_shared>>
        %dma_start3A_33 = arith.constant 0 : i32
        %dma_start3A_34 = tpu.memref_slice %arg2[%arg0, %multiple_of3A, %dma_start3A_33] : memref<2x10000x64xf32, #tpu.memory_space<hbm>> -> memref<1x632x64xf32, #tpu.memory_space<hbm>>
        %dma_start3A_35 = tpu.memref_squeeze %dma_start3A_34 : memref<1x632x64xf32, #tpu.memory_space<hbm>> -> memref<632x64xf32, #tpu.memory_space<hbm>>
        tpu.enqueue_dma source(%dma_start3A_35 : memref<632x64xf32, #tpu.memory_space<hbm>>) target(%dma_start3A_32 : memref<632x64xf32, #tpu.memory_space<vmem_shared>>) target_semaphore(%run_scoped3A : memref<!tpu.dma_semaphore, #tpu.memory_space<semaphore_mem>>)
        %dma_wait3A = arith.constant 0 : i32
        %dma_wait3A_36 = tpu.memref_slice %arg21[%multiple_of3A, %dma_wait3A] : memref<10000x64xf32, #tpu.memory_space<vmem_shared>> -> memref<632x64xf32, #tpu.memory_space<vmem_shared>>
        %dma_wait3A_37 = arith.constant 0 : i32
        %dma_wait3A_38 = tpu.memref_slice %arg2[%arg0, %multiple_of3A, %dma_wait3A_37] : memref<2x10000x64xf32, #tpu.memory_space<hbm>> -> memref<1x632x64xf32, #tpu.memory_space<hbm>>
        %dma_wait3A_39 = tpu.memref_squeeze %dma_wait3A_38 : memref<1x632x64xf32, #tpu.memory_space<hbm>> -> memref<632x64xf32, #tpu.memory_space<hbm>>
        tpu.wait_dma2 semaphore(%run_scoped3A : memref<!tpu.dma_semaphore, #tpu.memory_space<semaphore_mem>>) src(%dma_wait3A_39 : memref<632x64xf32, #tpu.memory_space<hbm>>) dst(%dma_wait3A_36 : memref<632x64xf32, #tpu.memory_space<vmem_shared>>)
        tpu.yield
      }) : () -> ()
    } else {
    }
    %eq3A = arith.constant 15 : i32
    %eq3A_2 = arith.cmpi eq, %arg1, %eq3A : i32
    %convert_element_type3A_3 = arith.extui %eq3A_2 : i1 to i32
    %cond3A_4 = arith.constant 0 : i32
    %cond3A_5 = arith.cmpi ne, %convert_element_type3A_3, %cond3A_4 : i32
    scf.if %cond3A_5 {
      "tpu.region"() ({
        %run_scoped3A = tpu.sem_alloc : memref<!tpu.dma_semaphore, #tpu.memory_space<semaphore_mem>>
        %dma_start3A = arith.constant 9480 : i32
        %dma_start3A_31 = arith.constant 0 : i32
        %dma_start3A_32 = tpu.memref_slice %arg21[%dma_start3A, %dma_start3A_31] : memref<10000x64xf32, #tpu.memory_space<vmem_shared>> -> memref<520x64xf32, #tpu.memory_space<vmem_shared>>
        %dma_start3A_33 = arith.constant 9480 : i32
        %dma_start3A_34 = arith.constant 0 : i32
        %dma_start3A_35 = tpu.memref_slice %arg2[%arg0, %dma_start3A_33, %dma_start3A_34] : memref<2x10000x64xf32, #tpu.memory_space<hbm>> -> memref<1x520x64xf32, #tpu.memory_space<hbm>>
        %dma_start3A_36 = tpu.memref_squeeze %dma_start3A_35 : memref<1x520x64xf32, #tpu.memory_space<hbm>> -> memref<520x64xf32, #tpu.memory_space<hbm>>
        tpu.enqueue_dma source(%dma_start3A_36 : memref<520x64xf32, #tpu.memory_space<hbm>>) target(%dma_start3A_32 : memref<520x64xf32, #tpu.memory_space<vmem_shared>>) target_semaphore(%run_scoped3A : memref<!tpu.dma_semaphore, #tpu.memory_space<semaphore_mem>>)
        %dma_wait3A = arith.constant 9480 : i32
        %dma_wait3A_37 = arith.constant 0 : i32
        %dma_wait3A_38 = tpu.memref_slice %arg21[%dma_wait3A, %dma_wait3A_37] : memref<10000x64xf32, #tpu.memory_space<vmem_shared>> -> memref<520x64xf32, #tpu.memory_space<vmem_shared>>
        %dma_wait3A_39 = arith.constant 9480 : i32
        %dma_wait3A_40 = arith.constant 0 : i32
        %dma_wait3A_41 = tpu.memref_slice %arg2[%arg0, %dma_wait3A_39, %dma_wait3A_40] : memref<2x10000x64xf32, #tpu.memory_space<hbm>> -> memref<1x520x64xf32, #tpu.memory_space<hbm>>
        %dma_wait3A_42 = tpu.memref_squeeze %dma_wait3A_41 : memref<1x520x64xf32, #tpu.memory_space<hbm>> -> memref<520x64xf32, #tpu.memory_space<hbm>>
        tpu.wait_dma2 semaphore(%run_scoped3A : memref<!tpu.dma_semaphore, #tpu.memory_space<semaphore_mem>>) src(%dma_wait3A_42 : memref<520x64xf32, #tpu.memory_space<hbm>>) dst(%dma_wait3A_38 : memref<520x64xf32, #tpu.memory_space<vmem_shared>>)
        tpu.yield
      }) : () -> ()
    } else {
    }
    %lt3A_6 = arith.constant 15 : i32
    %lt3A_7 = arith.cmpi slt, %arg1, %lt3A_6 : i32
    %convert_element_type3A_8 = arith.extui %lt3A_7 : i1 to i32
    %cond3A_9 = arith.constant 0 : i32
    %cond3A_10 = arith.cmpi ne, %convert_element_type3A_8, %cond3A_9 : i32
    scf.if %cond3A_10 {
      %mul3A = arith.constant 632 : i32
      %mul3A_31 = arith.muli %arg1, %mul3A : i32
      %multiple_of3A = tpu.assume_multiple %mul3A_31, 8 : i32
      "tpu.region"() ({
        %run_scoped3A = tpu.sem_alloc : memref<!tpu.dma_semaphore, #tpu.memory_space<semaphore_mem>>
        %dma_start3A = arith.constant 0 : i32
        %dma_start3A_32 = tpu.memref_slice %arg22[%multiple_of3A, %dma_start3A] : memref<10512x64xf32, #tpu.memory_space<vmem_shared>> -> memref<632x64xf32, #tpu.memory_space<vmem_shared>>
        %dma_start3A_33 = arith.constant 0 : i32
        %dma_start3A_34 = tpu.memref_slice %arg5[%multiple_of3A, %dma_start3A_33] : memref<10000x64xf32, #tpu.memory_space<hbm>> -> memref<632x64xf32, #tpu.memory_space<hbm>>
        tpu.enqueue_dma source(%dma_start3A_34 : memref<632x64xf32, #tpu.memory_space<hbm>>) target(%dma_start3A_32 : memref<632x64xf32, #tpu.memory_space<vmem_shared>>) target_semaphore(%run_scoped3A : memref<!tpu.dma_semaphore, #tpu.memory_space<semaphore_mem>>)
        %dma_wait3A = arith.constant 0 : i32
        %dma_wait3A_35 = tpu.memref_slice %arg22[%multiple_of3A, %dma_wait3A] : memref<10512x64xf32, #tpu.memory_space<vmem_shared>> -> memref<632x64xf32, #tpu.memory_space<vmem_shared>>
        %dma_wait3A_36 = arith.constant 0 : i32
        %dma_wait3A_37 = tpu.memref_slice %arg5[%multiple_of3A, %dma_wait3A_36] : memref<10000x64xf32, #tpu.memory_space<hbm>> -> memref<632x64xf32, #tpu.memory_space<hbm>>
        tpu.wait_dma2 semaphore(%run_scoped3A : memref<!tpu.dma_semaphore, #tpu.memory_space<semaphore_mem>>) src(%dma_wait3A_37 : memref<632x64xf32, #tpu.memory_space<hbm>>) dst(%dma_wait3A_35 : memref<632x64xf32, #tpu.memory_space<vmem_shared>>)
        tpu.yield
      }) : () -> ()
    } else {
    }
    %eq3A_11 = arith.constant 15 : i32
    %eq3A_12 = arith.cmpi eq, %arg1, %eq3A_11 : i32
    %convert_element_type3A_13 = arith.extui %eq3A_12 : i1 to i32
    %cond3A_14 = arith.constant 0 : i32
    %cond3A_15 = arith.cmpi ne, %convert_element_type3A_13, %cond3A_14 : i32
    scf.if %cond3A_15 {
      "tpu.region"() ({
        %run_scoped3A = tpu.sem_alloc : memref<!tpu.dma_semaphore, #tpu.memory_space<semaphore_mem>>
        %dma_start3A = arith.constant 9480 : i32
        %dma_start3A_31 = arith.constant 0 : i32
        %dma_start3A_32 = tpu.memref_slice %arg22[%dma_start3A, %dma_start3A_31] : memref<10512x64xf32, #tpu.memory_space<vmem_shared>> -> memref<520x64xf32, #tpu.memory_space<vmem_shared>>
        %dma_start3A_33 = arith.constant 9480 : i32
        %dma_start3A_34 = arith.constant 0 : i32
        %dma_start3A_35 = tpu.memref_slice %arg5[%dma_start3A_33, %dma_start3A_34] : memref<10000x64xf32, #tpu.memory_space<hbm>> -> memref<520x64xf32, #tpu.memory_space<hbm>>
        tpu.enqueue_dma source(%dma_start3A_35 : memref<520x64xf32, #tpu.memory_space<hbm>>) target(%dma_start3A_32 : memref<520x64xf32, #tpu.memory_space<vmem_shared>>) target_semaphore(%run_scoped3A : memref<!tpu.dma_semaphore, #tpu.memory_space<semaphore_mem>>)
        %dma_wait3A = arith.constant 9480 : i32
        %dma_wait3A_36 = arith.constant 0 : i32
        %dma_wait3A_37 = tpu.memref_slice %arg22[%dma_wait3A, %dma_wait3A_36] : memref<10512x64xf32, #tpu.memory_space<vmem_shared>> -> memref<520x64xf32, #tpu.memory_space<vmem_shared>>
        %dma_wait3A_38 = arith.constant 9480 : i32
        %dma_wait3A_39 = arith.constant 0 : i32
        %dma_wait3A_40 = tpu.memref_slice %arg5[%dma_wait3A_38, %dma_wait3A_39] : memref<10000x64xf32, #tpu.memory_space<hbm>> -> memref<520x64xf32, #tpu.memory_space<hbm>>
        tpu.wait_dma2 semaphore(%run_scoped3A : memref<!tpu.dma_semaphore, #tpu.memory_space<semaphore_mem>>) src(%dma_wait3A_40 : memref<520x64xf32, #tpu.memory_space<hbm>>) dst(%dma_wait3A_37 : memref<520x64xf32, #tpu.memory_space<vmem_shared>>)
        tpu.yield
      }) : () -> ()
    } else {
    }
    %barrier3A = arith.constant 0 : index
    tpu.barrier barrier_id(%barrier3A)
    %scan3A = arith.constant 0 : i32
    %scan3A_16 = arith.constant 10 : i32
    %scan3A_17 = arith.addi %scan3A, %scan3A_16 : i32
    %scan3A_18 = arith.constant 1 : i32
    scf.for %scan3A_31 = %scan3A to %scan3A_17 step %scan3A_18  : i32 {
      %mul3A = arith.constant 1 : i32
      %mul3A_32 = arith.muli %scan3A_31, %mul3A : i32
      %add3A = arith.constant 0 : i32
      %add3A_33 = arith.addi %add3A, %mul3A_32 : i32
      %mul3A_34 = arith.constant 160 : i32
      %mul3A_35 = arith.muli %arg1, %mul3A_34 : i32
      %mul3A_36 = arith.constant 16 : i32
      %mul3A_37 = arith.muli %add3A_33, %mul3A_36 : i32
      %add3A_38 = arith.addi %mul3A_35, %mul3A_37 : i32
      %multiple_of3A = tpu.assume_multiple %add3A_38, 8 : i32
      "tpu.region"() ({
        %run_scoped3A = tpu.sem_alloc : memref<!tpu.dma_semaphore, #tpu.memory_space<semaphore_mem>>
        %dma_start3A_71 = arith.constant 0 : i32
        %dma_start3A_72 = tpu.memref_slice %arg3[%multiple_of3A, %dma_start3A_71] : memref<2560x128xi32, #tpu.memory_space<hbm>> -> memref<16x128xi32, #tpu.memory_space<hbm>>
        %dma_start3A_73 = arith.constant 0 : i32
        %dma_start3A_74 = tpu.memref_slice %arg3[%multiple_of3A, %dma_start3A_73] : memref<2560x128xi32, #tpu.memory_space<hbm>> -> memref<16x128xi32, #tpu.memory_space<hbm>>
        tpu.enqueue_dma source(%dma_start3A_74 : memref<16x128xi32, #tpu.memory_space<hbm>>) target(%arg7 : memref<16x128xi32, #tpu.memory_space<vmem>>) target_semaphore(%run_scoped3A : memref<!tpu.dma_semaphore, #tpu.memory_space<semaphore_mem>>)
        %dma_wait3A = arith.constant 0 : i32
        %dma_wait3A_75 = tpu.memref_slice %arg3[%multiple_of3A, %dma_wait3A] : memref<2560x128xi32, #tpu.memory_space<hbm>> -> memref<16x128xi32, #tpu.memory_space<hbm>>
        %dma_wait3A_76 = arith.constant 0 : i32
        %dma_wait3A_77 = tpu.memref_slice %arg3[%multiple_of3A, %dma_wait3A_76] : memref<2560x128xi32, #tpu.memory_space<hbm>> -> memref<16x128xi32, #tpu.memory_space<hbm>>
        tpu.wait_dma2 semaphore(%run_scoped3A : memref<!tpu.dma_semaphore, #tpu.memory_space<semaphore_mem>>) src(%dma_wait3A_77 : memref<16x128xi32, #tpu.memory_space<hbm>>) dst(%arg7 : memref<16x128xi32, #tpu.memory_space<vmem>>)
        tpu.yield
      }) : () -> ()
      "tpu.region"() ({
        %run_scoped3A = tpu.sem_alloc : memref<!tpu.dma_semaphore, #tpu.memory_space<semaphore_mem>>
        %dma_start3A_71 = arith.constant 0 : i32
        %dma_start3A_72 = tpu.memref_slice %arg4[%multiple_of3A, %dma_start3A_71] : memref<2560x128xi32, #tpu.memory_space<hbm>> -> memref<16x128xi32, #tpu.memory_space<hbm>>
        %dma_start3A_73 = arith.constant 0 : i32
        %dma_start3A_74 = tpu.memref_slice %arg4[%multiple_of3A, %dma_start3A_73] : memref<2560x128xi32, #tpu.memory_space<hbm>> -> memref<16x128xi32, #tpu.memory_space<hbm>>
        tpu.enqueue_dma source(%dma_start3A_74 : memref<16x128xi32, #tpu.memory_space<hbm>>) target(%arg8 : memref<16x128xi32, #tpu.memory_space<vmem>>) target_semaphore(%run_scoped3A : memref<!tpu.dma_semaphore, #tpu.memory_space<semaphore_mem>>)
        %dma_wait3A = arith.constant 0 : i32
        %dma_wait3A_75 = tpu.memref_slice %arg4[%multiple_of3A, %dma_wait3A] : memref<2560x128xi32, #tpu.memory_space<hbm>> -> memref<16x128xi32, #tpu.memory_space<hbm>>
        %dma_wait3A_76 = arith.constant 0 : i32
        %dma_wait3A_77 = tpu.memref_slice %arg4[%multiple_of3A, %dma_wait3A_76] : memref<2560x128xi32, #tpu.memory_space<hbm>> -> memref<16x128xi32, #tpu.memory_space<hbm>>
        tpu.wait_dma2 semaphore(%run_scoped3A : memref<!tpu.dma_semaphore, #tpu.memory_space<semaphore_mem>>) src(%dma_wait3A_77 : memref<16x128xi32, #tpu.memory_space<hbm>>) dst(%arg8 : memref<16x128xi32, #tpu.memory_space<vmem>>)
        tpu.yield
      }) : () -> ()
      %dma_start3A = arith.constant 0 : i32
      %dma_start3A_39 = arith.constant 0 : i32
      %dma_start3A_40 = tpu.memref_slice %arg7[%dma_start3A, %dma_start3A_39] : memref<16x128xi32, #tpu.memory_space<vmem>> -> memref<1x128xi32, #tpu.memory_space<vmem>>
      %dma_start3A_41 = tpu.memref_squeeze %dma_start3A_40 : memref<1x128xi32, #tpu.memory_space<vmem>> -> memref<128xi32, #tpu.memory_space<vmem>>
      %dma_start3A_42 = arith.constant 0 : i32
      %dma_start3A_43 = arith.constant 0 : i32
      %dma_start3A_44 = tpu.memref_slice %arg21[%dma_start3A_42, %dma_start3A_43] : memref<10000x64xf32, #tpu.memory_space<vmem_shared>> -> memref<10000x64xf32, #tpu.memory_space<vmem_shared>>
      tpu.enqueue_indirect_dma source(%dma_start3A_44 : memref<10000x64xf32, #tpu.memory_space<vmem_shared>>) target(%arg9 : memref<128x64xf32, #tpu.memory_space<vmem>>) offsets(%dma_start3A_41 : memref<128xi32, #tpu.memory_space<vmem>>) semaphore(%arg13 : memref<!tpu.dma_semaphore, #tpu.memory_space<semaphore_mem>>)
      %dma_start3A_45 = arith.constant 1 : i32
      %dma_start3A_46 = arith.constant 0 : i32
      %dma_start3A_47 = tpu.memref_slice %arg7[%dma_start3A_45, %dma_start3A_46] : memref<16x128xi32, #tpu.memory_space<vmem>> -> memref<1x128xi32, #tpu.memory_space<vmem>>
      %dma_start3A_48 = tpu.memref_squeeze %dma_start3A_47 : memref<1x128xi32, #tpu.memory_space<vmem>> -> memref<128xi32, #tpu.memory_space<vmem>>
      %dma_start3A_49 = arith.constant 0 : i32
      %dma_start3A_50 = arith.constant 0 : i32
      %dma_start3A_51 = tpu.memref_slice %arg21[%dma_start3A_49, %dma_start3A_50] : memref<10000x64xf32, #tpu.memory_space<vmem_shared>> -> memref<10000x64xf32, #tpu.memory_space<vmem_shared>>
      tpu.enqueue_indirect_dma source(%dma_start3A_51 : memref<10000x64xf32, #tpu.memory_space<vmem_shared>>) target(%arg10 : memref<128x64xf32, #tpu.memory_space<vmem>>) offsets(%dma_start3A_48 : memref<128xi32, #tpu.memory_space<vmem>>) semaphore(%arg14 : memref<!tpu.dma_semaphore, #tpu.memory_space<semaphore_mem>>)
      %dma_start3A_52 = arith.constant 2 : i32
      %dma_start3A_53 = arith.constant 0 : i32
      %dma_start3A_54 = tpu.memref_slice %arg7[%dma_start3A_52, %dma_start3A_53] : memref<16x128xi32, #tpu.memory_space<vmem>> -> memref<1x128xi32, #tpu.memory_space<vmem>>
      %dma_start3A_55 = tpu.memref_squeeze %dma_start3A_54 : memref<1x128xi32, #tpu.memory_space<vmem>> -> memref<128xi32, #tpu.memory_space<vmem>>
      %dma_start3A_56 = arith.constant 0 : i32
      %dma_start3A_57 = arith.constant 0 : i32
      %dma_start3A_58 = tpu.memref_slice %arg21[%dma_start3A_56, %dma_start3A_57] : memref<10000x64xf32, #tpu.memory_space<vmem_shared>> -> memref<10000x64xf32, #tpu.memory_space<vmem_shared>>
      tpu.enqueue_indirect_dma source(%dma_start3A_58 : memref<10000x64xf32, #tpu.memory_space<vmem_shared>>) target(%arg11 : memref<128x64xf32, #tpu.memory_space<vmem>>) offsets(%dma_start3A_55 : memref<128xi32, #tpu.memory_space<vmem>>) semaphore(%arg15 : memref<!tpu.dma_semaphore, #tpu.memory_space<semaphore_mem>>)
      %dma_start3A_59 = arith.constant 3 : i32
      %dma_start3A_60 = arith.constant 0 : i32
      %dma_start3A_61 = tpu.memref_slice %arg7[%dma_start3A_59, %dma_start3A_60] : memref<16x128xi32, #tpu.memory_space<vmem>> -> memref<1x128xi32, #tpu.memory_space<vmem>>
      %dma_start3A_62 = tpu.memref_squeeze %dma_start3A_61 : memref<1x128xi32, #tpu.memory_space<vmem>> -> memref<128xi32, #tpu.memory_space<vmem>>
      %dma_start3A_63 = arith.constant 0 : i32
      %dma_start3A_64 = arith.constant 0 : i32
      %dma_start3A_65 = tpu.memref_slice %arg21[%dma_start3A_63, %dma_start3A_64] : memref<10000x64xf32, #tpu.memory_space<vmem_shared>> -> memref<10000x64xf32, #tpu.memory_space<vmem_shared>>
      tpu.enqueue_indirect_dma source(%dma_start3A_65 : memref<10000x64xf32, #tpu.memory_space<vmem_shared>>) target(%arg12 : memref<128x64xf32, #tpu.memory_space<vmem>>) offsets(%dma_start3A_62 : memref<128xi32, #tpu.memory_space<vmem>>) semaphore(%arg16 : memref<!tpu.dma_semaphore, #tpu.memory_space<semaphore_mem>>)
      %scan3A_66 = arith.constant 0 : i32
      %scan3A_67 = arith.constant 4 : i32
      %scan3A_68 = arith.addi %scan3A_66, %scan3A_67 : i32
      %scan3A_69 = arith.constant 1 : i32
      scf.for %scan3A_71 = %scan3A_66 to %scan3A_68 step %scan3A_69  : i32 {
        %mul3A_72 = arith.constant 1 : i32
        %mul3A_73 = arith.muli %scan3A_71, %mul3A_72 : i32
        %add3A_74 = arith.constant 0 : i32
        %add3A_75 = arith.addi %add3A_74, %mul3A_73 : i32
        %mul3A_76 = arith.constant 4 : i32
        %mul3A_77 = arith.muli %add3A_75, %mul3A_76 : i32
        %add3A_78 = arith.constant 0 : i32
        %add3A_79 = arith.addi %mul3A_77, %add3A_78 : i32
        %dma_wait3A = arith.constant 0 : i32
        %dma_wait3A_80 = tpu.memref_slice %arg7[%add3A_79, %dma_wait3A] : memref<16x128xi32, #tpu.memory_space<vmem>> -> memref<1x128xi32, #tpu.memory_space<vmem>>
        %dma_wait3A_81 = tpu.memref_squeeze %dma_wait3A_80 : memref<1x128xi32, #tpu.memory_space<vmem>> -> memref<128xi32, #tpu.memory_space<vmem>>
        %dma_wait3A_82 = arith.constant 0 : i32
        %dma_wait3A_83 = arith.constant 0 : i32
        %dma_wait3A_84 = tpu.memref_slice %arg21[%dma_wait3A_82, %dma_wait3A_83] : memref<10000x64xf32, #tpu.memory_space<vmem_shared>> -> memref<10000x64xf32, #tpu.memory_space<vmem_shared>>
        tpu.wait_indirect_dma semaphore(%arg13 : memref<!tpu.dma_semaphore, #tpu.memory_space<semaphore_mem>>) src(%dma_wait3A_84 : memref<10000x64xf32, #tpu.memory_space<vmem_shared>>) dst(%arg9 : memref<128x64xf32, #tpu.memory_space<vmem>>)
        %add3A_85 = arith.constant 0 : i32
        %add3A_86 = arith.addi %mul3A_77, %add3A_85 : i32
        %dma_start3A_87 = arith.constant 0 : i32
        %dma_start3A_88 = tpu.memref_slice %arg8[%add3A_86, %dma_start3A_87] : memref<16x128xi32, #tpu.memory_space<vmem>> -> memref<1x128xi32, #tpu.memory_space<vmem>>
        %dma_start3A_89 = tpu.memref_squeeze %dma_start3A_88 : memref<1x128xi32, #tpu.memory_space<vmem>> -> memref<128xi32, #tpu.memory_space<vmem>>
        %dma_start3A_90 = arith.constant 0 : i32
        %dma_start3A_91 = arith.constant 0 : i32
        %dma_start3A_92 = tpu.memref_slice %arg22[%dma_start3A_90, %dma_start3A_91] : memref<10512x64xf32, #tpu.memory_space<vmem_shared>> -> memref<10512x64xf32, #tpu.memory_space<vmem_shared>>
        tpu.enqueue_indirect_dma source(%arg9 : memref<128x64xf32, #tpu.memory_space<vmem>>) target(%dma_start3A_92 : memref<10512x64xf32, #tpu.memory_space<vmem_shared>>) offsets(%dma_start3A_89 : memref<128xi32, #tpu.memory_space<vmem>>) semaphore(%arg17 : memref<!tpu.dma_semaphore, #tpu.memory_space<semaphore_mem>>) {add = true}
        %add3A_93 = arith.constant 1 : i32
        %add3A_94 = arith.addi %mul3A_77, %add3A_93 : i32
        %dma_wait3A_95 = arith.constant 0 : i32
        %dma_wait3A_96 = tpu.memref_slice %arg7[%add3A_94, %dma_wait3A_95] : memref<16x128xi32, #tpu.memory_space<vmem>> -> memref<1x128xi32, #tpu.memory_space<vmem>>
        %dma_wait3A_97 = tpu.memref_squeeze %dma_wait3A_96 : memref<1x128xi32, #tpu.memory_space<vmem>> -> memref<128xi32, #tpu.memory_space<vmem>>
        %dma_wait3A_98 = arith.constant 0 : i32
        %dma_wait3A_99 = arith.constant 0 : i32
        %dma_wait3A_100 = tpu.memref_slice %arg21[%dma_wait3A_98, %dma_wait3A_99] : memref<10000x64xf32, #tpu.memory_space<vmem_shared>> -> memref<10000x64xf32, #tpu.memory_space<vmem_shared>>
        tpu.wait_indirect_dma semaphore(%arg14 : memref<!tpu.dma_semaphore, #tpu.memory_space<semaphore_mem>>) src(%dma_wait3A_100 : memref<10000x64xf32, #tpu.memory_space<vmem_shared>>) dst(%arg10 : memref<128x64xf32, #tpu.memory_space<vmem>>)
        %add3A_101 = arith.constant 1 : i32
        %add3A_102 = arith.addi %mul3A_77, %add3A_101 : i32
        %dma_start3A_103 = arith.constant 0 : i32
        %dma_start3A_104 = tpu.memref_slice %arg8[%add3A_102, %dma_start3A_103] : memref<16x128xi32, #tpu.memory_space<vmem>> -> memref<1x128xi32, #tpu.memory_space<vmem>>
        %dma_start3A_105 = tpu.memref_squeeze %dma_start3A_104 : memref<1x128xi32, #tpu.memory_space<vmem>> -> memref<128xi32, #tpu.memory_space<vmem>>
        %dma_start3A_106 = arith.constant 0 : i32
        %dma_start3A_107 = arith.constant 0 : i32
        %dma_start3A_108 = tpu.memref_slice %arg22[%dma_start3A_106, %dma_start3A_107] : memref<10512x64xf32, #tpu.memory_space<vmem_shared>> -> memref<10512x64xf32, #tpu.memory_space<vmem_shared>>
        tpu.enqueue_indirect_dma source(%arg10 : memref<128x64xf32, #tpu.memory_space<vmem>>) target(%dma_start3A_108 : memref<10512x64xf32, #tpu.memory_space<vmem_shared>>) offsets(%dma_start3A_105 : memref<128xi32, #tpu.memory_space<vmem>>) semaphore(%arg18 : memref<!tpu.dma_semaphore, #tpu.memory_space<semaphore_mem>>) {add = true}
        %add3A_109 = arith.constant 2 : i32
        %add3A_110 = arith.addi %mul3A_77, %add3A_109 : i32
        %dma_wait3A_111 = arith.constant 0 : i32
        %dma_wait3A_112 = tpu.memref_slice %arg7[%add3A_110, %dma_wait3A_111] : memref<16x128xi32, #tpu.memory_space<vmem>> -> memref<1x128xi32, #tpu.memory_space<vmem>>
        %dma_wait3A_113 = tpu.memref_squeeze %dma_wait3A_112 : memref<1x128xi32, #tpu.memory_space<vmem>> -> memref<128xi32, #tpu.memory_space<vmem>>
        %dma_wait3A_114 = arith.constant 0 : i32
        %dma_wait3A_115 = arith.constant 0 : i32
        %dma_wait3A_116 = tpu.memref_slice %arg21[%dma_wait3A_114, %dma_wait3A_115] : memref<10000x64xf32, #tpu.memory_space<vmem_shared>> -> memref<10000x64xf32, #tpu.memory_space<vmem_shared>>
        tpu.wait_indirect_dma semaphore(%arg15 : memref<!tpu.dma_semaphore, #tpu.memory_space<semaphore_mem>>) src(%dma_wait3A_116 : memref<10000x64xf32, #tpu.memory_space<vmem_shared>>) dst(%arg11 : memref<128x64xf32, #tpu.memory_space<vmem>>)
        %add3A_117 = arith.constant 2 : i32
        %add3A_118 = arith.addi %mul3A_77, %add3A_117 : i32
        %dma_start3A_119 = arith.constant 0 : i32
        %dma_start3A_120 = tpu.memref_slice %arg8[%add3A_118, %dma_start3A_119] : memref<16x128xi32, #tpu.memory_space<vmem>> -> memref<1x128xi32, #tpu.memory_space<vmem>>
        %dma_start3A_121 = tpu.memref_squeeze %dma_start3A_120 : memref<1x128xi32, #tpu.memory_space<vmem>> -> memref<128xi32, #tpu.memory_space<vmem>>
        %dma_start3A_122 = arith.constant 0 : i32
        %dma_start3A_123 = arith.constant 0 : i32
        %dma_start3A_124 = tpu.memref_slice %arg22[%dma_start3A_122, %dma_start3A_123] : memref<10512x64xf32, #tpu.memory_space<vmem_shared>> -> memref<10512x64xf32, #tpu.memory_space<vmem_shared>>
        tpu.enqueue_indirect_dma source(%arg11 : memref<128x64xf32, #tpu.memory_space<vmem>>) target(%dma_start3A_124 : memref<10512x64xf32, #tpu.memory_space<vmem_shared>>) offsets(%dma_start3A_121 : memref<128xi32, #tpu.memory_space<vmem>>) semaphore(%arg19 : memref<!tpu.dma_semaphore, #tpu.memory_space<semaphore_mem>>) {add = true}
        %add3A_125 = arith.constant 3 : i32
        %add3A_126 = arith.addi %mul3A_77, %add3A_125 : i32
        %dma_wait3A_127 = arith.constant 0 : i32
        %dma_wait3A_128 = tpu.memref_slice %arg7[%add3A_126, %dma_wait3A_127] : memref<16x128xi32, #tpu.memory_space<vmem>> -> memref<1x128xi32, #tpu.memory_space<vmem>>
        %dma_wait3A_129 = tpu.memref_squeeze %dma_wait3A_128 : memref<1x128xi32, #tpu.memory_space<vmem>> -> memref<128xi32, #tpu.memory_space<vmem>>
        %dma_wait3A_130 = arith.constant 0 : i32
        %dma_wait3A_131 = arith.constant 0 : i32
        %dma_wait3A_132 = tpu.memref_slice %arg21[%dma_wait3A_130, %dma_wait3A_131] : memref<10000x64xf32, #tpu.memory_space<vmem_shared>> -> memref<10000x64xf32, #tpu.memory_space<vmem_shared>>
        tpu.wait_indirect_dma semaphore(%arg16 : memref<!tpu.dma_semaphore, #tpu.memory_space<semaphore_mem>>) src(%dma_wait3A_132 : memref<10000x64xf32, #tpu.memory_space<vmem_shared>>) dst(%arg12 : memref<128x64xf32, #tpu.memory_space<vmem>>)
        %add3A_133 = arith.constant 3 : i32
        %add3A_134 = arith.addi %mul3A_77, %add3A_133 : i32
        %dma_start3A_135 = arith.constant 0 : i32
        %dma_start3A_136 = tpu.memref_slice %arg8[%add3A_134, %dma_start3A_135] : memref<16x128xi32, #tpu.memory_space<vmem>> -> memref<1x128xi32, #tpu.memory_space<vmem>>
        %dma_start3A_137 = tpu.memref_squeeze %dma_start3A_136 : memref<1x128xi32, #tpu.memory_space<vmem>> -> memref<128xi32, #tpu.memory_space<vmem>>
        %dma_start3A_138 = arith.constant 0 : i32
        %dma_start3A_139 = arith.constant 0 : i32
        %dma_start3A_140 = tpu.memref_slice %arg22[%dma_start3A_138, %dma_start3A_139] : memref<10512x64xf32, #tpu.memory_space<vmem_shared>> -> memref<10512x64xf32, #tpu.memory_space<vmem_shared>>
        tpu.enqueue_indirect_dma source(%arg12 : memref<128x64xf32, #tpu.memory_space<vmem>>) target(%dma_start3A_140 : memref<10512x64xf32, #tpu.memory_space<vmem_shared>>) offsets(%dma_start3A_137 : memref<128xi32, #tpu.memory_space<vmem>>) semaphore(%arg20 : memref<!tpu.dma_semaphore, #tpu.memory_space<semaphore_mem>>) {add = true}
        %add3A_141 = arith.constant 0 : i32
        %add3A_142 = arith.addi %mul3A_77, %add3A_141 : i32
        %dma_wait3A_143 = arith.constant 0 : i32
        %dma_wait3A_144 = tpu.memref_slice %arg8[%add3A_142, %dma_wait3A_143] : memref<16x128xi32, #tpu.memory_space<vmem>> -> memref<1x128xi32, #tpu.memory_space<vmem>>
        %dma_wait3A_145 = tpu.memref_squeeze %dma_wait3A_144 : memref<1x128xi32, #tpu.memory_space<vmem>> -> memref<128xi32, #tpu.memory_space<vmem>>
        %dma_wait3A_146 = arith.constant 0 : i32
        %dma_wait3A_147 = arith.constant 0 : i32
        %dma_wait3A_148 = tpu.memref_slice %arg22[%dma_wait3A_146, %dma_wait3A_147] : memref<10512x64xf32, #tpu.memory_space<vmem_shared>> -> memref<10512x64xf32, #tpu.memory_space<vmem_shared>>
        tpu.wait_indirect_dma semaphore(%arg17 : memref<!tpu.dma_semaphore, #tpu.memory_space<semaphore_mem>>) src(%arg9 : memref<128x64xf32, #tpu.memory_space<vmem>>) dst(%dma_wait3A_148 : memref<10512x64xf32, #tpu.memory_space<vmem_shared>>)
        %lt3A_149 = arith.constant 3 : i32
        %lt3A_150 = arith.cmpi slt, %add3A_75, %lt3A_149 : i32
        %convert_element_type3A_151 = arith.extui %lt3A_150 : i1 to i32
        %cond3A_152 = arith.constant 0 : i32
        %cond3A_153 = arith.cmpi ne, %convert_element_type3A_151, %cond3A_152 : i32
        scf.if %cond3A_153 {
          %add3A_193 = arith.constant 4 : i32
          %add3A_194 = arith.addi %mul3A_77, %add3A_193 : i32
          %add3A_195 = arith.constant 0 : i32
          %add3A_196 = arith.addi %add3A_194, %add3A_195 : i32
          %dma_start3A_197 = arith.constant 0 : i32
          %dma_start3A_198 = tpu.memref_slice %arg7[%add3A_196, %dma_start3A_197] : memref<16x128xi32, #tpu.memory_space<vmem>> -> memref<1x128xi32, #tpu.memory_space<vmem>>
          %dma_start3A_199 = tpu.memref_squeeze %dma_start3A_198 : memref<1x128xi32, #tpu.memory_space<vmem>> -> memref<128xi32, #tpu.memory_space<vmem>>
          %dma_start3A_200 = arith.constant 0 : i32
          %dma_start3A_201 = arith.constant 0 : i32
          %dma_start3A_202 = tpu.memref_slice %arg21[%dma_start3A_200, %dma_start3A_201] : memref<10000x64xf32, #tpu.memory_space<vmem_shared>> -> memref<10000x64xf32, #tpu.memory_space<vmem_shared>>
          tpu.enqueue_indirect_dma source(%dma_start3A_202 : memref<10000x64xf32, #tpu.memory_space<vmem_shared>>) target(%arg9 : memref<128x64xf32, #tpu.memory_space<vmem>>) offsets(%dma_start3A_199 : memref<128xi32, #tpu.memory_space<vmem>>) semaphore(%arg13 : memref<!tpu.dma_semaphore, #tpu.memory_space<semaphore_mem>>)
        } else {
        }
        %add3A_154 = arith.constant 1 : i32
        %add3A_155 = arith.addi %mul3A_77, %add3A_154 : i32
        %dma_wait3A_156 = arith.constant 0 : i32
        %dma_wait3A_157 = tpu.memref_slice %arg8[%add3A_155, %dma_wait3A_156] : memref<16x128xi32, #tpu.memory_space<vmem>> -> memref<1x128xi32, #tpu.memory_space<vmem>>
        %dma_wait3A_158 = tpu.memref_squeeze %dma_wait3A_157 : memref<1x128xi32, #tpu.memory_space<vmem>> -> memref<128xi32, #tpu.memory_space<vmem>>
        %dma_wait3A_159 = arith.constant 0 : i32
        %dma_wait3A_160 = arith.constant 0 : i32
        %dma_wait3A_161 = tpu.memref_slice %arg22[%dma_wait3A_159, %dma_wait3A_160] : memref<10512x64xf32, #tpu.memory_space<vmem_shared>> -> memref<10512x64xf32, #tpu.memory_space<vmem_shared>>
        tpu.wait_indirect_dma semaphore(%arg18 : memref<!tpu.dma_semaphore, #tpu.memory_space<semaphore_mem>>) src(%arg10 : memref<128x64xf32, #tpu.memory_space<vmem>>) dst(%dma_wait3A_161 : memref<10512x64xf32, #tpu.memory_space<vmem_shared>>)
        %lt3A_162 = arith.constant 3 : i32
        %lt3A_163 = arith.cmpi slt, %add3A_75, %lt3A_162 : i32
        %convert_element_type3A_164 = arith.extui %lt3A_163 : i1 to i32
        %cond3A_165 = arith.constant 0 : i32
        %cond3A_166 = arith.cmpi ne, %convert_element_type3A_164, %cond3A_165 : i32
        scf.if %cond3A_166 {
          %add3A_193 = arith.constant 4 : i32
          %add3A_194 = arith.addi %mul3A_77, %add3A_193 : i32
          %add3A_195 = arith.constant 1 : i32
          %add3A_196 = arith.addi %add3A_194, %add3A_195 : i32
          %dma_start3A_197 = arith.constant 0 : i32
          %dma_start3A_198 = tpu.memref_slice %arg7[%add3A_196, %dma_start3A_197] : memref<16x128xi32, #tpu.memory_space<vmem>> -> memref<1x128xi32, #tpu.memory_space<vmem>>
          %dma_start3A_199 = tpu.memref_squeeze %dma_start3A_198 : memref<1x128xi32, #tpu.memory_space<vmem>> -> memref<128xi32, #tpu.memory_space<vmem>>
          %dma_start3A_200 = arith.constant 0 : i32
          %dma_start3A_201 = arith.constant 0 : i32
          %dma_start3A_202 = tpu.memref_slice %arg21[%dma_start3A_200, %dma_start3A_201] : memref<10000x64xf32, #tpu.memory_space<vmem_shared>> -> memref<10000x64xf32, #tpu.memory_space<vmem_shared>>
          tpu.enqueue_indirect_dma source(%dma_start3A_202 : memref<10000x64xf32, #tpu.memory_space<vmem_shared>>) target(%arg10 : memref<128x64xf32, #tpu.memory_space<vmem>>) offsets(%dma_start3A_199 : memref<128xi32, #tpu.memory_space<vmem>>) semaphore(%arg14 : memref<!tpu.dma_semaphore, #tpu.memory_space<semaphore_mem>>)
        } else {
        }
        %add3A_167 = arith.constant 2 : i32
        %add3A_168 = arith.addi %mul3A_77, %add3A_167 : i32
        %dma_wait3A_169 = arith.constant 0 : i32
        %dma_wait3A_170 = tpu.memref_slice %arg8[%add3A_168, %dma_wait3A_169] : memref<16x128xi32, #tpu.memory_space<vmem>> -> memref<1x128xi32, #tpu.memory_space<vmem>>
        %dma_wait3A_171 = tpu.memref_squeeze %dma_wait3A_170 : memref<1x128xi32, #tpu.memory_space<vmem>> -> memref<128xi32, #tpu.memory_space<vmem>>
        %dma_wait3A_172 = arith.constant 0 : i32
        %dma_wait3A_173 = arith.constant 0 : i32
        %dma_wait3A_174 = tpu.memref_slice %arg22[%dma_wait3A_172, %dma_wait3A_173] : memref<10512x64xf32, #tpu.memory_space<vmem_shared>> -> memref<10512x64xf32, #tpu.memory_space<vmem_shared>>
        tpu.wait_indirect_dma semaphore(%arg19 : memref<!tpu.dma_semaphore, #tpu.memory_space<semaphore_mem>>) src(%arg11 : memref<128x64xf32, #tpu.memory_space<vmem>>) dst(%dma_wait3A_174 : memref<10512x64xf32, #tpu.memory_space<vmem_shared>>)
        %lt3A_175 = arith.constant 3 : i32
        %lt3A_176 = arith.cmpi slt, %add3A_75, %lt3A_175 : i32
        %convert_element_type3A_177 = arith.extui %lt3A_176 : i1 to i32
        %cond3A_178 = arith.constant 0 : i32
        %cond3A_179 = arith.cmpi ne, %convert_element_type3A_177, %cond3A_178 : i32
        scf.if %cond3A_179 {
          %add3A_193 = arith.constant 4 : i32
          %add3A_194 = arith.addi %mul3A_77, %add3A_193 : i32
          %add3A_195 = arith.constant 2 : i32
          %add3A_196 = arith.addi %add3A_194, %add3A_195 : i32
          %dma_start3A_197 = arith.constant 0 : i32
          %dma_start3A_198 = tpu.memref_slice %arg7[%add3A_196, %dma_start3A_197] : memref<16x128xi32, #tpu.memory_space<vmem>> -> memref<1x128xi32, #tpu.memory_space<vmem>>
          %dma_start3A_199 = tpu.memref_squeeze %dma_start3A_198 : memref<1x128xi32, #tpu.memory_space<vmem>> -> memref<128xi32, #tpu.memory_space<vmem>>
          %dma_start3A_200 = arith.constant 0 : i32
          %dma_start3A_201 = arith.constant 0 : i32
          %dma_start3A_202 = tpu.memref_slice %arg21[%dma_start3A_200, %dma_start3A_201] : memref<10000x64xf32, #tpu.memory_space<vmem_shared>> -> memref<10000x64xf32, #tpu.memory_space<vmem_shared>>
          tpu.enqueue_indirect_dma source(%dma_start3A_202 : memref<10000x64xf32, #tpu.memory_space<vmem_shared>>) target(%arg11 : memref<128x64xf32, #tpu.memory_space<vmem>>) offsets(%dma_start3A_199 : memref<128xi32, #tpu.memory_space<vmem>>) semaphore(%arg15 : memref<!tpu.dma_semaphore, #tpu.memory_space<semaphore_mem>>)
        } else {
        }
        %add3A_180 = arith.constant 3 : i32
        %add3A_181 = arith.addi %mul3A_77, %add3A_180 : i32
        %dma_wait3A_182 = arith.constant 0 : i32
        %dma_wait3A_183 = tpu.memref_slice %arg8[%add3A_181, %dma_wait3A_182] : memref<16x128xi32, #tpu.memory_space<vmem>> -> memref<1x128xi32, #tpu.memory_space<vmem>>
        %dma_wait3A_184 = tpu.memref_squeeze %dma_wait3A_183 : memref<1x128xi32, #tpu.memory_space<vmem>> -> memref<128xi32, #tpu.memory_space<vmem>>
        %dma_wait3A_185 = arith.constant 0 : i32
        %dma_wait3A_186 = arith.constant 0 : i32
        %dma_wait3A_187 = tpu.memref_slice %arg22[%dma_wait3A_185, %dma_wait3A_186] : memref<10512x64xf32, #tpu.memory_space<vmem_shared>> -> memref<10512x64xf32, #tpu.memory_space<vmem_shared>>
        tpu.wait_indirect_dma semaphore(%arg20 : memref<!tpu.dma_semaphore, #tpu.memory_space<semaphore_mem>>) src(%arg12 : memref<128x64xf32, #tpu.memory_space<vmem>>) dst(%dma_wait3A_187 : memref<10512x64xf32, #tpu.memory_space<vmem_shared>>)
        %lt3A_188 = arith.constant 3 : i32
        %lt3A_189 = arith.cmpi slt, %add3A_75, %lt3A_188 : i32
        %convert_element_type3A_190 = arith.extui %lt3A_189 : i1 to i32
        %cond3A_191 = arith.constant 0 : i32
        %cond3A_192 = arith.cmpi ne, %convert_element_type3A_190, %cond3A_191 : i32
        scf.if %cond3A_192 {
          %add3A_193 = arith.constant 4 : i32
          %add3A_194 = arith.addi %mul3A_77, %add3A_193 : i32
          %add3A_195 = arith.constant 3 : i32
          %add3A_196 = arith.addi %add3A_194, %add3A_195 : i32
          %dma_start3A_197 = arith.constant 0 : i32
          %dma_start3A_198 = tpu.memref_slice %arg7[%add3A_196, %dma_start3A_197] : memref<16x128xi32, #tpu.memory_space<vmem>> -> memref<1x128xi32, #tpu.memory_space<vmem>>
          %dma_start3A_199 = tpu.memref_squeeze %dma_start3A_198 : memref<1x128xi32, #tpu.memory_space<vmem>> -> memref<128xi32, #tpu.memory_space<vmem>>
          %dma_start3A_200 = arith.constant 0 : i32
          %dma_start3A_201 = arith.constant 0 : i32
          %dma_start3A_202 = tpu.memref_slice %arg21[%dma_start3A_200, %dma_start3A_201] : memref<10000x64xf32, #tpu.memory_space<vmem_shared>> -> memref<10000x64xf32, #tpu.memory_space<vmem_shared>>
          tpu.enqueue_indirect_dma source(%dma_start3A_202 : memref<10000x64xf32, #tpu.memory_space<vmem_shared>>) target(%arg12 : memref<128x64xf32, #tpu.memory_space<vmem>>) offsets(%dma_start3A_199 : memref<128xi32, #tpu.memory_space<vmem>>) semaphore(%arg16 : memref<!tpu.dma_semaphore, #tpu.memory_space<semaphore_mem>>)
        } else {
        }
      }
      %scan3A_70 = arith.constant 4 : i32
    }
    %scan3A_19 = arith.constant 10 : i32
    %barrier3A_20 = arith.constant 0 : index
    tpu.barrier barrier_id(%barrier3A_20)
    %lt3A_21 = arith.constant 15 : i32
    %lt3A_22 = arith.cmpi slt, %arg1, %lt3A_21 : i32
    %convert_element_type3A_23 = arith.extui %lt3A_22 : i1 to i32
    %cond3A_24 = arith.constant 0 : i32
    %cond3A_25 = arith.cmpi ne, %convert_element_type3A_23, %cond3A_24 : i32
    scf.if %cond3A_25 {
      %mul3A = arith.constant 632 : i32
      %mul3A_31 = arith.muli %arg1, %mul3A : i32
      %multiple_of3A = tpu.assume_multiple %mul3A_31, 8 : i32
      "tpu.region"() ({
        %run_scoped3A = tpu.sem_alloc : memref<!tpu.dma_semaphore, #tpu.memory_space<semaphore_mem>>
        %dma_start3A = arith.constant 0 : i32
        %dma_start3A_32 = tpu.memref_slice %arg6[%arg0, %multiple_of3A, %dma_start3A] : memref<2x10000x64xf32, #tpu.memory_space<hbm>> -> memref<1x632x64xf32, #tpu.memory_space<hbm>>
        %dma_start3A_33 = tpu.memref_squeeze %dma_start3A_32 : memref<1x632x64xf32, #tpu.memory_space<hbm>> -> memref<632x64xf32, #tpu.memory_space<hbm>>
        %dma_start3A_34 = arith.constant 0 : i32
        %dma_start3A_35 = tpu.memref_slice %arg22[%multiple_of3A, %dma_start3A_34] : memref<10512x64xf32, #tpu.memory_space<vmem_shared>> -> memref<632x64xf32, #tpu.memory_space<vmem_shared>>
        tpu.enqueue_dma source(%dma_start3A_35 : memref<632x64xf32, #tpu.memory_space<vmem_shared>>) target(%dma_start3A_33 : memref<632x64xf32, #tpu.memory_space<hbm>>) target_semaphore(%run_scoped3A : memref<!tpu.dma_semaphore, #tpu.memory_space<semaphore_mem>>)
        %dma_wait3A = arith.constant 0 : i32
        %dma_wait3A_36 = tpu.memref_slice %arg6[%arg0, %multiple_of3A, %dma_wait3A] : memref<2x10000x64xf32, #tpu.memory_space<hbm>> -> memref<1x632x64xf32, #tpu.memory_space<hbm>>
        %dma_wait3A_37 = tpu.memref_squeeze %dma_wait3A_36 : memref<1x632x64xf32, #tpu.memory_space<hbm>> -> memref<632x64xf32, #tpu.memory_space<hbm>>
        %dma_wait3A_38 = arith.constant 0 : i32
        %dma_wait3A_39 = tpu.memref_slice %arg22[%multiple_of3A, %dma_wait3A_38] : memref<10512x64xf32, #tpu.memory_space<vmem_shared>> -> memref<632x64xf32, #tpu.memory_space<vmem_shared>>
        tpu.wait_dma2 semaphore(%run_scoped3A : memref<!tpu.dma_semaphore, #tpu.memory_space<semaphore_mem>>) src(%dma_wait3A_39 : memref<632x64xf32, #tpu.memory_space<vmem_shared>>) dst(%dma_wait3A_37 : memref<632x64xf32, #tpu.memory_space<hbm>>)
        tpu.yield
      }) : () -> ()
    } else {
    }
    %eq3A_26 = arith.constant 15 : i32
    %eq3A_27 = arith.cmpi eq, %arg1, %eq3A_26 : i32
    %convert_element_type3A_28 = arith.extui %eq3A_27 : i1 to i32
    %cond3A_29 = arith.constant 0 : i32
    %cond3A_30 = arith.cmpi ne, %convert_element_type3A_28, %cond3A_29 : i32
    scf.if %cond3A_30 {
      "tpu.region"() ({
        %run_scoped3A = tpu.sem_alloc : memref<!tpu.dma_semaphore, #tpu.memory_space<semaphore_mem>>
        %dma_start3A = arith.constant 9480 : i32
        %dma_start3A_31 = arith.constant 0 : i32
        %dma_start3A_32 = tpu.memref_slice %arg6[%arg0, %dma_start3A, %dma_start3A_31] : memref<2x10000x64xf32, #tpu.memory_space<hbm>> -> memref<1x520x64xf32, #tpu.memory_space<hbm>>
        %dma_start3A_33 = tpu.memref_squeeze %dma_start3A_32 : memref<1x520x64xf32, #tpu.memory_space<hbm>> -> memref<520x64xf32, #tpu.memory_space<hbm>>
        %dma_start3A_34 = arith.constant 9480 : i32
        %dma_start3A_35 = arith.constant 0 : i32
        %dma_start3A_36 = tpu.memref_slice %arg22[%dma_start3A_34, %dma_start3A_35] : memref<10512x64xf32, #tpu.memory_space<vmem_shared>> -> memref<520x64xf32, #tpu.memory_space<vmem_shared>>
        tpu.enqueue_dma source(%dma_start3A_36 : memref<520x64xf32, #tpu.memory_space<vmem_shared>>) target(%dma_start3A_33 : memref<520x64xf32, #tpu.memory_space<hbm>>) target_semaphore(%run_scoped3A : memref<!tpu.dma_semaphore, #tpu.memory_space<semaphore_mem>>)
        %dma_wait3A = arith.constant 9480 : i32
        %dma_wait3A_37 = arith.constant 0 : i32
        %dma_wait3A_38 = tpu.memref_slice %arg6[%arg0, %dma_wait3A, %dma_wait3A_37] : memref<2x10000x64xf32, #tpu.memory_space<hbm>> -> memref<1x520x64xf32, #tpu.memory_space<hbm>>
        %dma_wait3A_39 = tpu.memref_squeeze %dma_wait3A_38 : memref<1x520x64xf32, #tpu.memory_space<hbm>> -> memref<520x64xf32, #tpu.memory_space<hbm>>
        %dma_wait3A_40 = arith.constant 9480 : i32
        %dma_wait3A_41 = arith.constant 0 : i32
        %dma_wait3A_42 = tpu.memref_slice %arg22[%dma_wait3A_40, %dma_wait3A_41] : memref<10512x64xf32, #tpu.memory_space<vmem_shared>> -> memref<520x64xf32, #tpu.memory_space<vmem_shared>>
        tpu.wait_dma2 semaphore(%run_scoped3A : memref<!tpu.dma_semaphore, #tpu.memory_space<semaphore_mem>>) src(%dma_wait3A_42 : memref<520x64xf32, #tpu.memory_space<vmem_shared>>) dst(%dma_wait3A_39 : memref<520x64xf32, #tpu.memory_space<hbm>>)
        tpu.yield
      }) : () -> ()
    } else {
    }
    return
  }
}

module attributes {stable_mosaic.version = 14 : i64} {
  func.func @_pre1_body(%arg0: i32, %arg1: memref<2000x128xf32, #tpu.memory_space<vmem>>, %arg2: memref<2000x64xf32, #tpu.memory_space<vmem>>, %arg3: memref<128x128xf32, #tpu.memory_space<vmem>>, %arg4: memref<2x2000x64xf32, #tpu.memory_space<vmem>>) attributes {dimension_semantics = [#tpu.dimension_semantics<arbitrary>], iteration_bounds = array<i64: 5>, scalar_prefetch = 0 : i64, scratch_operands = 0 : i64, tpu.core_type = #tpu.core_type<tc>, window_params = [{transform_indices = @transform_0, window_bounds = array<i64: 2000, 128>}, {transform_indices = @transform_1, window_bounds = array<i64: 2000, 64>}, {pipeline_mode = #tpu.pipeline_mode<synchronous>, transform_indices = @transform_2, window_bounds = array<i64: 128, 128>}, {transform_indices = @transform_3, window_bounds = array<i64: 2, 2000, 64>}]} {
    %get3A = arith.constant 0 : index
    %get3A_0 = arith.constant 0 : index
    %get3A_1 = vector.load %arg2[%get3A, %get3A_0] : memref<2000x64xf32, #tpu.memory_space<vmem>>, vector<2000x1xf32>
    %max3A = arith.constant 1.000000e+00 : f32
    %max3A_2 = vector.broadcast %max3A : f32 to vector<2000x1xf32>
    %max3A_3 = arith.maximumf %get3A_1, %max3A_2 : vector<2000x1xf32>
    %rsqrt3A = math.rsqrt %max3A_3 : vector<2000x1xf32>
    %get3A_4 = arith.constant 0 : index
    %get3A_5 = arith.constant 0 : index
    %get3A_6 = vector.load %arg1[%get3A_4, %get3A_5] : memref<2000x128xf32, #tpu.memory_space<vmem>>, vector<2000x128xf32>
    %get3A_7 = arith.constant 0 : index
    %get3A_8 = arith.constant 0 : index
    %get3A_9 = vector.load %arg3[%get3A_7, %get3A_8] : memref<128x128xf32, #tpu.memory_space<vmem>>, vector<128x128xf32>
    %dot_general3A = arith.constant dense<0.000000e+00> : vector<2000x128xf32>
    %dot_general3A_10 = tpu.matmul %get3A_6, %get3A_9, %dot_general3A {dimension_numbers = #tpu.dot_dimension_numbers<[1], [0], [0], [1], [0, 0, 1, 1], [], []>, transpose_lhs_hint = false} : vector<2000x128xf32>, vector<128x128xf32>, vector<2000x128xf32> -> vector<2000x128xf32>
    %mul3A = vector.broadcast %rsqrt3A : vector<2000x1xf32> to vector<2000x128xf32>
    %mul3A_11 = arith.mulf %dot_general3A_10, %mul3A : vector<2000x128xf32>
    %slice3A = vector.extract_strided_slice %mul3A_11 {offsets = [0, 0], sizes = [2000, 64], strides = [1, 1]} : vector<2000x128xf32> to vector<2000x64xf32>
    %swap3A = arith.constant 0 : index
    %swap3A_12 = arith.constant 0 : index
    %swap3A_13 = arith.constant 0 : index
    %swap3A_14 = vector.load %arg4[%swap3A, %swap3A_12, %swap3A_13] : memref<2x2000x64xf32, #tpu.memory_space<vmem>>, vector<1x2000x64xf32>
    %swap3A_15 = vector.shape_cast %swap3A_14 : vector<1x2000x64xf32> to vector<2000x64xf32>
    %swap3A_16 = vector.shape_cast %slice3A : vector<2000x64xf32> to vector<1x2000x64xf32>
    tpu.vector_store %arg4[%swap3A, %swap3A_12, %swap3A_13], %swap3A_16 {strides = array<i32>} : memref<2x2000x64xf32, #tpu.memory_space<vmem>>, vector<1x2000x64xf32>,
    %slice3A_17 = vector.extract_strided_slice %mul3A_11 {offsets = [0, 64], sizes = [2000, 64], strides = [1, 1]} : vector<2000x128xf32> to vector<2000x64xf32>
    %swap3A_18 = arith.constant 1 : index
    %swap3A_19 = arith.constant 0 : index
    %swap3A_20 = arith.constant 0 : index
    %swap3A_21 = vector.load %arg4[%swap3A_18, %swap3A_19, %swap3A_20] : memref<2x2000x64xf32, #tpu.memory_space<vmem>>, vector<1x2000x64xf32>
    %swap3A_22 = vector.shape_cast %swap3A_21 : vector<1x2000x64xf32> to vector<2000x64xf32>
    %swap3A_23 = vector.shape_cast %slice3A_17 : vector<2000x64xf32> to vector<1x2000x64xf32>
    tpu.vector_store %arg4[%swap3A_18, %swap3A_19, %swap3A_20], %swap3A_23 {strides = array<i32>} : memref<2x2000x64xf32, #tpu.memory_space<vmem>>, vector<1x2000x64xf32>,
    return
  }
  func.func @transform_0(%arg0: i32) -> (i32, i32) {
    %c0_i32 = arith.constant 0 : i32
    %c0_i32_0 = arith.constant 0 : i32
    return %arg0, %c0_i32 : i32, i32
  }
  func.func @transform_1(%arg0: i32) -> (i32, i32) {
    %c0_i32 = arith.constant 0 : i32
    %c0_i32_0 = arith.constant 0 : i32
    return %arg0, %c0_i32 : i32, i32
  }
  func.func @transform_2(%arg0: i32) -> (i32, i32) {
    %c0_i32 = arith.constant 0 : i32
    %c0_i32_0 = arith.constant 0 : i32
    %c0_i32_1 = arith.constant 0 : i32
    return %c0_i32, %c0_i32_0 : i32, i32
  }
  func.func @transform_3(%arg0: i32) -> (i32, i32, i32) {
    %c0_i32 = arith.constant 0 : i32
    %c0_i32_0 = arith.constant 0 : i32
    %c0_i32_1 = arith.constant 0 : i32
    return %c0_i32, %arg0, %c0_i32_0 : i32, i32, i32
  }
}

module attributes {stable_mosaic.version = 14 : i64} {
  func.func @_pre23_body(%arg0: i32, %arg1: memref<2x2000x64xf32, #tpu.memory_space<vmem>>, %arg2: memref<2000x64xf32, #tpu.memory_space<vmem>>, %arg3: memref<1x128xf32, #tpu.memory_space<vmem>>, %arg4: memref<2000x64xf32, #tpu.memory_space<vmem>>, %arg5: memref<128x128xf32, #tpu.memory_space<vmem>>, %arg6: memref<2x2000x64xf32, #tpu.memory_space<vmem>>) attributes {dimension_semantics = [#tpu.dimension_semantics<arbitrary>], iteration_bounds = array<i64: 5>, scalar_prefetch = 0 : i64, scratch_operands = 0 : i64, tpu.core_type = #tpu.core_type<tc>, window_params = [{transform_indices = @transform_0, window_bounds = array<i64: 2, 2000, 64>}, {transform_indices = @transform_1, window_bounds = array<i64: 2000, 64>}, {pipeline_mode = #tpu.pipeline_mode<synchronous>, transform_indices = @transform_2, window_bounds = array<i64: 1, 128>}, {transform_indices = @transform_3, window_bounds = array<i64: 2000, 64>}, {pipeline_mode = #tpu.pipeline_mode<synchronous>, transform_indices = @transform_4, window_bounds = array<i64: 128, 128>}, {transform_indices = @transform_5, window_bounds = array<i64: 2, 2000, 64>}]} {
    %get3A = arith.constant 0 : index
    %get3A_0 = arith.constant 0 : index
    %get3A_1 = vector.load %arg2[%get3A, %get3A_0] : memref<2000x64xf32, #tpu.memory_space<vmem>>, vector<2000x1xf32>
    %max3A = arith.constant 1.000000e+00 : f32
    %max3A_2 = vector.broadcast %max3A : f32 to vector<2000x1xf32>
    %max3A_3 = arith.maximumf %get3A_1, %max3A_2 : vector<2000x1xf32>
    %rsqrt3A = math.rsqrt %max3A_3 : vector<2000x1xf32>
    %get3A_4 = arith.constant 0 : index
    %get3A_5 = arith.constant 0 : index
    %get3A_6 = arith.constant 0 : index
    %get3A_7 = vector.load %arg1[%get3A_4, %get3A_5, %get3A_6] : memref<2x2000x64xf32, #tpu.memory_space<vmem>>, vector<1x2000x64xf32>
    %get3A_8 = vector.shape_cast %get3A_7 : vector<1x2000x64xf32> to vector<2000x64xf32>
    %get3A_9 = arith.constant 1 : index
    %get3A_10 = arith.constant 0 : index
    %get3A_11 = arith.constant 0 : index
    %get3A_12 = vector.load %arg1[%get3A_9, %get3A_10, %get3A_11] : memref<2x2000x64xf32, #tpu.memory_space<vmem>>, vector<1x2000x64xf32>
    %get3A_13 = vector.shape_cast %get3A_12 : vector<1x2000x64xf32> to vector<2000x64xf32>
    %concatenate3A = tpu.concatenate %get3A_8, %get3A_13 in 1 : vector<2000x64xf32>, vector<2000x64xf32> -> vector<2000x128xf32>
    %mul3A = vector.broadcast %rsqrt3A : vector<2000x1xf32> to vector<2000x128xf32>
    %mul3A_14 = arith.mulf %concatenate3A, %mul3A : vector<2000x128xf32>
    %get3A_15 = arith.constant 0 : index
    %get3A_16 = arith.constant 0 : index
    %get3A_17 = vector.load %arg3[%get3A_15, %get3A_16] : memref<1x128xf32, #tpu.memory_space<vmem>>, vector<1x128xf32>
    %add3A = vector.broadcast %get3A_17 : vector<1x128xf32> to vector<2000x128xf32>
    %add3A_18 = arith.addf %mul3A_14, %add3A : vector<2000x128xf32>
    %max3A_19 = arith.constant 0.000000e+00 : f32
    %max3A_20 = vector.broadcast %max3A_19 : f32 to vector<2000x128xf32>
    %max3A_21 = arith.maximumf %add3A_18, %max3A_20 : vector<2000x128xf32>
    %get3A_22 = arith.constant 0 : index
    %get3A_23 = arith.constant 0 : index
    %get3A_24 = vector.load %arg4[%get3A_22, %get3A_23] : memref<2000x64xf32, #tpu.memory_space<vmem>>, vector<2000x1xf32>
    %max3A_25 = arith.constant 1.000000e+00 : f32
    %max3A_26 = vector.broadcast %max3A_25 : f32 to vector<2000x1xf32>
    %max3A_27 = arith.maximumf %get3A_24, %max3A_26 : vector<2000x1xf32>
    %rsqrt3A_28 = math.rsqrt %max3A_27 : vector<2000x1xf32>
    %get3A_29 = arith.constant 0 : index
    %get3A_30 = arith.constant 0 : index
    %get3A_31 = vector.load %arg5[%get3A_29, %get3A_30] : memref<128x128xf32, #tpu.memory_space<vmem>>, vector<128x128xf32>
    %dot_general3A = arith.constant dense<0.000000e+00> : vector<2000x128xf32>
    %dot_general3A_32 = tpu.matmul %max3A_21, %get3A_31, %dot_general3A {dimension_numbers = #tpu.dot_dimension_numbers<[1], [0], [0], [1], [0, 0, 1, 1], [], []>, transpose_lhs_hint = false} : vector<2000x128xf32>, vector<128x128xf32>, vector<2000x128xf32> -> vector<2000x128xf32>
    %mul3A_33 = vector.broadcast %rsqrt3A_28 : vector<2000x1xf32> to vector<2000x128xf32>
    %mul3A_34 = arith.mulf %dot_general3A_32, %mul3A_33 : vector<2000x128xf32>
    %slice3A = vector.extract_strided_slice %mul3A_34 {offsets = [0, 0], sizes = [2000, 64], strides = [1, 1]} : vector<2000x128xf32> to vector<2000x64xf32>
    %swap3A = arith.constant 0 : index
    %swap3A_35 = arith.constant 0 : index
    %swap3A_36 = arith.constant 0 : index
    %swap3A_37 = vector.load %arg6[%swap3A, %swap3A_35, %swap3A_36] : memref<2x2000x64xf32, #tpu.memory_space<vmem>>, vector<1x2000x64xf32>
    %swap3A_38 = vector.shape_cast %swap3A_37 : vector<1x2000x64xf32> to vector<2000x64xf32>
    %swap3A_39 = vector.shape_cast %slice3A : vector<2000x64xf32> to vector<1x2000x64xf32>
    tpu.vector_store %arg6[%swap3A, %swap3A_35, %swap3A_36], %swap3A_39 {strides = array<i32>} : memref<2x2000x64xf32, #tpu.memory_space<vmem>>, vector<1x2000x64xf32>,
    %slice3A_40 = vector.extract_strided_slice %mul3A_34 {offsets = [0, 64], sizes = [2000, 64], strides = [1, 1]} : vector<2000x128xf32> to vector<2000x64xf32>
    %swap3A_41 = arith.constant 1 : index
    %swap3A_42 = arith.constant 0 : index
    %swap3A_43 = arith.constant 0 : index
    %swap3A_44 = vector.load %arg6[%swap3A_41, %swap3A_42, %swap3A_43] : memref<2x2000x64xf32, #tpu.memory_space<vmem>>, vector<1x2000x64xf32>
    %swap3A_45 = vector.shape_cast %swap3A_44 : vector<1x2000x64xf32> to vector<2000x64xf32>
    %swap3A_46 = vector.shape_cast %slice3A_40 : vector<2000x64xf32> to vector<1x2000x64xf32>
    tpu.vector_store %arg6[%swap3A_41, %swap3A_42, %swap3A_43], %swap3A_46 {strides = array<i32>} : memref<2x2000x64xf32, #tpu.memory_space<vmem>>, vector<1x2000x64xf32>,
    return
  }
  func.func @transform_0(%arg0: i32) -> (i32, i32, i32) {
    %c0_i32 = arith.constant 0 : i32
    %c0_i32_0 = arith.constant 0 : i32
    %c0_i32_1 = arith.constant 0 : i32
    return %c0_i32, %arg0, %c0_i32_0 : i32, i32, i32
  }
  func.func @transform_1(%arg0: i32) -> (i32, i32) {
    %c0_i32 = arith.constant 0 : i32
    %c0_i32_0 = arith.constant 0 : i32
    return %arg0, %c0_i32 : i32, i32
  }
  func.func @transform_2(%arg0: i32) -> (i32, i32) {
    %c0_i32 = arith.constant 0 : i32
    %c0_i32_0 = arith.constant 0 : i32
    %c0_i32_1 = arith.constant 0 : i32
    return %c0_i32, %c0_i32_0 : i32, i32
  }
  func.func @transform_3(%arg0: i32) -> (i32, i32) {
    %c0_i32 = arith.constant 0 : i32
    %c0_i32_0 = arith.constant 0 : i32
    return %arg0, %c0_i32 : i32, i32
  }
  func.func @transform_4(%arg0: i32) -> (i32, i32) {
    %c0_i32 = arith.constant 0 : i32
    %c0_i32_0 = arith.constant 0 : i32
    %c0_i32_1 = arith.constant 0 : i32
    return %c0_i32, %c0_i32_0 : i32, i32
  }
  func.func @transform_5(%arg0: i32) -> (i32, i32, i32) {
    %c0_i32 = arith.constant 0 : i32
    %c0_i32_0 = arith.constant 0 : i32
    %c0_i32_1 = arith.constant 0 : i32
    return %c0_i32, %arg0, %c0_i32_0 : i32, i32, i32
  }
}

module attributes {stable_mosaic.version = 14 : i64} {
  func.func @_head_body(%arg0: i32, %arg1: memref<2x2000x64xf32, #tpu.memory_space<vmem>>, %arg2: memref<2000x64xf32, #tpu.memory_space<vmem>>, %arg3: memref<1x128xf32, #tpu.memory_space<vmem>>, %arg4: memref<2000x1xi32, #tpu.memory_space<vmem>>, %arg5: memref<64x16xf32, #tpu.memory_space<vmem>>, %arg6: memref<144x1024xf32, #tpu.memory_space<vmem>>, %arg7: memref<1x1024xf32, #tpu.memory_space<vmem>>, %arg8: memref<1024x1024xf32, #tpu.memory_space<vmem>>, %arg9: memref<1x1024xf32, #tpu.memory_space<vmem>>, %arg10: memref<1024x2xf32, #tpu.memory_space<vmem>>, %arg11: memref<1x2xf32, #tpu.memory_space<vmem>>, %arg12: memref<64x2xf32, #tpu.memory_space<vmem>>, %arg13: memref<64x128xf32, #tpu.memory_space<vmem>>) attributes {dimension_semantics = [#tpu.dimension_semantics<arbitrary>], iteration_bounds = array<i64: 5>, scalar_prefetch = 0 : i64, scratch_operands = 1 : i64, tpu.core_type = #tpu.core_type<tc>, window_params = [{transform_indices = @transform_0, window_bounds = array<i64: 2, 2000, 64>}, {transform_indices = @transform_1, window_bounds = array<i64: 2000, 64>}, {pipeline_mode = #tpu.pipeline_mode<synchronous>, transform_indices = @transform_2, window_bounds = array<i64: 1, 128>}, {transform_indices = @transform_3, window_bounds = array<i64: 2000, 1>}, {pipeline_mode = #tpu.pipeline_mode<synchronous>, transform_indices = @transform_4, window_bounds = array<i64: 64, 16>}, {pipeline_mode = #tpu.pipeline_mode<synchronous>, transform_indices = @transform_5, window_bounds = array<i64: 144, 1024>}, {pipeline_mode = #tpu.pipeline_mode<synchronous>, transform_indices = @transform_6, window_bounds = array<i64: 1, 1024>}, {pipeline_mode = #tpu.pipeline_mode<synchronous>, transform_indices = @transform_7, window_bounds = array<i64: 1024, 1024>}, {pipeline_mode = #tpu.pipeline_mode<synchronous>, transform_indices = @transform_8, window_bounds = array<i64: 1, 1024>}, {pipeline_mode = #tpu.pipeline_mode<synchronous>, transform_indices = @transform_9, window_bounds = array<i64: 1024, 2>}, {pipeline_mode = #tpu.pipeline_mode<synchronous>, transform_indices = @transform_10, window_bounds = array<i64: 1, 2>}, {pipeline_mode = #tpu.pipeline_mode<synchronous>, transform_indices = @transform_11, window_bounds = array<i64: 64, 2>}]} {
    %eq3A = arith.constant 0 : i32
    %eq3A_0 = arith.cmpi eq, %arg0, %eq3A : i32
    %convert_element_type3A = arith.extui %eq3A_0 : i1 to i32
    %cond3A = arith.constant 0 : i32
    %cond3A_1 = arith.cmpi ne, %convert_element_type3A, %cond3A : i32
    scf.if %cond3A_1 {
      %broadcast_in_dim3A = arith.constant 0.000000e+00 : f32
      %broadcast_in_dim3A_43 = vector.broadcast %broadcast_in_dim3A : f32 to vector<64x128xf32>
      %swap3A_44 = arith.constant 0 : index
      %swap3A_45 = arith.constant 0 : index
      %swap3A_46 = vector.load %arg13[%swap3A_44, %swap3A_45] : memref<64x128xf32, #tpu.memory_space<vmem>>, vector<64x128xf32>
      tpu.vector_store %arg13[%swap3A_44, %swap3A_45], %broadcast_in_dim3A_43 {strides = array<i32>} : memref<64x128xf32, #tpu.memory_space<vmem>>, vector<64x128xf32>,
    } else {
    }
    %get3A = arith.constant 0 : index
    %get3A_2 = arith.constant 0 : index
    %get3A_3 = vector.load %arg2[%get3A, %get3A_2] : memref<2000x64xf32, #tpu.memory_space<vmem>>, vector<2000x1xf32>
    %max3A = arith.constant 1.000000e+00 : f32
    %max3A_4 = vector.broadcast %max3A : f32 to vector<2000x1xf32>
    %max3A_5 = arith.maximumf %get3A_3, %max3A_4 : vector<2000x1xf32>
    %rsqrt3A = math.rsqrt %max3A_5 : vector<2000x1xf32>
    %get3A_6 = arith.constant 0 : index
    %get3A_7 = arith.constant 0 : index
    %get3A_8 = arith.constant 0 : index
    %get3A_9 = vector.load %arg1[%get3A_6, %get3A_7, %get3A_8] : memref<2x2000x64xf32, #tpu.memory_space<vmem>>, vector<1x2000x64xf32>
    %get3A_10 = vector.shape_cast %get3A_9 : vector<1x2000x64xf32> to vector<2000x64xf32>
    %get3A_11 = arith.constant 1 : index
    %get3A_12 = arith.constant 0 : index
    %get3A_13 = arith.constant 0 : index
    %get3A_14 = vector.load %arg1[%get3A_11, %get3A_12, %get3A_13] : memref<2x2000x64xf32, #tpu.memory_space<vmem>>, vector<1x2000x64xf32>
    %get3A_15 = vector.shape_cast %get3A_14 : vector<1x2000x64xf32> to vector<2000x64xf32>
    %concatenate3A = tpu.concatenate %get3A_10, %get3A_15 in 1 : vector<2000x64xf32>, vector<2000x64xf32> -> vector<2000x128xf32>
    %mul3A = vector.broadcast %rsqrt3A : vector<2000x1xf32> to vector<2000x128xf32>
    %mul3A_16 = arith.mulf %concatenate3A, %mul3A : vector<2000x128xf32>
    %get3A_17 = arith.constant 0 : index
    %get3A_18 = arith.constant 0 : index
    %get3A_19 = vector.load %arg3[%get3A_17, %get3A_18] : memref<1x128xf32, #tpu.memory_space<vmem>>, vector<1x128xf32>
    %add3A = vector.broadcast %get3A_19 : vector<1x128xf32> to vector<2000x128xf32>
    %add3A_20 = arith.addf %mul3A_16, %add3A : vector<2000x128xf32>
    %max3A_21 = arith.constant 0.000000e+00 : f32
    %max3A_22 = vector.broadcast %max3A_21 : f32 to vector<2000x128xf32>
    %max3A_23 = arith.maximumf %add3A_20, %max3A_22 : vector<2000x128xf32>
    %iota3A = tpu.iota {dimensions = array<i32: 1>} : vector<2000x64xi32>
    %get3A_24 = arith.constant 0 : index
    %get3A_25 = arith.constant 0 : index
    %get3A_26 = vector.load %arg4[%get3A_24, %get3A_25] : memref<2000x1xi32, #tpu.memory_space<vmem>>, vector<2000x1xi32>
    %eq3A_27 = vector.broadcast %get3A_26 : vector<2000x1xi32> to vector<2000x64xi32>
    %eq3A_28 = arith.cmpi eq, %eq3A_27, %iota3A : vector<2000x64xi32>
    %convert_element_type3A_29 = arith.extui %eq3A_28 : vector<2000x64xi1> to vector<2000x64xi32>
    %convert_element_type3A_30 = arith.sitofp %convert_element_type3A_29 : vector<2000x64xi32> to vector<2000x64xf32>
    %get3A_31 = arith.constant 0 : index
    %get3A_32 = arith.constant 0 : index
    %get3A_33 = vector.load %arg13[%get3A_31, %get3A_32] : memref<64x128xf32, #tpu.memory_space<vmem>>, vector<64x128xf32>
    %dot_general3A = arith.constant dense<0.000000e+00> : vector<64x128xf32>
    %dot_general3A_34 = tpu.matmul %convert_element_type3A_30, %max3A_23, %dot_general3A {dimension_numbers = #tpu.dot_dimension_numbers<[0], [0], [1], [1], [0, 1, 1, 1], [], []>, precision = #tpu.contract_precision<fp32>, transpose_lhs_hint = false} : vector<2000x64xf32>, vector<2000x128xf32>, vector<64x128xf32> -> vector<64x128xf32>
    %add3A_35 = arith.addf %get3A_33, %dot_general3A_34 : vector<64x128xf32>
    %swap3A = arith.constant 0 : index
    %swap3A_36 = arith.constant 0 : index
    %swap3A_37 = vector.load %arg13[%swap3A, %swap3A_36] : memref<64x128xf32, #tpu.memory_space<vmem>>, vector<64x128xf32>
    tpu.vector_store %arg13[%swap3A, %swap3A_36], %add3A_35 {strides = array<i32>} : memref<64x128xf32, #tpu.memory_space<vmem>>, vector<64x128xf32>,
    %eq3A_38 = arith.constant 4 : i32
    %eq3A_39 = arith.cmpi eq, %arg0, %eq3A_38 : i32
    %convert_element_type3A_40 = arith.extui %eq3A_39 : i1 to i32
    %cond3A_41 = arith.constant 0 : i32
    %cond3A_42 = arith.cmpi ne, %convert_element_type3A_40, %cond3A_41 : i32
    scf.if %cond3A_42 {
      %get3A_43 = arith.constant 0 : index
      %get3A_44 = arith.constant 0 : index
      %get3A_45 = vector.load %arg13[%get3A_43, %get3A_44] : memref<64x128xf32, #tpu.memory_space<vmem>>, vector<64x128xf32>
      %get3A_46 = arith.constant 0 : index
      %get3A_47 = arith.constant 0 : index
      %get3A_48 = vector.load %arg6[%get3A_46, %get3A_47] : memref<144x1024xf32, #tpu.memory_space<vmem>>, vector<128x1024xf32>
      %dot_general3A_49 = arith.constant dense<0.000000e+00> : vector<64x1024xf32>
      %dot_general3A_50 = tpu.matmul %get3A_45, %get3A_48, %dot_general3A_49 {dimension_numbers = #tpu.dot_dimension_numbers<[1], [0], [0], [1], [0, 0, 1, 1], [], []>, transpose_lhs_hint = false} : vector<64x128xf32>, vector<128x1024xf32>, vector<64x1024xf32> -> vector<64x1024xf32>
      %get3A_51 = arith.constant 0 : index
      %get3A_52 = arith.constant 0 : index
      %get3A_53 = vector.load %arg5[%get3A_51, %get3A_52] : memref<64x16xf32, #tpu.memory_space<vmem>>, vector<64x16xf32>
      %get3A_54 = arith.constant 128 : index
      %get3A_55 = arith.constant 0 : index
      %get3A_56 = vector.load %arg6[%get3A_54, %get3A_55] : memref<144x1024xf32, #tpu.memory_space<vmem>>, vector<16x1024xf32>
      %dot_general3A_57 = arith.constant dense<0.000000e+00> : vector<64x1024xf32>
      %dot_general3A_58 = tpu.matmul %get3A_53, %get3A_56, %dot_general3A_57 {dimension_numbers = #tpu.dot_dimension_numbers<[1], [0], [0], [1], [0, 0, 1, 1], [], []>, transpose_lhs_hint = false} : vector<64x16xf32>, vector<16x1024xf32>, vector<64x1024xf32> -> vector<64x1024xf32>
      %add3A_59 = arith.addf %dot_general3A_50, %dot_general3A_58 : vector<64x1024xf32>
      %get3A_60 = arith.constant 0 : index
      %get3A_61 = arith.constant 0 : index
      %get3A_62 = vector.load %arg7[%get3A_60, %get3A_61] : memref<1x1024xf32, #tpu.memory_space<vmem>>, vector<1x1024xf32>
      %add3A_63 = vector.broadcast %get3A_62 : vector<1x1024xf32> to vector<64x1024xf32>
      %add3A_64 = arith.addf %add3A_59, %add3A_63 : vector<64x1024xf32>
      %max3A_65 = arith.constant 0.000000e+00 : f32
      %max3A_66 = vector.broadcast %max3A_65 : f32 to vector<64x1024xf32>
      %max3A_67 = arith.maximumf %add3A_64, %max3A_66 : vector<64x1024xf32>
      %get3A_68 = arith.constant 0 : index
      %get3A_69 = arith.constant 0 : index
      %get3A_70 = vector.load %arg8[%get3A_68, %get3A_69] : memref<1024x1024xf32, #tpu.memory_space<vmem>>, vector<1024x1024xf32>
      %dot_general3A_71 = arith.constant dense<0.000000e+00> : vector<64x1024xf32>
      %dot_general3A_72 = tpu.matmul %max3A_67, %get3A_70, %dot_general3A_71 {dimension_numbers = #tpu.dot_dimension_numbers<[1], [0], [0], [1], [0, 0, 1, 1], [], []>, transpose_lhs_hint = false} : vector<64x1024xf32>, vector<1024x1024xf32>, vector<64x1024xf32> -> vector<64x1024xf32>
      %get3A_73 = arith.constant 0 : index
      %get3A_74 = arith.constant 0 : index
      %get3A_75 = vector.load %arg9[%get3A_73, %get3A_74] : memref<1x1024xf32, #tpu.memory_space<vmem>>, vector<1x1024xf32>
      %add3A_76 = vector.broadcast %get3A_75 : vector<1x1024xf32> to vector<64x1024xf32>
      %add3A_77 = arith.addf %dot_general3A_72, %add3A_76 : vector<64x1024xf32>
      %max3A_78 = arith.constant 0.000000e+00 : f32
      %max3A_79 = vector.broadcast %max3A_78 : f32 to vector<64x1024xf32>
      %max3A_80 = arith.maximumf %add3A_77, %max3A_79 : vector<64x1024xf32>
      %get3A_81 = arith.constant 0 : index
      %get3A_82 = arith.constant 0 : index
      %get3A_83 = vector.load %arg10[%get3A_81, %get3A_82] : memref<1024x2xf32, #tpu.memory_space<vmem>>, vector<1024x2xf32>
      %dot_general3A_84 = arith.constant dense<0.000000e+00> : vector<64x2xf32>
      %dot_general3A_85 = tpu.matmul %max3A_80, %get3A_83, %dot_general3A_84 {dimension_numbers = #tpu.dot_dimension_numbers<[1], [0], [0], [1], [0, 0, 1, 1], [], []>, transpose_lhs_hint = false} : vector<64x1024xf32>, vector<1024x2xf32>, vector<64x2xf32> -> vector<64x2xf32>
      %get3A_86 = arith.constant 0 : index
      %get3A_87 = arith.constant 0 : index
      %get3A_88 = vector.load %arg11[%get3A_86, %get3A_87] : memref<1x2xf32, #tpu.memory_space<vmem>>, vector<1x2xf32>
      %add3A_89 = vector.broadcast %get3A_88 : vector<1x2xf32> to vector<64x2xf32>
      %add3A_90 = arith.addf %dot_general3A_85, %add3A_89 : vector<64x2xf32>
      %swap3A_91 = arith.constant 0 : index
      %swap3A_92 = arith.constant 0 : index
      %swap3A_93 = vector.load %arg12[%swap3A_91, %swap3A_92] : memref<64x2xf32, #tpu.memory_space<vmem>>, vector<64x2xf32>
      tpu.vector_store %arg12[%swap3A_91, %swap3A_92], %add3A_90 {strides = array<i32>} : memref<64x2xf32, #tpu.memory_space<vmem>>, vector<64x2xf32>,
    } else {
    }
    return
  }
  func.func @transform_0(%arg0: i32) -> (i32, i32, i32) {
    %c0_i32 = arith.constant 0 : i32
    %c0_i32_0 = arith.constant 0 : i32
    %c0_i32_1 = arith.constant 0 : i32
    return %c0_i32, %arg0, %c0_i32_0 : i32, i32, i32
  }
  func.func @transform_1(%arg0: i32) -> (i32, i32) {
    %c0_i32 = arith.constant 0 : i32
    %c0_i32_0 = arith.constant 0 : i32
    return %arg0, %c0_i32 : i32, i32
  }
  func.func @transform_2(%arg0: i32) -> (i32, i32) {
    %c0_i32 = arith.constant 0 : i32
    %c0_i32_0 = arith.constant 0 : i32
    %c0_i32_1 = arith.constant 0 : i32
    return %c0_i32, %c0_i32_0 : i32, i32
  }
  func.func @transform_3(%arg0: i32) -> (i32, i32) {
    %c0_i32 = arith.constant 0 : i32
    %c0_i32_0 = arith.constant 0 : i32
    return %arg0, %c0_i32 : i32, i32
  }
  func.func @transform_4(%arg0: i32) -> (i32, i32) {
    %c0_i32 = arith.constant 0 : i32
    %c0_i32_0 = arith.constant 0 : i32
    %c0_i32_1 = arith.constant 0 : i32
    return %c0_i32, %c0_i32_0 : i32, i32
  }
  func.func @transform_5(%arg0: i32) -> (i32, i32) {
    %c0_i32 = arith.constant 0 : i32
    %c0_i32_0 = arith.constant 0 : i32
    %c0_i32_1 = arith.constant 0 : i32
    return %c0_i32, %c0_i32_0 : i32, i32
  }
  func.func @transform_6(%arg0: i32) -> (i32, i32) {
    %c0_i32 = arith.constant 0 : i32
    %c0_i32_0 = arith.constant 0 : i32
    %c0_i32_1 = arith.constant 0 : i32
    return %c0_i32, %c0_i32_0 : i32, i32
  }
  func.func @transform_7(%arg0: i32) -> (i32, i32) {
    %c0_i32 = arith.constant 0 : i32
    %c0_i32_0 = arith.constant 0 : i32
    %c0_i32_1 = arith.constant 0 : i32
    return %c0_i32, %c0_i32_0 : i32, i32
  }
  func.func @transform_8(%arg0: i32) -> (i32, i32) {
    %c0_i32 = arith.constant 0 : i32
    %c0_i32_0 = arith.constant 0 : i32
    %c0_i32_1 = arith.constant 0 : i32
    return %c0_i32, %c0_i32_0 : i32, i32
  }
  func.func @transform_9(%arg0: i32) -> (i32, i32) {
    %c0_i32 = arith.constant 0 : i32
    %c0_i32_0 = arith.constant 0 : i32
    %c0_i32_1 = arith.constant 0 : i32
    return %c0_i32, %c0_i32_0 : i32, i32
  }
  func.func @transform_10(%arg0: i32) -> (i32, i32) {
    %c0_i32 = arith.constant 0 : i32
    %c0_i32_0 = arith.constant 0 : i32
    %c0_i32_1 = arith.constant 0 : i32
    return %c0_i32, %c0_i32_0 : i32, i32
  }
  func.func @transform_11(%arg0: i32) -> (i32, i32) {
    %c0_i32 = arith.constant 0 : i32
    %c0_i32_0 = arith.constant 0 : i32
    %c0_i32_1 = arith.constant 0 : i32
    return %c0_i32, %c0_i32_0 : i32, i32
  }
}

</mosaic_0001>

<sc_bundles>
// kernel: kernel.10.cloned.1.call-start
scs
__scs_entry_jumppad:
0x0: {  	(pc) =	sbr.rel $0x88, $3  }
0x1: {  	(tag) =	ssettag $0x0;
	lr =	simm.s32 $0x1  }
0x2: {  	[smem:$0x3F91] =	sst lr;
	_ =	strace $0xD0000000  }
0x3: {  	_ = 	snop  }
0x4: {  	_ = 	snop  }
0x5: {  	_ = 	snop  }
0x6: {  	_ = 	snop  }
0x7: {  	_ = 	snop  }
__scs_overlays_trampoline_lowered:
0x8: {  	[smem:$0x3FA0] =	sst s0  }
0x9: {  	[smem:$0x3FA1] =	sst s1  }
0xa: {  	[smem:$0x3FA2] =	sst s2  }
0xb: {  	[smem:$0x3FA3] =	sst s3  }
0xc: {  	[smem:$0x3FA4] =	sst s4  }
0xd: {  	[smem:$0x3FA5] =	sst s5  }
0xe: {  	[smem:$0x3FA6] =	sst s6  }
0xf: {  	[smem:$0x3FA7] =	sst s7  }
0x10: {  	[smem:$0x3FA8] =	sst s8  }
0x11: {  	[smem:$0x3FA9] =	sst s9;
	s0 =	simm.s32 @!p0 $0x0  }
0x12: {  	s1 =	sld [smem:$0x3F8F];
	s0 =	simm.s32 @p0 $0x1  }
0x13: {  	[smem:$0x3FAA] =	sst s0;
	s0 =	simm.s32 @!p1 $0x0  }
0x14: {  	s2 =	sld [smem:$0x3F8E];
	s0 =	simm.s32 @p1 $0x1  }
0x15: {  	[smem:$0x3FAB] =	sst s0;
	s0 =	simm.s32 @!p2 $0x0  }
0x16: {  	s3 =	sld [smem:$0x3FDB];
	s0 =	simm.s32 @p2 $0x1  }
0x17: {  	s4 =	simm.s32 $0x1BF5;
	[smem:$0x3FAD] =	sst s0  }
0x18: {  	s0 =	sld [smem:$0x3F90];
	_ =	swait.ge [sflag:s4], $0x0  }
0x19: {  	s7 =	sld [smem:$0x3F91]  }
0x1a: {  	s8 =	sadd.s32 $0xFFFFE003, lr  }
0x1b: {  	s9 =	sadd.s32 $0xFFFFFEF7, lr;
	s5 =	simm.s32 $0xFFFFFFFF;
	p2 =	slt.u32 s8, $0xFFFFF086  }
0x1c: {  	p1 =	slt.u32 s9, $0xF7A;
	s5 =	simm.s32 @!p2 $0x0  }
0x1d: {  	s5 =	simm.s32 @p1 $0x1;
	p0 =	seq.s32 s7, s2  }
0x1e: {  	s7 =	smul.u32 @!p0 $0xF7A, s2;
	p2 =	seq.s32 @!p0 s5, $0x0  }
0x1f: {  	s9 =	smul.u32 $0xF7A, s1;
	s8 =	simm.s32 @!p0 $0x1BF5;
	p2 =	por !p2, p0  }
0x20: {  	[sflag:s8] =	ssyncset.s32 @!p0 $0xFFFFF086;
	s6 =	sadd.s32 @!p0 s3, s7;
	s7 =	simm.s32 @!p0 $0x108  }
0x21: {  	s3 =	sadd.s32 s3, s9;
	s6 =	sadd.s32 @!p0 $0x88, s6;
	s7 =	simm.s32 @p2 $0x1082  }
0x22: {  	[simem:s7], [sflag:s8] =	dma.local @!p0 [hbm:s6], $0xF7A  }
0x23: {  	s9 =	sor.u32 $0xD0000000, s2;
	s6 =	simm.s32 $0x108;
	_ =	swait.ge @!p0 [sflag:s8], $0x0  }
0x24: {  	s3 =	sadd.s32 $0x88, s3;
	s6 =	simm.s32 @!p1 $0x1082;
	[sflag:s4] =	ssyncset.s32 $0xFFFFF086  }
0x25: {  	[simem:s6], [sflag:s4] =	dma.local [hbm:s3], $0xF7A  }
0x26: {  	[smem:$0x3F91] =	sst s1;
	(tag) =	ssettag s2;
	_ =	strace s9  }
0x27: {  	s1 =	sld [smem:$0x3FA1]  }
0x28: {  	s2 =	sld [smem:$0x3FA2]  }
0x29: {  	s4 =	sld [smem:$0x3FA4]  }
0x2a: {  	p0 =	seq.s32 s5, $0x0;
	s5 =	sld [smem:$0x3FA5]  }
0x2b: {  	s6 =	sld [smem:$0x3FA6]  }
0x2c: {  	s7 =	sld [smem:$0x3FA7]  }
0x2d: {  	s3 =	simm.s32 $0x108;
	s8 =	sld [smem:$0x3FA8]  }
0x2e: {  	s3 =	simm.s32 @!p0 $0x1082;
	s9 =	sld [smem:$0x3FA9]  }
0x2f: {  	lr =	sadd.s32 s0, s3;
	s0 =	sld [smem:$0x3FA0]  }
0x30: {  	s3 =	sld [smem:$0x3FA3]  }
0x31: {  	[smem:$0x3FAC] =	sst s10  }
0x32: {  	s10 =	sld [smem:$0x3FAA];
	_ =	sdelay $0x3  }
0x33: {  	p0 =	seq.s32 s10, $0x1;
	s10 =	sld [smem:$0x3FAC];
	_ =	sdelay $0x3  }
0x34: {  	[smem:$0x3FAC] =	sst s10  }
0x35: {  	s10 =	sld [smem:$0x3FAB];
	_ =	sdelay $0x3  }
0x36: {  	p1 =	seq.s32 s10, $0x1;
	s10 =	sld [smem:$0x3FAC];
	_ =	sdelay $0x3  }
0x37: {  	[smem:$0x3FAC] =	sst s10  }
0x38: {  	s10 =	sld [smem:$0x3FAD]  }
0x39: {  	_ = 	snop;
	(pc) =	sbr.ind lr, $3  }
0x3a: {  	_ = 	snop  }
0x3b: {  	_ = 	snop  }
0x3c: {  	p2 =	seq.s32 s10, $0x1;
	s10 =	sld [smem:$0x3FAC]  }
0x3d: {  	_ =	shalt  }
0x3e: {  	_ =	shalt  }
0x3f: {  	_ =	shalt  }
0x40: {  	_ =	shalt  }
0x41: {  	_ =	shalt  }
0x42: {  	_ =	shalt  }
0x43: {  	_ =	shalt  }
0x44: {  	_ =	shalt  }
0x45: {  	_ =	shalt  }
0x46: {  	_ =	shalt  }
0x47: {  	_ =	shalt  }
0x48: {  	_ =	shalt  }
0x49: {  	_ =	shalt  }
0x4a: {  	_ =	shalt  }
0x4b: {  	_ =	shalt  }
0x4c: {  	_ =	shalt  }
0x4d: {  	_ =	shalt  }
0x4e: {  	_ =	shalt  }
0x4f: {  	_ =	shalt  }
0x50: {  	_ =	shalt  }
0x51: {  	_ =	shalt  }
0x52: {  	_ =	shalt  }
0x53: {  	_ =	shalt  }
0x54: {  	_ =	shalt  }
0x55: {  	_ =	shalt  }
0x56: {  	_ =	shalt  }
0x57: {  	_ =	shalt  }
0x58: {  	_ =	shalt  }
0x59: {  	_ =	shalt  }
0x5a: {  	_ =	shalt  }
0x5b: {  	_ =	shalt  }
0x5c: {  	_ =	shalt  }
0x5d: {  	_ =	shalt  }
0x5e: {  	_ =	shalt  }
0x5f: {  	_ =	shalt  }
0x60: {  	_ =	shalt  }
0x61: {  	_ =	shalt  }
0x62: {  	_ =	shalt  }
0x63: {  	_ =	shalt  }
0x64: {  	_ =	shalt  }
0x65: {  	_ =	shalt  }
0x66: {  	_ =	shalt  }
0x67: {  	_ =	shalt  }
0x68: {  	_ =	shalt  }
0x69: {  	_ =	shalt  }
0x6a: {  	_ =	shalt  }
0x6b: {  	_ =	shalt  }
0x6c: {  	_ =	shalt  }
0x6d: {  	_ =	shalt  }
0x6e: {  	_ =	shalt  }
0x6f: {  	_ =	shalt  }
0x70: {  	_ =	shalt  }
0x71: {  	_ =	shalt  }
0x72: {  	_ =	shalt  }
0x73: {  	_ =	shalt  }
0x74: {  	_ =	shalt  }
0x75: {  	_ =	shalt  }
0x76: {  	_ =	shalt  }
0x77: {  	_ =	shalt  }
0x78: {  	_ =	shalt  }
0x79: {  	_ =	shalt  }
0x7a: {  	_ =	shalt  }
0x7b: {  	_ =	shalt  }
0x7c: {  	_ =	shalt  }
0x7d: {  	_ =	shalt  }
0x7e: {  	_ =	shalt  }
0x7f: {  	_ =	shalt  }
0x80: {  	_ =	shalt  }
0x81: {  	_ =	shalt  }
0x82: {  	_ =	shalt  }
0x83: {  	_ =	shalt  }
0x84: {  	_ =	shalt  }
0x85: {  	_ =	shalt  }
0x86: {  	_ =	shalt  }
0x87: {  	_ =	shalt  }
.Lfunc_end0:
.L_simem_size_0:
called_computation_lowered:
.L_overlay_start_0:
0x88: {  	s2 =	sld [smem:$0x3FD9]  }
0x89: {  	s3 =	sld [smem:$0x3FFE];
	_ =	sdelay $0x1  }
0x8a: {  	s1 =	srdreg.scid  }
0x8b: {  	s0 =	sand.u32 $0x1, s1  }
0x8c: {  	s16 =	sshll.u32 s0, $0xA;
	s2 =	sadd.s32 s3, s2  }
0x8d: {  	s2 =	sadd.s32 s2, s16  }
0x8e: {  	[smem:$0x3FB8] =	sst s2  }
0x8f: {  	_ = 	snop  }
0x90: {  	(tm) =	ssettm $0x1  }
0x91: {  	s17 =	sld [smem:$0x3FFB];
	_ =	sdelay $0x3  }
0x92: {  	_ =	strace s17  }
0x93: {  	s2 =	sld [smem:$0x3FFC];
	_ =	sdelay $0x3  }
0x94: {  	_ =	strace s2  }
0x95: {  	s2 =	sld [smem:$0x3FFD];
	_ =	sdelay $0x3  }
0x96: {  	_ =	strace s2  }
0x97: {  	_ =	strace $0x8FFFFFFF  }
0x98: {  	s18 =	sld [smem:$0x3FDB];
	_ =	sdelay $0x1  }
0x99: {  	s19 =	simm.s32 $_scs_section_size  }
0x9a: {  	s4 =	simm.s32 $_size__tile_overlayer_lowered;
	s5 =	simm.s32 $_tile_overlayer_lowered  }
0x9b: {  	s22 =	simm.s32 $0x1BFF;
	s21 =	sshll.u32 s5, $0x1;
	s2 =	sadd.s32 s19, s18  }
0x9c: {  	s6 =	simm.s32 $0x0;
	s20 =	sshll.u32 s4, $0x1;
	s4 =	sadd.s32 s21, s2  }
0x9d: {  	[timem:s6], [sflag:s22] =	dma.local [hbm:s4], s20  }
0x9e: {  	_ =	swait.ge [sflag:s22], s20  }
0x9f: {  	s3 =	ssub.s32 $0x0, s20;
	[sflag:s22] =	ssyncset.done $0x0  }
0xa0: {  	[sflag:s22] =	ssyncadd.s32 s3;
	_ =	sdelay $0x1  }
0xa1: {  	s23 =	simm.s32 $0x1B8B  }
0xa2: {  	_ =	swait.ge [sflag:s23], $0x1  }
0xa3: {  	[sflag:s23] =	ssyncset.done $0x0  }
0xa4: {  	s25 =	simm.s32 $0x1B8E;
	s24 =	sld [smem:$0x3FFE];
	[sflag:s23] =	ssyncadd.s32 $0xFFFFFFFF  }
0xa5: {  	s26 =	simm.s32 $execute0_lowered;
	[smem:$0x3FD2] =	sst s25  }
0xa6: {  	s4 =	sshll.u32 s26, $0x1;
	_ =	strace $0x80000046;
	[dreg:$0x1] =	wrdreg $0xFFFFFFFF  }
0xa7: {  	s28 =	simm.s32 $_size_execute0_lowered;
	s2 =	sadd.s32 s2, s4;
	[dreg:$0x0] =	wrdreg $0x0  }
0xa8: {  	s4 =	sshll.u32 s28, $0x1;
	[dreg:$0x2] =	wrdreg s2  }
0xa9: {  	[dreg:$0x3] =	wrdreg s4  }
0xaa: {  	[dreg:$0x4] =	wrdreg $0xC0  }
0xab: {  	_ =	task [dreg:s6], $0x5FFFF  }
0xac: {  	[dreg:$0x1] =	wrdreg $0xFFFFFFFF  }
0xad: {  	[dreg:$0x0] =	wrdreg $0x60  }
0xae: {  	[dreg:$0x2] =	wrdreg s24  }
0xaf: {  	[dreg:$0x3] =	wrdreg $0x70000  }
0xb0: {  	[dreg:$0x4] =	wrdreg $0x9  }
0xb1: {  	_ =	task.clear_ibuf [dreg:s6], $0x5FFFF;
	_ =	strace $0x90000046  }
0xb2: {  	s29 =	simm.s32 $0x9;
	_ =	strace $0x80000048  }
0xb3: {  	_ =	swait.ge [sflag:s29], $0x1  }
0xb4: {  	[sflag:s29] =	ssyncadd.s32 $0xFFFFFFFF  }
0xb5: {  	_ =	strace $0x90000048  }
0xb6: {  	_ =	sfence  }
0xb7: {  	s30 =	sld [smem:$0x0];
	_ =	sdelay $0x2  }
0xb8: {  	s31 =	sshll.u32 s1, $0xD;
	s1 =	sshrl.u32 s1, $0x2  }
0xb9: {  	s3 =	sand.u32 $0x4000, s31;
	s1 =	sadd.s32 s1, s30  }
0xba: {  	s0 =	sor.u32 s3, s0;
	s1 =	sshll.u32 s1, $0x11  }
0xbb: {  	s0 =	sor.u32 s1, s0  }
0xbc: {  	s0 =	sadd.s32 $0x8F2B, s0  }
0xbd: {  	[sflag:s0] =	ssyncadd.remote.s32 $0x1  }
0xbe: {  	_ =	sfence.sel $0xFFFF  }
0xbf: {  	[dreg:$0x0] =	wrdreg $0xFFFFFFFF;
	(pc) =	sbr.abs _section_cstart, $3  }
0xc0: {  	[dreg:$0x1] =	wrdreg $0xFFFFFFFF  }
0xc1: {  	_ =	task.clear_ibuf [dreg:s6], $0x2FFFF;
	_ =	strace $0x9FFFFFFF  }
0xc2: {  	(tm) =	ssettm $0x7FFFFFFF  }
0xc3: {  	_ =	shalt  }
tec
execute0_lowered:
.L_overlay_start_1:
0x0: {  	(tag) =	ssettag $0x1  }
0x1: {  	s6 =	rddreg [dreg:$0x0]  }
0x2: {  	s2 =	rddreg [dreg:$0x1]  }
0x3: {  	s0 =	srdreg.scid;
	s1 =	rddreg [dreg:$0x2];
	s3 =	simm.s32 $0x0  }
0x4: {  	s16 =	simm.s32 $0x80;
	s5 =	sand.u32 $0x1, s0;
	s0 =	stileid.u32  }
0x5: {  	s17 =	simm.s32 $0x0;
	[smem:$0x7FF] =	sst s3;
	s4 =	smul.u32 $0x50000, s5  }
0x6: {  	s12 =	sadd.s32 $0x3F000, s6;
	s13 =	sadd.s32 $0x94200, s2;
	s7 =	smul.u32 $0x5000, s0  }
0x7: {  	s26 =	smul.u32 $0x9E00, s0;
	_ =	strace $0x80000047;
	s9 =	ssub.s32 $0x2, s5  }
0x8: {  	s29 =	smul.u32 $0x9C400, s5;
	p0 =	seq.s32 s0, $0xF;
	s11 =	sshrl.u32 s9, $0x1  }
0x9: {  	s14 =	sshll.u32 @!p0 s0, $0x6;
	s13 =	sshrl.u32 @p0 s13, $0x3;
	s4 =	sadd.s32 s7, s4  }
0xa: {  	s28 =	sshrl.u32 s26, $0x3;
	s11 =	ssub.s32 s9, s11;
	s15 =	sadd.s32 s26, s2  }
0xb: {  	s30 =	sadd.s32 s26, s29;
	s9 =	sshrl.u32 s29, $0x3;
	s14 =	sor.u32 @!p0 $0x1C01, s14  }
0xc: {  	s4 =	sshrl.u32 s4, $0x3;
	s10 =	sadd.s32 s28, s6;
	s31 =	sshrl.u32 s30, $0x3  }
0xd: {  	s9 =	sadd.s32 s12, s9;
	s15 =	sshrl.u32 @!p0 s15, $0x3;
	s8 =	sadd.s32 s4, s6  }
0xe: {  	s4 =	sadd.s32 $0x3EC00, s6;
	s5 =	sadd.s32 $0x2B200, s10;
	s6 =	sadd.s32 $0x3DA40, s6  }
0xf: {  	s9 =	sadd.s32 $0x12840, s9;
	s10 =	smax.u32 s11, $0x1;
	s11 =	simm.s32 $0x5000  }
0x10: {  	s7 =	sadd.s32 $0x17200, s8;
	s8 =	sadd.s32 s12, s31;
	s12 =	simm.s32 $0x1  }
.LBB2_1:
0x11: {  	[tilespmem:s11], [sflag:$0x1] =	stream.linear.gather [hbm4b:s4+s3], $0x2000, $0x38;
	[tilespmem:$0x11440] =	vst v63  }
0x12: {  	_ =	swait.ge [sflag:s12], $0x2000  }
0x13: {  	[sflag:s12] =	ssyncset.done $0x0  }
0x14: {  	s18 =	simm.s32 @p0 $0x1FC1;
	[sflag:s12] =	ssyncadd.s32 $0xFFFFE000  }
0x15: {  	[spmem:s13], [sflag:s18] =	dma.local @p0 [hbm:s6], $0x1040  }
0x16: {  	s18 =	simm.s32 @p0 $0x1  }
0x17: {  	_ =	swait.ge @p0 [sflag:s18], $0x1040  }
0x18: {  	[sflag:s18] =	ssyncset.done @p0 $0x0  }
0x19: {  	[sflag:s18] =	ssyncadd.s32 @p0 $0xFFFFEFC0;
	s18 =	simm.s32 @!p0 $0x1  }
0x1a: {  	[spmem:s15], [sflag:s14] =	dma.local @!p0 [hbm:s5], $0x13C0  }
0x1b: {  	_ =	swait.ge @!p0 [sflag:s18], $0x13C0  }
0x1c: {  	[sflag:s18] =	ssyncset.done @!p0 $0x0  }
0x1d: {  	[sflag:s18] =	ssyncadd.s32 @!p0 $0xFFFFEC40  }
0x1e: {  	[bflag:$0x0] =	sbarrier.arrive $0xFFFF  }
0x1f: {  	[tilespmem:s3], [sflag:$0x1] =	stream.linear.gather [hbm4b:s7+s3], $0x5000, $0x38;
	[tilespmem:$0x11440] =	vst v63  }
0x20: {  	_ =	swait.ge [sflag:s12], $0x5000  }
0x21: {  	[sflag:s12] =	ssyncset.done $0x0  }
0x22: {  	s31 =	simm.s32 $0x0;
	[sflag:s12] =	ssyncadd.s32 $0xFFFFB000  }
0x23: {  	[spmem:s2] =	stream.indirect.scatter.add.f32 [tilespmem:s11], [sflag:$0x1], $0x40, s31, s16, $0xb8;
	[tilespmem:$0x11440] =	vst v63  }
0x24: {  	_ =	swait.ge [sflag:s12], $0x2000  }
0x25: {  	s18 =	simm.s32 $0x200;
	[sflag:s12] =	ssyncset.done $0x0  }
.LBB2_2:
0x26: {  	s19 =	sshra.s32 s18, $0x2;
	[sflag:s12] =	ssyncadd.s32 $0xFFFFE000;
	p1 =	sne.s32 s18, $0x13E00  }
0x27: {  	[spmem:s2] =	stream.indirect.scatter.add.f32 [tilespmem:s11], [sflag:$0x1], $0x40, s19, s16, $0xb8;
	[tilespmem:$0x11440] =	vst v63  }
.Ltmp0:
0x28: {  	_ = 	snop;
	(pc) =	sbr.rel @p1 .LBB2_2-.Ltmp0, $4  }
0x29: {  	_ = 	snop  }
0x2a: {  	s18 =	sadd.s32 $0x200, s18  }
0x2b: {  	_ =	swait.ge [sflag:s12], $0x2000  }
0x2c: {  	[sflag:s12] =	ssyncset.done $0x0  }
0x2d: {  	[sflag:s12] =	ssyncadd.s32 $0xFFFFE000  }
0x2e: {  	s18 =	simm.s32 @p0 $0x1FC1;
	[bflag:$0x0] =	sbarrier.arrive $0xFFFF  }
0x2f: {  	[hbm:s9], [sflag:s18] =	dma.local @p0 [spmem:s13], $0x1040  }
0x30: {  	s18 =	simm.s32 @p0 $0x1  }
0x31: {  	s17 =	sadd.s32 $0x1, s17;
	_ =	swait.ge @p0 [sflag:s18], $0x1040  }
0x32: {  	p1 =	sne.s32 s17, s10;
	[sflag:s18] =	ssyncset.done @p0 $0x0  }
.Ltmp1:
0x33: {  	[sflag:s18] =	ssyncadd.s32 @p0 $0xFFFFEFC0;
	s18 =	simm.s32 @!p0 $0x1;
	(pc) =	sbr.rel @p1 .LBB2_1-.Ltmp1, $4  }
0x34: {  	[hbm:s8], [sflag:s14] =	dma.local @!p0 [spmem:s15], $0x13C0  }
0x35: {  	_ =	swait.ge @!p0 [sflag:s18], $0x13C0  }
0x36: {  	[sflag:s18] =	ssyncset.done @!p0 $0x0  }
0x37: {  	[sflag:s18] =	ssyncadd.s32 @!p0 $0xFFFFEC40  }
0x38: {  	_ =	sfence.sel $0x180000  }
0x39: {  	[bflag:$0x0] =	sbarrier.arrive $0xFFFF  }
0x3a: {  	p0 =	sne.s32 s0, $0x0;
	_ =	strace $0x90000047  }
0x3b: {  	s0 =	sadd.s32 @!p0 $0x100000, s1;
	[bflag:$0x2] =	sbarrier.arrive $0xFFFF  }
0x3c: {  	[sflag:s0] =	ssyncadd.tile.s32 @!p0 $0x1;
	_ =	shalt  }
.Lfunc_end2:
_tile_overlayer_lowered:
.L_overlay_start_2:
0x3d: {  	(tag) =	ssettag $0x2  }
0x3e: {  	s0 =	rddreg [dreg:$0x0];
	s2 =	stileid.u32  }
0x3f: {  	s1 =	rddreg [dreg:$0x1];
	p0 =	sne.s32 s2, $0x0  }
0x40: {  	s3 =	rddreg [dreg:$0x2];
	[bflag:$0x3] =	sbarrier.arrive $0xFFFF;
	s2 =	simm.s32 @!p0 $0x1C01  }
0x41: {  	[timem:s3], [sflag:s2] =	dma.local @!p0 [hbm:s0], s1  }
0x42: {  	s0 =	simm.s32 @!p0 $0x1  }
0x43: {  	_ =	swait.ge @!p0 [sflag:s0], s1  }
0x44: {  	s1 =	ssub.s32 @!p0 $0x0, s1;
	[sflag:s0] =	ssyncset.done @!p0 $0x0  }
0x45: {  	[sflag:s0] =	ssyncadd.s32 @!p0 s1  }
0x46: {  	[bflag:$0x3] =	sbarrier.arrive $0xFFFF  }
0x47: {  	_ =	shalt  }

// kernel: kernel.13.cloned.1.call-start
scs
__scs_entry_jumppad:
0x0: {  	(pc) =	sbr.rel $0x88, $3  }
0x1: {  	(tag) =	ssettag $0x0;
	lr =	simm.s32 $0x1  }
0x2: {  	[smem:$0x3F91] =	sst lr;
	_ =	strace $0xD0000000  }
0x3: {  	_ = 	snop  }
0x4: {  	_ = 	snop  }
0x5: {  	_ = 	snop  }
0x6: {  	_ = 	snop  }
0x7: {  	_ = 	snop  }
__scs_overlays_trampoline_lowered:
0x8: {  	[smem:$0x3FA0] =	sst s0  }
0x9: {  	[smem:$0x3FA1] =	sst s1  }
0xa: {  	[smem:$0x3FA2] =	sst s2  }
0xb: {  	[smem:$0x3FA3] =	sst s3  }
0xc: {  	[smem:$0x3FA4] =	sst s4  }
0xd: {  	[smem:$0x3FA5] =	sst s5  }
0xe: {  	[smem:$0x3FA6] =	sst s6  }
0xf: {  	[smem:$0x3FA7] =	sst s7  }
0x10: {  	[smem:$0x3FA8] =	sst s8  }
0x11: {  	[smem:$0x3FA9] =	sst s9;
	s0 =	simm.s32 @!p0 $0x0  }
0x12: {  	s1 =	sld [smem:$0x3F8F];
	s0 =	simm.s32 @p0 $0x1  }
0x13: {  	[smem:$0x3FAA] =	sst s0;
	s0 =	simm.s32 @!p1 $0x0  }
0x14: {  	s2 =	sld [smem:$0x3F8E];
	s0 =	simm.s32 @p1 $0x1  }
0x15: {  	[smem:$0x3FAB] =	sst s0;
	s0 =	simm.s32 @!p2 $0x0  }
0x16: {  	s3 =	sld [smem:$0x3FDB];
	s0 =	simm.s32 @p2 $0x1  }
0x17: {  	s4 =	simm.s32 $0x1BF5;
	[smem:$0x3FAD] =	sst s0  }
0x18: {  	s0 =	sld [smem:$0x3F90];
	_ =	swait.ge [sflag:s4], $0x0  }
0x19: {  	s7 =	sld [smem:$0x3F91]  }
0x1a: {  	s8 =	sadd.s32 $0xFFFFE003, lr  }
0x1b: {  	s9 =	sadd.s32 $0xFFFFFEF7, lr;
	s5 =	simm.s32 $0xFFFFFFFF;
	p2 =	slt.u32 s8, $0xFFFFF086  }
0x1c: {  	p1 =	slt.u32 s9, $0xF7A;
	s5 =	simm.s32 @!p2 $0x0  }
0x1d: {  	s5 =	simm.s32 @p1 $0x1;
	p0 =	seq.s32 s7, s2  }
0x1e: {  	s7 =	smul.u32 @!p0 $0xF7A, s2;
	p2 =	seq.s32 @!p0 s5, $0x0  }
0x1f: {  	s9 =	smul.u32 $0xF7A, s1;
	s8 =	simm.s32 @!p0 $0x1BF5;
	p2 =	por !p2, p0  }
0x20: {  	[sflag:s8] =	ssyncset.s32 @!p0 $0xFFFFF086;
	s6 =	sadd.s32 @!p0 s3, s7;
	s7 =	simm.s32 @!p0 $0x108  }
0x21: {  	s3 =	sadd.s32 s3, s9;
	s6 =	sadd.s32 @!p0 $0x88, s6;
	s7 =	simm.s32 @p2 $0x1082  }
0x22: {  	[simem:s7], [sflag:s8] =	dma.local @!p0 [hbm:s6], $0xF7A  }
0x23: {  	s9 =	sor.u32 $0xD0000000, s2;
	s6 =	simm.s32 $0x108;
	_ =	swait.ge @!p0 [sflag:s8], $0x0  }
0x24: {  	s3 =	sadd.s32 $0x88, s3;
	s6 =	simm.s32 @!p1 $0x1082;
	[sflag:s4] =	ssyncset.s32 $0xFFFFF086  }
0x25: {  	[simem:s6], [sflag:s4] =	dma.local [hbm:s3], $0xF7A  }
0x26: {  	[smem:$0x3F91] =	sst s1;
	(tag) =	ssettag s2;
	_ =	strace s9  }
0x27: {  	s1 =	sld [smem:$0x3FA1]  }
0x28: {  	s2 =	sld [smem:$0x3FA2]  }
0x29: {  	s4 =	sld [smem:$0x3FA4]  }
0x2a: {  	p0 =	seq.s32 s5, $0x0;
	s5 =	sld [smem:$0x3FA5]  }
0x2b: {  	s6 =	sld [smem:$0x3FA6]  }
0x2c: {  	s7 =	sld [smem:$0x3FA7]  }
0x2d: {  	s3 =	simm.s32 $0x108;
	s8 =	sld [smem:$0x3FA8]  }
0x2e: {  	s3 =	simm.s32 @!p0 $0x1082;
	s9 =	sld [smem:$0x3FA9]  }
0x2f: {  	lr =	sadd.s32 s0, s3;
	s0 =	sld [smem:$0x3FA0]  }
0x30: {  	s3 =	sld [smem:$0x3FA3]  }
0x31: {  	[smem:$0x3FAC] =	sst s10  }
0x32: {  	s10 =	sld [smem:$0x3FAA];
	_ =	sdelay $0x3  }
0x33: {  	p0 =	seq.s32 s10, $0x1;
	s10 =	sld [smem:$0x3FAC];
	_ =	sdelay $0x3  }
0x34: {  	[smem:$0x3FAC] =	sst s10  }
0x35: {  	s10 =	sld [smem:$0x3FAB];
	_ =	sdelay $0x3  }
0x36: {  	p1 =	seq.s32 s10, $0x1;
	s10 =	sld [smem:$0x3FAC];
	_ =	sdelay $0x3  }
0x37: {  	[smem:$0x3FAC] =	sst s10  }
0x38: {  	s10 =	sld [smem:$0x3FAD]  }
0x39: {  	_ = 	snop;
	(pc) =	sbr.ind lr, $3  }
0x3a: {  	_ = 	snop  }
0x3b: {  	_ = 	snop  }
0x3c: {  	p2 =	seq.s32 s10, $0x1;
	s10 =	sld [smem:$0x3FAC]  }
0x3d: {  	_ =	shalt  }
0x3e: {  	_ =	shalt  }
0x3f: {  	_ =	shalt  }
0x40: {  	_ =	shalt  }
0x41: {  	_ =	shalt  }
0x42: {  	_ =	shalt  }
0x43: {  	_ =	shalt  }
0x44: {  	_ =	shalt  }
0x45: {  	_ =	shalt  }
0x46: {  	_ =	shalt  }
0x47: {  	_ =	shalt  }
0x48: {  	_ =	shalt  }
0x49: {  	_ =	shalt  }
0x4a: {  	_ =	shalt  }
0x4b: {  	_ =	shalt  }
0x4c: {  	_ =	shalt  }
0x4d: {  	_ =	shalt  }
0x4e: {  	_ =	shalt  }
0x4f: {  	_ =	shalt  }
0x50: {  	_ =	shalt  }
0x51: {  	_ =	shalt  }
0x52: {  	_ =	shalt  }
0x53: {  	_ =	shalt  }
0x54: {  	_ =	shalt  }
0x55: {  	_ =	shalt  }
0x56: {  	_ =	shalt  }
0x57: {  	_ =	shalt  }
0x58: {  	_ =	shalt  }
0x59: {  	_ =	shalt  }
0x5a: {  	_ =	shalt  }
0x5b: {  	_ =	shalt  }
0x5c: {  	_ =	shalt  }
0x5d: {  	_ =	shalt  }
0x5e: {  	_ =	shalt  }
0x5f: {  	_ =	shalt  }
0x60: {  	_ =	shalt  }
0x61: {  	_ =	shalt  }
0x62: {  	_ =	shalt  }
0x63: {  	_ =	shalt  }
0x64: {  	_ =	shalt  }
0x65: {  	_ =	shalt  }
0x66: {  	_ =	shalt  }
0x67: {  	_ =	shalt  }
0x68: {  	_ =	shalt  }
0x69: {  	_ =	shalt  }
0x6a: {  	_ =	shalt  }
0x6b: {  	_ =	shalt  }
0x6c: {  	_ =	shalt  }
0x6d: {  	_ =	shalt  }
0x6e: {  	_ =	shalt  }
0x6f: {  	_ =	shalt  }
0x70: {  	_ =	shalt  }
0x71: {  	_ =	shalt  }
0x72: {  	_ =	shalt  }
0x73: {  	_ =	shalt  }
0x74: {  	_ =	shalt  }
0x75: {  	_ =	shalt  }
0x76: {  	_ =	shalt  }
0x77: {  	_ =	shalt  }
0x78: {  	_ =	shalt  }
0x79: {  	_ =	shalt  }
0x7a: {  	_ =	shalt  }
0x7b: {  	_ =	shalt  }
0x7c: {  	_ =	shalt  }
0x7d: {  	_ =	shalt  }
0x7e: {  	_ =	shalt  }
0x7f: {  	_ =	shalt  }
0x80: {  	_ =	shalt  }
0x81: {  	_ =	shalt  }
0x82: {  	_ =	shalt  }
0x83: {  	_ =	shalt  }
0x84: {  	_ =	shalt  }
0x85: {  	_ =	shalt  }
0x86: {  	_ =	shalt  }
0x87: {  	_ =	shalt  }
.Lfunc_end0:
.L_simem_size_0:
called_computation.1_lowered:
.L_overlay_start_0:
0x88: {  	s2 =	sld [smem:$0x3FD9]  }
0x89: {  	s3 =	sld [smem:$0x3FFE];
	_ =	sdelay $0x1  }
0x8a: {  	s1 =	srdreg.scid  }
0x8b: {  	s0 =	sand.u32 $0x1, s1  }
0x8c: {  	s16 =	sshll.u32 s0, $0xA;
	s2 =	sadd.s32 s3, s2  }
0x8d: {  	s2 =	sadd.s32 s2, s16  }
0x8e: {  	[smem:$0x3FB8] =	sst s2  }
0x8f: {  	_ = 	snop  }
0x90: {  	(tm) =	ssettm $0x1  }
0x91: {  	s17 =	sld [smem:$0x3FFB];
	_ =	sdelay $0x3  }
0x92: {  	_ =	strace s17  }
0x93: {  	s2 =	sld [smem:$0x3FFC];
	_ =	sdelay $0x3  }
0x94: {  	_ =	strace s2  }
0x95: {  	s2 =	sld [smem:$0x3FFD];
	_ =	sdelay $0x3  }
0x96: {  	_ =	strace s2  }
0x97: {  	_ =	strace $0x8FFFFFFF  }
0x98: {  	s18 =	sld [smem:$0x3FDB];
	_ =	sdelay $0x1  }
0x99: {  	s19 =	simm.s32 $_scs_section_size  }
0x9a: {  	s4 =	simm.s32 $_size__tile_overlayer_lowered;
	s5 =	simm.s32 $_tile_overlayer_lowered  }
0x9b: {  	s22 =	simm.s32 $0x1BFF;
	s21 =	sshll.u32 s5, $0x1;
	s2 =	sadd.s32 s19, s18  }
0x9c: {  	s6 =	simm.s32 $0x0;
	s20 =	sshll.u32 s4, $0x1;
	s4 =	sadd.s32 s21, s2  }
0x9d: {  	[timem:s6], [sflag:s22] =	dma.local [hbm:s4], s20  }
0x9e: {  	_ =	swait.ge [sflag:s22], s20  }
0x9f: {  	s3 =	ssub.s32 $0x0, s20;
	[sflag:s22] =	ssyncset.done $0x0  }
0xa0: {  	[sflag:s22] =	ssyncadd.s32 s3;
	_ =	sdelay $0x1  }
0xa1: {  	s23 =	simm.s32 $0x1B8B  }
0xa2: {  	_ =	swait.ge [sflag:s23], $0x1  }
0xa3: {  	[sflag:s23] =	ssyncset.done $0x0  }
0xa4: {  	s25 =	simm.s32 $0x1B8E;
	s24 =	sld [smem:$0x3FFE];
	[sflag:s23] =	ssyncadd.s32 $0xFFFFFFFF  }
0xa5: {  	s26 =	simm.s32 $execute0_lowered;
	[smem:$0x3FD2] =	sst s25  }
0xa6: {  	s4 =	sshll.u32 s26, $0x1;
	_ =	strace $0x80000049;
	[dreg:$0x1] =	wrdreg $0xFFFFFFFF  }
0xa7: {  	s28 =	simm.s32 $_size_execute0_lowered;
	s2 =	sadd.s32 s2, s4;
	[dreg:$0x0] =	wrdreg $0x0  }
0xa8: {  	s4 =	sshll.u32 s28, $0x1;
	[dreg:$0x2] =	wrdreg s2  }
0xa9: {  	[dreg:$0x3] =	wrdreg s4  }
0xaa: {  	[dreg:$0x4] =	wrdreg $0xC0  }
0xab: {  	_ =	task [dreg:s6], $0x5FFFF  }
0xac: {  	[dreg:$0x1] =	wrdreg $0xFFFFFFFF  }
0xad: {  	[dreg:$0x0] =	wrdreg $0x60  }
0xae: {  	[dreg:$0x2] =	wrdreg s24  }
0xaf: {  	[dreg:$0x3] =	wrdreg $0x90000  }
0xb0: {  	[dreg:$0x4] =	wrdreg $0x12C400  }
0xb1: {  	[dreg:$0x5] =	wrdreg $0x9  }
0xb2: {  	_ =	task.clear_ibuf [dreg:s6], $0x6FFFF;
	_ =	strace $0x90000049  }
0xb3: {  	s29 =	simm.s32 $0x9;
	_ =	strace $0x8000004B  }
0xb4: {  	_ =	swait.ge [sflag:s29], $0x1  }
0xb5: {  	[sflag:s29] =	ssyncadd.s32 $0xFFFFFFFF  }
0xb6: {  	_ =	strace $0x9000004B  }
0xb7: {  	_ =	sfence  }
0xb8: {  	s30 =	sld [smem:$0x0];
	_ =	sdelay $0x2  }
0xb9: {  	s31 =	sshll.u32 s1, $0xD;
	s1 =	sshrl.u32 s1, $0x2  }
0xba: {  	s3 =	sand.u32 $0x4000, s31;
	s1 =	sadd.s32 s1, s30  }
0xbb: {  	s0 =	sor.u32 s3, s0;
	s1 =	sshll.u32 s1, $0x11  }
0xbc: {  	s0 =	sor.u32 s1, s0  }
0xbd: {  	s0 =	sadd.s32 $0x8F2B, s0  }
0xbe: {  	[sflag:s0] =	ssyncadd.remote.s32 $0x1  }
0xbf: {  	_ =	sfence.sel $0xFFFF  }
0xc0: {  	[dreg:$0x0] =	wrdreg $0xFFFFFFFF;
	(pc) =	sbr.abs _section_cstart, $3  }
0xc1: {  	[dreg:$0x1] =	wrdreg $0xFFFFFFFF  }
0xc2: {  	_ =	task.clear_ibuf [dreg:s6], $0x2FFFF;
	_ =	strace $0x9FFFFFFF  }
0xc3: {  	(tm) =	ssettm $0x7FFFFFFF  }
tec
execute0_lowered:
.L_overlay_start_1:
0x0: {  	(tag) =	ssettag $0x1  }
0x1: {  	s0 =	rddreg [dreg:$0x0]  }
0x2: {  	s2 =	rddreg [dreg:$0x1]  }
0x3: {  	s3 =	rddreg [dreg:$0x2];
	s14 =	stileid.u32  }
0x4: {  	s4 =	simm.s32 $0x0;
	s5 =	srdreg.scid;
	s15 =	simm.s32 $0x180  }
0x5: {  	s17 =	simm.s32 $0x880;
	s19 =	simm.s32 $0x900;
	s21 =	simm.s32 $0x980  }
0x6: {  	s22 =	simm.s32 $0x200;
	s23 =	simm.s32 $0x280;
	[smem:$0x7FF] =	sst s4  }
0x7: {  	s24 =	simm.s32 $0x300;
	_ =	strace $0x8000004A;
	[dreg:$0x7] =	wrdreg s15  }
0x8: {  	s25 =	simm.s32 $0x380;
	s28 =	simm.s32 $0x4;
	[dreg:$0x8] =	wrdreg s17  }
0x9: {  	s29 =	simm.s32 $0x5;
	s30 =	simm.s32 $0x6;
	[dreg:$0x9] =	wrdreg s19  }
0xa: {  	s31 =	simm.s32 $0x7;
	s1 =	smul.u32 $0xA00, s14;
	[dreg:$0xa] =	wrdreg s21  }
0xb: {  	s6 =	smul.u32 $0x9E00, s14;
	s5 =	sand.u32 $0x1, s5;
	[dreg:$0xb] =	wrdreg s22  }
0xc: {  	s8 =	sadd.s32 $0x3EC00, s0;
	s11 =	sadd.s32 $0x65E00, s0;
	[dreg:$0xc] =	wrdreg s23  }
0xd: {  	p0 =	seq.s32 s14, $0xF;
	s7 =	smul.u32 $0x9C400, s5;
	[dreg:$0xd] =	wrdreg s24  }
0xe: {  	s5 =	ssub.s32 $0x2, s5;
	[dreg:$0xe] =	wrdreg s25;
	s17 =	simm.s32 $0x9  }
0xf: {  	s19 =	simm.s32 $0x80;
	s21 =	simm.s32 $0x3000;
	s22 =	simm.s32 $0x5000  }
0x10: {  	s23 =	simm.s32 $0x7000;
	s15 =	simm.s32 $0x0;
	s1 =	sadd.s32 s1, s0  }
0x11: {  	s9 =	sshrl.u32 s6, $0x3;
	[smem:$0x7FB] =	sst s15;
	s26 =	sadd.s32 $0xD200, s1  }
0x12: {  	s12 =	sshrl.u32 s5, $0x1;
	s1 =	sadd.s32 $0x3200, s1;
	[dreg:$0x4] =	wrdreg s26  }
0x13: {  	s9 =	sadd.s32 s9, s0;
	s0 =	sadd.s32 $0x3DA40, s0;
	[dreg:$0x5] =	wrdreg s1  }
0x14: {  	s5 =	ssub.s32 s5, s12;
	s9 =	sadd.s32 $0x2B200, s9;
	[dreg:$0x1d] =	wrdreg s0  }
0x15: {  	s10 =	sadd.s32 s6, s7;
	s20 =	smax.u32 s5, $0x1;
	[dreg:$0x1b] =	wrdreg s9  }
0x16: {  	s7 =	sshrl.u32 s7, $0x3;
	s26 =	simm.s32 $0xA00;
	[smem:$0x7F7] =	sst s20  }
0x17: {  	s10 =	sshrl.u32 s10, $0x3;
	s5 =	simm.s32 $0xB00;
	[dreg:$0xf] =	wrdreg s26  }
0x18: {  	s7 =	sadd.s32 $0x12840, s7;
	s13 =	sadd.s32 s8, s10;
	[dreg:$0x11] =	wrdreg s5  }
0x19: {  	s24 =	simm.s32 $0x1;
	s8 =	sadd.s32 s8, s7;
	[dreg:$0x1a] =	wrdreg s13  }
0x1a: {  	s25 =	simm.s32 $0x2;
	s16 =	sadd.s32 s11, s10;
	[dreg:$0x1c] =	wrdreg s8  }
0x1b: {  	s12 =	sadd.s32 s6, s2;
	s18 =	sadd.s32 s11, s7;
	[dreg:$0x1e] =	wrdreg s16  }
0x1c: {  	s6 =	sadd.s32 s6, s3;
	s7 =	simm.s32 $0x400;
	[dreg:$0x1f] =	wrdreg s18  }
0x1d: {  	s0 =	simm.s32 $0x8;
	s10 =	simm.s32 $0x580;
	[dreg:$0x13] =	wrdreg s7  }
0x1e: {  	s9 =	sadd.s32 $0x94200, s2;
	s11 =	simm.s32 $0xC00;
	[dreg:$0x16] =	wrdreg s10  }
0x1f: {  	s20 =	simm.s32 $0x1000;
	s13 =	simm.s32 $0x100;
	[dreg:$0x17] =	wrdreg s11  }
0x20: {  	s26 =	simm.s32 $0x3;
	s1 =	sshrl.u32 @p0 s9, $0x3;
	[dreg:$0x6] =	wrdreg s13  }
0x21: {  	s16 =	sshrl.u32 @!p0 s6, $0x3;
	s6 =	simm.s32 $0xB80;
	[smem:$0x7F8] =	sst s1  }
0x22: {  	s5 =	simm.s32 $0x600;
	s9 =	simm.s32 $0x500;
	[dreg:$0x12] =	wrdreg s6  }
0x23: {  	s8 =	sadd.s32 $0x94200, s3;
	s18 =	simm.s32 $0x800;
	[dreg:$0x15] =	wrdreg s9  }
0x24: {  	s7 =	simm.s32 $0x700;
	s1 =	sshrl.u32 @p0 s8, $0x3;
	[smem:$0x7FD] =	sst s16  }
0x25: {  	s10 =	simm.s32 $0xE80;
	s8 =	simm.s32 $0x480;
	[smem:$0x7F9] =	sst s1  }
0x26: {  	s13 =	simm.s32 $0xD00;
	s1 =	sshll.u32 @!p0 s14, $0x6;
	[dreg:$0x14] =	wrdreg s8  }
0x27: {  	[dreg:$0x19] =	wrdreg s13;
	s14 =	sor.u32 @!p0 $0x1C09, s1;
	s1 =	sshrl.u32 @!p0 s12, $0x3  }
0x28: {  	s11 =	simm.s32 $0xF00;
	s12 =	simm.s32 $0xC80;
	[smem:$0x7FA] =	sst s1  }
0x29: {  	s6 =	simm.s32 $0x680;
	s9 =	simm.s32 $0xE00;
	[dreg:$0x18] =	wrdreg s12  }
0x2a: {  	s8 =	simm.s32 $0x780;
	s1 =	simm.s32 $0xA80;
	[smem:$0x7FC] =	sst s14  }
0x2b: {  	s12 =	simm.s32 $0xF80;
	[dreg:$0x10] =	wrdreg s1;
	s1 =	simm.s32 $0xD80  }
.LBB2_1:
0x2c: {  	s15 =	sld [smem:$0x7F8];
	_ =	sdelay $0x1  }
0x2d: {  	s13 =	simm.s32 @p0 $0x1FC9;
	s14 =	rddreg [dreg:$0x1c]  }
0x2e: {  	[spmem:s15], [sflag:s13] =	dma.local @p0 [hbm:s14], $0x1040  }
0x2f: {  	s14 =	simm.s32 @p0 $0x9  }
0x30: {  	_ =	swait.ge @p0 [sflag:s14], $0x1040  }
0x31: {  	s13 =	sld [smem:$0x7F9]  }
0x32: {  	[sflag:s14] =	ssyncset.done @p0 $0x0  }
0x33: {  	s16 =	simm.s32 @p0 $0x1FC9;
	s15 =	rddreg [dreg:$0x1d];
	[sflag:s14] =	ssyncadd.s32 @p0 $0xFFFFEFC0  }
0x34: {  	[spmem:s13], [sflag:s16] =	dma.local @p0 [hbm:s15], $0x1040  }
0x35: {  	_ =	swait.ge @p0 [sflag:s14], $0x1040  }
0x36: {  	[sflag:s14] =	ssyncset.done @p0 $0x0;
	s16 =	sld [smem:$0x7FC]  }
0x37: {  	[sflag:s14] =	ssyncadd.s32 @p0 $0xFFFFEFC0;
	s14 =	sld [smem:$0x7FA];
	_ =	sdelay $0x1  }
0x38: {  	s13 =	rddreg [dreg:$0x1a]  }
0x39: {  	[spmem:s14], [sflag:s16] =	dma.local @!p0 [hbm:s13], $0x13C0  }
0x3a: {  	s13 =	simm.s32 @!p0 $0x9  }
0x3b: {  	_ =	swait.ge @!p0 [sflag:s13], $0x13C0  }
0x3c: {  	s15 =	sld [smem:$0x7FD]  }
0x3d: {  	[sflag:s13] =	ssyncset.done @!p0 $0x0  }
0x3e: {  	s14 =	rddreg [dreg:$0x1b];
	[sflag:s13] =	ssyncadd.s32 @!p0 $0xFFFFEC40  }
0x3f: {  	[spmem:s15], [sflag:s16] =	dma.local @!p0 [hbm:s14], $0x13C0  }
0x40: {  	_ =	swait.ge @!p0 [sflag:s13], $0x13C0  }
0x41: {  	[sflag:s13] =	ssyncset.done @!p0 $0x0  }
0x42: {  	[sflag:s13] =	ssyncadd.s32 @!p0 $0xFFFFEC40  }
0x43: {  	[bflag:$0x0] =	sbarrier.arrive $0xFFFF  }
0x44: {  	s16 =	rddreg [dreg:$0x5]  }
0x45: {  	s13 =	sadd.s32 $0x0, s16  }
0x46: {  	[tilespmem:s4], [sflag:$0x9] =	stream.linear.gather [hbm4b:s13+s4], $0x800, $0x38;
	[tilespmem:$0x1D080] =	vst v63  }
0x47: {  	_ =	swait.ge [sflag:s17], $0x800  }
0x48: {  	s14 =	rddreg [dreg:$0x4];
	[sflag:s17] =	ssyncset.done $0x0  }
0x49: {  	[sflag:s17] =	ssyncadd.s32 $0xFFFFF800;
	s13 =	sadd.s32 $0x0, s14  }
0x4a: {  	[tilespmem:s18], [sflag:$0x9] =	stream.linear.gather [hbm4b:s13+s4], $0x800, $0x38;
	[tilespmem:$0x1D080] =	vst v63  }
0x4b: {  	_ =	swait.ge [sflag:s17], $0x800  }
0x4c: {  	[sflag:s17] =	ssyncset.done $0x0  }
0x4d: {  	[sflag:s17] =	ssyncadd.s32 $0xFFFFF800  }
0x4e: {  	[tilespmem:s20], [sflag:$0x1] =	stream.indirect.gather [spmem:s2], $0x40, s4, s19, $0xb8;
	[tilespmem:$0x1D080] =	vst v63  }
0x4f: {  	_ = 	snop  }
0x50: {  	[tilespmem:s21], [sflag:$0x2] =	stream.indirect.gather [spmem:s2], $0x40, s19, s19, $0xb8;
	[tilespmem:$0x1D080] =	vst v63  }
0x51: {  	s15 =	rddreg [dreg:$0x6]  }
0x52: {  	[tilespmem:s22], [sflag:$0x3] =	stream.indirect.gather [spmem:s2], $0x40, s15, s19, $0xb8;
	[tilespmem:$0x1D080] =	vst v63  }
0x53: {  	s16 =	rddreg [dreg:$0x7]  }
0x54: {  	[tilespmem:s23], [sflag:$0x4] =	stream.indirect.gather [spmem:s2], $0x40, s16, s19, $0xb8;
	[tilespmem:$0x1D080] =	vst v63  }
0x55: {  	_ =	swait.ge [sflag:s24], $0x2000  }
0x56: {  	[sflag:s24] =	ssyncset.done $0x0  }
0x57: {  	[sflag:s24] =	ssyncadd.s32 $0xFFFFE000  }
0x58: {  	[spmem:s3] =	stream.indirect.scatter.add.f32 [tilespmem:s20], [sflag:$0x5], $0x40, s18, s19, $0xb8;
	[tilespmem:$0x1D080] =	vst v63  }
0x59: {  	_ =	swait.ge [sflag:s25], $0x2000  }
0x5a: {  	[sflag:s25] =	ssyncset.done $0x0  }
0x5b: {  	s14 =	rddreg [dreg:$0x8];
	[sflag:s25] =	ssyncadd.s32 $0xFFFFE000  }
0x5c: {  	[spmem:s3] =	stream.indirect.scatter.add.f32 [tilespmem:s21], [sflag:$0x6], $0x40, s14, s19, $0xb8;
	[tilespmem:$0x1D080] =	vst v63  }
0x5d: {  	_ =	swait.ge [sflag:s26], $0x2000  }
0x5e: {  	[sflag:s26] =	ssyncset.done $0x0  }
0x5f: {  	s15 =	rddreg [dreg:$0x9];
	[sflag:s26] =	ssyncadd.s32 $0xFFFFE000  }
0x60: {  	[spmem:s3] =	stream.indirect.scatter.add.f32 [tilespmem:s22], [sflag:$0x7], $0x40, s15, s19, $0xb8;
	[tilespmem:$0x1D080] =	vst v63  }
0x61: {  	_ =	swait.ge [sflag:s28], $0x2000  }
0x62: {  	[sflag:s28] =	ssyncset.done $0x0  }
0x63: {  	s16 =	rddreg [dreg:$0xa];
	[sflag:s28] =	ssyncadd.s32 $0xFFFFE000  }
0x64: {  	[spmem:s3] =	stream.indirect.scatter.add.f32 [tilespmem:s23], [sflag:$0x8], $0x40, s16, s19, $0xb8;
	[tilespmem:$0x1D080] =	vst v63  }
0x65: {  	_ =	swait.ge [sflag:s29], $0x2000  }
0x66: {  	[sflag:s29] =	ssyncset.done $0x0  }
0x67: {  	s14 =	rddreg [dreg:$0xb];
	[sflag:s29] =	ssyncadd.s32 $0xFFFFE000  }
0x68: {  	[tilespmem:s20], [sflag:$0x1] =	stream.indirect.gather [spmem:s2], $0x40, s14, s19, $0xb8;
	[tilespmem:$0x1D080] =	vst v63  }
0x69: {  	_ =	swait.ge [sflag:s30], $0x2000  }
0x6a: {  	[sflag:s30] =	ssyncset.done $0x0  }
0x6b: {  	s15 =	rddreg [dreg:$0xc];
	[sflag:s30] =	ssyncadd.s32 $0xFFFFE000  }
0x6c: {  	[tilespmem:s21], [sflag:$0x2] =	stream.indirect.gather [spmem:s2], $0x40, s15, s19, $0xb8;
	[tilespmem:$0x1D080] =	vst v63  }
0x6d: {  	_ =	swait.ge [sflag:s31], $0x2000  }
0x6e: {  	[sflag:s31] =	ssyncset.done $0x0  }
0x6f: {  	s16 =	rddreg [dreg:$0xd];
	[sflag:s31] =	ssyncadd.s32 $0xFFFFE000  }
0x70: {  	[tilespmem:s22], [sflag:$0x3] =	stream.indirect.gather [spmem:s2], $0x40, s16, s19, $0xb8;
	[tilespmem:$0x1D080] =	vst v63  }
0x71: {  	_ =	swait.ge [sflag:s0], $0x2000  }
0x72: {  	[sflag:s0] =	ssyncset.done $0x0  }
0x73: {  	s14 =	rddreg [dreg:$0xe];
	[sflag:s0] =	ssyncadd.s32 $0xFFFFE000  }
0x74: {  	[tilespmem:s23], [sflag:$0x4] =	stream.indirect.gather [spmem:s2], $0x40, s14, s19, $0xb8;
	[tilespmem:$0x1D080] =	vst v63  }
0x75: {  	_ =	swait.ge [sflag:s24], $0x2000  }
0x76: {  	[sflag:s24] =	ssyncset.done $0x0  }
0x77: {  	s15 =	rddreg [dreg:$0xf];
	[sflag:s24] =	ssyncadd.s32 $0xFFFFE000  }
0x78: {  	[spmem:s3] =	stream.indirect.scatter.add.f32 [tilespmem:s20], [sflag:$0x5], $0x40, s15, s19, $0xb8;
	[tilespmem:$0x1D080] =	vst v63  }
0x79: {  	_ =	swait.ge [sflag:s25], $0x2000  }
0x7a: {  	[sflag:s25] =	ssyncset.done $0x0  }
0x7b: {  	s16 =	rddreg [dreg:$0x10];
	[sflag:s25] =	ssyncadd.s32 $0xFFFFE000  }
0x7c: {  	[spmem:s3] =	stream.indirect.scatter.add.f32 [tilespmem:s21], [sflag:$0x6], $0x40, s16, s19, $0xb8;
	[tilespmem:$0x1D080] =	vst v63  }
0x7d: {  	_ =	swait.ge [sflag:s26], $0x2000  }
0x7e: {  	[sflag:s26] =	ssyncset.done $0x0  }
0x7f: {  	s14 =	rddreg [dreg:$0x11];
	[sflag:s26] =	ssyncadd.s32 $0xFFFFE000  }
0x80: {  	[spmem:s3] =	stream.indirect.scatter.add.f32 [tilespmem:s22], [sflag:$0x7], $0x40, s14, s19, $0xb8;
	[tilespmem:$0x1D080] =	vst v63  }
0x81: {  	_ =	swait.ge [sflag:s28], $0x2000  }
0x82: {  	[sflag:s28] =	ssyncset.done $0x0  }
0x83: {  	s15 =	rddreg [dreg:$0x12];
	[sflag:s28] =	ssyncadd.s32 $0xFFFFE000  }
0x84: {  	[spmem:s3] =	stream.indirect.scatter.add.f32 [tilespmem:s23], [sflag:$0x8], $0x40, s15, s19, $0xb8;
	[tilespmem:$0x1D080] =	vst v63  }
0x85: {  	_ =	swait.ge [sflag:s29], $0x2000  }
0x86: {  	[sflag:s29] =	ssyncset.done $0x0  }
0x87: {  	s16 =	rddreg [dreg:$0x13];
	[sflag:s29] =	ssyncadd.s32 $0xFFFFE000  }
0x88: {  	[tilespmem:s20], [sflag:$0x1] =	stream.indirect.gather [spmem:s2], $0x40, s16, s19, $0xb8;
	[tilespmem:$0x1D080] =	vst v63  }
0x89: {  	_ =	swait.ge [sflag:s30], $0x2000  }
0x8a: {  	[sflag:s30] =	ssyncset.done $0x0  }
0x8b: {  	s14 =	rddreg [dreg:$0x14];
	[sflag:s30] =	ssyncadd.s32 $0xFFFFE000  }
0x8c: {  	[tilespmem:s21], [sflag:$0x2] =	stream.indirect.gather [spmem:s2], $0x40, s14, s19, $0xb8;
	[tilespmem:$0x1D080] =	vst v63  }
0x8d: {  	_ =	swait.ge [sflag:s31], $0x2000  }
0x8e: {  	[sflag:s31] =	ssyncset.done $0x0  }
0x8f: {  	s15 =	rddreg [dreg:$0x15];
	[sflag:s31] =	ssyncadd.s32 $0xFFFFE000  }
0x90: {  	[tilespmem:s22], [sflag:$0x3] =	stream.indirect.gather [spmem:s2], $0x40, s15, s19, $0xb8;
	[tilespmem:$0x1D080] =	vst v63  }
0x91: {  	_ =	swait.ge [sflag:s0], $0x2000  }
0x92: {  	[sflag:s0] =	ssyncset.done $0x0  }
0x93: {  	s16 =	rddreg [dreg:$0x16];
	[sflag:s0] =	ssyncadd.s32 $0xFFFFE000  }
0x94: {  	[tilespmem:s23], [sflag:$0x4] =	stream.indirect.gather [spmem:s2], $0x40, s16, s19, $0xb8;
	[tilespmem:$0x1D080] =	vst v63  }
0x95: {  	_ =	swait.ge [sflag:s24], $0x2000  }
0x96: {  	[sflag:s24] =	ssyncset.done $0x0  }
0x97: {  	s14 =	rddreg [dreg:$0x17];
	[sflag:s24] =	ssyncadd.s32 $0xFFFFE000  }
0x98: {  	[spmem:s3] =	stream.indirect.scatter.add.f32 [tilespmem:s20], [sflag:$0x5], $0x40, s14, s19, $0xb8;
	[tilespmem:$0x1D080] =	vst v63  }
0x99: {  	_ =	swait.ge [sflag:s25], $0x2000  }
0x9a: {  	[sflag:s25] =	ssyncset.done $0x0  }
0x9b: {  	s15 =	rddreg [dreg:$0x18];
	[sflag:s25] =	ssyncadd.s32 $0xFFFFE000  }
0x9c: {  	[spmem:s3] =	stream.indirect.scatter.add.f32 [tilespmem:s21], [sflag:$0x6], $0x40, s15, s19, $0xb8;
	[tilespmem:$0x1D080] =	vst v63  }
0x9d: {  	_ =	swait.ge [sflag:s26], $0x2000  }
0x9e: {  	[sflag:s26] =	ssyncset.done $0x0  }
0x9f: {  	s16 =	rddreg [dreg:$0x19];
	[sflag:s26] =	ssyncadd.s32 $0xFFFFE000  }
0xa0: {  	[spmem:s3] =	stream.indirect.scatter.add.f32 [tilespmem:s22], [sflag:$0x7], $0x40, s16, s19, $0xb8;
	[tilespmem:$0x1D080] =	vst v63  }
0xa1: {  	_ =	swait.ge [sflag:s28], $0x2000  }
0xa2: {  	[sflag:s28] =	ssyncset.done $0x0  }
0xa3: {  	[sflag:s28] =	ssyncadd.s32 $0xFFFFE000  }
0xa4: {  	[spmem:s3] =	stream.indirect.scatter.add.f32 [tilespmem:s23], [sflag:$0x8], $0x40, s1, s19, $0xb8;
	[tilespmem:$0x1D080] =	vst v63  }
0xa5: {  	_ =	swait.ge [sflag:s29], $0x2000  }
0xa6: {  	[sflag:s29] =	ssyncset.done $0x0  }
0xa7: {  	[sflag:s29] =	ssyncadd.s32 $0xFFFFE000  }
0xa8: {  	[tilespmem:s20], [sflag:$0x1] =	stream.indirect.gather [spmem:s2], $0x40, s5, s19, $0xb8;
	[tilespmem:$0x1D080] =	vst v63  }
0xa9: {  	_ =	swait.ge [sflag:s30], $0x2000  }
0xaa: {  	[sflag:s30] =	ssyncset.done $0x0  }
0xab: {  	[sflag:s30] =	ssyncadd.s32 $0xFFFFE000  }
0xac: {  	[tilespmem:s21], [sflag:$0x2] =	stream.indirect.gather [spmem:s2], $0x40, s6, s19, $0xb8;
	[tilespmem:$0x1D080] =	vst v63  }
0xad: {  	_ =	swait.ge [sflag:s31], $0x2000  }
0xae: {  	[sflag:s31] =	ssyncset.done $0x0  }
0xaf: {  	[sflag:s31] =	ssyncadd.s32 $0xFFFFE000  }
0xb0: {  	[tilespmem:s22], [sflag:$0x3] =	stream.indirect.gather [spmem:s2], $0x40, s7, s19, $0xb8;
	[tilespmem:$0x1D080] =	vst v63  }
0xb1: {  	_ =	swait.ge [sflag:s0], $0x2000  }
0xb2: {  	[sflag:s0] =	ssyncset.done $0x0  }
0xb3: {  	[sflag:s0] =	ssyncadd.s32 $0xFFFFE000  }
0xb4: {  	[tilespmem:s23], [sflag:$0x4] =	stream.indirect.gather [spmem:s2], $0x40, s8, s19, $0xb8;
	[tilespmem:$0x1D080] =	vst v63  }
0xb5: {  	_ =	swait.ge [sflag:s24], $0x2000  }
0xb6: {  	[sflag:s24] =	ssyncset.done $0x0  }
0xb7: {  	[sflag:s24] =	ssyncadd.s32 $0xFFFFE000  }
0xb8: {  	[spmem:s3] =	stream.indirect.scatter.add.f32 [tilespmem:s20], [sflag:$0x5], $0x40, s9, s19, $0xb8;
	[tilespmem:$0x1D080] =	vst v63  }
0xb9: {  	_ =	swait.ge [sflag:s25], $0x2000  }
0xba: {  	[sflag:s25] =	ssyncset.done $0x0  }
0xbb: {  	[sflag:s25] =	ssyncadd.s32 $0xFFFFE000  }
0xbc: {  	[spmem:s3] =	stream.indirect.scatter.add.f32 [tilespmem:s21], [sflag:$0x6], $0x40, s10, s19, $0xb8;
	[tilespmem:$0x1D080] =	vst v63  }
0xbd: {  	_ =	swait.ge [sflag:s26], $0x2000  }
0xbe: {  	[sflag:s26] =	ssyncset.done $0x0  }
0xbf: {  	[sflag:s26] =	ssyncadd.s32 $0xFFFFE000  }
0xc0: {  	[spmem:s3] =	stream.indirect.scatter.add.f32 [tilespmem:s22], [sflag:$0x7], $0x40, s11, s19, $0xb8;
	[tilespmem:$0x1D080] =	vst v63  }
0xc1: {  	_ =	swait.ge [sflag:s28], $0x2000  }
0xc2: {  	[sflag:s28] =	ssyncset.done $0x0  }
0xc3: {  	[sflag:s28] =	ssyncadd.s32 $0xFFFFE000  }
0xc4: {  	[spmem:s3] =	stream.indirect.scatter.add.f32 [tilespmem:s23], [sflag:$0x8], $0x40, s12, s19, $0xb8;
	[tilespmem:$0x1D080] =	vst v63  }
0xc5: {  	_ =	swait.ge [sflag:s29], $0x2000  }
0xc6: {  	[sflag:s29] =	ssyncset.done $0x0  }
0xc7: {  	[sflag:s29] =	ssyncadd.s32 $0xFFFFE000  }
0xc8: {  	_ =	swait.ge [sflag:s30], $0x2000  }
0xc9: {  	[sflag:s30] =	ssyncset.done $0x0  }
0xca: {  	[sflag:s30] =	ssyncadd.s32 $0xFFFFE000  }
0xcb: {  	_ =	swait.ge [sflag:s31], $0x2000  }
0xcc: {  	[sflag:s31] =	ssyncset.done $0x0  }
0xcd: {  	[sflag:s31] =	ssyncadd.s32 $0xFFFFE000  }
0xce: {  	s13 =	simm.s32 $0x100;
	_ =	swait.ge [sflag:s0], $0x2000  }
0xcf: {  	s16 =	simm.s32 $0x200;
	s14 =	rddreg [dreg:$0x5];
	[sflag:s0] =	ssyncset.done $0x0  }
.LBB2_2:
0xd0: {  	[sflag:s0] =	ssyncadd.s32 $0xFFFFE000;
	s14 =	sadd.s32 s13, s14  }
0xd1: {  	[tilespmem:s4], [sflag:$0x9] =	stream.linear.gather [hbm4b:s14+s4], $0x800, $0x38;
	[tilespmem:$0x1D080] =	vst v63  }
0xd2: {  	_ =	swait.ge [sflag:s17], $0x800  }
0xd3: {  	s14 =	rddreg [dreg:$0x4];
	[sflag:s17] =	ssyncset.done $0x0  }
0xd4: {  	[sflag:s17] =	ssyncadd.s32 $0xFFFFF800;
	s14 =	sadd.s32 s13, s14  }
0xd5: {  	[tilespmem:s18], [sflag:$0x9] =	stream.linear.gather [hbm4b:s14+s4], $0x800, $0x38;
	[tilespmem:$0x1D080] =	vst v63  }
0xd6: {  	_ =	swait.ge [sflag:s17], $0x800  }
0xd7: {  	[sflag:s17] =	ssyncset.done $0x0  }
0xd8: {  	[sflag:s17] =	ssyncadd.s32 $0xFFFFF800  }
0xd9: {  	[tilespmem:s20], [sflag:$0x1] =	stream.indirect.gather [spmem:s2], $0x40, s4, s19, $0xb8;
	[tilespmem:$0x1D080] =	vst v63  }
0xda: {  	_ = 	snop  }
0xdb: {  	[tilespmem:s21], [sflag:$0x2] =	stream.indirect.gather [spmem:s2], $0x40, s19, s19, $0xb8;
	[tilespmem:$0x1D080] =	vst v63  }
0xdc: {  	s15 =	smov.u32 s16;
	s14 =	rddreg [dreg:$0x6]  }
0xdd: {  	[tilespmem:s22], [sflag:$0x3] =	stream.indirect.gather [spmem:s2], $0x40, s14, s19, $0xb8;
	[tilespmem:$0x1D080] =	vst v63  }
0xde: {  	s13 =	smov.u32 s15;
	s15 =	rddreg [dreg:$0x7]  }
0xdf: {  	[tilespmem:s23], [sflag:$0x4] =	stream.indirect.gather [spmem:s2], $0x40, s15, s19, $0xb8;
	[tilespmem:$0x1D080] =	vst v63  }
0xe0: {  	_ =	swait.ge [sflag:s24], $0x2000  }
0xe1: {  	[sflag:s24] =	ssyncset.done $0x0  }
0xe2: {  	[sflag:s24] =	ssyncadd.s32 $0xFFFFE000  }
0xe3: {  	[spmem:s3] =	stream.indirect.scatter.add.f32 [tilespmem:s20], [sflag:$0x5], $0x40, s18, s19, $0xb8;
	[tilespmem:$0x1D080] =	vst v63  }
0xe4: {  	_ =	swait.ge [sflag:s25], $0x2000  }
0xe5: {  	[sflag:s25] =	ssyncset.done $0x0  }
0xe6: {  	s15 =	rddreg [dreg:$0x8];
	[sflag:s25] =	ssyncadd.s32 $0xFFFFE000  }
0xe7: {  	[spmem:s3] =	stream.indirect.scatter.add.f32 [tilespmem:s21], [sflag:$0x6], $0x40, s15, s19, $0xb8;
	[tilespmem:$0x1D080] =	vst v63  }
0xe8: {  	_ =	swait.ge [sflag:s26], $0x2000  }
0xe9: {  	[sflag:s26] =	ssyncset.done $0x0  }
0xea: {  	s15 =	rddreg [dreg:$0x9];
	[sflag:s26] =	ssyncadd.s32 $0xFFFFE000  }
0xeb: {  	[spmem:s3] =	stream.indirect.scatter.add.f32 [tilespmem:s22], [sflag:$0x7], $0x40, s15, s19, $0xb8;
	[tilespmem:$0x1D080] =	vst v63  }
0xec: {  	_ =	swait.ge [sflag:s28], $0x2000  }
0xed: {  	[sflag:s28] =	ssyncset.done $0x0  }
0xee: {  	s15 =	rddreg [dreg:$0xa];
	[sflag:s28] =	ssyncadd.s32 $0xFFFFE000  }
0xef: {  	[spmem:s3] =	stream.indirect.scatter.add.f32 [tilespmem:s23], [sflag:$0x8], $0x40, s15, s19, $0xb8;
	[tilespmem:$0x1D080] =	vst v63  }
0xf0: {  	_ =	swait.ge [sflag:s29], $0x2000  }
0xf1: {  	[sflag:s29] =	ssyncset.done $0x0  }
0xf2: {  	s15 =	rddreg [dreg:$0xb];
	[sflag:s29] =	ssyncadd.s32 $0xFFFFE000  }
0xf3: {  	[tilespmem:s20], [sflag:$0x1] =	stream.indirect.gather [spmem:s2], $0x40, s15, s19, $0xb8;
	[tilespmem:$0x1D080] =	vst v63  }
0xf4: {  	_ =	swait.ge [sflag:s30], $0x2000  }
0xf5: {  	[sflag:s30] =	ssyncset.done $0x0  }
0xf6: {  	s15 =	rddreg [dreg:$0xc];
	[sflag:s30] =	ssyncadd.s32 $0xFFFFE000  }
0xf7: {  	[tilespmem:s21], [sflag:$0x2] =	stream.indirect.gather [spmem:s2], $0x40, s15, s19, $0xb8;
	[tilespmem:$0x1D080] =	vst v63  }
0xf8: {  	_ =	swait.ge [sflag:s31], $0x2000  }
0xf9: {  	[sflag:s31] =	ssyncset.done $0x0  }
0xfa: {  	s15 =	rddreg [dreg:$0xd];
	[sflag:s31] =	ssyncadd.s32 $0xFFFFE000  }
0xfb: {  	[tilespmem:s22], [sflag:$0x3] =	stream.indirect.gather [spmem:s2], $0x40, s15, s19, $0xb8;
	[tilespmem:$0x1D080] =	vst v63  }
0xfc: {  	_ =	swait.ge [sflag:s0], $0x2000  }
0xfd: {  	[sflag:s0] =	ssyncset.done $0x0  }
0xfe: {  	s15 =	rddreg [dreg:$0xe];
	[sflag:s0] =	ssyncadd.s32 $0xFFFFE000  }
0xff: {  	[tilespmem:s23], [sflag:$0x4] =	stream.indirect.gather [spmem:s2], $0x40, s15, s19, $0xb8;
	[tilespmem:$0x1D080] =	vst v63  }
0x100: {  	_ =	swait.ge [sflag:s24], $0x2000  }
0x101: {  	[sflag:s24] =	ssyncset.done $0x0  }
0x102: {  	s15 =	rddreg [dreg:$0xf];
	[sflag:s24] =	ssyncadd.s32 $0xFFFFE000  }
0x103: {  	[spmem:s3] =	stream.indirect.scatter.add.f32 [tilespmem:s20], [sflag:$0x5], $0x40, s15, s19, $0xb8;
	[tilespmem:$0x1D080] =	vst v63  }
0x104: {  	_ =	swait.ge [sflag:s25], $0x2000  }
0x105: {  	[sflag:s25] =	ssyncset.done $0x0  }
0x106: {  	s15 =	rddreg [dreg:$0x10];
	[sflag:s25] =	ssyncadd.s32 $0xFFFFE000  }
0x107: {  	[spmem:s3] =	stream.indirect.scatter.add.f32 [tilespmem:s21], [sflag:$0x6], $0x40, s15, s19, $0xb8;
	[tilespmem:$0x1D080] =	vst v63  }
0x108: {  	_ =	swait.ge [sflag:s26], $0x2000  }
0x109: {  	[sflag:s26] =	ssyncset.done $0x0  }
0x10a: {  	s15 =	rddreg [dreg:$0x11];
	[sflag:s26] =	ssyncadd.s32 $0xFFFFE000  }
0x10b: {  	[spmem:s3] =	stream.indirect.scatter.add.f32 [tilespmem:s22], [sflag:$0x7], $0x40, s15, s19, $0xb8;
	[tilespmem:$0x1D080] =	vst v63  }
0x10c: {  	_ =	swait.ge [sflag:s28], $0x2000  }
0x10d: {  	[sflag:s28] =	ssyncset.done $0x0  }
0x10e: {  	s15 =	rddreg [dreg:$0x12];
	[sflag:s28] =	ssyncadd.s32 $0xFFFFE000  }
0x10f: {  	[spmem:s3] =	stream.indirect.scatter.add.f32 [tilespmem:s23], [sflag:$0x8], $0x40, s15, s19, $0xb8;
	[tilespmem:$0x1D080] =	vst v63  }
0x110: {  	_ =	swait.ge [sflag:s29], $0x2000  }
0x111: {  	[sflag:s29] =	ssyncset.done $0x0  }
0x112: {  	s15 =	rddreg [dreg:$0x13];
	[sflag:s29] =	ssyncadd.s32 $0xFFFFE000  }
0x113: {  	[tilespmem:s20], [sflag:$0x1] =	stream.indirect.gather [spmem:s2], $0x40, s15, s19, $0xb8;
	[tilespmem:$0x1D080] =	vst v63  }
0x114: {  	_ =	swait.ge [sflag:s30], $0x2000  }
0x115: {  	[sflag:s30] =	ssyncset.done $0x0  }
0x116: {  	s15 =	rddreg [dreg:$0x14];
	[sflag:s30] =	ssyncadd.s32 $0xFFFFE000  }
0x117: {  	[tilespmem:s21], [sflag:$0x2] =	stream.indirect.gather [spmem:s2], $0x40, s15, s19, $0xb8;
	[tilespmem:$0x1D080] =	vst v63  }
0x118: {  	_ =	swait.ge [sflag:s31], $0x2000  }
0x119: {  	[sflag:s31] =	ssyncset.done $0x0  }
0x11a: {  	s15 =	rddreg [dreg:$0x15];
	[sflag:s31] =	ssyncadd.s32 $0xFFFFE000  }
0x11b: {  	[tilespmem:s22], [sflag:$0x3] =	stream.indirect.gather [spmem:s2], $0x40, s15, s19, $0xb8;
	[tilespmem:$0x1D080] =	vst v63  }
0x11c: {  	_ =	swait.ge [sflag:s0], $0x2000  }
0x11d: {  	[sflag:s0] =	ssyncset.done $0x0  }
0x11e: {  	s15 =	rddreg [dreg:$0x16];
	[sflag:s0] =	ssyncadd.s32 $0xFFFFE000  }
0x11f: {  	[tilespmem:s23], [sflag:$0x4] =	stream.indirect.gather [spmem:s2], $0x40, s15, s19, $0xb8;
	[tilespmem:$0x1D080] =	vst v63  }
0x120: {  	_ =	swait.ge [sflag:s24], $0x2000  }
0x121: {  	[sflag:s24] =	ssyncset.done $0x0  }
0x122: {  	s15 =	rddreg [dreg:$0x17];
	[sflag:s24] =	ssyncadd.s32 $0xFFFFE000  }
0x123: {  	[spmem:s3] =	stream.indirect.scatter.add.f32 [tilespmem:s20], [sflag:$0x5], $0x40, s15, s19, $0xb8;
	[tilespmem:$0x1D080] =	vst v63  }
0x124: {  	_ =	swait.ge [sflag:s25], $0x2000  }
0x125: {  	[sflag:s25] =	ssyncset.done $0x0  }
0x126: {  	s15 =	rddreg [dreg:$0x18];
	[sflag:s25] =	ssyncadd.s32 $0xFFFFE000  }
0x127: {  	[spmem:s3] =	stream.indirect.scatter.add.f32 [tilespmem:s21], [sflag:$0x6], $0x40, s15, s19, $0xb8;
	[tilespmem:$0x1D080] =	vst v63  }
0x128: {  	_ =	swait.ge [sflag:s26], $0x2000  }
0x129: {  	[sflag:s26] =	ssyncset.done $0x0  }
0x12a: {  	s15 =	rddreg [dreg:$0x19];
	[sflag:s26] =	ssyncadd.s32 $0xFFFFE000  }
0x12b: {  	[spmem:s3] =	stream.indirect.scatter.add.f32 [tilespmem:s22], [sflag:$0x7], $0x40, s15, s19, $0xb8;
	[tilespmem:$0x1D080] =	vst v63  }
0x12c: {  	_ =	swait.ge [sflag:s28], $0x2000  }
0x12d: {  	[sflag:s28] =	ssyncset.done $0x0  }
0x12e: {  	[sflag:s28] =	ssyncadd.s32 $0xFFFFE000  }
0x12f: {  	[spmem:s3] =	stream.indirect.scatter.add.f32 [tilespmem:s23], [sflag:$0x8], $0x40, s1, s19, $0xb8;
	[tilespmem:$0x1D080] =	vst v63  }
0x130: {  	_ =	swait.ge [sflag:s29], $0x2000  }
0x131: {  	[sflag:s29] =	ssyncset.done $0x0  }
0x132: {  	[sflag:s29] =	ssyncadd.s32 $0xFFFFE000  }
0x133: {  	[tilespmem:s20], [sflag:$0x1] =	stream.indirect.gather [spmem:s2], $0x40, s5, s19, $0xb8;
	[tilespmem:$0x1D080] =	vst v63  }
0x134: {  	_ =	swait.ge [sflag:s30], $0x2000  }
0x135: {  	[sflag:s30] =	ssyncset.done $0x0  }
0x136: {  	[sflag:s30] =	ssyncadd.s32 $0xFFFFE000  }
0x137: {  	[tilespmem:s21], [sflag:$0x2] =	stream.indirect.gather [spmem:s2], $0x40, s6, s19, $0xb8;
	[tilespmem:$0x1D080] =	vst v63  }
0x138: {  	_ =	swait.ge [sflag:s31], $0x2000  }
0x139: {  	[sflag:s31] =	ssyncset.done $0x0  }
0x13a: {  	[sflag:s31] =	ssyncadd.s32 $0xFFFFE000  }
0x13b: {  	[tilespmem:s22], [sflag:$0x3] =	stream.indirect.gather [spmem:s2], $0x40, s7, s19, $0xb8;
	[tilespmem:$0x1D080] =	vst v63  }
0x13c: {  	_ =	swait.ge [sflag:s0], $0x2000  }
0x13d: {  	[sflag:s0] =	ssyncset.done $0x0  }
0x13e: {  	[sflag:s0] =	ssyncadd.s32 $0xFFFFE000  }
0x13f: {  	[tilespmem:s23], [sflag:$0x4] =	stream.indirect.gather [spmem:s2], $0x40, s8, s19, $0xb8;
	[tilespmem:$0x1D080] =	vst v63  }
0x140: {  	_ =	swait.ge [sflag:s24], $0x2000  }
0x141: {  	[sflag:s24] =	ssyncset.done $0x0  }
0x142: {  	[sflag:s24] =	ssyncadd.s32 $0xFFFFE000  }
0x143: {  	[spmem:s3] =	stream.indirect.scatter.add.f32 [tilespmem:s20], [sflag:$0x5], $0x40, s9, s19, $0xb8;
	[tilespmem:$0x1D080] =	vst v63  }
0x144: {  	_ =	swait.ge [sflag:s25], $0x2000  }
0x145: {  	[sflag:s25] =	ssyncset.done $0x0  }
0x146: {  	[sflag:s25] =	ssyncadd.s32 $0xFFFFE000  }
0x147: {  	[spmem:s3] =	stream.indirect.scatter.add.f32 [tilespmem:s21], [sflag:$0x6], $0x40, s10, s19, $0xb8;
	[tilespmem:$0x1D080] =	vst v63  }
0x148: {  	_ =	swait.ge [sflag:s26], $0x2000  }
0x149: {  	[sflag:s26] =	ssyncset.done $0x0  }
0x14a: {  	[sflag:s26] =	ssyncadd.s32 $0xFFFFE000  }
0x14b: {  	[spmem:s3] =	stream.indirect.scatter.add.f32 [tilespmem:s22], [sflag:$0x7], $0x40, s11, s19, $0xb8;
	[tilespmem:$0x1D080] =	vst v63  }
0x14c: {  	_ =	swait.ge [sflag:s28], $0x2000  }
0x14d: {  	[sflag:s28] =	ssyncset.done $0x0  }
0x14e: {  	[sflag:s28] =	ssyncadd.s32 $0xFFFFE000  }
0x14f: {  	[spmem:s3] =	stream.indirect.scatter.add.f32 [tilespmem:s23], [sflag:$0x8], $0x40, s12, s19, $0xb8;
	[tilespmem:$0x1D080] =	vst v63  }
0x150: {  	_ =	swait.ge [sflag:s29], $0x2000  }
0x151: {  	[sflag:s29] =	ssyncset.done $0x0  }
0x152: {  	[sflag:s29] =	ssyncadd.s32 $0xFFFFE000  }
0x153: {  	_ =	swait.ge [sflag:s30], $0x2000  }
0x154: {  	[sflag:s30] =	ssyncset.done $0x0  }
0x155: {  	p1 =	sne.s32 s16, $0x900;
	[sflag:s30] =	ssyncadd.s32 $0xFFFFE000  }
.Ltmp0:
0x156: {  	_ =	swait.ge [sflag:s31], $0x2000;
	(pc) =	sbr.rel @p1 .LBB2_2-.Ltmp0, $4  }
0x157: {  	[sflag:s31] =	ssyncset.done $0x0  }
0x158: {  	[sflag:s31] =	ssyncadd.s32 $0xFFFFE000  }
0x159: {  	_ =	swait.ge [sflag:s0], $0x2000  }
0x15a: {  	s16 =	sadd.s32 $0x100, s16;
	s14 =	rddreg [dreg:$0x5];
	[sflag:s0] =	ssyncset.done $0x0  }
0x15b: {  	[sflag:s0] =	ssyncadd.s32 $0xFFFFE000;
	s14 =	sadd.s32 s13, s14  }
0x15c: {  	[tilespmem:s4], [sflag:$0x9] =	stream.linear.gather [hbm4b:s14+s4], $0x800, $0x38;
	[tilespmem:$0x1D080] =	vst v63  }
0x15d: {  	_ =	swait.ge [sflag:s17], $0x800  }
0x15e: {  	s16 =	rddreg [dreg:$0x4];
	[sflag:s17] =	ssyncset.done $0x0  }
0x15f: {  	[sflag:s17] =	ssyncadd.s32 $0xFFFFF800;
	s14 =	sadd.s32 s13, s16  }
0x160: {  	[tilespmem:s18], [sflag:$0x9] =	stream.linear.gather [hbm4b:s14+s4], $0x800, $0x38;
	[tilespmem:$0x1D080] =	vst v63  }
0x161: {  	_ =	swait.ge [sflag:s17], $0x800  }
0x162: {  	[sflag:s17] =	ssyncset.done $0x0  }
0x163: {  	[sflag:s17] =	ssyncadd.s32 $0xFFFFF800  }
0x164: {  	[tilespmem:s20], [sflag:$0x1] =	stream.indirect.gather [spmem:s2], $0x40, s4, s19, $0xb8;
	[tilespmem:$0x1D080] =	vst v63  }
0x165: {  	_ = 	snop  }
0x166: {  	[tilespmem:s21], [sflag:$0x2] =	stream.indirect.gather [spmem:s2], $0x40, s19, s19, $0xb8;
	[tilespmem:$0x1D080] =	vst v63  }
0x167: {  	s15 =	rddreg [dreg:$0x6]  }
0x168: {  	[tilespmem:s22], [sflag:$0x3] =	stream.indirect.gather [spmem:s2], $0x40, s15, s19, $0xb8;
	[tilespmem:$0x1D080] =	vst v63  }
0x169: {  	s16 =	rddreg [dreg:$0x7]  }
0x16a: {  	[tilespmem:s23], [sflag:$0x4] =	stream.indirect.gather [spmem:s2], $0x40, s16, s19, $0xb8;
	[tilespmem:$0x1D080] =	vst v63  }
0x16b: {  	_ =	swait.ge [sflag:s24], $0x2000  }
0x16c: {  	[sflag:s24] =	ssyncset.done $0x0  }
0x16d: {  	[sflag:s24] =	ssyncadd.s32 $0xFFFFE000  }
0x16e: {  	[spmem:s3] =	stream.indirect.scatter.add.f32 [tilespmem:s20], [sflag:$0x5], $0x40, s18, s19, $0xb8;
	[tilespmem:$0x1D080] =	vst v63  }
0x16f: {  	_ =	swait.ge [sflag:s25], $0x2000  }
0x170: {  	[sflag:s25] =	ssyncset.done $0x0  }
0x171: {  	s14 =	rddreg [dreg:$0x8];
	[sflag:s25] =	ssyncadd.s32 $0xFFFFE000  }
0x172: {  	[spmem:s3] =	stream.indirect.scatter.add.f32 [tilespmem:s21], [sflag:$0x6], $0x40, s14, s19, $0xb8;
	[tilespmem:$0x1D080] =	vst v63  }
0x173: {  	_ =	swait.ge [sflag:s26], $0x2000  }
0x174: {  	[sflag:s26] =	ssyncset.done $0x0  }
0x175: {  	s15 =	rddreg [dreg:$0x9];
	[sflag:s26] =	ssyncadd.s32 $0xFFFFE000  }
0x176: {  	[spmem:s3] =	stream.indirect.scatter.add.f32 [tilespmem:s22], [sflag:$0x7], $0x40, s15, s19, $0xb8;
	[tilespmem:$0x1D080] =	vst v63  }
0x177: {  	_ =	swait.ge [sflag:s28], $0x2000  }
0x178: {  	[sflag:s28] =	ssyncset.done $0x0  }
0x179: {  	s16 =	rddreg [dreg:$0xa];
	[sflag:s28] =	ssyncadd.s32 $0xFFFFE000  }
0x17a: {  	[spmem:s3] =	stream.indirect.scatter.add.f32 [tilespmem:s23], [sflag:$0x8], $0x40, s16, s19, $0xb8;
	[tilespmem:$0x1D080] =	vst v63  }
0x17b: {  	_ =	swait.ge [sflag:s29], $0x2000  }
0x17c: {  	[sflag:s29] =	ssyncset.done $0x0  }
0x17d: {  	s14 =	rddreg [dreg:$0xb];
	[sflag:s29] =	ssyncadd.s32 $0xFFFFE000  }
0x17e: {  	[tilespmem:s20], [sflag:$0x1] =	stream.indirect.gather [spmem:s2], $0x40, s14, s19, $0xb8;
	[tilespmem:$0x1D080] =	vst v63  }
0x17f: {  	_ =	swait.ge [sflag:s30], $0x2000  }
0x180: {  	[sflag:s30] =	ssyncset.done $0x0  }
0x181: {  	s15 =	rddreg [dreg:$0xc];
	[sflag:s30] =	ssyncadd.s32 $0xFFFFE000  }
0x182: {  	[tilespmem:s21], [sflag:$0x2] =	stream.indirect.gather [spmem:s2], $0x40, s15, s19, $0xb8;
	[tilespmem:$0x1D080] =	vst v63  }
0x183: {  	_ =	swait.ge [sflag:s31], $0x2000  }
0x184: {  	[sflag:s31] =	ssyncset.done $0x0  }
0x185: {  	s16 =	rddreg [dreg:$0xd];
	[sflag:s31] =	ssyncadd.s32 $0xFFFFE000  }
0x186: {  	[tilespmem:s22], [sflag:$0x3] =	stream.indirect.gather [spmem:s2], $0x40, s16, s19, $0xb8;
	[tilespmem:$0x1D080] =	vst v63  }
0x187: {  	_ =	swait.ge [sflag:s0], $0x2000  }
0x188: {  	[sflag:s0] =	ssyncset.done $0x0  }
0x189: {  	s14 =	rddreg [dreg:$0xe];
	[sflag:s0] =	ssyncadd.s32 $0xFFFFE000  }
0x18a: {  	[tilespmem:s23], [sflag:$0x4] =	stream.indirect.gather [spmem:s2], $0x40, s14, s19, $0xb8;
	[tilespmem:$0x1D080] =	vst v63  }
0x18b: {  	_ =	swait.ge [sflag:s24], $0x2000  }
0x18c: {  	[sflag:s24] =	ssyncset.done $0x0  }
0x18d: {  	s15 =	rddreg [dreg:$0xf];
	[sflag:s24] =	ssyncadd.s32 $0xFFFFE000  }
0x18e: {  	[spmem:s3] =	stream.indirect.scatter.add.f32 [tilespmem:s20], [sflag:$0x5], $0x40, s15, s19, $0xb8;
	[tilespmem:$0x1D080] =	vst v63  }
0x18f: {  	_ =	swait.ge [sflag:s25], $0x2000  }
0x190: {  	[sflag:s25] =	ssyncset.done $0x0  }
0x191: {  	s16 =	rddreg [dreg:$0x10];
	[sflag:s25] =	ssyncadd.s32 $0xFFFFE000  }
0x192: {  	[spmem:s3] =	stream.indirect.scatter.add.f32 [tilespmem:s21], [sflag:$0x6], $0x40, s16, s19, $0xb8;
	[tilespmem:$0x1D080] =	vst v63  }
0x193: {  	_ =	swait.ge [sflag:s26], $0x2000  }
0x194: {  	[sflag:s26] =	ssyncset.done $0x0  }
0x195: {  	s14 =	rddreg [dreg:$0x11];
	[sflag:s26] =	ssyncadd.s32 $0xFFFFE000  }
0x196: {  	[spmem:s3] =	stream.indirect.scatter.add.f32 [tilespmem:s22], [sflag:$0x7], $0x40, s14, s19, $0xb8;
	[tilespmem:$0x1D080] =	vst v63  }
0x197: {  	_ =	swait.ge [sflag:s28], $0x2000  }
0x198: {  	[sflag:s28] =	ssyncset.done $0x0  }
0x199: {  	s15 =	rddreg [dreg:$0x12];
	[sflag:s28] =	ssyncadd.s32 $0xFFFFE000  }
0x19a: {  	[spmem:s3] =	stream.indirect.scatter.add.f32 [tilespmem:s23], [sflag:$0x8], $0x40, s15, s19, $0xb8;
	[tilespmem:$0x1D080] =	vst v63  }
0x19b: {  	_ =	swait.ge [sflag:s29], $0x2000  }
0x19c: {  	[sflag:s29] =	ssyncset.done $0x0  }
0x19d: {  	s16 =	rddreg [dreg:$0x13];
	[sflag:s29] =	ssyncadd.s32 $0xFFFFE000  }
0x19e: {  	[tilespmem:s20], [sflag:$0x1] =	stream.indirect.gather [spmem:s2], $0x40, s16, s19, $0xb8;
	[tilespmem:$0x1D080] =	vst v63  }
0x19f: {  	_ =	swait.ge [sflag:s30], $0x2000  }
0x1a0: {  	[sflag:s30] =	ssyncset.done $0x0  }
0x1a1: {  	s14 =	rddreg [dreg:$0x14];
	[sflag:s30] =	ssyncadd.s32 $0xFFFFE000  }
0x1a2: {  	[tilespmem:s21], [sflag:$0x2] =	stream.indirect.gather [spmem:s2], $0x40, s14, s19, $0xb8;
	[tilespmem:$0x1D080] =	vst v63  }
0x1a3: {  	_ =	swait.ge [sflag:s31], $0x2000  }
0x1a4: {  	[sflag:s31] =	ssyncset.done $0x0  }
0x1a5: {  	s15 =	rddreg [dreg:$0x15];
	[sflag:s31] =	ssyncadd.s32 $0xFFFFE000  }
0x1a6: {  	[tilespmem:s22], [sflag:$0x3] =	stream.indirect.gather [spmem:s2], $0x40, s15, s19, $0xb8;
	[tilespmem:$0x1D080] =	vst v63  }
0x1a7: {  	_ =	swait.ge [sflag:s0], $0x2000  }
0x1a8: {  	[sflag:s0] =	ssyncset.done $0x0  }
0x1a9: {  	s16 =	rddreg [dreg:$0x16];
	[sflag:s0] =	ssyncadd.s32 $0xFFFFE000  }
0x1aa: {  	[tilespmem:s23], [sflag:$0x4] =	stream.indirect.gather [spmem:s2], $0x40, s16, s19, $0xb8;
	[tilespmem:$0x1D080] =	vst v63  }
0x1ab: {  	_ =	swait.ge [sflag:s24], $0x2000  }
0x1ac: {  	[sflag:s24] =	ssyncset.done $0x0  }
0x1ad: {  	s14 =	rddreg [dreg:$0x17];
	[sflag:s24] =	ssyncadd.s32 $0xFFFFE000  }
0x1ae: {  	[spmem:s3] =	stream.indirect.scatter.add.f32 [tilespmem:s20], [sflag:$0x5], $0x40, s14, s19, $0xb8;
	[tilespmem:$0x1D080] =	vst v63  }
0x1af: {  	_ =	swait.ge [sflag:s25], $0x2000  }
0x1b0: {  	[sflag:s25] =	ssyncset.done $0x0  }
0x1b1: {  	s15 =	rddreg [dreg:$0x18];
	[sflag:s25] =	ssyncadd.s32 $0xFFFFE000  }
0x1b2: {  	[spmem:s3] =	stream.indirect.scatter.add.f32 [tilespmem:s21], [sflag:$0x6], $0x40, s15, s19, $0xb8;
	[tilespmem:$0x1D080] =	vst v63  }
0x1b3: {  	_ =	swait.ge [sflag:s26], $0x2000  }
0x1b4: {  	[sflag:s26] =	ssyncset.done $0x0  }
0x1b5: {  	s16 =	rddreg [dreg:$0x19];
	[sflag:s26] =	ssyncadd.s32 $0xFFFFE000  }
0x1b6: {  	[spmem:s3] =	stream.indirect.scatter.add.f32 [tilespmem:s22], [sflag:$0x7], $0x40, s16, s19, $0xb8;
	[tilespmem:$0x1D080] =	vst v63  }
0x1b7: {  	_ =	swait.ge [sflag:s28], $0x2000  }
0x1b8: {  	[sflag:s28] =	ssyncset.done $0x0  }
0x1b9: {  	[sflag:s28] =	ssyncadd.s32 $0xFFFFE000  }
0x1ba: {  	[spmem:s3] =	stream.indirect.scatter.add.f32 [tilespmem:s23], [sflag:$0x8], $0x40, s1, s19, $0xb8;
	[tilespmem:$0x1D080] =	vst v63  }
0x1bb: {  	_ =	swait.ge [sflag:s29], $0x2000  }
0x1bc: {  	[sflag:s29] =	ssyncset.done $0x0  }
0x1bd: {  	[sflag:s29] =	ssyncadd.s32 $0xFFFFE000  }
0x1be: {  	[tilespmem:s20], [sflag:$0x1] =	stream.indirect.gather [spmem:s2], $0x40, s5, s19, $0xb8;
	[tilespmem:$0x1D080] =	vst v63  }
0x1bf: {  	_ =	swait.ge [sflag:s30], $0x2000  }
0x1c0: {  	[sflag:s30] =	ssyncset.done $0x0  }
0x1c1: {  	[sflag:s30] =	ssyncadd.s32 $0xFFFFE000  }
0x1c2: {  	[tilespmem:s21], [sflag:$0x2] =	stream.indirect.gather [spmem:s2], $0x40, s6, s19, $0xb8;
	[tilespmem:$0x1D080] =	vst v63  }
0x1c3: {  	_ =	swait.ge [sflag:s31], $0x2000  }
0x1c4: {  	[sflag:s31] =	ssyncset.done $0x0  }
0x1c5: {  	[sflag:s31] =	ssyncadd.s32 $0xFFFFE000  }
0x1c6: {  	[tilespmem:s22], [sflag:$0x3] =	stream.indirect.gather [spmem:s2], $0x40, s7, s19, $0xb8;
	[tilespmem:$0x1D080] =	vst v63  }
0x1c7: {  	_ =	swait.ge [sflag:s0], $0x2000  }
0x1c8: {  	[sflag:s0] =	ssyncset.done $0x0  }
0x1c9: {  	[sflag:s0] =	ssyncadd.s32 $0xFFFFE000  }
0x1ca: {  	[tilespmem:s23], [sflag:$0x4] =	stream.indirect.gather [spmem:s2], $0x40, s8, s19, $0xb8;
	[tilespmem:$0x1D080] =	vst v63  }
0x1cb: {  	_ =	swait.ge [sflag:s24], $0x2000  }
0x1cc: {  	[sflag:s24] =	ssyncset.done $0x0  }
0x1cd: {  	[sflag:s24] =	ssyncadd.s32 $0xFFFFE000  }
0x1ce: {  	[spmem:s3] =	stream.indirect.scatter.add.f32 [tilespmem:s20], [sflag:$0x5], $0x40, s9, s19, $0xb8;
	[tilespmem:$0x1D080] =	vst v63  }
0x1cf: {  	_ =	swait.ge [sflag:s25], $0x2000  }
0x1d0: {  	[sflag:s25] =	ssyncset.done $0x0  }
0x1d1: {  	[sflag:s25] =	ssyncadd.s32 $0xFFFFE000  }
0x1d2: {  	[spmem:s3] =	stream.indirect.scatter.add.f32 [tilespmem:s21], [sflag:$0x6], $0x40, s10, s19, $0xb8;
	[tilespmem:$0x1D080] =	vst v63  }
0x1d3: {  	_ =	swait.ge [sflag:s26], $0x2000  }
0x1d4: {  	[sflag:s26] =	ssyncset.done $0x0  }
0x1d5: {  	[sflag:s26] =	ssyncadd.s32 $0xFFFFE000  }
0x1d6: {  	[spmem:s3] =	stream.indirect.scatter.add.f32 [tilespmem:s22], [sflag:$0x7], $0x40, s11, s19, $0xb8;
	[tilespmem:$0x1D080] =	vst v63  }
0x1d7: {  	_ =	swait.ge [sflag:s28], $0x2000  }
0x1d8: {  	[sflag:s28] =	ssyncset.done $0x0  }
0x1d9: {  	[sflag:s28] =	ssyncadd.s32 $0xFFFFE000  }
0x1da: {  	[spmem:s3] =	stream.indirect.scatter.add.f32 [tilespmem:s23], [sflag:$0x8], $0x40, s12, s19, $0xb8;
	[tilespmem:$0x1D080] =	vst v63  }
0x1db: {  	_ =	swait.ge [sflag:s29], $0x2000  }
0x1dc: {  	[sflag:s29] =	ssyncset.done $0x0  }
0x1dd: {  	[sflag:s29] =	ssyncadd.s32 $0xFFFFE000  }
0x1de: {  	_ =	swait.ge [sflag:s30], $0x2000  }
0x1df: {  	[sflag:s30] =	ssyncset.done $0x0  }
0x1e0: {  	[sflag:s30] =	ssyncadd.s32 $0xFFFFE000  }
0x1e1: {  	_ =	swait.ge [sflag:s31], $0x2000  }
0x1e2: {  	[sflag:s31] =	ssyncset.done $0x0  }
0x1e3: {  	[sflag:s31] =	ssyncadd.s32 $0xFFFFE000  }
0x1e4: {  	_ =	swait.ge [sflag:s0], $0x2000  }
0x1e5: {  	[sflag:s0] =	ssyncset.done $0x0  }
0x1e6: {  	[sflag:s0] =	ssyncadd.s32 $0xFFFFE000  }
0x1e7: {  	[bflag:$0x0] =	sbarrier.arrive $0xFFFF  }
0x1e8: {  	s15 =	sld [smem:$0x7F9];
	_ =	sdelay $0x1  }
0x1e9: {  	s13 =	simm.s32 @p0 $0x1FC9;
	s14 =	rddreg [dreg:$0x1f]  }
0x1ea: {  	[hbm:s14], [sflag:s13] =	dma.local @p0 [spmem:s15], $0x1040  }
0x1eb: {  	s13 =	simm.s32 @p0 $0x9  }
0x1ec: {  	_ =	swait.ge @p0 [sflag:s13], $0x1040  }
0x1ed: {  	s14 =	sld [smem:$0x7FC]  }
0x1ee: {  	s16 =	sld [smem:$0x7FD]  }
0x1ef: {  	[sflag:s13] =	ssyncset.done @p0 $0x0  }
0x1f0: {  	[sflag:s13] =	ssyncadd.s32 @p0 $0xFFFFEFC0;
	s13 =	rddreg [dreg:$0x1e]  }
0x1f1: {  	[hbm:s13], [sflag:s14] =	dma.local @!p0 [spmem:s16], $0x13C0  }
0x1f2: {  	s14 =	simm.s32 @!p0 $0x9  }
0x1f3: {  	_ =	swait.ge @!p0 [sflag:s14], $0x13C0  }
0x1f4: {  	s13 =	sld [smem:$0x7FB]  }
0x1f5: {  	s16 =	sld [smem:$0x7F7];
	_ =	sdelay $0x1  }
0x1f6: {  	s15 =	sadd.s32 $0x1, s13  }
0x1f7: {  	p1 =	sne.s32 s15, s16  }
.Ltmp1:
0x1f8: {  	_ = 	snop;
	(pc) =	sbr.rel @p1 .LBB2_1-.Ltmp1, $3  }
0x1f9: {  	_ =	sdelay $0x1  }
0x1fa: {  	[sflag:s14] =	ssyncset.done @!p0 $0x0;
	s13 =	simm.s32 @!p0 $0x9  }
0x1fb: {  	[smem:$0x7FB] =	sst s15;
	[sflag:s13] =	ssyncadd.s32 @!p0 $0xFFFFEC40  }
0x1fc: {  	_ =	sfence.sel $0x180000  }
0x1fd: {  	[bflag:$0x0] =	sbarrier.arrive $0xFFFF  }
0x1fe: {  	_ =	strace $0x9000004A  }
0x1ff: {  	s0 =	stileid.u32;
	[bflag:$0x2] =	sbarrier.arrive $0xFFFF  }
0x200: {  	p0 =	sne.s32 s0, $0x0;
	s0 =	rddreg [dreg:$0x3]  }
0x201: {  	s0 =	sadd.s32 @!p0 $0x100000, s0  }
0x202: {  	[sflag:s0] =	ssyncadd.tile.s32 @!p0 $0x1;
	_ =	shalt  }
.Lfunc_end2:
_tile_overlayer_lowered:
.L_overlay_start_2:
0x203: {  	(tag) =	ssettag $0x2  }
0x204: {  	s0 =	rddreg [dreg:$0x0];
	s2 =	stileid.u32  }
0x205: {  	s1 =	rddreg [dreg:$0x1];
	p0 =	sne.s32 s2, $0x0  }
0x206: {  	s3 =	rddreg [dreg:$0x2];
	[bflag:$0x3] =	sbarrier.arrive $0xFFFF;
	s2 =	simm.s32 @!p0 $0x1C09  }
0x207: {  	[timem:s3], [sflag:s2] =	dma.local @!p0 [hbm:s0], s1  }
0x208: {  	s0 =	simm.s32 @!p0 $0x9  }
0x209: {  	_ =	swait.ge @!p0 [sflag:s0], s1  }
0x20a: {  	s1 =	ssub.s32 @!p0 $0x0, s1;
	[sflag:s0] =	ssyncset.done @!p0 $0x0  }
0x20b: {  	[sflag:s0] =	ssyncadd.s32 @!p0 s1  }
0x20c: {  	[bflag:$0x3] =	sbarrier.arrive $0xFFFF  }
0x20d: {  	_ =	shalt  }

// kernel: kernel.16.cloned.1.call-start
scs
__scs_entry_jumppad:
0x0: {  	(pc) =	sbr.rel $0x88, $3  }
0x1: {  	(tag) =	ssettag $0x0;
	lr =	simm.s32 $0x1  }
0x2: {  	[smem:$0x3F91] =	sst lr;
	_ =	strace $0xD0000000  }
0x3: {  	_ = 	snop  }
0x4: {  	_ = 	snop  }
0x5: {  	_ = 	snop  }
0x6: {  	_ = 	snop  }
0x7: {  	_ = 	snop  }
__scs_overlays_trampoline_lowered:
0x8: {  	[smem:$0x3FA0] =	sst s0  }
0x9: {  	[smem:$0x3FA1] =	sst s1  }
0xa: {  	[smem:$0x3FA2] =	sst s2  }
0xb: {  	[smem:$0x3FA3] =	sst s3  }
0xc: {  	[smem:$0x3FA4] =	sst s4  }
0xd: {  	[smem:$0x3FA5] =	sst s5  }
0xe: {  	[smem:$0x3FA6] =	sst s6  }
0xf: {  	[smem:$0x3FA7] =	sst s7  }
0x10: {  	[smem:$0x3FA8] =	sst s8  }
0x11: {  	[smem:$0x3FA9] =	sst s9;
	s0 =	simm.s32 @!p0 $0x0  }
0x12: {  	s1 =	sld [smem:$0x3F8F];
	s0 =	simm.s32 @p0 $0x1  }
0x13: {  	[smem:$0x3FAA] =	sst s0;
	s0 =	simm.s32 @!p1 $0x0  }
0x14: {  	s2 =	sld [smem:$0x3F8E];
	s0 =	simm.s32 @p1 $0x1  }
0x15: {  	[smem:$0x3FAB] =	sst s0;
	s0 =	simm.s32 @!p2 $0x0  }
0x16: {  	s3 =	sld [smem:$0x3FDB];
	s0 =	simm.s32 @p2 $0x1  }
0x17: {  	s4 =	simm.s32 $0x1BF5;
	[smem:$0x3FAD] =	sst s0  }
0x18: {  	s0 =	sld [smem:$0x3F90];
	_ =	swait.ge [sflag:s4], $0x0  }
0x19: {  	s7 =	sld [smem:$0x3F91]  }
0x1a: {  	s8 =	sadd.s32 $0xFFFFE003, lr  }
0x1b: {  	s9 =	sadd.s32 $0xFFFFFEF7, lr;
	s5 =	simm.s32 $0xFFFFFFFF;
	p2 =	slt.u32 s8, $0xFFFFF086  }
0x1c: {  	p1 =	slt.u32 s9, $0xF7A;
	s5 =	simm.s32 @!p2 $0x0  }
0x1d: {  	s5 =	simm.s32 @p1 $0x1;
	p0 =	seq.s32 s7, s2  }
0x1e: {  	s7 =	smul.u32 @!p0 $0xF7A, s2;
	p2 =	seq.s32 @!p0 s5, $0x0  }
0x1f: {  	s9 =	smul.u32 $0xF7A, s1;
	s8 =	simm.s32 @!p0 $0x1BF5;
	p2 =	por !p2, p0  }
0x20: {  	[sflag:s8] =	ssyncset.s32 @!p0 $0xFFFFF086;
	s6 =	sadd.s32 @!p0 s3, s7;
	s7 =	simm.s32 @!p0 $0x108  }
0x21: {  	s3 =	sadd.s32 s3, s9;
	s6 =	sadd.s32 @!p0 $0x88, s6;
	s7 =	simm.s32 @p2 $0x1082  }
0x22: {  	[simem:s7], [sflag:s8] =	dma.local @!p0 [hbm:s6], $0xF7A  }
0x23: {  	s9 =	sor.u32 $0xD0000000, s2;
	s6 =	simm.s32 $0x108;
	_ =	swait.ge @!p0 [sflag:s8], $0x0  }
0x24: {  	s3 =	sadd.s32 $0x88, s3;
	s6 =	simm.s32 @!p1 $0x1082;
	[sflag:s4] =	ssyncset.s32 $0xFFFFF086  }
0x25: {  	[simem:s6], [sflag:s4] =	dma.local [hbm:s3], $0xF7A  }
0x26: {  	[smem:$0x3F91] =	sst s1;
	(tag) =	ssettag s2;
	_ =	strace s9  }
0x27: {  	s1 =	sld [smem:$0x3FA1]  }
0x28: {  	s2 =	sld [smem:$0x3FA2]  }
0x29: {  	s4 =	sld [smem:$0x3FA4]  }
0x2a: {  	p0 =	seq.s32 s5, $0x0;
	s5 =	sld [smem:$0x3FA5]  }
0x2b: {  	s6 =	sld [smem:$0x3FA6]  }
0x2c: {  	s7 =	sld [smem:$0x3FA7]  }
0x2d: {  	s3 =	simm.s32 $0x108;
	s8 =	sld [smem:$0x3FA8]  }
0x2e: {  	s3 =	simm.s32 @!p0 $0x1082;
	s9 =	sld [smem:$0x3FA9]  }
0x2f: {  	lr =	sadd.s32 s0, s3;
	s0 =	sld [smem:$0x3FA0]  }
0x30: {  	s3 =	sld [smem:$0x3FA3]  }
0x31: {  	[smem:$0x3FAC] =	sst s10  }
0x32: {  	s10 =	sld [smem:$0x3FAA];
	_ =	sdelay $0x3  }
0x33: {  	p0 =	seq.s32 s10, $0x1;
	s10 =	sld [smem:$0x3FAC];
	_ =	sdelay $0x3  }
0x34: {  	[smem:$0x3FAC] =	sst s10  }
0x35: {  	s10 =	sld [smem:$0x3FAB];
	_ =	sdelay $0x3  }
0x36: {  	p1 =	seq.s32 s10, $0x1;
	s10 =	sld [smem:$0x3FAC];
	_ =	sdelay $0x3  }
0x37: {  	[smem:$0x3FAC] =	sst s10  }
0x38: {  	s10 =	sld [smem:$0x3FAD]  }
0x39: {  	_ = 	snop;
	(pc) =	sbr.ind lr, $3  }
0x3a: {  	_ = 	snop  }
0x3b: {  	_ = 	snop  }
0x3c: {  	p2 =	seq.s32 s10, $0x1;
	s10 =	sld [smem:$0x3FAC]  }
0x3d: {  	_ =	shalt  }
0x3e: {  	_ =	shalt  }
0x3f: {  	_ =	shalt  }
0x40: {  	_ =	shalt  }
0x41: {  	_ =	shalt  }
0x42: {  	_ =	shalt  }
0x43: {  	_ =	shalt  }
0x44: {  	_ =	shalt  }
0x45: {  	_ =	shalt  }
0x46: {  	_ =	shalt  }
0x47: {  	_ =	shalt  }
0x48: {  	_ =	shalt  }
0x49: {  	_ =	shalt  }
0x4a: {  	_ =	shalt  }
0x4b: {  	_ =	shalt  }
0x4c: {  	_ =	shalt  }
0x4d: {  	_ =	shalt  }
0x4e: {  	_ =	shalt  }
0x4f: {  	_ =	shalt  }
0x50: {  	_ =	shalt  }
0x51: {  	_ =	shalt  }
0x52: {  	_ =	shalt  }
0x53: {  	_ =	shalt  }
0x54: {  	_ =	shalt  }
0x55: {  	_ =	shalt  }
0x56: {  	_ =	shalt  }
0x57: {  	_ =	shalt  }
0x58: {  	_ =	shalt  }
0x59: {  	_ =	shalt  }
0x5a: {  	_ =	shalt  }
0x5b: {  	_ =	shalt  }
0x5c: {  	_ =	shalt  }
0x5d: {  	_ =	shalt  }
0x5e: {  	_ =	shalt  }
0x5f: {  	_ =	shalt  }
0x60: {  	_ =	shalt  }
0x61: {  	_ =	shalt  }
0x62: {  	_ =	shalt  }
0x63: {  	_ =	shalt  }
0x64: {  	_ =	shalt  }
0x65: {  	_ =	shalt  }
0x66: {  	_ =	shalt  }
0x67: {  	_ =	shalt  }
0x68: {  	_ =	shalt  }
0x69: {  	_ =	shalt  }
0x6a: {  	_ =	shalt  }
0x6b: {  	_ =	shalt  }
0x6c: {  	_ =	shalt  }
0x6d: {  	_ =	shalt  }
0x6e: {  	_ =	shalt  }
0x6f: {  	_ =	shalt  }
0x70: {  	_ =	shalt  }
0x71: {  	_ =	shalt  }
0x72: {  	_ =	shalt  }
0x73: {  	_ =	shalt  }
0x74: {  	_ =	shalt  }
0x75: {  	_ =	shalt  }
0x76: {  	_ =	shalt  }
0x77: {  	_ =	shalt  }
0x78: {  	_ =	shalt  }
0x79: {  	_ =	shalt  }
0x7a: {  	_ =	shalt  }
0x7b: {  	_ =	shalt  }
0x7c: {  	_ =	shalt  }
0x7d: {  	_ =	shalt  }
0x7e: {  	_ =	shalt  }
0x7f: {  	_ =	shalt  }
0x80: {  	_ =	shalt  }
0x81: {  	_ =	shalt  }
0x82: {  	_ =	shalt  }
0x83: {  	_ =	shalt  }
0x84: {  	_ =	shalt  }
0x85: {  	_ =	shalt  }
0x86: {  	_ =	shalt  }
0x87: {  	_ =	shalt  }
.Lfunc_end0:
.L_simem_size_0:
called_computation.2_lowered:
.L_overlay_start_0:
0x88: {  	s2 =	sld [smem:$0x3FD9]  }
0x89: {  	s3 =	sld [smem:$0x3FFE];
	_ =	sdelay $0x1  }
0x8a: {  	s1 =	srdreg.scid  }
0x8b: {  	s0 =	sand.u32 $0x1, s1  }
0x8c: {  	s16 =	sshll.u32 s0, $0xA;
	s2 =	sadd.s32 s3, s2  }
0x8d: {  	s2 =	sadd.s32 s2, s16  }
0x8e: {  	[smem:$0x3FB8] =	sst s2  }
0x8f: {  	_ = 	snop  }
0x90: {  	(tm) =	ssettm $0x1  }
0x91: {  	s17 =	sld [smem:$0x3FFB];
	_ =	sdelay $0x3  }
0x92: {  	_ =	strace s17  }
0x93: {  	s2 =	sld [smem:$0x3FFC];
	_ =	sdelay $0x3  }
0x94: {  	_ =	strace s2  }
0x95: {  	s2 =	sld [smem:$0x3FFD];
	_ =	sdelay $0x3  }
0x96: {  	_ =	strace s2  }
0x97: {  	_ =	strace $0x8FFFFFFF  }
0x98: {  	s18 =	sld [smem:$0x3FDB];
	_ =	sdelay $0x1  }
0x99: {  	s19 =	simm.s32 $_scs_section_size  }
0x9a: {  	s4 =	simm.s32 $_size__tile_overlayer_lowered;
	s5 =	simm.s32 $_tile_overlayer_lowered  }
0x9b: {  	s22 =	simm.s32 $0x1BFF;
	s21 =	sshll.u32 s5, $0x1;
	s2 =	sadd.s32 s19, s18  }
0x9c: {  	s6 =	simm.s32 $0x0;
	s20 =	sshll.u32 s4, $0x1;
	s4 =	sadd.s32 s21, s2  }
0x9d: {  	[timem:s6], [sflag:s22] =	dma.local [hbm:s4], s20  }
0x9e: {  	_ =	swait.ge [sflag:s22], s20  }
0x9f: {  	s3 =	ssub.s32 $0x0, s20;
	[sflag:s22] =	ssyncset.done $0x0  }
0xa0: {  	[sflag:s22] =	ssyncadd.s32 s3;
	_ =	sdelay $0x1  }
0xa1: {  	s23 =	simm.s32 $0x1B8B  }
0xa2: {  	_ =	swait.ge [sflag:s23], $0x1  }
0xa3: {  	[sflag:s23] =	ssyncset.done $0x0  }
0xa4: {  	s25 =	simm.s32 $0x1B8E;
	s24 =	sld [smem:$0x3FFE];
	[sflag:s23] =	ssyncadd.s32 $0xFFFFFFFF  }
0xa5: {  	s26 =	simm.s32 $execute0_lowered;
	[smem:$0x3FD2] =	sst s25  }
0xa6: {  	s4 =	sshll.u32 s26, $0x1;
	_ =	strace $0x8000004C;
	[dreg:$0x1] =	wrdreg $0xFFFFFFFF  }
0xa7: {  	s28 =	simm.s32 $_size_execute0_lowered;
	s2 =	sadd.s32 s2, s4;
	[dreg:$0x0] =	wrdreg $0x0  }
0xa8: {  	s4 =	sshll.u32 s28, $0x1;
	[dreg:$0x2] =	wrdreg s2  }
0xa9: {  	[dreg:$0x3] =	wrdreg s4  }
0xaa: {  	[dreg:$0x4] =	wrdreg $0xC0  }
0xab: {  	_ =	task [dreg:s6], $0x5FFFF  }
0xac: {  	[dreg:$0x1] =	wrdreg $0xFFFFFFFF  }
0xad: {  	[dreg:$0x0] =	wrdreg $0x60  }
0xae: {  	[dreg:$0x2] =	wrdreg s24  }
0xaf: {  	[dreg:$0x3] =	wrdreg $0x90000  }
0xb0: {  	[dreg:$0x4] =	wrdreg $0x12C400  }
0xb1: {  	[dreg:$0x5] =	wrdreg $0x9  }
0xb2: {  	_ =	task.clear_ibuf [dreg:s6], $0x6FFFF;
	_ =	strace $0x9000004C  }
0xb3: {  	s29 =	simm.s32 $0x9;
	_ =	strace $0x8000004E  }
0xb4: {  	_ =	swait.ge [sflag:s29], $0x1  }
0xb5: {  	[sflag:s29] =	ssyncadd.s32 $0xFFFFFFFF  }
0xb6: {  	_ =	strace $0x9000004E  }
0xb7: {  	_ =	sfence  }
0xb8: {  	s30 =	sld [smem:$0x0];
	_ =	sdelay $0x2  }
0xb9: {  	s31 =	sshll.u32 s1, $0xD;
	s1 =	sshrl.u32 s1, $0x2  }
0xba: {  	s3 =	sand.u32 $0x4000, s31;
	s1 =	sadd.s32 s1, s30  }
0xbb: {  	s0 =	sor.u32 s3, s0;
	s1 =	sshll.u32 s1, $0x11  }
0xbc: {  	s0 =	sor.u32 s1, s0  }
0xbd: {  	s0 =	sadd.s32 $0x8F2B, s0  }
0xbe: {  	[sflag:s0] =	ssyncadd.remote.s32 $0x1  }
0xbf: {  	_ =	sfence.sel $0xFFFF  }
0xc0: {  	[dreg:$0x0] =	wrdreg $0xFFFFFFFF;
	(pc) =	sbr.abs _section_cstart, $3  }
0xc1: {  	[dreg:$0x1] =	wrdreg $0xFFFFFFFF  }
0xc2: {  	_ =	task.clear_ibuf [dreg:s6], $0x2FFFF;
	_ =	strace $0x9FFFFFFF  }
0xc3: {  	(tm) =	ssettm $0x7FFFFFFF  }
tec
execute0_lowered:
.L_overlay_start_1:
0x0: {  	(tag) =	ssettag $0x1  }
0x1: {  	s0 =	rddreg [dreg:$0x0]  }
0x2: {  	s2 =	rddreg [dreg:$0x1]  }
0x3: {  	s3 =	rddreg [dreg:$0x2];
	s14 =	stileid.u32  }
0x4: {  	s4 =	simm.s32 $0x0;
	s5 =	srdreg.scid;
	s15 =	simm.s32 $0x180  }
0x5: {  	s17 =	simm.s32 $0x880;
	s19 =	simm.s32 $0x900;
	s21 =	simm.s32 $0x980  }
0x6: {  	s22 =	simm.s32 $0x200;
	s23 =	simm.s32 $0x280;
	[smem:$0x7FF] =	sst s4  }
0x7: {  	s24 =	simm.s32 $0x300;
	_ =	strace $0x8000004D;
	[dreg:$0x7] =	wrdreg s15  }
0x8: {  	s25 =	simm.s32 $0x380;
	s28 =	simm.s32 $0x4;
	[dreg:$0x8] =	wrdreg s17  }
0x9: {  	s29 =	simm.s32 $0x5;
	s30 =	simm.s32 $0x6;
	[dreg:$0x9] =	wrdreg s19  }
0xa: {  	s31 =	simm.s32 $0x7;
	s1 =	smul.u32 $0xA00, s14;
	[dreg:$0xa] =	wrdreg s21  }
0xb: {  	s6 =	smul.u32 $0x9E00, s14;
	s5 =	sand.u32 $0x1, s5;
	[dreg:$0xb] =	wrdreg s22  }
0xc: {  	s8 =	sadd.s32 $0x3EC00, s0;
	s11 =	sadd.s32 $0x65E00, s0;
	[dreg:$0xc] =	wrdreg s23  }
0xd: {  	p0 =	seq.s32 s14, $0xF;
	s7 =	smul.u32 $0x9C400, s5;
	[dreg:$0xd] =	wrdreg s24  }
0xe: {  	s5 =	ssub.s32 $0x2, s5;
	[dreg:$0xe] =	wrdreg s25;
	s17 =	simm.s32 $0x9  }
0xf: {  	s19 =	simm.s32 $0x80;
	s21 =	simm.s32 $0x3000;
	s22 =	simm.s32 $0x5000  }
0x10: {  	s23 =	simm.s32 $0x7000;
	s15 =	simm.s32 $0x0;
	s1 =	sadd.s32 s1, s0  }
0x11: {  	s9 =	sshrl.u32 s6, $0x3;
	[smem:$0x7FB] =	sst s15;
	s26 =	sadd.s32 $0xD200, s1  }
0x12: {  	s12 =	sshrl.u32 s5, $0x1;
	s1 =	sadd.s32 $0x3200, s1;
	[dreg:$0x4] =	wrdreg s26  }
0x13: {  	s9 =	sadd.s32 s9, s0;
	s0 =	sadd.s32 $0x3DA40, s0;
	[dreg:$0x5] =	wrdreg s1  }
0x14: {  	s5 =	ssub.s32 s5, s12;
	s9 =	sadd.s32 $0x2B200, s9;
	[dreg:$0x1d] =	wrdreg s0  }
0x15: {  	s10 =	sadd.s32 s6, s7;
	s20 =	smax.u32 s5, $0x1;
	[dreg:$0x1b] =	wrdreg s9  }
0x16: {  	s7 =	sshrl.u32 s7, $0x3;
	s26 =	simm.s32 $0xA00;
	[smem:$0x7F7] =	sst s20  }
0x17: {  	s10 =	sshrl.u32 s10, $0x3;
	s5 =	simm.s32 $0xB00;
	[dreg:$0xf] =	wrdreg s26  }
0x18: {  	s7 =	sadd.s32 $0x12840, s7;
	s13 =	sadd.s32 s8, s10;
	[dreg:$0x11] =	wrdreg s5  }
0x19: {  	s24 =	simm.s32 $0x1;
	s8 =	sadd.s32 s8, s7;
	[dreg:$0x1a] =	wrdreg s13  }
0x1a: {  	s25 =	simm.s32 $0x2;
	s16 =	sadd.s32 s11, s10;
	[dreg:$0x1c] =	wrdreg s8  }
0x1b: {  	s12 =	sadd.s32 s6, s2;
	s18 =	sadd.s32 s11, s7;
	[dreg:$0x1e] =	wrdreg s16  }
0x1c: {  	s6 =	sadd.s32 s6, s3;
	s7 =	simm.s32 $0x400;
	[dreg:$0x1f] =	wrdreg s18  }
0x1d: {  	s0 =	simm.s32 $0x8;
	s10 =	simm.s32 $0x580;
	[dreg:$0x13] =	wrdreg s7  }
0x1e: {  	s9 =	sadd.s32 $0x94200, s2;
	s11 =	simm.s32 $0xC00;
	[dreg:$0x16] =	wrdreg s10  }
0x1f: {  	s20 =	simm.s32 $0x1000;
	s13 =	simm.s32 $0x100;
	[dreg:$0x17] =	wrdreg s11  }
0x20: {  	s26 =	simm.s32 $0x3;
	s1 =	sshrl.u32 @p0 s9, $0x3;
	[dreg:$0x6] =	wrdreg s13  }
0x21: {  	s16 =	sshrl.u32 @!p0 s6, $0x3;
	s6 =	simm.s32 $0xB80;
	[smem:$0x7F8] =	sst s1  }
0x22: {  	s5 =	simm.s32 $0x600;
	s9 =	simm.s32 $0x500;
	[dreg:$0x12] =	wrdreg s6  }
0x23: {  	s8 =	sadd.s32 $0x94200, s3;
	s18 =	simm.s32 $0x800;
	[dreg:$0x15] =	wrdreg s9  }
0x24: {  	s7 =	simm.s32 $0x700;
	s1 =	sshrl.u32 @p0 s8, $0x3;
	[smem:$0x7FD] =	sst s16  }
0x25: {  	s10 =	simm.s32 $0xE80;
	s8 =	simm.s32 $0x480;
	[smem:$0x7F9] =	sst s1  }
0x26: {  	s13 =	simm.s32 $0xD00;
	s1 =	sshll.u32 @!p0 s14, $0x6;
	[dreg:$0x14] =	wrdreg s8  }
0x27: {  	[dreg:$0x19] =	wrdreg s13;
	s14 =	sor.u32 @!p0 $0x1C09, s1;
	s1 =	sshrl.u32 @!p0 s12, $0x3  }
0x28: {  	s11 =	simm.s32 $0xF00;
	s12 =	simm.s32 $0xC80;
	[smem:$0x7FA] =	sst s1  }
0x29: {  	s6 =	simm.s32 $0x680;
	s9 =	simm.s32 $0xE00;
	[dreg:$0x18] =	wrdreg s12  }
0x2a: {  	s8 =	simm.s32 $0x780;
	s1 =	simm.s32 $0xA80;
	[smem:$0x7FC] =	sst s14  }
0x2b: {  	s12 =	simm.s32 $0xF80;
	[dreg:$0x10] =	wrdreg s1;
	s1 =	simm.s32 $0xD80  }
.LBB2_1:
0x2c: {  	s15 =	sld [smem:$0x7F8];
	_ =	sdelay $0x1  }
0x2d: {  	s13 =	simm.s32 @p0 $0x1FC9;
	s14 =	rddreg [dreg:$0x1c]  }
0x2e: {  	[spmem:s15], [sflag:s13] =	dma.local @p0 [hbm:s14], $0x1040  }
0x2f: {  	s14 =	simm.s32 @p0 $0x9  }
0x30: {  	_ =	swait.ge @p0 [sflag:s14], $0x1040  }
0x31: {  	s13 =	sld [smem:$0x7F9]  }
0x32: {  	[sflag:s14] =	ssyncset.done @p0 $0x0  }
0x33: {  	s16 =	simm.s32 @p0 $0x1FC9;
	s15 =	rddreg [dreg:$0x1d];
	[sflag:s14] =	ssyncadd.s32 @p0 $0xFFFFEFC0  }
0x34: {  	[spmem:s13], [sflag:s16] =	dma.local @p0 [hbm:s15], $0x1040  }
0x35: {  	_ =	swait.ge @p0 [sflag:s14], $0x1040  }
0x36: {  	[sflag:s14] =	ssyncset.done @p0 $0x0;
	s16 =	sld [smem:$0x7FC]  }
0x37: {  	[sflag:s14] =	ssyncadd.s32 @p0 $0xFFFFEFC0;
	s14 =	sld [smem:$0x7FA];
	_ =	sdelay $0x1  }
0x38: {  	s13 =	rddreg [dreg:$0x1a]  }
0x39: {  	[spmem:s14], [sflag:s16] =	dma.local @!p0 [hbm:s13], $0x13C0  }
0x3a: {  	s13 =	simm.s32 @!p0 $0x9  }
0x3b: {  	_ =	swait.ge @!p0 [sflag:s13], $0x13C0  }
0x3c: {  	s15 =	sld [smem:$0x7FD]  }
0x3d: {  	[sflag:s13] =	ssyncset.done @!p0 $0x0  }
0x3e: {  	s14 =	rddreg [dreg:$0x1b];
	[sflag:s13] =	ssyncadd.s32 @!p0 $0xFFFFEC40  }
0x3f: {  	[spmem:s15], [sflag:s16] =	dma.local @!p0 [hbm:s14], $0x13C0  }
0x40: {  	_ =	swait.ge @!p0 [sflag:s13], $0x13C0  }
0x41: {  	[sflag:s13] =	ssyncset.done @!p0 $0x0  }
0x42: {  	[sflag:s13] =	ssyncadd.s32 @!p0 $0xFFFFEC40  }
0x43: {  	[bflag:$0x0] =	sbarrier.arrive $0xFFFF  }
0x44: {  	s16 =	rddreg [dreg:$0x5]  }
0x45: {  	s13 =	sadd.s32 $0x0, s16  }
0x46: {  	[tilespmem:s4], [sflag:$0x9] =	stream.linear.gather [hbm4b:s13+s4], $0x800, $0x38;
	[tilespmem:$0x1D080] =	vst v63  }
0x47: {  	_ =	swait.ge [sflag:s17], $0x800  }
0x48: {  	s14 =	rddreg [dreg:$0x4];
	[sflag:s17] =	ssyncset.done $0x0  }
0x49: {  	[sflag:s17] =	ssyncadd.s32 $0xFFFFF800;
	s13 =	sadd.s32 $0x0, s14  }
0x4a: {  	[tilespmem:s18], [sflag:$0x9] =	stream.linear.gather [hbm4b:s13+s4], $0x800, $0x38;
	[tilespmem:$0x1D080] =	vst v63  }
0x4b: {  	_ =	swait.ge [sflag:s17], $0x800  }
0x4c: {  	[sflag:s17] =	ssyncset.done $0x0  }
0x4d: {  	[sflag:s17] =	ssyncadd.s32 $0xFFFFF800  }
0x4e: {  	[tilespmem:s20], [sflag:$0x1] =	stream.indirect.gather [spmem:s2], $0x40, s4, s19, $0xb8;
	[tilespmem:$0x1D080] =	vst v63  }
0x4f: {  	_ = 	snop  }
0x50: {  	[tilespmem:s21], [sflag:$0x2] =	stream.indirect.gather [spmem:s2], $0x40, s19, s19, $0xb8;
	[tilespmem:$0x1D080] =	vst v63  }
0x51: {  	s15 =	rddreg [dreg:$0x6]  }
0x52: {  	[tilespmem:s22], [sflag:$0x3] =	stream.indirect.gather [spmem:s2], $0x40, s15, s19, $0xb8;
	[tilespmem:$0x1D080] =	vst v63  }
0x53: {  	s16 =	rddreg [dreg:$0x7]  }
0x54: {  	[tilespmem:s23], [sflag:$0x4] =	stream.indirect.gather [spmem:s2], $0x40, s16, s19, $0xb8;
	[tilespmem:$0x1D080] =	vst v63  }
0x55: {  	_ =	swait.ge [sflag:s24], $0x2000  }
0x56: {  	[sflag:s24] =	ssyncset.done $0x0  }
0x57: {  	[sflag:s24] =	ssyncadd.s32 $0xFFFFE000  }
0x58: {  	[spmem:s3] =	stream.indirect.scatter.add.f32 [tilespmem:s20], [sflag:$0x5], $0x40, s18, s19, $0xb8;
	[tilespmem:$0x1D080] =	vst v63  }
0x59: {  	_ =	swait.ge [sflag:s25], $0x2000  }
0x5a: {  	[sflag:s25] =	ssyncset.done $0x0  }
0x5b: {  	s14 =	rddreg [dreg:$0x8];
	[sflag:s25] =	ssyncadd.s32 $0xFFFFE000  }
0x5c: {  	[spmem:s3] =	stream.indirect.scatter.add.f32 [tilespmem:s21], [sflag:$0x6], $0x40, s14, s19, $0xb8;
	[tilespmem:$0x1D080] =	vst v63  }
0x5d: {  	_ =	swait.ge [sflag:s26], $0x2000  }
0x5e: {  	[sflag:s26] =	ssyncset.done $0x0  }
0x5f: {  	s15 =	rddreg [dreg:$0x9];
	[sflag:s26] =	ssyncadd.s32 $0xFFFFE000  }
0x60: {  	[spmem:s3] =	stream.indirect.scatter.add.f32 [tilespmem:s22], [sflag:$0x7], $0x40, s15, s19, $0xb8;
	[tilespmem:$0x1D080] =	vst v63  }
0x61: {  	_ =	swait.ge [sflag:s28], $0x2000  }
0x62: {  	[sflag:s28] =	ssyncset.done $0x0  }
0x63: {  	s16 =	rddreg [dreg:$0xa];
	[sflag:s28] =	ssyncadd.s32 $0xFFFFE000  }
0x64: {  	[spmem:s3] =	stream.indirect.scatter.add.f32 [tilespmem:s23], [sflag:$0x8], $0x40, s16, s19, $0xb8;
	[tilespmem:$0x1D080] =	vst v63  }
0x65: {  	_ =	swait.ge [sflag:s29], $0x2000  }
0x66: {  	[sflag:s29] =	ssyncset.done $0x0  }
0x67: {  	s14 =	rddreg [dreg:$0xb];
	[sflag:s29] =	ssyncadd.s32 $0xFFFFE000  }
0x68: {  	[tilespmem:s20], [sflag:$0x1] =	stream.indirect.gather [spmem:s2], $0x40, s14, s19, $0xb8;
	[tilespmem:$0x1D080] =	vst v63  }
0x69: {  	_ =	swait.ge [sflag:s30], $0x2000  }
0x6a: {  	[sflag:s30] =	ssyncset.done $0x0  }
0x6b: {  	s15 =	rddreg [dreg:$0xc];
	[sflag:s30] =	ssyncadd.s32 $0xFFFFE000  }
0x6c: {  	[tilespmem:s21], [sflag:$0x2] =	stream.indirect.gather [spmem:s2], $0x40, s15, s19, $0xb8;
	[tilespmem:$0x1D080] =	vst v63  }
0x6d: {  	_ =	swait.ge [sflag:s31], $0x2000  }
0x6e: {  	[sflag:s31] =	ssyncset.done $0x0  }
0x6f: {  	s16 =	rddreg [dreg:$0xd];
	[sflag:s31] =	ssyncadd.s32 $0xFFFFE000  }
0x70: {  	[tilespmem:s22], [sflag:$0x3] =	stream.indirect.gather [spmem:s2], $0x40, s16, s19, $0xb8;
	[tilespmem:$0x1D080] =	vst v63  }
0x71: {  	_ =	swait.ge [sflag:s0], $0x2000  }
0x72: {  	[sflag:s0] =	ssyncset.done $0x0  }
0x73: {  	s14 =	rddreg [dreg:$0xe];
	[sflag:s0] =	ssyncadd.s32 $0xFFFFE000  }
0x74: {  	[tilespmem:s23], [sflag:$0x4] =	stream.indirect.gather [spmem:s2], $0x40, s14, s19, $0xb8;
	[tilespmem:$0x1D080] =	vst v63  }
0x75: {  	_ =	swait.ge [sflag:s24], $0x2000  }
0x76: {  	[sflag:s24] =	ssyncset.done $0x0  }
0x77: {  	s15 =	rddreg [dreg:$0xf];
	[sflag:s24] =	ssyncadd.s32 $0xFFFFE000  }
0x78: {  	[spmem:s3] =	stream.indirect.scatter.add.f32 [tilespmem:s20], [sflag:$0x5], $0x40, s15, s19, $0xb8;
	[tilespmem:$0x1D080] =	vst v63  }
0x79: {  	_ =	swait.ge [sflag:s25], $0x2000  }
0x7a: {  	[sflag:s25] =	ssyncset.done $0x0  }
0x7b: {  	s16 =	rddreg [dreg:$0x10];
	[sflag:s25] =	ssyncadd.s32 $0xFFFFE000  }
0x7c: {  	[spmem:s3] =	stream.indirect.scatter.add.f32 [tilespmem:s21], [sflag:$0x6], $0x40, s16, s19, $0xb8;
	[tilespmem:$0x1D080] =	vst v63  }
0x7d: {  	_ =	swait.ge [sflag:s26], $0x2000  }
0x7e: {  	[sflag:s26] =	ssyncset.done $0x0  }
0x7f: {  	s14 =	rddreg [dreg:$0x11];
	[sflag:s26] =	ssyncadd.s32 $0xFFFFE000  }
0x80: {  	[spmem:s3] =	stream.indirect.scatter.add.f32 [tilespmem:s22], [sflag:$0x7], $0x40, s14, s19, $0xb8;
	[tilespmem:$0x1D080] =	vst v63  }
0x81: {  	_ =	swait.ge [sflag:s28], $0x2000  }
0x82: {  	[sflag:s28] =	ssyncset.done $0x0  }
0x83: {  	s15 =	rddreg [dreg:$0x12];
	[sflag:s28] =	ssyncadd.s32 $0xFFFFE000  }
0x84: {  	[spmem:s3] =	stream.indirect.scatter.add.f32 [tilespmem:s23], [sflag:$0x8], $0x40, s15, s19, $0xb8;
	[tilespmem:$0x1D080] =	vst v63  }
0x85: {  	_ =	swait.ge [sflag:s29], $0x2000  }
0x86: {  	[sflag:s29] =	ssyncset.done $0x0  }
0x87: {  	s16 =	rddreg [dreg:$0x13];
	[sflag:s29] =	ssyncadd.s32 $0xFFFFE000  }
0x88: {  	[tilespmem:s20], [sflag:$0x1] =	stream.indirect.gather [spmem:s2], $0x40, s16, s19, $0xb8;
	[tilespmem:$0x1D080] =	vst v63  }
0x89: {  	_ =	swait.ge [sflag:s30], $0x2000  }
0x8a: {  	[sflag:s30] =	ssyncset.done $0x0  }
0x8b: {  	s14 =	rddreg [dreg:$0x14];
	[sflag:s30] =	ssyncadd.s32 $0xFFFFE000  }
0x8c: {  	[tilespmem:s21], [sflag:$0x2] =	stream.indirect.gather [spmem:s2], $0x40, s14, s19, $0xb8;
	[tilespmem:$0x1D080] =	vst v63  }
0x8d: {  	_ =	swait.ge [sflag:s31], $0x2000  }
0x8e: {  	[sflag:s31] =	ssyncset.done $0x0  }
0x8f: {  	s15 =	rddreg [dreg:$0x15];
	[sflag:s31] =	ssyncadd.s32 $0xFFFFE000  }
0x90: {  	[tilespmem:s22], [sflag:$0x3] =	stream.indirect.gather [spmem:s2], $0x40, s15, s19, $0xb8;
	[tilespmem:$0x1D080] =	vst v63  }
0x91: {  	_ =	swait.ge [sflag:s0], $0x2000  }
0x92: {  	[sflag:s0] =	ssyncset.done $0x0  }
0x93: {  	s16 =	rddreg [dreg:$0x16];
	[sflag:s0] =	ssyncadd.s32 $0xFFFFE000  }
0x94: {  	[tilespmem:s23], [sflag:$0x4] =	stream.indirect.gather [spmem:s2], $0x40, s16, s19, $0xb8;
	[tilespmem:$0x1D080] =	vst v63  }
0x95: {  	_ =	swait.ge [sflag:s24], $0x2000  }
0x96: {  	[sflag:s24] =	ssyncset.done $0x0  }
0x97: {  	s14 =	rddreg [dreg:$0x17];
	[sflag:s24] =	ssyncadd.s32 $0xFFFFE000  }
0x98: {  	[spmem:s3] =	stream.indirect.scatter.add.f32 [tilespmem:s20], [sflag:$0x5], $0x40, s14, s19, $0xb8;
	[tilespmem:$0x1D080] =	vst v63  }
0x99: {  	_ =	swait.ge [sflag:s25], $0x2000  }
0x9a: {  	[sflag:s25] =	ssyncset.done $0x0  }
0x9b: {  	s15 =	rddreg [dreg:$0x18];
	[sflag:s25] =	ssyncadd.s32 $0xFFFFE000  }
0x9c: {  	[spmem:s3] =	stream.indirect.scatter.add.f32 [tilespmem:s21], [sflag:$0x6], $0x40, s15, s19, $0xb8;
	[tilespmem:$0x1D080] =	vst v63  }
0x9d: {  	_ =	swait.ge [sflag:s26], $0x2000  }
0x9e: {  	[sflag:s26] =	ssyncset.done $0x0  }
0x9f: {  	s16 =	rddreg [dreg:$0x19];
	[sflag:s26] =	ssyncadd.s32 $0xFFFFE000  }
0xa0: {  	[spmem:s3] =	stream.indirect.scatter.add.f32 [tilespmem:s22], [sflag:$0x7], $0x40, s16, s19, $0xb8;
	[tilespmem:$0x1D080] =	vst v63  }
0xa1: {  	_ =	swait.ge [sflag:s28], $0x2000  }
0xa2: {  	[sflag:s28] =	ssyncset.done $0x0  }
0xa3: {  	[sflag:s28] =	ssyncadd.s32 $0xFFFFE000  }
0xa4: {  	[spmem:s3] =	stream.indirect.scatter.add.f32 [tilespmem:s23], [sflag:$0x8], $0x40, s1, s19, $0xb8;
	[tilespmem:$0x1D080] =	vst v63  }
0xa5: {  	_ =	swait.ge [sflag:s29], $0x2000  }
0xa6: {  	[sflag:s29] =	ssyncset.done $0x0  }
0xa7: {  	[sflag:s29] =	ssyncadd.s32 $0xFFFFE000  }
0xa8: {  	[tilespmem:s20], [sflag:$0x1] =	stream.indirect.gather [spmem:s2], $0x40, s5, s19, $0xb8;
	[tilespmem:$0x1D080] =	vst v63  }
0xa9: {  	_ =	swait.ge [sflag:s30], $0x2000  }
0xaa: {  	[sflag:s30] =	ssyncset.done $0x0  }
0xab: {  	[sflag:s30] =	ssyncadd.s32 $0xFFFFE000  }
0xac: {  	[tilespmem:s21], [sflag:$0x2] =	stream.indirect.gather [spmem:s2], $0x40, s6, s19, $0xb8;
	[tilespmem:$0x1D080] =	vst v63  }
0xad: {  	_ =	swait.ge [sflag:s31], $0x2000  }
0xae: {  	[sflag:s31] =	ssyncset.done $0x0  }
0xaf: {  	[sflag:s31] =	ssyncadd.s32 $0xFFFFE000  }
0xb0: {  	[tilespmem:s22], [sflag:$0x3] =	stream.indirect.gather [spmem:s2], $0x40, s7, s19, $0xb8;
	[tilespmem:$0x1D080] =	vst v63  }
0xb1: {  	_ =	swait.ge [sflag:s0], $0x2000  }
0xb2: {  	[sflag:s0] =	ssyncset.done $0x0  }
0xb3: {  	[sflag:s0] =	ssyncadd.s32 $0xFFFFE000  }
0xb4: {  	[tilespmem:s23], [sflag:$0x4] =	stream.indirect.gather [spmem:s2], $0x40, s8, s19, $0xb8;
	[tilespmem:$0x1D080] =	vst v63  }
0xb5: {  	_ =	swait.ge [sflag:s24], $0x2000  }
0xb6: {  	[sflag:s24] =	ssyncset.done $0x0  }
0xb7: {  	[sflag:s24] =	ssyncadd.s32 $0xFFFFE000  }
0xb8: {  	[spmem:s3] =	stream.indirect.scatter.add.f32 [tilespmem:s20], [sflag:$0x5], $0x40, s9, s19, $0xb8;
	[tilespmem:$0x1D080] =	vst v63  }
0xb9: {  	_ =	swait.ge [sflag:s25], $0x2000  }
0xba: {  	[sflag:s25] =	ssyncset.done $0x0  }
0xbb: {  	[sflag:s25] =	ssyncadd.s32 $0xFFFFE000  }
0xbc: {  	[spmem:s3] =	stream.indirect.scatter.add.f32 [tilespmem:s21], [sflag:$0x6], $0x40, s10, s19, $0xb8;
	[tilespmem:$0x1D080] =	vst v63  }
0xbd: {  	_ =	swait.ge [sflag:s26], $0x2000  }
0xbe: {  	[sflag:s26] =	ssyncset.done $0x0  }
0xbf: {  	[sflag:s26] =	ssyncadd.s32 $0xFFFFE000  }
0xc0: {  	[spmem:s3] =	stream.indirect.scatter.add.f32 [tilespmem:s22], [sflag:$0x7], $0x40, s11, s19, $0xb8;
	[tilespmem:$0x1D080] =	vst v63  }
0xc1: {  	_ =	swait.ge [sflag:s28], $0x2000  }
0xc2: {  	[sflag:s28] =	ssyncset.done $0x0  }
0xc3: {  	[sflag:s28] =	ssyncadd.s32 $0xFFFFE000  }
0xc4: {  	[spmem:s3] =	stream.indirect.scatter.add.f32 [tilespmem:s23], [sflag:$0x8], $0x40, s12, s19, $0xb8;
	[tilespmem:$0x1D080] =	vst v63  }
0xc5: {  	_ =	swait.ge [sflag:s29], $0x2000  }
0xc6: {  	[sflag:s29] =	ssyncset.done $0x0  }
0xc7: {  	[sflag:s29] =	ssyncadd.s32 $0xFFFFE000  }
0xc8: {  	_ =	swait.ge [sflag:s30], $0x2000  }
0xc9: {  	[sflag:s30] =	ssyncset.done $0x0  }
0xca: {  	[sflag:s30] =	ssyncadd.s32 $0xFFFFE000  }
0xcb: {  	_ =	swait.ge [sflag:s31], $0x2000  }
0xcc: {  	[sflag:s31] =	ssyncset.done $0x0  }
0xcd: {  	[sflag:s31] =	ssyncadd.s32 $0xFFFFE000  }
0xce: {  	s13 =	simm.s32 $0x100;
	_ =	swait.ge [sflag:s0], $0x2000  }
0xcf: {  	s16 =	simm.s32 $0x200;
	s14 =	rddreg [dreg:$0x5];
	[sflag:s0] =	ssyncset.done $0x0  }
.LBB2_2:
0xd0: {  	[sflag:s0] =	ssyncadd.s32 $0xFFFFE000;
	s14 =	sadd.s32 s13, s14  }
0xd1: {  	[tilespmem:s4], [sflag:$0x9] =	stream.linear.gather [hbm4b:s14+s4], $0x800, $0x38;
	[tilespmem:$0x1D080] =	vst v63  }
0xd2: {  	_ =	swait.ge [sflag:s17], $0x800  }
0xd3: {  	s14 =	rddreg [dreg:$0x4];
	[sflag:s17] =	ssyncset.done $0x0  }
0xd4: {  	[sflag:s17] =	ssyncadd.s32 $0xFFFFF800;
	s14 =	sadd.s32 s13, s14  }
0xd5: {  	[tilespmem:s18], [sflag:$0x9] =	stream.linear.gather [hbm4b:s14+s4], $0x800, $0x38;
	[tilespmem:$0x1D080] =	vst v63  }
0xd6: {  	_ =	swait.ge [sflag:s17], $0x800  }
0xd7: {  	[sflag:s17] =	ssyncset.done $0x0  }
0xd8: {  	[sflag:s17] =	ssyncadd.s32 $0xFFFFF800  }
0xd9: {  	[tilespmem:s20], [sflag:$0x1] =	stream.indirect.gather [spmem:s2], $0x40, s4, s19, $0xb8;
	[tilespmem:$0x1D080] =	vst v63  }
0xda: {  	_ = 	snop  }
0xdb: {  	[tilespmem:s21], [sflag:$0x2] =	stream.indirect.gather [spmem:s2], $0x40, s19, s19, $0xb8;
	[tilespmem:$0x1D080] =	vst v63  }
0xdc: {  	s15 =	smov.u32 s16;
	s14 =	rddreg [dreg:$0x6]  }
0xdd: {  	[tilespmem:s22], [sflag:$0x3] =	stream.indirect.gather [spmem:s2], $0x40, s14, s19, $0xb8;
	[tilespmem:$0x1D080] =	vst v63  }
0xde: {  	s13 =	smov.u32 s15;
	s15 =	rddreg [dreg:$0x7]  }
0xdf: {  	[tilespmem:s23], [sflag:$0x4] =	stream.indirect.gather [spmem:s2], $0x40, s15, s19, $0xb8;
	[tilespmem:$0x1D080] =	vst v63  }
0xe0: {  	_ =	swait.ge [sflag:s24], $0x2000  }
0xe1: {  	[sflag:s24] =	ssyncset.done $0x0  }
0xe2: {  	[sflag:s24] =	ssyncadd.s32 $0xFFFFE000  }
0xe3: {  	[spmem:s3] =	stream.indirect.scatter.add.f32 [tilespmem:s20], [sflag:$0x5], $0x40, s18, s19, $0xb8;
	[tilespmem:$0x1D080] =	vst v63  }
0xe4: {  	_ =	swait.ge [sflag:s25], $0x2000  }
0xe5: {  	[sflag:s25] =	ssyncset.done $0x0  }
0xe6: {  	s15 =	rddreg [dreg:$0x8];
	[sflag:s25] =	ssyncadd.s32 $0xFFFFE000  }
0xe7: {  	[spmem:s3] =	stream.indirect.scatter.add.f32 [tilespmem:s21], [sflag:$0x6], $0x40, s15, s19, $0xb8;
	[tilespmem:$0x1D080] =	vst v63  }
0xe8: {  	_ =	swait.ge [sflag:s26], $0x2000  }
0xe9: {  	[sflag:s26] =	ssyncset.done $0x0  }
0xea: {  	s15 =	rddreg [dreg:$0x9];
	[sflag:s26] =	ssyncadd.s32 $0xFFFFE000  }
0xeb: {  	[spmem:s3] =	stream.indirect.scatter.add.f32 [tilespmem:s22], [sflag:$0x7], $0x40, s15, s19, $0xb8;
	[tilespmem:$0x1D080] =	vst v63  }
0xec: {  	_ =	swait.ge [sflag:s28], $0x2000  }
0xed: {  	[sflag:s28] =	ssyncset.done $0x0  }
0xee: {  	s15 =	rddreg [dreg:$0xa];
	[sflag:s28] =	ssyncadd.s32 $0xFFFFE000  }
0xef: {  	[spmem:s3] =	stream.indirect.scatter.add.f32 [tilespmem:s23], [sflag:$0x8], $0x40, s15, s19, $0xb8;
	[tilespmem:$0x1D080] =	vst v63  }
0xf0: {  	_ =	swait.ge [sflag:s29], $0x2000  }
0xf1: {  	[sflag:s29] =	ssyncset.done $0x0  }
0xf2: {  	s15 =	rddreg [dreg:$0xb];
	[sflag:s29] =	ssyncadd.s32 $0xFFFFE000  }
0xf3: {  	[tilespmem:s20], [sflag:$0x1] =	stream.indirect.gather [spmem:s2], $0x40, s15, s19, $0xb8;
	[tilespmem:$0x1D080] =	vst v63  }
0xf4: {  	_ =	swait.ge [sflag:s30], $0x2000  }
0xf5: {  	[sflag:s30] =	ssyncset.done $0x0  }
0xf6: {  	s15 =	rddreg [dreg:$0xc];
	[sflag:s30] =	ssyncadd.s32 $0xFFFFE000  }
0xf7: {  	[tilespmem:s21], [sflag:$0x2] =	stream.indirect.gather [spmem:s2], $0x40, s15, s19, $0xb8;
	[tilespmem:$0x1D080] =	vst v63  }
0xf8: {  	_ =	swait.ge [sflag:s31], $0x2000  }
0xf9: {  	[sflag:s31] =	ssyncset.done $0x0  }
0xfa: {  	s15 =	rddreg [dreg:$0xd];
	[sflag:s31] =	ssyncadd.s32 $0xFFFFE000  }
0xfb: {  	[tilespmem:s22], [sflag:$0x3] =	stream.indirect.gather [spmem:s2], $0x40, s15, s19, $0xb8;
	[tilespmem:$0x1D080] =	vst v63  }
0xfc: {  	_ =	swait.ge [sflag:s0], $0x2000  }
0xfd: {  	[sflag:s0] =	ssyncset.done $0x0  }
0xfe: {  	s15 =	rddreg [dreg:$0xe];
	[sflag:s0] =	ssyncadd.s32 $0xFFFFE000  }
0xff: {  	[tilespmem:s23], [sflag:$0x4] =	stream.indirect.gather [spmem:s2], $0x40, s15, s19, $0xb8;
	[tilespmem:$0x1D080] =	vst v63  }
0x100: {  	_ =	swait.ge [sflag:s24], $0x2000  }
0x101: {  	[sflag:s24] =	ssyncset.done $0x0  }
0x102: {  	s15 =	rddreg [dreg:$0xf];
	[sflag:s24] =	ssyncadd.s32 $0xFFFFE000  }
0x103: {  	[spmem:s3] =	stream.indirect.scatter.add.f32 [tilespmem:s20], [sflag:$0x5], $0x40, s15, s19, $0xb8;
	[tilespmem:$0x1D080] =	vst v63  }
0x104: {  	_ =	swait.ge [sflag:s25], $0x2000  }
0x105: {  	[sflag:s25] =	ssyncset.done $0x0  }
0x106: {  	s15 =	rddreg [dreg:$0x10];
	[sflag:s25] =	ssyncadd.s32 $0xFFFFE000  }
0x107: {  	[spmem:s3] =	stream.indirect.scatter.add.f32 [tilespmem:s21], [sflag:$0x6], $0x40, s15, s19, $0xb8;
	[tilespmem:$0x1D080] =	vst v63  }
0x108: {  	_ =	swait.ge [sflag:s26], $0x2000  }
0x109: {  	[sflag:s26] =	ssyncset.done $0x0  }
0x10a: {  	s15 =	rddreg [dreg:$0x11];
	[sflag:s26] =	ssyncadd.s32 $0xFFFFE000  }
0x10b: {  	[spmem:s3] =	stream.indirect.scatter.add.f32 [tilespmem:s22], [sflag:$0x7], $0x40, s15, s19, $0xb8;
	[tilespmem:$0x1D080] =	vst v63  }
0x10c: {  	_ =	swait.ge [sflag:s28], $0x2000  }
0x10d: {  	[sflag:s28] =	ssyncset.done $0x0  }
0x10e: {  	s15 =	rddreg [dreg:$0x12];
	[sflag:s28] =	ssyncadd.s32 $0xFFFFE000  }
0x10f: {  	[spmem:s3] =	stream.indirect.scatter.add.f32 [tilespmem:s23], [sflag:$0x8], $0x40, s15, s19, $0xb8;
	[tilespmem:$0x1D080] =	vst v63  }
0x110: {  	_ =	swait.ge [sflag:s29], $0x2000  }
0x111: {  	[sflag:s29] =	ssyncset.done $0x0  }
0x112: {  	s15 =	rddreg [dreg:$0x13];
	[sflag:s29] =	ssyncadd.s32 $0xFFFFE000  }
0x113: {  	[tilespmem:s20], [sflag:$0x1] =	stream.indirect.gather [spmem:s2], $0x40, s15, s19, $0xb8;
	[tilespmem:$0x1D080] =	vst v63  }
0x114: {  	_ =	swait.ge [sflag:s30], $0x2000  }
0x115: {  	[sflag:s30] =	ssyncset.done $0x0  }
0x116: {  	s15 =	rddreg [dreg:$0x14];
	[sflag:s30] =	ssyncadd.s32 $0xFFFFE000  }
0x117: {  	[tilespmem:s21], [sflag:$0x2] =	stream.indirect.gather [spmem:s2], $0x40, s15, s19, $0xb8;
	[tilespmem:$0x1D080] =	vst v63  }
0x118: {  	_ =	swait.ge [sflag:s31], $0x2000  }
0x119: {  	[sflag:s31] =	ssyncset.done $0x0  }
0x11a: {  	s15 =	rddreg [dreg:$0x15];
	[sflag:s31] =	ssyncadd.s32 $0xFFFFE000  }
0x11b: {  	[tilespmem:s22], [sflag:$0x3] =	stream.indirect.gather [spmem:s2], $0x40, s15, s19, $0xb8;
	[tilespmem:$0x1D080] =	vst v63  }
0x11c: {  	_ =	swait.ge [sflag:s0], $0x2000  }
0x11d: {  	[sflag:s0] =	ssyncset.done $0x0  }
0x11e: {  	s15 =	rddreg [dreg:$0x16];
	[sflag:s0] =	ssyncadd.s32 $0xFFFFE000  }
0x11f: {  	[tilespmem:s23], [sflag:$0x4] =	stream.indirect.gather [spmem:s2], $0x40, s15, s19, $0xb8;
	[tilespmem:$0x1D080] =	vst v63  }
0x120: {  	_ =	swait.ge [sflag:s24], $0x2000  }
0x121: {  	[sflag:s24] =	ssyncset.done $0x0  }
0x122: {  	s15 =	rddreg [dreg:$0x17];
	[sflag:s24] =	ssyncadd.s32 $0xFFFFE000  }
0x123: {  	[spmem:s3] =	stream.indirect.scatter.add.f32 [tilespmem:s20], [sflag:$0x5], $0x40, s15, s19, $0xb8;
	[tilespmem:$0x1D080] =	vst v63  }
0x124: {  	_ =	swait.ge [sflag:s25], $0x2000  }
0x125: {  	[sflag:s25] =	ssyncset.done $0x0  }
0x126: {  	s15 =	rddreg [dreg:$0x18];
	[sflag:s25] =	ssyncadd.s32 $0xFFFFE000  }
0x127: {  	[spmem:s3] =	stream.indirect.scatter.add.f32 [tilespmem:s21], [sflag:$0x6], $0x40, s15, s19, $0xb8;
	[tilespmem:$0x1D080] =	vst v63  }
0x128: {  	_ =	swait.ge [sflag:s26], $0x2000  }
0x129: {  	[sflag:s26] =	ssyncset.done $0x0  }
0x12a: {  	s15 =	rddreg [dreg:$0x19];
	[sflag:s26] =	ssyncadd.s32 $0xFFFFE000  }
0x12b: {  	[spmem:s3] =	stream.indirect.scatter.add.f32 [tilespmem:s22], [sflag:$0x7], $0x40, s15, s19, $0xb8;
	[tilespmem:$0x1D080] =	vst v63  }
0x12c: {  	_ =	swait.ge [sflag:s28], $0x2000  }
0x12d: {  	[sflag:s28] =	ssyncset.done $0x0  }
0x12e: {  	[sflag:s28] =	ssyncadd.s32 $0xFFFFE000  }
0x12f: {  	[spmem:s3] =	stream.indirect.scatter.add.f32 [tilespmem:s23], [sflag:$0x8], $0x40, s1, s19, $0xb8;
	[tilespmem:$0x1D080] =	vst v63  }
0x130: {  	_ =	swait.ge [sflag:s29], $0x2000  }
0x131: {  	[sflag:s29] =	ssyncset.done $0x0  }
0x132: {  	[sflag:s29] =	ssyncadd.s32 $0xFFFFE000  }
0x133: {  	[tilespmem:s20], [sflag:$0x1] =	stream.indirect.gather [spmem:s2], $0x40, s5, s19, $0xb8;
	[tilespmem:$0x1D080] =	vst v63  }
0x134: {  	_ =	swait.ge [sflag:s30], $0x2000  }
0x135: {  	[sflag:s30] =	ssyncset.done $0x0  }
0x136: {  	[sflag:s30] =	ssyncadd.s32 $0xFFFFE000  }
0x137: {  	[tilespmem:s21], [sflag:$0x2] =	stream.indirect.gather [spmem:s2], $0x40, s6, s19, $0xb8;
	[tilespmem:$0x1D080] =	vst v63  }
0x138: {  	_ =	swait.ge [sflag:s31], $0x2000  }
0x139: {  	[sflag:s31] =	ssyncset.done $0x0  }
0x13a: {  	[sflag:s31] =	ssyncadd.s32 $0xFFFFE000  }
0x13b: {  	[tilespmem:s22], [sflag:$0x3] =	stream.indirect.gather [spmem:s2], $0x40, s7, s19, $0xb8;
	[tilespmem:$0x1D080] =	vst v63  }
0x13c: {  	_ =	swait.ge [sflag:s0], $0x2000  }
0x13d: {  	[sflag:s0] =	ssyncset.done $0x0  }
0x13e: {  	[sflag:s0] =	ssyncadd.s32 $0xFFFFE000  }
0x13f: {  	[tilespmem:s23], [sflag:$0x4] =	stream.indirect.gather [spmem:s2], $0x40, s8, s19, $0xb8;
	[tilespmem:$0x1D080] =	vst v63  }
0x140: {  	_ =	swait.ge [sflag:s24], $0x2000  }
0x141: {  	[sflag:s24] =	ssyncset.done $0x0  }
0x142: {  	[sflag:s24] =	ssyncadd.s32 $0xFFFFE000  }
0x143: {  	[spmem:s3] =	stream.indirect.scatter.add.f32 [tilespmem:s20], [sflag:$0x5], $0x40, s9, s19, $0xb8;
	[tilespmem:$0x1D080] =	vst v63  }
0x144: {  	_ =	swait.ge [sflag:s25], $0x2000  }
0x145: {  	[sflag:s25] =	ssyncset.done $0x0  }
0x146: {  	[sflag:s25] =	ssyncadd.s32 $0xFFFFE000  }
0x147: {  	[spmem:s3] =	stream.indirect.scatter.add.f32 [tilespmem:s21], [sflag:$0x6], $0x40, s10, s19, $0xb8;
	[tilespmem:$0x1D080] =	vst v63  }
0x148: {  	_ =	swait.ge [sflag:s26], $0x2000  }
0x149: {  	[sflag:s26] =	ssyncset.done $0x0  }
0x14a: {  	[sflag:s26] =	ssyncadd.s32 $0xFFFFE000  }
0x14b: {  	[spmem:s3] =	stream.indirect.scatter.add.f32 [tilespmem:s22], [sflag:$0x7], $0x40, s11, s19, $0xb8;
	[tilespmem:$0x1D080] =	vst v63  }
0x14c: {  	_ =	swait.ge [sflag:s28], $0x2000  }
0x14d: {  	[sflag:s28] =	ssyncset.done $0x0  }
0x14e: {  	[sflag:s28] =	ssyncadd.s32 $0xFFFFE000  }
0x14f: {  	[spmem:s3] =	stream.indirect.scatter.add.f32 [tilespmem:s23], [sflag:$0x8], $0x40, s12, s19, $0xb8;
	[tilespmem:$0x1D080] =	vst v63  }
0x150: {  	_ =	swait.ge [sflag:s29], $0x2000  }
0x151: {  	[sflag:s29] =	ssyncset.done $0x0  }
0x152: {  	[sflag:s29] =	ssyncadd.s32 $0xFFFFE000  }
0x153: {  	_ =	swait.ge [sflag:s30], $0x2000  }
0x154: {  	[sflag:s30] =	ssyncset.done $0x0  }
0x155: {  	p1 =	sne.s32 s16, $0x900;
	[sflag:s30] =	ssyncadd.s32 $0xFFFFE000  }
.Ltmp0:
0x156: {  	_ =	swait.ge [sflag:s31], $0x2000;
	(pc) =	sbr.rel @p1 .LBB2_2-.Ltmp0, $4  }
0x157: {  	[sflag:s31] =	ssyncset.done $0x0  }
0x158: {  	[sflag:s31] =	ssyncadd.s32 $0xFFFFE000  }
0x159: {  	_ =	swait.ge [sflag:s0], $0x2000  }
0x15a: {  	s16 =	sadd.s32 $0x100, s16;
	s14 =	rddreg [dreg:$0x5];
	[sflag:s0] =	ssyncset.done $0x0  }
0x15b: {  	[sflag:s0] =	ssyncadd.s32 $0xFFFFE000;
	s14 =	sadd.s32 s13, s14  }
0x15c: {  	[tilespmem:s4], [sflag:$0x9] =	stream.linear.gather [hbm4b:s14+s4], $0x800, $0x38;
	[tilespmem:$0x1D080] =	vst v63  }
0x15d: {  	_ =	swait.ge [sflag:s17], $0x800  }
0x15e: {  	s16 =	rddreg [dreg:$0x4];
	[sflag:s17] =	ssyncset.done $0x0  }
0x15f: {  	[sflag:s17] =	ssyncadd.s32 $0xFFFFF800;
	s14 =	sadd.s32 s13, s16  }
0x160: {  	[tilespmem:s18], [sflag:$0x9] =	stream.linear.gather [hbm4b:s14+s4], $0x800, $0x38;
	[tilespmem:$0x1D080] =	vst v63  }
0x161: {  	_ =	swait.ge [sflag:s17], $0x800  }
0x162: {  	[sflag:s17] =	ssyncset.done $0x0  }
0x163: {  	[sflag:s17] =	ssyncadd.s32 $0xFFFFF800  }
0x164: {  	[tilespmem:s20], [sflag:$0x1] =	stream.indirect.gather [spmem:s2], $0x40, s4, s19, $0xb8;
	[tilespmem:$0x1D080] =	vst v63  }
0x165: {  	_ = 	snop  }
0x166: {  	[tilespmem:s21], [sflag:$0x2] =	stream.indirect.gather [spmem:s2], $0x40, s19, s19, $0xb8;
	[tilespmem:$0x1D080] =	vst v63  }
0x167: {  	s15 =	rddreg [dreg:$0x6]  }
0x168: {  	[tilespmem:s22], [sflag:$0x3] =	stream.indirect.gather [spmem:s2], $0x40, s15, s19, $0xb8;
	[tilespmem:$0x1D080] =	vst v63  }
0x169: {  	s16 =	rddreg [dreg:$0x7]  }
0x16a: {  	[tilespmem:s23], [sflag:$0x4] =	stream.indirect.gather [spmem:s2], $0x40, s16, s19, $0xb8;
	[tilespmem:$0x1D080] =	vst v63  }
0x16b: {  	_ =	swait.ge [sflag:s24], $0x2000  }
0x16c: {  	[sflag:s24] =	ssyncset.done $0x0  }
0x16d: {  	[sflag:s24] =	ssyncadd.s32 $0xFFFFE000  }
0x16e: {  	[spmem:s3] =	stream.indirect.scatter.add.f32 [tilespmem:s20], [sflag:$0x5], $0x40, s18, s19, $0xb8;
	[tilespmem:$0x1D080] =	vst v63  }
0x16f: {  	_ =	swait.ge [sflag:s25], $0x2000  }
0x170: {  	[sflag:s25] =	ssyncset.done $0x0  }
0x171: {  	s14 =	rddreg [dreg:$0x8];
	[sflag:s25] =	ssyncadd.s32 $0xFFFFE000  }
0x172: {  	[spmem:s3] =	stream.indirect.scatter.add.f32 [tilespmem:s21], [sflag:$0x6], $0x40, s14, s19, $0xb8;
	[tilespmem:$0x1D080] =	vst v63  }
0x173: {  	_ =	swait.ge [sflag:s26], $0x2000  }
0x174: {  	[sflag:s26] =	ssyncset.done $0x0  }
0x175: {  	s15 =	rddreg [dreg:$0x9];
	[sflag:s26] =	ssyncadd.s32 $0xFFFFE000  }
0x176: {  	[spmem:s3] =	stream.indirect.scatter.add.f32 [tilespmem:s22], [sflag:$0x7], $0x40, s15, s19, $0xb8;
	[tilespmem:$0x1D080] =	vst v63  }
0x177: {  	_ =	swait.ge [sflag:s28], $0x2000  }
0x178: {  	[sflag:s28] =	ssyncset.done $0x0  }
0x179: {  	s16 =	rddreg [dreg:$0xa];
	[sflag:s28] =	ssyncadd.s32 $0xFFFFE000  }
0x17a: {  	[spmem:s3] =	stream.indirect.scatter.add.f32 [tilespmem:s23], [sflag:$0x8], $0x40, s16, s19, $0xb8;
	[tilespmem:$0x1D080] =	vst v63  }
0x17b: {  	_ =	swait.ge [sflag:s29], $0x2000  }
0x17c: {  	[sflag:s29] =	ssyncset.done $0x0  }
0x17d: {  	s14 =	rddreg [dreg:$0xb];
	[sflag:s29] =	ssyncadd.s32 $0xFFFFE000  }
0x17e: {  	[tilespmem:s20], [sflag:$0x1] =	stream.indirect.gather [spmem:s2], $0x40, s14, s19, $0xb8;
	[tilespmem:$0x1D080] =	vst v63  }
0x17f: {  	_ =	swait.ge [sflag:s30], $0x2000  }
0x180: {  	[sflag:s30] =	ssyncset.done $0x0  }
0x181: {  	s15 =	rddreg [dreg:$0xc];
	[sflag:s30] =	ssyncadd.s32 $0xFFFFE000  }
0x182: {  	[tilespmem:s21], [sflag:$0x2] =	stream.indirect.gather [spmem:s2], $0x40, s15, s19, $0xb8;
	[tilespmem:$0x1D080] =	vst v63  }
0x183: {  	_ =	swait.ge [sflag:s31], $0x2000  }
0x184: {  	[sflag:s31] =	ssyncset.done $0x0  }
0x185: {  	s16 =	rddreg [dreg:$0xd];
	[sflag:s31] =	ssyncadd.s32 $0xFFFFE000  }
0x186: {  	[tilespmem:s22], [sflag:$0x3] =	stream.indirect.gather [spmem:s2], $0x40, s16, s19, $0xb8;
	[tilespmem:$0x1D080] =	vst v63  }
0x187: {  	_ =	swait.ge [sflag:s0], $0x2000  }
0x188: {  	[sflag:s0] =	ssyncset.done $0x0  }
0x189: {  	s14 =	rddreg [dreg:$0xe];
	[sflag:s0] =	ssyncadd.s32 $0xFFFFE000  }
0x18a: {  	[tilespmem:s23], [sflag:$0x4] =	stream.indirect.gather [spmem:s2], $0x40, s14, s19, $0xb8;
	[tilespmem:$0x1D080] =	vst v63  }
0x18b: {  	_ =	swait.ge [sflag:s24], $0x2000  }
0x18c: {  	[sflag:s24] =	ssyncset.done $0x0  }
0x18d: {  	s15 =	rddreg [dreg:$0xf];
	[sflag:s24] =	ssyncadd.s32 $0xFFFFE000  }
0x18e: {  	[spmem:s3] =	stream.indirect.scatter.add.f32 [tilespmem:s20], [sflag:$0x5], $0x40, s15, s19, $0xb8;
	[tilespmem:$0x1D080] =	vst v63  }
0x18f: {  	_ =	swait.ge [sflag:s25], $0x2000  }
0x190: {  	[sflag:s25] =	ssyncset.done $0x0  }
0x191: {  	s16 =	rddreg [dreg:$0x10];
	[sflag:s25] =	ssyncadd.s32 $0xFFFFE000  }
0x192: {  	[spmem:s3] =	stream.indirect.scatter.add.f32 [tilespmem:s21], [sflag:$0x6], $0x40, s16, s19, $0xb8;
	[tilespmem:$0x1D080] =	vst v63  }
0x193: {  	_ =	swait.ge [sflag:s26], $0x2000  }
0x194: {  	[sflag:s26] =	ssyncset.done $0x0  }
0x195: {  	s14 =	rddreg [dreg:$0x11];
	[sflag:s26] =	ssyncadd.s32 $0xFFFFE000  }
0x196: {  	[spmem:s3] =	stream.indirect.scatter.add.f32 [tilespmem:s22], [sflag:$0x7], $0x40, s14, s19, $0xb8;
	[tilespmem:$0x1D080] =	vst v63  }
0x197: {  	_ =	swait.ge [sflag:s28], $0x2000  }
0x198: {  	[sflag:s28] =	ssyncset.done $0x0  }
0x199: {  	s15 =	rddreg [dreg:$0x12];
	[sflag:s28] =	ssyncadd.s32 $0xFFFFE000  }
0x19a: {  	[spmem:s3] =	stream.indirect.scatter.add.f32 [tilespmem:s23], [sflag:$0x8], $0x40, s15, s19, $0xb8;
	[tilespmem:$0x1D080] =	vst v63  }
0x19b: {  	_ =	swait.ge [sflag:s29], $0x2000  }
0x19c: {  	[sflag:s29] =	ssyncset.done $0x0  }
0x19d: {  	s16 =	rddreg [dreg:$0x13];
	[sflag:s29] =	ssyncadd.s32 $0xFFFFE000  }
0x19e: {  	[tilespmem:s20], [sflag:$0x1] =	stream.indirect.gather [spmem:s2], $0x40, s16, s19, $0xb8;
	[tilespmem:$0x1D080] =	vst v63  }
0x19f: {  	_ =	swait.ge [sflag:s30], $0x2000  }
0x1a0: {  	[sflag:s30] =	ssyncset.done $0x0  }
0x1a1: {  	s14 =	rddreg [dreg:$0x14];
	[sflag:s30] =	ssyncadd.s32 $0xFFFFE000  }
0x1a2: {  	[tilespmem:s21], [sflag:$0x2] =	stream.indirect.gather [spmem:s2], $0x40, s14, s19, $0xb8;
	[tilespmem:$0x1D080] =	vst v63  }
0x1a3: {  	_ =	swait.ge [sflag:s31], $0x2000  }
0x1a4: {  	[sflag:s31] =	ssyncset.done $0x0  }
0x1a5: {  	s15 =	rddreg [dreg:$0x15];
	[sflag:s31] =	ssyncadd.s32 $0xFFFFE000  }
0x1a6: {  	[tilespmem:s22], [sflag:$0x3] =	stream.indirect.gather [spmem:s2], $0x40, s15, s19, $0xb8;
	[tilespmem:$0x1D080] =	vst v63  }
0x1a7: {  	_ =	swait.ge [sflag:s0], $0x2000  }
0x1a8: {  	[sflag:s0] =	ssyncset.done $0x0  }
0x1a9: {  	s16 =	rddreg [dreg:$0x16];
	[sflag:s0] =	ssyncadd.s32 $0xFFFFE000  }
0x1aa: {  	[tilespmem:s23], [sflag:$0x4] =	stream.indirect.gather [spmem:s2], $0x40, s16, s19, $0xb8;
	[tilespmem:$0x1D080] =	vst v63  }
0x1ab: {  	_ =	swait.ge [sflag:s24], $0x2000  }
0x1ac: {  	[sflag:s24] =	ssyncset.done $0x0  }
0x1ad: {  	s14 =	rddreg [dreg:$0x17];
	[sflag:s24] =	ssyncadd.s32 $0xFFFFE000  }
0x1ae: {  	[spmem:s3] =	stream.indirect.scatter.add.f32 [tilespmem:s20], [sflag:$0x5], $0x40, s14, s19, $0xb8;
	[tilespmem:$0x1D080] =	vst v63  }
0x1af: {  	_ =	swait.ge [sflag:s25], $0x2000  }
0x1b0: {  	[sflag:s25] =	ssyncset.done $0x0  }
0x1b1: {  	s15 =	rddreg [dreg:$0x18];
	[sflag:s25] =	ssyncadd.s32 $0xFFFFE000  }
0x1b2: {  	[spmem:s3] =	stream.indirect.scatter.add.f32 [tilespmem:s21], [sflag:$0x6], $0x40, s15, s19, $0xb8;
	[tilespmem:$0x1D080] =	vst v63  }
0x1b3: {  	_ =	swait.ge [sflag:s26], $0x2000  }
0x1b4: {  	[sflag:s26] =	ssyncset.done $0x0  }
0x1b5: {  	s16 =	rddreg [dreg:$0x19];
	[sflag:s26] =	ssyncadd.s32 $0xFFFFE000  }
0x1b6: {  	[spmem:s3] =	stream.indirect.scatter.add.f32 [tilespmem:s22], [sflag:$0x7], $0x40, s16, s19, $0xb8;
	[tilespmem:$0x1D080] =	vst v63  }
0x1b7: {  	_ =	swait.ge [sflag:s28], $0x2000  }
0x1b8: {  	[sflag:s28] =	ssyncset.done $0x0  }
0x1b9: {  	[sflag:s28] =	ssyncadd.s32 $0xFFFFE000  }
0x1ba: {  	[spmem:s3] =	stream.indirect.scatter.add.f32 [tilespmem:s23], [sflag:$0x8], $0x40, s1, s19, $0xb8;
	[tilespmem:$0x1D080] =	vst v63  }
0x1bb: {  	_ =	swait.ge [sflag:s29], $0x2000  }
0x1bc: {  	[sflag:s29] =	ssyncset.done $0x0  }
0x1bd: {  	[sflag:s29] =	ssyncadd.s32 $0xFFFFE000  }
0x1be: {  	[tilespmem:s20], [sflag:$0x1] =	stream.indirect.gather [spmem:s2], $0x40, s5, s19, $0xb8;
	[tilespmem:$0x1D080] =	vst v63  }
0x1bf: {  	_ =	swait.ge [sflag:s30], $0x2000  }
0x1c0: {  	[sflag:s30] =	ssyncset.done $0x0  }
0x1c1: {  	[sflag:s30] =	ssyncadd.s32 $0xFFFFE000  }
0x1c2: {  	[tilespmem:s21], [sflag:$0x2] =	stream.indirect.gather [spmem:s2], $0x40, s6, s19, $0xb8;
	[tilespmem:$0x1D080] =	vst v63  }
0x1c3: {  	_ =	swait.ge [sflag:s31], $0x2000  }
0x1c4: {  	[sflag:s31] =	ssyncset.done $0x0  }
0x1c5: {  	[sflag:s31] =	ssyncadd.s32 $0xFFFFE000  }
0x1c6: {  	[tilespmem:s22], [sflag:$0x3] =	stream.indirect.gather [spmem:s2], $0x40, s7, s19, $0xb8;
	[tilespmem:$0x1D080] =	vst v63  }
0x1c7: {  	_ =	swait.ge [sflag:s0], $0x2000  }
0x1c8: {  	[sflag:s0] =	ssyncset.done $0x0  }
0x1c9: {  	[sflag:s0] =	ssyncadd.s32 $0xFFFFE000  }
0x1ca: {  	[tilespmem:s23], [sflag:$0x4] =	stream.indirect.gather [spmem:s2], $0x40, s8, s19, $0xb8;
	[tilespmem:$0x1D080] =	vst v63  }
0x1cb: {  	_ =	swait.ge [sflag:s24], $0x2000  }
0x1cc: {  	[sflag:s24] =	ssyncset.done $0x0  }
0x1cd: {  	[sflag:s24] =	ssyncadd.s32 $0xFFFFE000  }
0x1ce: {  	[spmem:s3] =	stream.indirect.scatter.add.f32 [tilespmem:s20], [sflag:$0x5], $0x40, s9, s19, $0xb8;
	[tilespmem:$0x1D080] =	vst v63  }
0x1cf: {  	_ =	swait.ge [sflag:s25], $0x2000  }
0x1d0: {  	[sflag:s25] =	ssyncset.done $0x0  }
0x1d1: {  	[sflag:s25] =	ssyncadd.s32 $0xFFFFE000  }
0x1d2: {  	[spmem:s3] =	stream.indirect.scatter.add.f32 [tilespmem:s21], [sflag:$0x6], $0x40, s10, s19, $0xb8;
	[tilespmem:$0x1D080] =	vst v63  }
0x1d3: {  	_ =	swait.ge [sflag:s26], $0x2000  }
0x1d4: {  	[sflag:s26] =	ssyncset.done $0x0  }
0x1d5: {  	[sflag:s26] =	ssyncadd.s32 $0xFFFFE000  }
0x1d6: {  	[spmem:s3] =	stream.indirect.scatter.add.f32 [tilespmem:s22], [sflag:$0x7], $0x40, s11, s19, $0xb8;
	[tilespmem:$0x1D080] =	vst v63  }
0x1d7: {  	_ =	swait.ge [sflag:s28], $0x2000  }
0x1d8: {  	[sflag:s28] =	ssyncset.done $0x0  }
0x1d9: {  	[sflag:s28] =	ssyncadd.s32 $0xFFFFE000  }
0x1da: {  	[spmem:s3] =	stream.indirect.scatter.add.f32 [tilespmem:s23], [sflag:$0x8], $0x40, s12, s19, $0xb8;
	[tilespmem:$0x1D080] =	vst v63  }
0x1db: {  	_ =	swait.ge [sflag:s29], $0x2000  }
0x1dc: {  	[sflag:s29] =	ssyncset.done $0x0  }
0x1dd: {  	[sflag:s29] =	ssyncadd.s32 $0xFFFFE000  }
0x1de: {  	_ =	swait.ge [sflag:s30], $0x2000  }
0x1df: {  	[sflag:s30] =	ssyncset.done $0x0  }
0x1e0: {  	[sflag:s30] =	ssyncadd.s32 $0xFFFFE000  }
0x1e1: {  	_ =	swait.ge [sflag:s31], $0x2000  }
0x1e2: {  	[sflag:s31] =	ssyncset.done $0x0  }
0x1e3: {  	[sflag:s31] =	ssyncadd.s32 $0xFFFFE000  }
0x1e4: {  	_ =	swait.ge [sflag:s0], $0x2000  }
0x1e5: {  	[sflag:s0] =	ssyncset.done $0x0  }
0x1e6: {  	[sflag:s0] =	ssyncadd.s32 $0xFFFFE000  }
0x1e7: {  	[bflag:$0x0] =	sbarrier.arrive $0xFFFF  }
0x1e8: {  	s15 =	sld [smem:$0x7F9];
	_ =	sdelay $0x1  }
0x1e9: {  	s13 =	simm.s32 @p0 $0x1FC9;
	s14 =	rddreg [dreg:$0x1f]  }
0x1ea: {  	[hbm:s14], [sflag:s13] =	dma.local @p0 [spmem:s15], $0x1040  }
0x1eb: {  	s13 =	simm.s32 @p0 $0x9  }
0x1ec: {  	_ =	swait.ge @p0 [sflag:s13], $0x1040  }
0x1ed: {  	s14 =	sld [smem:$0x7FC]  }
0x1ee: {  	s16 =	sld [smem:$0x7FD]  }
0x1ef: {  	[sflag:s13] =	ssyncset.done @p0 $0x0  }
0x1f0: {  	[sflag:s13] =	ssyncadd.s32 @p0 $0xFFFFEFC0;
	s13 =	rddreg [dreg:$0x1e]  }
0x1f1: {  	[hbm:s13], [sflag:s14] =	dma.local @!p0 [spmem:s16], $0x13C0  }
0x1f2: {  	s14 =	simm.s32 @!p0 $0x9  }
0x1f3: {  	_ =	swait.ge @!p0 [sflag:s14], $0x13C0  }
0x1f4: {  	s13 =	sld [smem:$0x7FB]  }
0x1f5: {  	s16 =	sld [smem:$0x7F7];
	_ =	sdelay $0x1  }
0x1f6: {  	s15 =	sadd.s32 $0x1, s13  }
0x1f7: {  	p1 =	sne.s32 s15, s16  }
.Ltmp1:
0x1f8: {  	_ = 	snop;
	(pc) =	sbr.rel @p1 .LBB2_1-.Ltmp1, $3  }
0x1f9: {  	_ =	sdelay $0x1  }
0x1fa: {  	[sflag:s14] =	ssyncset.done @!p0 $0x0;
	s13 =	simm.s32 @!p0 $0x9  }
0x1fb: {  	[smem:$0x7FB] =	sst s15;
	[sflag:s13] =	ssyncadd.s32 @!p0 $0xFFFFEC40  }
0x1fc: {  	_ =	sfence.sel $0x180000  }
0x1fd: {  	[bflag:$0x0] =	sbarrier.arrive $0xFFFF  }
0x1fe: {  	_ =	strace $0x9000004D  }
0x1ff: {  	s0 =	stileid.u32;
	[bflag:$0x2] =	sbarrier.arrive $0xFFFF  }
0x200: {  	p0 =	sne.s32 s0, $0x0;
	s0 =	rddreg [dreg:$0x3]  }
0x201: {  	s0 =	sadd.s32 @!p0 $0x100000, s0  }
0x202: {  	[sflag:s0] =	ssyncadd.tile.s32 @!p0 $0x1;
	_ =	shalt  }
.Lfunc_end2:
_tile_overlayer_lowered:
.L_overlay_start_2:
0x203: {  	(tag) =	ssettag $0x2  }
0x204: {  	s0 =	rddreg [dreg:$0x0];
	s2 =	stileid.u32  }
0x205: {  	s1 =	rddreg [dreg:$0x1];
	p0 =	sne.s32 s2, $0x0  }
0x206: {  	s3 =	rddreg [dreg:$0x2];
	[bflag:$0x3] =	sbarrier.arrive $0xFFFF;
	s2 =	simm.s32 @!p0 $0x1C09  }
0x207: {  	[timem:s3], [sflag:s2] =	dma.local @!p0 [hbm:s0], s1  }
0x208: {  	s0 =	simm.s32 @!p0 $0x9  }
0x209: {  	_ =	swait.ge @!p0 [sflag:s0], s1  }
0x20a: {  	s1 =	ssub.s32 @!p0 $0x0, s1;
	[sflag:s0] =	ssyncset.done @!p0 $0x0  }
0x20b: {  	[sflag:s0] =	ssyncadd.s32 @!p0 s1  }
0x20c: {  	[bflag:$0x3] =	sbarrier.arrive $0xFFFF  }
0x20d: {  	_ =	shalt  }

// kernel: kernel.19.cloned.1.call-start
scs
__scs_entry_jumppad:
0x0: {  	(pc) =	sbr.rel $0x88, $3  }
0x1: {  	(tag) =	ssettag $0x0;
	lr =	simm.s32 $0x1  }
0x2: {  	[smem:$0x3F91] =	sst lr;
	_ =	strace $0xD0000000  }
0x3: {  	_ = 	snop  }
0x4: {  	_ = 	snop  }
0x5: {  	_ = 	snop  }
0x6: {  	_ = 	snop  }
0x7: {  	_ = 	snop  }
__scs_overlays_trampoline_lowered:
0x8: {  	[smem:$0x3FA0] =	sst s0  }
0x9: {  	[smem:$0x3FA1] =	sst s1  }
0xa: {  	[smem:$0x3FA2] =	sst s2  }
0xb: {  	[smem:$0x3FA3] =	sst s3  }
0xc: {  	[smem:$0x3FA4] =	sst s4  }
0xd: {  	[smem:$0x3FA5] =	sst s5  }
0xe: {  	[smem:$0x3FA6] =	sst s6  }
0xf: {  	[smem:$0x3FA7] =	sst s7  }
0x10: {  	[smem:$0x3FA8] =	sst s8  }
0x11: {  	[smem:$0x3FA9] =	sst s9;
	s0 =	simm.s32 @!p0 $0x0  }
0x12: {  	s1 =	sld [smem:$0x3F8F];
	s0 =	simm.s32 @p0 $0x1  }
0x13: {  	[smem:$0x3FAA] =	sst s0;
	s0 =	simm.s32 @!p1 $0x0  }
0x14: {  	s2 =	sld [smem:$0x3F8E];
	s0 =	simm.s32 @p1 $0x1  }
0x15: {  	[smem:$0x3FAB] =	sst s0;
	s0 =	simm.s32 @!p2 $0x0  }
0x16: {  	s3 =	sld [smem:$0x3FDB];
	s0 =	simm.s32 @p2 $0x1  }
0x17: {  	s4 =	simm.s32 $0x1BF5;
	[smem:$0x3FAD] =	sst s0  }
0x18: {  	s0 =	sld [smem:$0x3F90];
	_ =	swait.ge [sflag:s4], $0x0  }
0x19: {  	s7 =	sld [smem:$0x3F91]  }
0x1a: {  	s8 =	sadd.s32 $0xFFFFE003, lr  }
0x1b: {  	s9 =	sadd.s32 $0xFFFFFEF7, lr;
	s5 =	simm.s32 $0xFFFFFFFF;
	p2 =	slt.u32 s8, $0xFFFFF086  }
0x1c: {  	p1 =	slt.u32 s9, $0xF7A;
	s5 =	simm.s32 @!p2 $0x0  }
0x1d: {  	s5 =	simm.s32 @p1 $0x1;
	p0 =	seq.s32 s7, s2  }
0x1e: {  	s7 =	smul.u32 @!p0 $0xF7A, s2;
	p2 =	seq.s32 @!p0 s5, $0x0  }
0x1f: {  	s9 =	smul.u32 $0xF7A, s1;
	s8 =	simm.s32 @!p0 $0x1BF5;
	p2 =	por !p2, p0  }
0x20: {  	[sflag:s8] =	ssyncset.s32 @!p0 $0xFFFFF086;
	s6 =	sadd.s32 @!p0 s3, s7;
	s7 =	simm.s32 @!p0 $0x108  }
0x21: {  	s3 =	sadd.s32 s3, s9;
	s6 =	sadd.s32 @!p0 $0x88, s6;
	s7 =	simm.s32 @p2 $0x1082  }
0x22: {  	[simem:s7], [sflag:s8] =	dma.local @!p0 [hbm:s6], $0xF7A  }
0x23: {  	s9 =	sor.u32 $0xD0000000, s2;
	s6 =	simm.s32 $0x108;
	_ =	swait.ge @!p0 [sflag:s8], $0x0  }
0x24: {  	s3 =	sadd.s32 $0x88, s3;
	s6 =	simm.s32 @!p1 $0x1082;
	[sflag:s4] =	ssyncset.s32 $0xFFFFF086  }
0x25: {  	[simem:s6], [sflag:s4] =	dma.local [hbm:s3], $0xF7A  }
0x26: {  	[smem:$0x3F91] =	sst s1;
	(tag) =	ssettag s2;
	_ =	strace s9  }
0x27: {  	s1 =	sld [smem:$0x3FA1]  }
0x28: {  	s2 =	sld [smem:$0x3FA2]  }
0x29: {  	s4 =	sld [smem:$0x3FA4]  }
0x2a: {  	p0 =	seq.s32 s5, $0x0;
	s5 =	sld [smem:$0x3FA5]  }
0x2b: {  	s6 =	sld [smem:$0x3FA6]  }
0x2c: {  	s7 =	sld [smem:$0x3FA7]  }
0x2d: {  	s3 =	simm.s32 $0x108;
	s8 =	sld [smem:$0x3FA8]  }
0x2e: {  	s3 =	simm.s32 @!p0 $0x1082;
	s9 =	sld [smem:$0x3FA9]  }
0x2f: {  	lr =	sadd.s32 s0, s3;
	s0 =	sld [smem:$0x3FA0]  }
0x30: {  	s3 =	sld [smem:$0x3FA3]  }
0x31: {  	[smem:$0x3FAC] =	sst s10  }
0x32: {  	s10 =	sld [smem:$0x3FAA];
	_ =	sdelay $0x3  }
0x33: {  	p0 =	seq.s32 s10, $0x1;
	s10 =	sld [smem:$0x3FAC];
	_ =	sdelay $0x3  }
0x34: {  	[smem:$0x3FAC] =	sst s10  }
0x35: {  	s10 =	sld [smem:$0x3FAB];
	_ =	sdelay $0x3  }
0x36: {  	p1 =	seq.s32 s10, $0x1;
	s10 =	sld [smem:$0x3FAC];
	_ =	sdelay $0x3  }
0x37: {  	[smem:$0x3FAC] =	sst s10  }
0x38: {  	s10 =	sld [smem:$0x3FAD]  }
0x39: {  	_ = 	snop;
	(pc) =	sbr.ind lr, $3  }
0x3a: {  	_ = 	snop  }
0x3b: {  	_ = 	snop  }
0x3c: {  	p2 =	seq.s32 s10, $0x1;
	s10 =	sld [smem:$0x3FAC]  }
0x3d: {  	_ =	shalt  }
0x3e: {  	_ =	shalt  }
0x3f: {  	_ =	shalt  }
0x40: {  	_ =	shalt  }
0x41: {  	_ =	shalt  }
0x42: {  	_ =	shalt  }
0x43: {  	_ =	shalt  }
0x44: {  	_ =	shalt  }
0x45: {  	_ =	shalt  }
0x46: {  	_ =	shalt  }
0x47: {  	_ =	shalt  }
0x48: {  	_ =	shalt  }
0x49: {  	_ =	shalt  }
0x4a: {  	_ =	shalt  }
0x4b: {  	_ =	shalt  }
0x4c: {  	_ =	shalt  }
0x4d: {  	_ =	shalt  }
0x4e: {  	_ =	shalt  }
0x4f: {  	_ =	shalt  }
0x50: {  	_ =	shalt  }
0x51: {  	_ =	shalt  }
0x52: {  	_ =	shalt  }
0x53: {  	_ =	shalt  }
0x54: {  	_ =	shalt  }
0x55: {  	_ =	shalt  }
0x56: {  	_ =	shalt  }
0x57: {  	_ =	shalt  }
0x58: {  	_ =	shalt  }
0x59: {  	_ =	shalt  }
0x5a: {  	_ =	shalt  }
0x5b: {  	_ =	shalt  }
0x5c: {  	_ =	shalt  }
0x5d: {  	_ =	shalt  }
0x5e: {  	_ =	shalt  }
0x5f: {  	_ =	shalt  }
0x60: {  	_ =	shalt  }
0x61: {  	_ =	shalt  }
0x62: {  	_ =	shalt  }
0x63: {  	_ =	shalt  }
0x64: {  	_ =	shalt  }
0x65: {  	_ =	shalt  }
0x66: {  	_ =	shalt  }
0x67: {  	_ =	shalt  }
0x68: {  	_ =	shalt  }
0x69: {  	_ =	shalt  }
0x6a: {  	_ =	shalt  }
0x6b: {  	_ =	shalt  }
0x6c: {  	_ =	shalt  }
0x6d: {  	_ =	shalt  }
0x6e: {  	_ =	shalt  }
0x6f: {  	_ =	shalt  }
0x70: {  	_ =	shalt  }
0x71: {  	_ =	shalt  }
0x72: {  	_ =	shalt  }
0x73: {  	_ =	shalt  }
0x74: {  	_ =	shalt  }
0x75: {  	_ =	shalt  }
0x76: {  	_ =	shalt  }
0x77: {  	_ =	shalt  }
0x78: {  	_ =	shalt  }
0x79: {  	_ =	shalt  }
0x7a: {  	_ =	shalt  }
0x7b: {  	_ =	shalt  }
0x7c: {  	_ =	shalt  }
0x7d: {  	_ =	shalt  }
0x7e: {  	_ =	shalt  }
0x7f: {  	_ =	shalt  }
0x80: {  	_ =	shalt  }
0x81: {  	_ =	shalt  }
0x82: {  	_ =	shalt  }
0x83: {  	_ =	shalt  }
0x84: {  	_ =	shalt  }
0x85: {  	_ =	shalt  }
0x86: {  	_ =	shalt  }
0x87: {  	_ =	shalt  }
.Lfunc_end0:
.L_simem_size_0:
called_computation.3_lowered:
.L_overlay_start_0:
0x88: {  	s2 =	sld [smem:$0x3FD9]  }
0x89: {  	s3 =	sld [smem:$0x3FFE];
	_ =	sdelay $0x1  }
0x8a: {  	s1 =	srdreg.scid  }
0x8b: {  	s0 =	sand.u32 $0x1, s1  }
0x8c: {  	s16 =	sshll.u32 s0, $0xA;
	s2 =	sadd.s32 s3, s2  }
0x8d: {  	s2 =	sadd.s32 s2, s16  }
0x8e: {  	[smem:$0x3FB8] =	sst s2  }
0x8f: {  	_ = 	snop  }
0x90: {  	(tm) =	ssettm $0x1  }
0x91: {  	s17 =	sld [smem:$0x3FFB];
	_ =	sdelay $0x3  }
0x92: {  	_ =	strace s17  }
0x93: {  	s2 =	sld [smem:$0x3FFC];
	_ =	sdelay $0x3  }
0x94: {  	_ =	strace s2  }
0x95: {  	s2 =	sld [smem:$0x3FFD];
	_ =	sdelay $0x3  }
0x96: {  	_ =	strace s2  }
0x97: {  	_ =	strace $0x8FFFFFFF  }
0x98: {  	s18 =	sld [smem:$0x3FDB];
	_ =	sdelay $0x1  }
0x99: {  	s19 =	simm.s32 $_scs_section_size  }
0x9a: {  	s4 =	simm.s32 $_size__tile_overlayer_lowered;
	s5 =	simm.s32 $_tile_overlayer_lowered  }
0x9b: {  	s22 =	simm.s32 $0x1BFF;
	s21 =	sshll.u32 s5, $0x1;
	s2 =	sadd.s32 s19, s18  }
0x9c: {  	s6 =	simm.s32 $0x0;
	s20 =	sshll.u32 s4, $0x1;
	s4 =	sadd.s32 s21, s2  }
0x9d: {  	[timem:s6], [sflag:s22] =	dma.local [hbm:s4], s20  }
0x9e: {  	_ =	swait.ge [sflag:s22], s20  }
0x9f: {  	s3 =	ssub.s32 $0x0, s20;
	[sflag:s22] =	ssyncset.done $0x0  }
0xa0: {  	[sflag:s22] =	ssyncadd.s32 s3;
	_ =	sdelay $0x1  }
0xa1: {  	s23 =	simm.s32 $0x1B8B  }
0xa2: {  	_ =	swait.ge [sflag:s23], $0x1  }
0xa3: {  	[sflag:s23] =	ssyncset.done $0x0  }
0xa4: {  	s25 =	simm.s32 $0x1B8E;
	s24 =	sld [smem:$0x3FFE];
	[sflag:s23] =	ssyncadd.s32 $0xFFFFFFFF  }
0xa5: {  	s26 =	simm.s32 $execute0_lowered;
	[smem:$0x3FD2] =	sst s25  }
0xa6: {  	s4 =	sshll.u32 s26, $0x1;
	_ =	strace $0x8000004F;
	[dreg:$0x1] =	wrdreg $0xFFFFFFFF  }
0xa7: {  	s28 =	simm.s32 $_size_execute0_lowered;
	s2 =	sadd.s32 s2, s4;
	[dreg:$0x0] =	wrdreg $0x0  }
0xa8: {  	s4 =	sshll.u32 s28, $0x1;
	[dreg:$0x2] =	wrdreg s2  }
0xa9: {  	[dreg:$0x3] =	wrdreg s4  }
0xaa: {  	[dreg:$0x4] =	wrdreg $0xC0  }
0xab: {  	_ =	task [dreg:s6], $0x5FFFF  }
0xac: {  	[dreg:$0x1] =	wrdreg $0xFFFFFFFF  }
0xad: {  	[dreg:$0x0] =	wrdreg $0x60  }
0xae: {  	[dreg:$0x2] =	wrdreg s24  }
0xaf: {  	[dreg:$0x3] =	wrdreg $0x90000  }
0xb0: {  	[dreg:$0x4] =	wrdreg $0x12C400  }
0xb1: {  	[dreg:$0x5] =	wrdreg $0x9  }
0xb2: {  	_ =	task.clear_ibuf [dreg:s6], $0x6FFFF;
	_ =	strace $0x9000004F  }
0xb3: {  	s29 =	simm.s32 $0x9;
	_ =	strace $0x80000051  }
0xb4: {  	_ =	swait.ge [sflag:s29], $0x1  }
0xb5: {  	[sflag:s29] =	ssyncadd.s32 $0xFFFFFFFF  }
0xb6: {  	_ =	strace $0x90000051  }
0xb7: {  	_ =	sfence  }
0xb8: {  	s30 =	sld [smem:$0x0];
	_ =	sdelay $0x2  }
0xb9: {  	s31 =	sshll.u32 s1, $0xD;
	s1 =	sshrl.u32 s1, $0x2  }
0xba: {  	s3 =	sand.u32 $0x4000, s31;
	s1 =	sadd.s32 s1, s30  }
0xbb: {  	s0 =	sor.u32 s3, s0;
	s1 =	sshll.u32 s1, $0x11  }
0xbc: {  	s0 =	sor.u32 s1, s0  }
0xbd: {  	s0 =	sadd.s32 $0x8F2B, s0  }
0xbe: {  	[sflag:s0] =	ssyncadd.remote.s32 $0x1  }
0xbf: {  	_ =	sfence.sel $0xFFFF  }
0xc0: {  	[dreg:$0x0] =	wrdreg $0xFFFFFFFF;
	(pc) =	sbr.abs _section_cstart, $3  }
0xc1: {  	[dreg:$0x1] =	wrdreg $0xFFFFFFFF  }
0xc2: {  	_ =	task.clear_ibuf [dreg:s6], $0x2FFFF;
	_ =	strace $0x9FFFFFFF  }
0xc3: {  	(tm) =	ssettm $0x7FFFFFFF  }
tec
execute0_lowered:
.L_overlay_start_1:
0x0: {  	(tag) =	ssettag $0x1  }
0x1: {  	s0 =	rddreg [dreg:$0x0]  }
0x2: {  	s2 =	rddreg [dreg:$0x1]  }
0x3: {  	s3 =	rddreg [dreg:$0x2];
	s14 =	stileid.u32  }
0x4: {  	s4 =	simm.s32 $0x0;
	s5 =	srdreg.scid;
	s15 =	simm.s32 $0x180  }
0x5: {  	s17 =	simm.s32 $0x880;
	s19 =	simm.s32 $0x900;
	s21 =	simm.s32 $0x980  }
0x6: {  	s22 =	simm.s32 $0x200;
	s23 =	simm.s32 $0x280;
	[smem:$0x7FF] =	sst s4  }
0x7: {  	s24 =	simm.s32 $0x300;
	_ =	strace $0x80000050;
	[dreg:$0x7] =	wrdreg s15  }
0x8: {  	s25 =	simm.s32 $0x380;
	s28 =	simm.s32 $0x4;
	[dreg:$0x8] =	wrdreg s17  }
0x9: {  	s29 =	simm.s32 $0x5;
	s30 =	simm.s32 $0x6;
	[dreg:$0x9] =	wrdreg s19  }
0xa: {  	s31 =	simm.s32 $0x7;
	s1 =	smul.u32 $0xA00, s14;
	[dreg:$0xa] =	wrdreg s21  }
0xb: {  	s6 =	smul.u32 $0x9E00, s14;
	s5 =	sand.u32 $0x1, s5;
	[dreg:$0xb] =	wrdreg s22  }
0xc: {  	s8 =	sadd.s32 $0x3EC00, s0;
	s11 =	sadd.s32 $0x65E00, s0;
	[dreg:$0xc] =	wrdreg s23  }
0xd: {  	p0 =	seq.s32 s14, $0xF;
	s7 =	smul.u32 $0x9C400, s5;
	[dreg:$0xd] =	wrdreg s24  }
0xe: {  	s5 =	ssub.s32 $0x2, s5;
	[dreg:$0xe] =	wrdreg s25;
	s17 =	simm.s32 $0x9  }
0xf: {  	s19 =	simm.s32 $0x80;
	s21 =	simm.s32 $0x3000;
	s22 =	simm.s32 $0x5000  }
0x10: {  	s23 =	simm.s32 $0x7000;
	s15 =	simm.s32 $0x0;
	s1 =	sadd.s32 s1, s0  }
0x11: {  	s9 =	sshrl.u32 s6, $0x3;
	[smem:$0x7FB] =	sst s15;
	s26 =	sadd.s32 $0xD200, s1  }
0x12: {  	s12 =	sshrl.u32 s5, $0x1;
	s1 =	sadd.s32 $0x3200, s1;
	[dreg:$0x4] =	wrdreg s26  }
0x13: {  	s9 =	sadd.s32 s9, s0;
	s0 =	sadd.s32 $0x3DA40, s0;
	[dreg:$0x5] =	wrdreg s1  }
0x14: {  	s5 =	ssub.s32 s5, s12;
	s9 =	sadd.s32 $0x2B200, s9;
	[dreg:$0x1d] =	wrdreg s0  }
0x15: {  	s10 =	sadd.s32 s6, s7;
	s20 =	smax.u32 s5, $0x1;
	[dreg:$0x1b] =	wrdreg s9  }
0x16: {  	s7 =	sshrl.u32 s7, $0x3;
	s26 =	simm.s32 $0xA00;
	[smem:$0x7F7] =	sst s20  }
0x17: {  	s10 =	sshrl.u32 s10, $0x3;
	s5 =	simm.s32 $0xB00;
	[dreg:$0xf] =	wrdreg s26  }
0x18: {  	s7 =	sadd.s32 $0x12840, s7;
	s13 =	sadd.s32 s8, s10;
	[dreg:$0x11] =	wrdreg s5  }
0x19: {  	s24 =	simm.s32 $0x1;
	s8 =	sadd.s32 s8, s7;
	[dreg:$0x1a] =	wrdreg s13  }
0x1a: {  	s25 =	simm.s32 $0x2;
	s16 =	sadd.s32 s11, s10;
	[dreg:$0x1c] =	wrdreg s8  }
0x1b: {  	s12 =	sadd.s32 s6, s2;
	s18 =	sadd.s32 s11, s7;
	[dreg:$0x1e] =	wrdreg s16  }
0x1c: {  	s6 =	sadd.s32 s6, s3;
	s7 =	simm.s32 $0x400;
	[dreg:$0x1f] =	wrdreg s18  }
0x1d: {  	s0 =	simm.s32 $0x8;
	s10 =	simm.s32 $0x580;
	[dreg:$0x13] =	wrdreg s7  }
0x1e: {  	s9 =	sadd.s32 $0x94200, s2;
	s11 =	simm.s32 $0xC00;
	[dreg:$0x16] =	wrdreg s10  }
0x1f: {  	s20 =	simm.s32 $0x1000;
	s13 =	simm.s32 $0x100;
	[dreg:$0x17] =	wrdreg s11  }
0x20: {  	s26 =	simm.s32 $0x3;
	s1 =	sshrl.u32 @p0 s9, $0x3;
	[dreg:$0x6] =	wrdreg s13  }
0x21: {  	s16 =	sshrl.u32 @!p0 s6, $0x3;
	s6 =	simm.s32 $0xB80;
	[smem:$0x7F8] =	sst s1  }
0x22: {  	s5 =	simm.s32 $0x600;
	s9 =	simm.s32 $0x500;
	[dreg:$0x12] =	wrdreg s6  }
0x23: {  	s8 =	sadd.s32 $0x94200, s3;
	s18 =	simm.s32 $0x800;
	[dreg:$0x15] =	wrdreg s9  }
0x24: {  	s7 =	simm.s32 $0x700;
	s1 =	sshrl.u32 @p0 s8, $0x3;
	[smem:$0x7FD] =	sst s16  }
0x25: {  	s10 =	simm.s32 $0xE80;
	s8 =	simm.s32 $0x480;
	[smem:$0x7F9] =	sst s1  }
0x26: {  	s13 =	simm.s32 $0xD00;
	s1 =	sshll.u32 @!p0 s14, $0x6;
	[dreg:$0x14] =	wrdreg s8  }
0x27: {  	[dreg:$0x19] =	wrdreg s13;
	s14 =	sor.u32 @!p0 $0x1C09, s1;
	s1 =	sshrl.u32 @!p0 s12, $0x3  }
0x28: {  	s11 =	simm.s32 $0xF00;
	s12 =	simm.s32 $0xC80;
	[smem:$0x7FA] =	sst s1  }
0x29: {  	s6 =	simm.s32 $0x680;
	s9 =	simm.s32 $0xE00;
	[dreg:$0x18] =	wrdreg s12  }
0x2a: {  	s8 =	simm.s32 $0x780;
	s1 =	simm.s32 $0xA80;
	[smem:$0x7FC] =	sst s14  }
0x2b: {  	s12 =	simm.s32 $0xF80;
	[dreg:$0x10] =	wrdreg s1;
	s1 =	simm.s32 $0xD80  }
.LBB2_1:
0x2c: {  	s15 =	sld [smem:$0x7F8];
	_ =	sdelay $0x1  }
0x2d: {  	s13 =	simm.s32 @p0 $0x1FC9;
	s14 =	rddreg [dreg:$0x1c]  }
0x2e: {  	[spmem:s15], [sflag:s13] =	dma.local @p0 [hbm:s14], $0x1040  }
0x2f: {  	s14 =	simm.s32 @p0 $0x9  }
0x30: {  	_ =	swait.ge @p0 [sflag:s14], $0x1040  }
0x31: {  	s13 =	sld [smem:$0x7F9]  }
0x32: {  	[sflag:s14] =	ssyncset.done @p0 $0x0  }
0x33: {  	s16 =	simm.s32 @p0 $0x1FC9;
	s15 =	rddreg [dreg:$0x1d];
	[sflag:s14] =	ssyncadd.s32 @p0 $0xFFFFEFC0  }
0x34: {  	[spmem:s13], [sflag:s16] =	dma.local @p0 [hbm:s15], $0x1040  }
0x35: {  	_ =	swait.ge @p0 [sflag:s14], $0x1040  }
0x36: {  	[sflag:s14] =	ssyncset.done @p0 $0x0;
	s16 =	sld [smem:$0x7FC]  }
0x37: {  	[sflag:s14] =	ssyncadd.s32 @p0 $0xFFFFEFC0;
	s14 =	sld [smem:$0x7FA];
	_ =	sdelay $0x1  }
0x38: {  	s13 =	rddreg [dreg:$0x1a]  }
0x39: {  	[spmem:s14], [sflag:s16] =	dma.local @!p0 [hbm:s13], $0x13C0  }
0x3a: {  	s13 =	simm.s32 @!p0 $0x9  }
0x3b: {  	_ =	swait.ge @!p0 [sflag:s13], $0x13C0  }
0x3c: {  	s15 =	sld [smem:$0x7FD]  }
0x3d: {  	[sflag:s13] =	ssyncset.done @!p0 $0x0  }
0x3e: {  	s14 =	rddreg [dreg:$0x1b];
	[sflag:s13] =	ssyncadd.s32 @!p0 $0xFFFFEC40  }
0x3f: {  	[spmem:s15], [sflag:s16] =	dma.local @!p0 [hbm:s14], $0x13C0  }
0x40: {  	_ =	swait.ge @!p0 [sflag:s13], $0x13C0  }
0x41: {  	[sflag:s13] =	ssyncset.done @!p0 $0x0  }
0x42: {  	[sflag:s13] =	ssyncadd.s32 @!p0 $0xFFFFEC40  }
0x43: {  	[bflag:$0x0] =	sbarrier.arrive $0xFFFF  }
0x44: {  	s16 =	rddreg [dreg:$0x5]  }
0x45: {  	s13 =	sadd.s32 $0x0, s16  }
0x46: {  	[tilespmem:s4], [sflag:$0x9] =	stream.linear.gather [hbm4b:s13+s4], $0x800, $0x38;
	[tilespmem:$0x1D080] =	vst v63  }
0x47: {  	_ =	swait.ge [sflag:s17], $0x800  }
0x48: {  	s14 =	rddreg [dreg:$0x4];
	[sflag:s17] =	ssyncset.done $0x0  }
0x49: {  	[sflag:s17] =	ssyncadd.s32 $0xFFFFF800;
	s13 =	sadd.s32 $0x0, s14  }
0x4a: {  	[tilespmem:s18], [sflag:$0x9] =	stream.linear.gather [hbm4b:s13+s4], $0x800, $0x38;
	[tilespmem:$0x1D080] =	vst v63  }
0x4b: {  	_ =	swait.ge [sflag:s17], $0x800  }
0x4c: {  	[sflag:s17] =	ssyncset.done $0x0  }
0x4d: {  	[sflag:s17] =	ssyncadd.s32 $0xFFFFF800  }
0x4e: {  	[tilespmem:s20], [sflag:$0x1] =	stream.indirect.gather [spmem:s2], $0x40, s4, s19, $0xb8;
	[tilespmem:$0x1D080] =	vst v63  }
0x4f: {  	_ = 	snop  }
0x50: {  	[tilespmem:s21], [sflag:$0x2] =	stream.indirect.gather [spmem:s2], $0x40, s19, s19, $0xb8;
	[tilespmem:$0x1D080] =	vst v63  }
0x51: {  	s15 =	rddreg [dreg:$0x6]  }
0x52: {  	[tilespmem:s22], [sflag:$0x3] =	stream.indirect.gather [spmem:s2], $0x40, s15, s19, $0xb8;
	[tilespmem:$0x1D080] =	vst v63  }
0x53: {  	s16 =	rddreg [dreg:$0x7]  }
0x54: {  	[tilespmem:s23], [sflag:$0x4] =	stream.indirect.gather [spmem:s2], $0x40, s16, s19, $0xb8;
	[tilespmem:$0x1D080] =	vst v63  }
0x55: {  	_ =	swait.ge [sflag:s24], $0x2000  }
0x56: {  	[sflag:s24] =	ssyncset.done $0x0  }
0x57: {  	[sflag:s24] =	ssyncadd.s32 $0xFFFFE000  }
0x58: {  	[spmem:s3] =	stream.indirect.scatter.add.f32 [tilespmem:s20], [sflag:$0x5], $0x40, s18, s19, $0xb8;
	[tilespmem:$0x1D080] =	vst v63  }
0x59: {  	_ =	swait.ge [sflag:s25], $0x2000  }
0x5a: {  	[sflag:s25] =	ssyncset.done $0x0  }
0x5b: {  	s14 =	rddreg [dreg:$0x8];
	[sflag:s25] =	ssyncadd.s32 $0xFFFFE000  }
0x5c: {  	[spmem:s3] =	stream.indirect.scatter.add.f32 [tilespmem:s21], [sflag:$0x6], $0x40, s14, s19, $0xb8;
	[tilespmem:$0x1D080] =	vst v63  }
0x5d: {  	_ =	swait.ge [sflag:s26], $0x2000  }
0x5e: {  	[sflag:s26] =	ssyncset.done $0x0  }
0x5f: {  	s15 =	rddreg [dreg:$0x9];
	[sflag:s26] =	ssyncadd.s32 $0xFFFFE000  }
0x60: {  	[spmem:s3] =	stream.indirect.scatter.add.f32 [tilespmem:s22], [sflag:$0x7], $0x40, s15, s19, $0xb8;
	[tilespmem:$0x1D080] =	vst v63  }
0x61: {  	_ =	swait.ge [sflag:s28], $0x2000  }
0x62: {  	[sflag:s28] =	ssyncset.done $0x0  }
0x63: {  	s16 =	rddreg [dreg:$0xa];
	[sflag:s28] =	ssyncadd.s32 $0xFFFFE000  }
0x64: {  	[spmem:s3] =	stream.indirect.scatter.add.f32 [tilespmem:s23], [sflag:$0x8], $0x40, s16, s19, $0xb8;
	[tilespmem:$0x1D080] =	vst v63  }
0x65: {  	_ =	swait.ge [sflag:s29], $0x2000  }
0x66: {  	[sflag:s29] =	ssyncset.done $0x0  }
0x67: {  	s14 =	rddreg [dreg:$0xb];
	[sflag:s29] =	ssyncadd.s32 $0xFFFFE000  }
0x68: {  	[tilespmem:s20], [sflag:$0x1] =	stream.indirect.gather [spmem:s2], $0x40, s14, s19, $0xb8;
	[tilespmem:$0x1D080] =	vst v63  }
0x69: {  	_ =	swait.ge [sflag:s30], $0x2000  }
0x6a: {  	[sflag:s30] =	ssyncset.done $0x0  }
0x6b: {  	s15 =	rddreg [dreg:$0xc];
	[sflag:s30] =	ssyncadd.s32 $0xFFFFE000  }
0x6c: {  	[tilespmem:s21], [sflag:$0x2] =	stream.indirect.gather [spmem:s2], $0x40, s15, s19, $0xb8;
	[tilespmem:$0x1D080] =	vst v63  }
0x6d: {  	_ =	swait.ge [sflag:s31], $0x2000  }
0x6e: {  	[sflag:s31] =	ssyncset.done $0x0  }
0x6f: {  	s16 =	rddreg [dreg:$0xd];
	[sflag:s31] =	ssyncadd.s32 $0xFFFFE000  }
0x70: {  	[tilespmem:s22], [sflag:$0x3] =	stream.indirect.gather [spmem:s2], $0x40, s16, s19, $0xb8;
	[tilespmem:$0x1D080] =	vst v63  }
0x71: {  	_ =	swait.ge [sflag:s0], $0x2000  }
0x72: {  	[sflag:s0] =	ssyncset.done $0x0  }
0x73: {  	s14 =	rddreg [dreg:$0xe];
	[sflag:s0] =	ssyncadd.s32 $0xFFFFE000  }
0x74: {  	[tilespmem:s23], [sflag:$0x4] =	stream.indirect.gather [spmem:s2], $0x40, s14, s19, $0xb8;
	[tilespmem:$0x1D080] =	vst v63  }
0x75: {  	_ =	swait.ge [sflag:s24], $0x2000  }
0x76: {  	[sflag:s24] =	ssyncset.done $0x0  }
0x77: {  	s15 =	rddreg [dreg:$0xf];
	[sflag:s24] =	ssyncadd.s32 $0xFFFFE000  }
0x78: {  	[spmem:s3] =	stream.indirect.scatter.add.f32 [tilespmem:s20], [sflag:$0x5], $0x40, s15, s19, $0xb8;
	[tilespmem:$0x1D080] =	vst v63  }
0x79: {  	_ =	swait.ge [sflag:s25], $0x2000  }
0x7a: {  	[sflag:s25] =	ssyncset.done $0x0  }
0x7b: {  	s16 =	rddreg [dreg:$0x10];
	[sflag:s25] =	ssyncadd.s32 $0xFFFFE000  }
0x7c: {  	[spmem:s3] =	stream.indirect.scatter.add.f32 [tilespmem:s21], [sflag:$0x6], $0x40, s16, s19, $0xb8;
	[tilespmem:$0x1D080] =	vst v63  }
0x7d: {  	_ =	swait.ge [sflag:s26], $0x2000  }
0x7e: {  	[sflag:s26] =	ssyncset.done $0x0  }
0x7f: {  	s14 =	rddreg [dreg:$0x11];
	[sflag:s26] =	ssyncadd.s32 $0xFFFFE000  }
0x80: {  	[spmem:s3] =	stream.indirect.scatter.add.f32 [tilespmem:s22], [sflag:$0x7], $0x40, s14, s19, $0xb8;
	[tilespmem:$0x1D080] =	vst v63  }
0x81: {  	_ =	swait.ge [sflag:s28], $0x2000  }
0x82: {  	[sflag:s28] =	ssyncset.done $0x0  }
0x83: {  	s15 =	rddreg [dreg:$0x12];
	[sflag:s28] =	ssyncadd.s32 $0xFFFFE000  }
0x84: {  	[spmem:s3] =	stream.indirect.scatter.add.f32 [tilespmem:s23], [sflag:$0x8], $0x40, s15, s19, $0xb8;
	[tilespmem:$0x1D080] =	vst v63  }
0x85: {  	_ =	swait.ge [sflag:s29], $0x2000  }
0x86: {  	[sflag:s29] =	ssyncset.done $0x0  }
0x87: {  	s16 =	rddreg [dreg:$0x13];
	[sflag:s29] =	ssyncadd.s32 $0xFFFFE000  }
0x88: {  	[tilespmem:s20], [sflag:$0x1] =	stream.indirect.gather [spmem:s2], $0x40, s16, s19, $0xb8;
	[tilespmem:$0x1D080] =	vst v63  }
0x89: {  	_ =	swait.ge [sflag:s30], $0x2000  }
0x8a: {  	[sflag:s30] =	ssyncset.done $0x0  }
0x8b: {  	s14 =	rddreg [dreg:$0x14];
	[sflag:s30] =	ssyncadd.s32 $0xFFFFE000  }
0x8c: {  	[tilespmem:s21], [sflag:$0x2] =	stream.indirect.gather [spmem:s2], $0x40, s14, s19, $0xb8;
	[tilespmem:$0x1D080] =	vst v63  }
0x8d: {  	_ =	swait.ge [sflag:s31], $0x2000  }
0x8e: {  	[sflag:s31] =	ssyncset.done $0x0  }
0x8f: {  	s15 =	rddreg [dreg:$0x15];
	[sflag:s31] =	ssyncadd.s32 $0xFFFFE000  }
0x90: {  	[tilespmem:s22], [sflag:$0x3] =	stream.indirect.gather [spmem:s2], $0x40, s15, s19, $0xb8;
	[tilespmem:$0x1D080] =	vst v63  }
0x91: {  	_ =	swait.ge [sflag:s0], $0x2000  }
0x92: {  	[sflag:s0] =	ssyncset.done $0x0  }
0x93: {  	s16 =	rddreg [dreg:$0x16];
	[sflag:s0] =	ssyncadd.s32 $0xFFFFE000  }
0x94: {  	[tilespmem:s23], [sflag:$0x4] =	stream.indirect.gather [spmem:s2], $0x40, s16, s19, $0xb8;
	[tilespmem:$0x1D080] =	vst v63  }
0x95: {  	_ =	swait.ge [sflag:s24], $0x2000  }
0x96: {  	[sflag:s24] =	ssyncset.done $0x0  }
0x97: {  	s14 =	rddreg [dreg:$0x17];
	[sflag:s24] =	ssyncadd.s32 $0xFFFFE000  }
0x98: {  	[spmem:s3] =	stream.indirect.scatter.add.f32 [tilespmem:s20], [sflag:$0x5], $0x40, s14, s19, $0xb8;
	[tilespmem:$0x1D080] =	vst v63  }
0x99: {  	_ =	swait.ge [sflag:s25], $0x2000  }
0x9a: {  	[sflag:s25] =	ssyncset.done $0x0  }
0x9b: {  	s15 =	rddreg [dreg:$0x18];
	[sflag:s25] =	ssyncadd.s32 $0xFFFFE000  }
0x9c: {  	[spmem:s3] =	stream.indirect.scatter.add.f32 [tilespmem:s21], [sflag:$0x6], $0x40, s15, s19, $0xb8;
	[tilespmem:$0x1D080] =	vst v63  }
0x9d: {  	_ =	swait.ge [sflag:s26], $0x2000  }
0x9e: {  	[sflag:s26] =	ssyncset.done $0x0  }
0x9f: {  	s16 =	rddreg [dreg:$0x19];
	[sflag:s26] =	ssyncadd.s32 $0xFFFFE000  }
0xa0: {  	[spmem:s3] =	stream.indirect.scatter.add.f32 [tilespmem:s22], [sflag:$0x7], $0x40, s16, s19, $0xb8;
	[tilespmem:$0x1D080] =	vst v63  }
0xa1: {  	_ =	swait.ge [sflag:s28], $0x2000  }
0xa2: {  	[sflag:s28] =	ssyncset.done $0x0  }
0xa3: {  	[sflag:s28] =	ssyncadd.s32 $0xFFFFE000  }
0xa4: {  	[spmem:s3] =	stream.indirect.scatter.add.f32 [tilespmem:s23], [sflag:$0x8], $0x40, s1, s19, $0xb8;
	[tilespmem:$0x1D080] =	vst v63  }
0xa5: {  	_ =	swait.ge [sflag:s29], $0x2000  }
0xa6: {  	[sflag:s29] =	ssyncset.done $0x0  }
0xa7: {  	[sflag:s29] =	ssyncadd.s32 $0xFFFFE000  }
0xa8: {  	[tilespmem:s20], [sflag:$0x1] =	stream.indirect.gather [spmem:s2], $0x40, s5, s19, $0xb8;
	[tilespmem:$0x1D080] =	vst v63  }
0xa9: {  	_ =	swait.ge [sflag:s30], $0x2000  }
0xaa: {  	[sflag:s30] =	ssyncset.done $0x0  }
0xab: {  	[sflag:s30] =	ssyncadd.s32 $0xFFFFE000  }
0xac: {  	[tilespmem:s21], [sflag:$0x2] =	stream.indirect.gather [spmem:s2], $0x40, s6, s19, $0xb8;
	[tilespmem:$0x1D080] =	vst v63  }
0xad: {  	_ =	swait.ge [sflag:s31], $0x2000  }
0xae: {  	[sflag:s31] =	ssyncset.done $0x0  }
0xaf: {  	[sflag:s31] =	ssyncadd.s32 $0xFFFFE000  }
0xb0: {  	[tilespmem:s22], [sflag:$0x3] =	stream.indirect.gather [spmem:s2], $0x40, s7, s19, $0xb8;
	[tilespmem:$0x1D080] =	vst v63  }
0xb1: {  	_ =	swait.ge [sflag:s0], $0x2000  }
0xb2: {  	[sflag:s0] =	ssyncset.done $0x0  }
0xb3: {  	[sflag:s0] =	ssyncadd.s32 $0xFFFFE000  }
0xb4: {  	[tilespmem:s23], [sflag:$0x4] =	stream.indirect.gather [spmem:s2], $0x40, s8, s19, $0xb8;
	[tilespmem:$0x1D080] =	vst v63  }
0xb5: {  	_ =	swait.ge [sflag:s24], $0x2000  }
0xb6: {  	[sflag:s24] =	ssyncset.done $0x0  }
0xb7: {  	[sflag:s24] =	ssyncadd.s32 $0xFFFFE000  }
0xb8: {  	[spmem:s3] =	stream.indirect.scatter.add.f32 [tilespmem:s20], [sflag:$0x5], $0x40, s9, s19, $0xb8;
	[tilespmem:$0x1D080] =	vst v63  }
0xb9: {  	_ =	swait.ge [sflag:s25], $0x2000  }
0xba: {  	[sflag:s25] =	ssyncset.done $0x0  }
0xbb: {  	[sflag:s25] =	ssyncadd.s32 $0xFFFFE000  }
0xbc: {  	[spmem:s3] =	stream.indirect.scatter.add.f32 [tilespmem:s21], [sflag:$0x6], $0x40, s10, s19, $0xb8;
	[tilespmem:$0x1D080] =	vst v63  }
0xbd: {  	_ =	swait.ge [sflag:s26], $0x2000  }
0xbe: {  	[sflag:s26] =	ssyncset.done $0x0  }
0xbf: {  	[sflag:s26] =	ssyncadd.s32 $0xFFFFE000  }
0xc0: {  	[spmem:s3] =	stream.indirect.scatter.add.f32 [tilespmem:s22], [sflag:$0x7], $0x40, s11, s19, $0xb8;
	[tilespmem:$0x1D080] =	vst v63  }
0xc1: {  	_ =	swait.ge [sflag:s28], $0x2000  }
0xc2: {  	[sflag:s28] =	ssyncset.done $0x0  }
0xc3: {  	[sflag:s28] =	ssyncadd.s32 $0xFFFFE000  }
0xc4: {  	[spmem:s3] =	stream.indirect.scatter.add.f32 [tilespmem:s23], [sflag:$0x8], $0x40, s12, s19, $0xb8;
	[tilespmem:$0x1D080] =	vst v63  }
0xc5: {  	_ =	swait.ge [sflag:s29], $0x2000  }
0xc6: {  	[sflag:s29] =	ssyncset.done $0x0  }
0xc7: {  	[sflag:s29] =	ssyncadd.s32 $0xFFFFE000  }
0xc8: {  	_ =	swait.ge [sflag:s30], $0x2000  }
0xc9: {  	[sflag:s30] =	ssyncset.done $0x0  }
0xca: {  	[sflag:s30] =	ssyncadd.s32 $0xFFFFE000  }
0xcb: {  	_ =	swait.ge [sflag:s31], $0x2000  }
0xcc: {  	[sflag:s31] =	ssyncset.done $0x0  }
0xcd: {  	[sflag:s31] =	ssyncadd.s32 $0xFFFFE000  }
0xce: {  	s13 =	simm.s32 $0x100;
	_ =	swait.ge [sflag:s0], $0x2000  }
0xcf: {  	s16 =	simm.s32 $0x200;
	s14 =	rddreg [dreg:$0x5];
	[sflag:s0] =	ssyncset.done $0x0  }
.LBB2_2:
0xd0: {  	[sflag:s0] =	ssyncadd.s32 $0xFFFFE000;
	s14 =	sadd.s32 s13, s14  }
0xd1: {  	[tilespmem:s4], [sflag:$0x9] =	stream.linear.gather [hbm4b:s14+s4], $0x800, $0x38;
	[tilespmem:$0x1D080] =	vst v63  }
0xd2: {  	_ =	swait.ge [sflag:s17], $0x800  }
0xd3: {  	s14 =	rddreg [dreg:$0x4];
	[sflag:s17] =	ssyncset.done $0x0  }
0xd4: {  	[sflag:s17] =	ssyncadd.s32 $0xFFFFF800;
	s14 =	sadd.s32 s13, s14  }
0xd5: {  	[tilespmem:s18], [sflag:$0x9] =	stream.linear.gather [hbm4b:s14+s4], $0x800, $0x38;
	[tilespmem:$0x1D080] =	vst v63  }
0xd6: {  	_ =	swait.ge [sflag:s17], $0x800  }
0xd7: {  	[sflag:s17] =	ssyncset.done $0x0  }
0xd8: {  	[sflag:s17] =	ssyncadd.s32 $0xFFFFF800  }
0xd9: {  	[tilespmem:s20], [sflag:$0x1] =	stream.indirect.gather [spmem:s2], $0x40, s4, s19, $0xb8;
	[tilespmem:$0x1D080] =	vst v63  }
0xda: {  	_ = 	snop  }
0xdb: {  	[tilespmem:s21], [sflag:$0x2] =	stream.indirect.gather [spmem:s2], $0x40, s19, s19, $0xb8;
	[tilespmem:$0x1D080] =	vst v63  }
0xdc: {  	s15 =	smov.u32 s16;
	s14 =	rddreg [dreg:$0x6]  }
0xdd: {  	[tilespmem:s22], [sflag:$0x3] =	stream.indirect.gather [spmem:s2], $0x40, s14, s19, $0xb8;
	[tilespmem:$0x1D080] =	vst v63  }
0xde: {  	s13 =	smov.u32 s15;
	s15 =	rddreg [dreg:$0x7]  }
0xdf: {  	[tilespmem:s23], [sflag:$0x4] =	stream.indirect.gather [spmem:s2], $0x40, s15, s19, $0xb8;
	[tilespmem:$0x1D080] =	vst v63  }
0xe0: {  	_ =	swait.ge [sflag:s24], $0x2000  }
0xe1: {  	[sflag:s24] =	ssyncset.done $0x0  }
0xe2: {  	[sflag:s24] =	ssyncadd.s32 $0xFFFFE000  }
0xe3: {  	[spmem:s3] =	stream.indirect.scatter.add.f32 [tilespmem:s20], [sflag:$0x5], $0x40, s18, s19, $0xb8;
	[tilespmem:$0x1D080] =	vst v63  }
0xe4: {  	_ =	swait.ge [sflag:s25], $0x2000  }
0xe5: {  	[sflag:s25] =	ssyncset.done $0x0  }
0xe6: {  	s15 =	rddreg [dreg:$0x8];
	[sflag:s25] =	ssyncadd.s32 $0xFFFFE000  }
0xe7: {  	[spmem:s3] =	stream.indirect.scatter.add.f32 [tilespmem:s21], [sflag:$0x6], $0x40, s15, s19, $0xb8;
	[tilespmem:$0x1D080] =	vst v63  }
0xe8: {  	_ =	swait.ge [sflag:s26], $0x2000  }
0xe9: {  	[sflag:s26] =	ssyncset.done $0x0  }
0xea: {  	s15 =	rddreg [dreg:$0x9];
	[sflag:s26] =	ssyncadd.s32 $0xFFFFE000  }
0xeb: {  	[spmem:s3] =	stream.indirect.scatter.add.f32 [tilespmem:s22], [sflag:$0x7], $0x40, s15, s19, $0xb8;
	[tilespmem:$0x1D080] =	vst v63  }
0xec: {  	_ =	swait.ge [sflag:s28], $0x2000  }
0xed: {  	[sflag:s28] =	ssyncset.done $0x0  }
0xee: {  	s15 =	rddreg [dreg:$0xa];
	[sflag:s28] =	ssyncadd.s32 $0xFFFFE000  }
0xef: {  	[spmem:s3] =	stream.indirect.scatter.add.f32 [tilespmem:s23], [sflag:$0x8], $0x40, s15, s19, $0xb8;
	[tilespmem:$0x1D080] =	vst v63  }
0xf0: {  	_ =	swait.ge [sflag:s29], $0x2000  }
0xf1: {  	[sflag:s29] =	ssyncset.done $0x0  }
0xf2: {  	s15 =	rddreg [dreg:$0xb];
	[sflag:s29] =	ssyncadd.s32 $0xFFFFE000  }
0xf3: {  	[tilespmem:s20], [sflag:$0x1] =	stream.indirect.gather [spmem:s2], $0x40, s15, s19, $0xb8;
	[tilespmem:$0x1D080] =	vst v63  }
0xf4: {  	_ =	swait.ge [sflag:s30], $0x2000  }
0xf5: {  	[sflag:s30] =	ssyncset.done $0x0  }
0xf6: {  	s15 =	rddreg [dreg:$0xc];
	[sflag:s30] =	ssyncadd.s32 $0xFFFFE000  }
0xf7: {  	[tilespmem:s21], [sflag:$0x2] =	stream.indirect.gather [spmem:s2], $0x40, s15, s19, $0xb8;
	[tilespmem:$0x1D080] =	vst v63  }
0xf8: {  	_ =	swait.ge [sflag:s31], $0x2000  }
0xf9: {  	[sflag:s31] =	ssyncset.done $0x0  }
0xfa: {  	s15 =	rddreg [dreg:$0xd];
	[sflag:s31] =	ssyncadd.s32 $0xFFFFE000  }
0xfb: {  	[tilespmem:s22], [sflag:$0x3] =	stream.indirect.gather [spmem:s2], $0x40, s15, s19, $0xb8;
	[tilespmem:$0x1D080] =	vst v63  }
0xfc: {  	_ =	swait.ge [sflag:s0], $0x2000  }
0xfd: {  	[sflag:s0] =	ssyncset.done $0x0  }
0xfe: {  	s15 =	rddreg [dreg:$0xe];
	[sflag:s0] =	ssyncadd.s32 $0xFFFFE000  }
0xff: {  	[tilespmem:s23], [sflag:$0x4] =	stream.indirect.gather [spmem:s2], $0x40, s15, s19, $0xb8;
	[tilespmem:$0x1D080] =	vst v63  }
0x100: {  	_ =	swait.ge [sflag:s24], $0x2000  }
0x101: {  	[sflag:s24] =	ssyncset.done $0x0  }
0x102: {  	s15 =	rddreg [dreg:$0xf];
	[sflag:s24] =	ssyncadd.s32 $0xFFFFE000  }
0x103: {  	[spmem:s3] =	stream.indirect.scatter.add.f32 [tilespmem:s20], [sflag:$0x5], $0x40, s15, s19, $0xb8;
	[tilespmem:$0x1D080] =	vst v63  }
0x104: {  	_ =	swait.ge [sflag:s25], $0x2000  }
0x105: {  	[sflag:s25] =	ssyncset.done $0x0  }
0x106: {  	s15 =	rddreg [dreg:$0x10];
	[sflag:s25] =	ssyncadd.s32 $0xFFFFE000  }
0x107: {  	[spmem:s3] =	stream.indirect.scatter.add.f32 [tilespmem:s21], [sflag:$0x6], $0x40, s15, s19, $0xb8;
	[tilespmem:$0x1D080] =	vst v63  }
0x108: {  	_ =	swait.ge [sflag:s26], $0x2000  }
0x109: {  	[sflag:s26] =	ssyncset.done $0x0  }
0x10a: {  	s15 =	rddreg [dreg:$0x11];
	[sflag:s26] =	ssyncadd.s32 $0xFFFFE000  }
0x10b: {  	[spmem:s3] =	stream.indirect.scatter.add.f32 [tilespmem:s22], [sflag:$0x7], $0x40, s15, s19, $0xb8;
	[tilespmem:$0x1D080] =	vst v63  }
0x10c: {  	_ =	swait.ge [sflag:s28], $0x2000  }
0x10d: {  	[sflag:s28] =	ssyncset.done $0x0  }
0x10e: {  	s15 =	rddreg [dreg:$0x12];
	[sflag:s28] =	ssyncadd.s32 $0xFFFFE000  }
0x10f: {  	[spmem:s3] =	stream.indirect.scatter.add.f32 [tilespmem:s23], [sflag:$0x8], $0x40, s15, s19, $0xb8;
	[tilespmem:$0x1D080] =	vst v63  }
0x110: {  	_ =	swait.ge [sflag:s29], $0x2000  }
0x111: {  	[sflag:s29] =	ssyncset.done $0x0  }
0x112: {  	s15 =	rddreg [dreg:$0x13];
	[sflag:s29] =	ssyncadd.s32 $0xFFFFE000  }
0x113: {  	[tilespmem:s20], [sflag:$0x1] =	stream.indirect.gather [spmem:s2], $0x40, s15, s19, $0xb8;
	[tilespmem:$0x1D080] =	vst v63  }
0x114: {  	_ =	swait.ge [sflag:s30], $0x2000  }
0x115: {  	[sflag:s30] =	ssyncset.done $0x0  }
0x116: {  	s15 =	rddreg [dreg:$0x14];
	[sflag:s30] =	ssyncadd.s32 $0xFFFFE000  }
0x117: {  	[tilespmem:s21], [sflag:$0x2] =	stream.indirect.gather [spmem:s2], $0x40, s15, s19, $0xb8;
	[tilespmem:$0x1D080] =	vst v63  }
0x118: {  	_ =	swait.ge [sflag:s31], $0x2000  }
0x119: {  	[sflag:s31] =	ssyncset.done $0x0  }
0x11a: {  	s15 =	rddreg [dreg:$0x15];
	[sflag:s31] =	ssyncadd.s32 $0xFFFFE000  }
0x11b: {  	[tilespmem:s22], [sflag:$0x3] =	stream.indirect.gather [spmem:s2], $0x40, s15, s19, $0xb8;
	[tilespmem:$0x1D080] =	vst v63  }
0x11c: {  	_ =	swait.ge [sflag:s0], $0x2000  }
0x11d: {  	[sflag:s0] =	ssyncset.done $0x0  }
0x11e: {  	s15 =	rddreg [dreg:$0x16];
	[sflag:s0] =	ssyncadd.s32 $0xFFFFE000  }
0x11f: {  	[tilespmem:s23], [sflag:$0x4] =	stream.indirect.gather [spmem:s2], $0x40, s15, s19, $0xb8;
	[tilespmem:$0x1D080] =	vst v63  }
0x120: {  	_ =	swait.ge [sflag:s24], $0x2000  }
0x121: {  	[sflag:s24] =	ssyncset.done $0x0  }
0x122: {  	s15 =	rddreg [dreg:$0x17];
	[sflag:s24] =	ssyncadd.s32 $0xFFFFE000  }
0x123: {  	[spmem:s3] =	stream.indirect.scatter.add.f32 [tilespmem:s20], [sflag:$0x5], $0x40, s15, s19, $0xb8;
	[tilespmem:$0x1D080] =	vst v63  }
0x124: {  	_ =	swait.ge [sflag:s25], $0x2000  }
0x125: {  	[sflag:s25] =	ssyncset.done $0x0  }
0x126: {  	s15 =	rddreg [dreg:$0x18];
	[sflag:s25] =	ssyncadd.s32 $0xFFFFE000  }
0x127: {  	[spmem:s3] =	stream.indirect.scatter.add.f32 [tilespmem:s21], [sflag:$0x6], $0x40, s15, s19, $0xb8;
	[tilespmem:$0x1D080] =	vst v63  }
0x128: {  	_ =	swait.ge [sflag:s26], $0x2000  }
0x129: {  	[sflag:s26] =	ssyncset.done $0x0  }
0x12a: {  	s15 =	rddreg [dreg:$0x19];
	[sflag:s26] =	ssyncadd.s32 $0xFFFFE000  }
0x12b: {  	[spmem:s3] =	stream.indirect.scatter.add.f32 [tilespmem:s22], [sflag:$0x7], $0x40, s15, s19, $0xb8;
	[tilespmem:$0x1D080] =	vst v63  }
0x12c: {  	_ =	swait.ge [sflag:s28], $0x2000  }
0x12d: {  	[sflag:s28] =	ssyncset.done $0x0  }
0x12e: {  	[sflag:s28] =	ssyncadd.s32 $0xFFFFE000  }
0x12f: {  	[spmem:s3] =	stream.indirect.scatter.add.f32 [tilespmem:s23], [sflag:$0x8], $0x40, s1, s19, $0xb8;
	[tilespmem:$0x1D080] =	vst v63  }
0x130: {  	_ =	swait.ge [sflag:s29], $0x2000  }
0x131: {  	[sflag:s29] =	ssyncset.done $0x0  }
0x132: {  	[sflag:s29] =	ssyncadd.s32 $0xFFFFE000  }
0x133: {  	[tilespmem:s20], [sflag:$0x1] =	stream.indirect.gather [spmem:s2], $0x40, s5, s19, $0xb8;
	[tilespmem:$0x1D080] =	vst v63  }
0x134: {  	_ =	swait.ge [sflag:s30], $0x2000  }
0x135: {  	[sflag:s30] =	ssyncset.done $0x0  }
0x136: {  	[sflag:s30] =	ssyncadd.s32 $0xFFFFE000  }
0x137: {  	[tilespmem:s21], [sflag:$0x2] =	stream.indirect.gather [spmem:s2], $0x40, s6, s19, $0xb8;
	[tilespmem:$0x1D080] =	vst v63  }
0x138: {  	_ =	swait.ge [sflag:s31], $0x2000  }
0x139: {  	[sflag:s31] =	ssyncset.done $0x0  }
0x13a: {  	[sflag:s31] =	ssyncadd.s32 $0xFFFFE000  }
0x13b: {  	[tilespmem:s22], [sflag:$0x3] =	stream.indirect.gather [spmem:s2], $0x40, s7, s19, $0xb8;
	[tilespmem:$0x1D080] =	vst v63  }
0x13c: {  	_ =	swait.ge [sflag:s0], $0x2000  }
0x13d: {  	[sflag:s0] =	ssyncset.done $0x0  }
0x13e: {  	[sflag:s0] =	ssyncadd.s32 $0xFFFFE000  }
0x13f: {  	[tilespmem:s23], [sflag:$0x4] =	stream.indirect.gather [spmem:s2], $0x40, s8, s19, $0xb8;
	[tilespmem:$0x1D080] =	vst v63  }
0x140: {  	_ =	swait.ge [sflag:s24], $0x2000  }
0x141: {  	[sflag:s24] =	ssyncset.done $0x0  }
0x142: {  	[sflag:s24] =	ssyncadd.s32 $0xFFFFE000  }
0x143: {  	[spmem:s3] =	stream.indirect.scatter.add.f32 [tilespmem:s20], [sflag:$0x5], $0x40, s9, s19, $0xb8;
	[tilespmem:$0x1D080] =	vst v63  }
0x144: {  	_ =	swait.ge [sflag:s25], $0x2000  }
0x145: {  	[sflag:s25] =	ssyncset.done $0x0  }
0x146: {  	[sflag:s25] =	ssyncadd.s32 $0xFFFFE000  }
0x147: {  	[spmem:s3] =	stream.indirect.scatter.add.f32 [tilespmem:s21], [sflag:$0x6], $0x40, s10, s19, $0xb8;
	[tilespmem:$0x1D080] =	vst v63  }
0x148: {  	_ =	swait.ge [sflag:s26], $0x2000  }
0x149: {  	[sflag:s26] =	ssyncset.done $0x0  }
0x14a: {  	[sflag:s26] =	ssyncadd.s32 $0xFFFFE000  }
0x14b: {  	[spmem:s3] =	stream.indirect.scatter.add.f32 [tilespmem:s22], [sflag:$0x7], $0x40, s11, s19, $0xb8;
	[tilespmem:$0x1D080] =	vst v63  }
0x14c: {  	_ =	swait.ge [sflag:s28], $0x2000  }
0x14d: {  	[sflag:s28] =	ssyncset.done $0x0  }
0x14e: {  	[sflag:s28] =	ssyncadd.s32 $0xFFFFE000  }
0x14f: {  	[spmem:s3] =	stream.indirect.scatter.add.f32 [tilespmem:s23], [sflag:$0x8], $0x40, s12, s19, $0xb8;
	[tilespmem:$0x1D080] =	vst v63  }
0x150: {  	_ =	swait.ge [sflag:s29], $0x2000  }
0x151: {  	[sflag:s29] =	ssyncset.done $0x0  }
0x152: {  	[sflag:s29] =	ssyncadd.s32 $0xFFFFE000  }
0x153: {  	_ =	swait.ge [sflag:s30], $0x2000  }
0x154: {  	[sflag:s30] =	ssyncset.done $0x0  }
0x155: {  	p1 =	sne.s32 s16, $0x900;
	[sflag:s30] =	ssyncadd.s32 $0xFFFFE000  }
.Ltmp0:
0x156: {  	_ =	swait.ge [sflag:s31], $0x2000;
	(pc) =	sbr.rel @p1 .LBB2_2-.Ltmp0, $4  }
0x157: {  	[sflag:s31] =	ssyncset.done $0x0  }
0x158: {  	[sflag:s31] =	ssyncadd.s32 $0xFFFFE000  }
0x159: {  	_ =	swait.ge [sflag:s0], $0x2000  }
0x15a: {  	s16 =	sadd.s32 $0x100, s16;
	s14 =	rddreg [dreg:$0x5];
	[sflag:s0] =	ssyncset.done $0x0  }
0x15b: {  	[sflag:s0] =	ssyncadd.s32 $0xFFFFE000;
	s14 =	sadd.s32 s13, s14  }
0x15c: {  	[tilespmem:s4], [sflag:$0x9] =	stream.linear.gather [hbm4b:s14+s4], $0x800, $0x38;
	[tilespmem:$0x1D080] =	vst v63  }
0x15d: {  	_ =	swait.ge [sflag:s17], $0x800  }
0x15e: {  	s16 =	rddreg [dreg:$0x4];
	[sflag:s17] =	ssyncset.done $0x0  }
0x15f: {  	[sflag:s17] =	ssyncadd.s32 $0xFFFFF800;
	s14 =	sadd.s32 s13, s16  }
0x160: {  	[tilespmem:s18], [sflag:$0x9] =	stream.linear.gather [hbm4b:s14+s4], $0x800, $0x38;
	[tilespmem:$0x1D080] =	vst v63  }
0x161: {  	_ =	swait.ge [sflag:s17], $0x800  }
0x162: {  	[sflag:s17] =	ssyncset.done $0x0  }
0x163: {  	[sflag:s17] =	ssyncadd.s32 $0xFFFFF800  }
0x164: {  	[tilespmem:s20], [sflag:$0x1] =	stream.indirect.gather [spmem:s2], $0x40, s4, s19, $0xb8;
	[tilespmem:$0x1D080] =	vst v63  }
0x165: {  	_ = 	snop  }
0x166: {  	[tilespmem:s21], [sflag:$0x2] =	stream.indirect.gather [spmem:s2], $0x40, s19, s19, $0xb8;
	[tilespmem:$0x1D080] =	vst v63  }
0x167: {  	s15 =	rddreg [dreg:$0x6]  }
0x168: {  	[tilespmem:s22], [sflag:$0x3] =	stream.indirect.gather [spmem:s2], $0x40, s15, s19, $0xb8;
	[tilespmem:$0x1D080] =	vst v63  }
0x169: {  	s16 =	rddreg [dreg:$0x7]  }
0x16a: {  	[tilespmem:s23], [sflag:$0x4] =	stream.indirect.gather [spmem:s2], $0x40, s16, s19, $0xb8;
	[tilespmem:$0x1D080] =	vst v63  }
0x16b: {  	_ =	swait.ge [sflag:s24], $0x2000  }
0x16c: {  	[sflag:s24] =	ssyncset.done $0x0  }
0x16d: {  	[sflag:s24] =	ssyncadd.s32 $0xFFFFE000  }
0x16e: {  	[spmem:s3] =	stream.indirect.scatter.add.f32 [tilespmem:s20], [sflag:$0x5], $0x40, s18, s19, $0xb8;
	[tilespmem:$0x1D080] =	vst v63  }
0x16f: {  	_ =	swait.ge [sflag:s25], $0x2000  }
0x170: {  	[sflag:s25] =	ssyncset.done $0x0  }
0x171: {  	s14 =	rddreg [dreg:$0x8];
	[sflag:s25] =	ssyncadd.s32 $0xFFFFE000  }
0x172: {  	[spmem:s3] =	stream.indirect.scatter.add.f32 [tilespmem:s21], [sflag:$0x6], $0x40, s14, s19, $0xb8;
	[tilespmem:$0x1D080] =	vst v63  }
0x173: {  	_ =	swait.ge [sflag:s26], $0x2000  }
0x174: {  	[sflag:s26] =	ssyncset.done $0x0  }
0x175: {  	s15 =	rddreg [dreg:$0x9];
	[sflag:s26] =	ssyncadd.s32 $0xFFFFE000  }
0x176: {  	[spmem:s3] =	stream.indirect.scatter.add.f32 [tilespmem:s22], [sflag:$0x7], $0x40, s15, s19, $0xb8;
	[tilespmem:$0x1D080] =	vst v63  }
0x177: {  	_ =	swait.ge [sflag:s28], $0x2000  }
0x178: {  	[sflag:s28] =	ssyncset.done $0x0  }
0x179: {  	s16 =	rddreg [dreg:$0xa];
	[sflag:s28] =	ssyncadd.s32 $0xFFFFE000  }
0x17a: {  	[spmem:s3] =	stream.indirect.scatter.add.f32 [tilespmem:s23], [sflag:$0x8], $0x40, s16, s19, $0xb8;
	[tilespmem:$0x1D080] =	vst v63  }
0x17b: {  	_ =	swait.ge [sflag:s29], $0x2000  }
0x17c: {  	[sflag:s29] =	ssyncset.done $0x0  }
0x17d: {  	s14 =	rddreg [dreg:$0xb];
	[sflag:s29] =	ssyncadd.s32 $0xFFFFE000  }
0x17e: {  	[tilespmem:s20], [sflag:$0x1] =	stream.indirect.gather [spmem:s2], $0x40, s14, s19, $0xb8;
	[tilespmem:$0x1D080] =	vst v63  }
0x17f: {  	_ =	swait.ge [sflag:s30], $0x2000  }
0x180: {  	[sflag:s30] =	ssyncset.done $0x0  }
0x181: {  	s15 =	rddreg [dreg:$0xc];
	[sflag:s30] =	ssyncadd.s32 $0xFFFFE000  }
0x182: {  	[tilespmem:s21], [sflag:$0x2] =	stream.indirect.gather [spmem:s2], $0x40, s15, s19, $0xb8;
	[tilespmem:$0x1D080] =	vst v63  }
0x183: {  	_ =	swait.ge [sflag:s31], $0x2000  }
0x184: {  	[sflag:s31] =	ssyncset.done $0x0  }
0x185: {  	s16 =	rddreg [dreg:$0xd];
	[sflag:s31] =	ssyncadd.s32 $0xFFFFE000  }
0x186: {  	[tilespmem:s22], [sflag:$0x3] =	stream.indirect.gather [spmem:s2], $0x40, s16, s19, $0xb8;
	[tilespmem:$0x1D080] =	vst v63  }
0x187: {  	_ =	swait.ge [sflag:s0], $0x2000  }
0x188: {  	[sflag:s0] =	ssyncset.done $0x0  }
0x189: {  	s14 =	rddreg [dreg:$0xe];
	[sflag:s0] =	ssyncadd.s32 $0xFFFFE000  }
0x18a: {  	[tilespmem:s23], [sflag:$0x4] =	stream.indirect.gather [spmem:s2], $0x40, s14, s19, $0xb8;
	[tilespmem:$0x1D080] =	vst v63  }
0x18b: {  	_ =	swait.ge [sflag:s24], $0x2000  }
0x18c: {  	[sflag:s24] =	ssyncset.done $0x0  }
0x18d: {  	s15 =	rddreg [dreg:$0xf];
	[sflag:s24] =	ssyncadd.s32 $0xFFFFE000  }
0x18e: {  	[spmem:s3] =	stream.indirect.scatter.add.f32 [tilespmem:s20], [sflag:$0x5], $0x40, s15, s19, $0xb8;
	[tilespmem:$0x1D080] =	vst v63  }
0x18f: {  	_ =	swait.ge [sflag:s25], $0x2000  }
0x190: {  	[sflag:s25] =	ssyncset.done $0x0  }
0x191: {  	s16 =	rddreg [dreg:$0x10];
	[sflag:s25] =	ssyncadd.s32 $0xFFFFE000  }
0x192: {  	[spmem:s3] =	stream.indirect.scatter.add.f32 [tilespmem:s21], [sflag:$0x6], $0x40, s16, s19, $0xb8;
	[tilespmem:$0x1D080] =	vst v63  }
0x193: {  	_ =	swait.ge [sflag:s26], $0x2000  }
0x194: {  	[sflag:s26] =	ssyncset.done $0x0  }
0x195: {  	s14 =	rddreg [dreg:$0x11];
	[sflag:s26] =	ssyncadd.s32 $0xFFFFE000  }
0x196: {  	[spmem:s3] =	stream.indirect.scatter.add.f32 [tilespmem:s22], [sflag:$0x7], $0x40, s14, s19, $0xb8;
	[tilespmem:$0x1D080] =	vst v63  }
0x197: {  	_ =	swait.ge [sflag:s28], $0x2000  }
0x198: {  	[sflag:s28] =	ssyncset.done $0x0  }
0x199: {  	s15 =	rddreg [dreg:$0x12];
	[sflag:s28] =	ssyncadd.s32 $0xFFFFE000  }
0x19a: {  	[spmem:s3] =	stream.indirect.scatter.add.f32 [tilespmem:s23], [sflag:$0x8], $0x40, s15, s19, $0xb8;
	[tilespmem:$0x1D080] =	vst v63  }
0x19b: {  	_ =	swait.ge [sflag:s29], $0x2000  }
0x19c: {  	[sflag:s29] =	ssyncset.done $0x0  }
0x19d: {  	s16 =	rddreg [dreg:$0x13];
	[sflag:s29] =	ssyncadd.s32 $0xFFFFE000  }
0x19e: {  	[tilespmem:s20], [sflag:$0x1] =	stream.indirect.gather [spmem:s2], $0x40, s16, s19, $0xb8;
	[tilespmem:$0x1D080] =	vst v63  }
0x19f: {  	_ =	swait.ge [sflag:s30], $0x2000  }
0x1a0: {  	[sflag:s30] =	ssyncset.done $0x0  }
0x1a1: {  	s14 =	rddreg [dreg:$0x14];
	[sflag:s30] =	ssyncadd.s32 $0xFFFFE000  }
0x1a2: {  	[tilespmem:s21], [sflag:$0x2] =	stream.indirect.gather [spmem:s2], $0x40, s14, s19, $0xb8;
	[tilespmem:$0x1D080] =	vst v63  }
0x1a3: {  	_ =	swait.ge [sflag:s31], $0x2000  }
0x1a4: {  	[sflag:s31] =	ssyncset.done $0x0  }
0x1a5: {  	s15 =	rddreg [dreg:$0x15];
	[sflag:s31] =	ssyncadd.s32 $0xFFFFE000  }
0x1a6: {  	[tilespmem:s22], [sflag:$0x3] =	stream.indirect.gather [spmem:s2], $0x40, s15, s19, $0xb8;
	[tilespmem:$0x1D080] =	vst v63  }
0x1a7: {  	_ =	swait.ge [sflag:s0], $0x2000  }
0x1a8: {  	[sflag:s0] =	ssyncset.done $0x0  }
0x1a9: {  	s16 =	rddreg [dreg:$0x16];
	[sflag:s0] =	ssyncadd.s32 $0xFFFFE000  }
0x1aa: {  	[tilespmem:s23], [sflag:$0x4] =	stream.indirect.gather [spmem:s2], $0x40, s16, s19, $0xb8;
	[tilespmem:$0x1D080] =	vst v63  }
0x1ab: {  	_ =	swait.ge [sflag:s24], $0x2000  }
0x1ac: {  	[sflag:s24] =	ssyncset.done $0x0  }
0x1ad: {  	s14 =	rddreg [dreg:$0x17];
	[sflag:s24] =	ssyncadd.s32 $0xFFFFE000  }
0x1ae: {  	[spmem:s3] =	stream.indirect.scatter.add.f32 [tilespmem:s20], [sflag:$0x5], $0x40, s14, s19, $0xb8;
	[tilespmem:$0x1D080] =	vst v63  }
0x1af: {  	_ =	swait.ge [sflag:s25], $0x2000  }
0x1b0: {  	[sflag:s25] =	ssyncset.done $0x0  }
0x1b1: {  	s15 =	rddreg [dreg:$0x18];
	[sflag:s25] =	ssyncadd.s32 $0xFFFFE000  }
0x1b2: {  	[spmem:s3] =	stream.indirect.scatter.add.f32 [tilespmem:s21], [sflag:$0x6], $0x40, s15, s19, $0xb8;
	[tilespmem:$0x1D080] =	vst v63  }
0x1b3: {  	_ =	swait.ge [sflag:s26], $0x2000  }
0x1b4: {  	[sflag:s26] =	ssyncset.done $0x0  }
0x1b5: {  	s16 =	rddreg [dreg:$0x19];
	[sflag:s26] =	ssyncadd.s32 $0xFFFFE000  }
0x1b6: {  	[spmem:s3] =	stream.indirect.scatter.add.f32 [tilespmem:s22], [sflag:$0x7], $0x40, s16, s19, $0xb8;
	[tilespmem:$0x1D080] =	vst v63  }
0x1b7: {  	_ =	swait.ge [sflag:s28], $0x2000  }
0x1b8: {  	[sflag:s28] =	ssyncset.done $0x0  }
0x1b9: {  	[sflag:s28] =	ssyncadd.s32 $0xFFFFE000  }
0x1ba: {  	[spmem:s3] =	stream.indirect.scatter.add.f32 [tilespmem:s23], [sflag:$0x8], $0x40, s1, s19, $0xb8;
	[tilespmem:$0x1D080] =	vst v63  }
0x1bb: {  	_ =	swait.ge [sflag:s29], $0x2000  }
0x1bc: {  	[sflag:s29] =	ssyncset.done $0x0  }
0x1bd: {  	[sflag:s29] =	ssyncadd.s32 $0xFFFFE000  }
0x1be: {  	[tilespmem:s20], [sflag:$0x1] =	stream.indirect.gather [spmem:s2], $0x40, s5, s19, $0xb8;
	[tilespmem:$0x1D080] =	vst v63  }
0x1bf: {  	_ =	swait.ge [sflag:s30], $0x2000  }
0x1c0: {  	[sflag:s30] =	ssyncset.done $0x0  }
0x1c1: {  	[sflag:s30] =	ssyncadd.s32 $0xFFFFE000  }
0x1c2: {  	[tilespmem:s21], [sflag:$0x2] =	stream.indirect.gather [spmem:s2], $0x40, s6, s19, $0xb8;
	[tilespmem:$0x1D080] =	vst v63  }
0x1c3: {  	_ =	swait.ge [sflag:s31], $0x2000  }
0x1c4: {  	[sflag:s31] =	ssyncset.done $0x0  }
0x1c5: {  	[sflag:s31] =	ssyncadd.s32 $0xFFFFE000  }
0x1c6: {  	[tilespmem:s22], [sflag:$0x3] =	stream.indirect.gather [spmem:s2], $0x40, s7, s19, $0xb8;
	[tilespmem:$0x1D080] =	vst v63  }
0x1c7: {  	_ =	swait.ge [sflag:s0], $0x2000  }
0x1c8: {  	[sflag:s0] =	ssyncset.done $0x0  }
0x1c9: {  	[sflag:s0] =	ssyncadd.s32 $0xFFFFE000  }
0x1ca: {  	[tilespmem:s23], [sflag:$0x4] =	stream.indirect.gather [spmem:s2], $0x40, s8, s19, $0xb8;
	[tilespmem:$0x1D080] =	vst v63  }
0x1cb: {  	_ =	swait.ge [sflag:s24], $0x2000  }
0x1cc: {  	[sflag:s24] =	ssyncset.done $0x0  }
0x1cd: {  	[sflag:s24] =	ssyncadd.s32 $0xFFFFE000  }
0x1ce: {  	[spmem:s3] =	stream.indirect.scatter.add.f32 [tilespmem:s20], [sflag:$0x5], $0x40, s9, s19, $0xb8;
	[tilespmem:$0x1D080] =	vst v63  }
0x1cf: {  	_ =	swait.ge [sflag:s25], $0x2000  }
0x1d0: {  	[sflag:s25] =	ssyncset.done $0x0  }
0x1d1: {  	[sflag:s25] =	ssyncadd.s32 $0xFFFFE000  }
0x1d2: {  	[spmem:s3] =	stream.indirect.scatter.add.f32 [tilespmem:s21], [sflag:$0x6], $0x40, s10, s19, $0xb8;
	[tilespmem:$0x1D080] =	vst v63  }
0x1d3: {  	_ =	swait.ge [sflag:s26], $0x2000  }
0x1d4: {  	[sflag:s26] =	ssyncset.done $0x0  }
0x1d5: {  	[sflag:s26] =	ssyncadd.s32 $0xFFFFE000  }
0x1d6: {  	[spmem:s3] =	stream.indirect.scatter.add.f32 [tilespmem:s22], [sflag:$0x7], $0x40, s11, s19, $0xb8;
	[tilespmem:$0x1D080] =	vst v63  }
0x1d7: {  	_ =	swait.ge [sflag:s28], $0x2000  }
0x1d8: {  	[sflag:s28] =	ssyncset.done $0x0  }
0x1d9: {  	[sflag:s28] =	ssyncadd.s32 $0xFFFFE000  }
0x1da: {  	[spmem:s3] =	stream.indirect.scatter.add.f32 [tilespmem:s23], [sflag:$0x8], $0x40, s12, s19, $0xb8;
	[tilespmem:$0x1D080] =	vst v63  }
0x1db: {  	_ =	swait.ge [sflag:s29], $0x2000  }
0x1dc: {  	[sflag:s29] =	ssyncset.done $0x0  }
0x1dd: {  	[sflag:s29] =	ssyncadd.s32 $0xFFFFE000  }
0x1de: {  	_ =	swait.ge [sflag:s30], $0x2000  }
0x1df: {  	[sflag:s30] =	ssyncset.done $0x0  }
0x1e0: {  	[sflag:s30] =	ssyncadd.s32 $0xFFFFE000  }
0x1e1: {  	_ =	swait.ge [sflag:s31], $0x2000  }
0x1e2: {  	[sflag:s31] =	ssyncset.done $0x0  }
0x1e3: {  	[sflag:s31] =	ssyncadd.s32 $0xFFFFE000  }
0x1e4: {  	_ =	swait.ge [sflag:s0], $0x2000  }
0x1e5: {  	[sflag:s0] =	ssyncset.done $0x0  }
0x1e6: {  	[sflag:s0] =	ssyncadd.s32 $0xFFFFE000  }
0x1e7: {  	[bflag:$0x0] =	sbarrier.arrive $0xFFFF  }
0x1e8: {  	s15 =	sld [smem:$0x7F9];
	_ =	sdelay $0x1  }
0x1e9: {  	s13 =	simm.s32 @p0 $0x1FC9;
	s14 =	rddreg [dreg:$0x1f]  }
0x1ea: {  	[hbm:s14], [sflag:s13] =	dma.local @p0 [spmem:s15], $0x1040  }
0x1eb: {  	s13 =	simm.s32 @p0 $0x9  }
0x1ec: {  	_ =	swait.ge @p0 [sflag:s13], $0x1040  }
0x1ed: {  	s14 =	sld [smem:$0x7FC]  }
0x1ee: {  	s16 =	sld [smem:$0x7FD]  }
0x1ef: {  	[sflag:s13] =	ssyncset.done @p0 $0x0  }
0x1f0: {  	[sflag:s13] =	ssyncadd.s32 @p0 $0xFFFFEFC0;
	s13 =	rddreg [dreg:$0x1e]  }
0x1f1: {  	[hbm:s13], [sflag:s14] =	dma.local @!p0 [spmem:s16], $0x13C0  }
0x1f2: {  	s14 =	simm.s32 @!p0 $0x9  }
0x1f3: {  	_ =	swait.ge @!p0 [sflag:s14], $0x13C0  }
0x1f4: {  	s13 =	sld [smem:$0x7FB]  }
0x1f5: {  	s16 =	sld [smem:$0x7F7];
	_ =	sdelay $0x1  }
0x1f6: {  	s15 =	sadd.s32 $0x1, s13  }
0x1f7: {  	p1 =	sne.s32 s15, s16  }
.Ltmp1:
0x1f8: {  	_ = 	snop;
	(pc) =	sbr.rel @p1 .LBB2_1-.Ltmp1, $3  }
0x1f9: {  	_ =	sdelay $0x1  }
0x1fa: {  	[sflag:s14] =	ssyncset.done @!p0 $0x0;
	s13 =	simm.s32 @!p0 $0x9  }
0x1fb: {  	[smem:$0x7FB] =	sst s15;
	[sflag:s13] =	ssyncadd.s32 @!p0 $0xFFFFEC40  }
0x1fc: {  	_ =	sfence.sel $0x180000  }
0x1fd: {  	[bflag:$0x0] =	sbarrier.arrive $0xFFFF  }
0x1fe: {  	_ =	strace $0x90000050  }
0x1ff: {  	s0 =	stileid.u32;
	[bflag:$0x2] =	sbarrier.arrive $0xFFFF  }
0x200: {  	p0 =	sne.s32 s0, $0x0;
	s0 =	rddreg [dreg:$0x3]  }
0x201: {  	s0 =	sadd.s32 @!p0 $0x100000, s0  }
0x202: {  	[sflag:s0] =	ssyncadd.tile.s32 @!p0 $0x1;
	_ =	shalt  }
.Lfunc_end2:
_tile_overlayer_lowered:
.L_overlay_start_2:
0x203: {  	(tag) =	ssettag $0x2  }
0x204: {  	s0 =	rddreg [dreg:$0x0];
	s2 =	stileid.u32  }
0x205: {  	s1 =	rddreg [dreg:$0x1];
	p0 =	sne.s32 s2, $0x0  }
0x206: {  	s3 =	rddreg [dreg:$0x2];
	[bflag:$0x3] =	sbarrier.arrive $0xFFFF;
	s2 =	simm.s32 @!p0 $0x1C09  }
0x207: {  	[timem:s3], [sflag:s2] =	dma.local @!p0 [hbm:s0], s1  }
0x208: {  	s0 =	simm.s32 @!p0 $0x9  }
0x209: {  	_ =	swait.ge @!p0 [sflag:s0], s1  }
0x20a: {  	s1 =	ssub.s32 @!p0 $0x0, s1;
	[sflag:s0] =	ssyncset.done @!p0 $0x0  }
0x20b: {  	[sflag:s0] =	ssyncadd.s32 @!p0 s1  }
0x20c: {  	[bflag:$0x3] =	sbarrier.arrive $0xFFFF  }
0x20d: {  	_ =	shalt  }

</sc_bundles>
